<compile_context>
chip_gen: v7x
topology: tpu7x:2x2x1
jax: 0.10.2.dev20260603
libtpu: 0.0.44.dev20260713+nightly
codegen_flags: <defaults>
</compile_context>

<pallas_src>
import functools

import jax
import jax.numpy as jnp
from jax import lax
from jax.experimental import pallas as pl
from jax.experimental.pallas import tpu as pltpu
from jax.experimental.pallas import tpu_sc as plsc

BORDERS = 64
NKB = 2 * BORDERS + 2
TAB = 144
BIG = 3.0e38

_INV_S = 0.9846153855323792
_C0 = -0.015384615398943424


def _gal_body(nc, ns, rows_per, rch, x_hbm, pbext_hbm, k_hbm, pt_hbm,
              bg_hbm, out_hbm, pbext_v, ktab_v, pttab_v, btab_v, bg_v,
              xbufs, obufs, in_sems, out_sems):
    wid = lax.axis_index("s") * nc + lax.axis_index("c")
    row0 = wid * rows_per
    nch = rows_per // rch
    ncols = x_hbm.shape[1]

    pltpu.sync_copy(pbext_hbm, pbext_v)
    pltpu.sync_copy(k_hbm, ktab_v)
    pltpu.sync_copy(pt_hbm, pttab_v)
    pltpu.sync_copy(bg_hbm, bg_v)

    iota = lax.iota(jnp.int32, 16)
    bg = bg_v[...]

    vl_chunks = []
    carry = jnp.float32(0.0)
    pref_chunks = []
    for j in range(4):
        kj = ktab_v[pl.ds(16 * j, 16)]
        kj1 = plsc.load_gather(ktab_v, [iota + (16 * j + 1)])
        vl = (kj - kj1) * pttab_v[pl.ds(16 * j, 16)]
        pref = plsc.cumsum(vl) + carry
        carry = carry + jnp.sum(vl)
        vl_chunks.append(vl)
        pref_chunks.append(pref)
    total_l = carry
    for j in range(4):
        bl = total_l - pref_chunks[j] + vl_chunks[j] + bg
        btab_v[pl.ds(16 * j, 16)] = bl
    plsc.store_scatter(btab_v, [iota + 64], bg, mask=iota < 2)
    carry = jnp.float32(0.0)
    for j in range(4):
        ka = plsc.load_gather(ktab_v, [iota + (65 + 16 * j)])
        kb = plsc.load_gather(ktab_v, [iota + (66 + 16 * j)])
        vr = (ka - kb) * pttab_v[pl.ds(64 + 16 * j, 16)]
        cum = plsc.cumsum(vr) + carry
        carry = carry + jnp.sum(vr)
        plsc.store_scatter(btab_v, [iota + (66 + 16 * j)], cum + bg)

    def in_copy(c, buf):
        return pltpu.make_async_copy(
            x_hbm.at[pl.ds(row0 + c * rch, rch), :], xbufs[buf], in_sems[buf])

    def out_copy(c, buf):
        return pltpu.make_async_copy(
            obufs[buf], out_hbm.at[pl.ds(row0 + c * rch, rch), :],
            out_sems[buf])

    def compute(xref, oref):
        for r in range(rch):
            @plsc.parallel_loop(0, ncols, 16, unroll=6)
            def vbody(o):
                xv = xref[r, pl.ds(o, 16)]
                u = jnp.abs(xv)
                y = u * _INV_S + _C0
                t = y.astype(jnp.int32)
                tf = t.astype(jnp.float32)
                t1 = t + 1
                cnt = jnp.minimum(jnp.where(y < tf, t, t1), BORDERS)
                idx0 = jnp.where(xv > 0.0, cnt + (BORDERS + 1), BORDERS - cnt)
                lo = plsc.load_gather(pbext_v, [idx0])
                idx = jnp.where(lo >= xv, idx0 - 1, idx0)
                kv = plsc.load_gather(ktab_v, [idx])
                bv = plsc.load_gather(btab_v, [idx])
                oref[r, pl.ds(o, 16)] = xv * kv + bv

    npairs = nch // 2
    in_copy(0, 0).start()

    @pl.loop(0, npairs)
    def pair_body(g):
        c0 = 2 * g
        c1 = c0 + 1
        in_copy(c1, 1).start()
        in_copy(c0, 0).wait()

        @pl.when(g > 0)
        def _():
            out_copy(c0 - 2, 0).wait()
        compute(xbufs[0], obufs[0])
        out_copy(c0, 0).start()

        @pl.when(g + 1 < npairs)
        def _():
            in_copy(c0 + 2, 0).start()
        in_copy(c1, 1).wait()

        @pl.when(g > 0)
        def _():
            out_copy(c1 - 2, 1).wait()
        compute(xbufs[1], obufs[1])
        out_copy(c1, 1).start()

    out_copy(nch - 2, 0).wait()
    out_copy(nch - 1, 1).wait()


def kernel(x, p_t, p_b, k, b_g):
    nrows, ncols = x.shape

    info = plsc.get_sparse_core_info()
    nc, ns = info.num_cores, info.num_subcores
    nw = nc * ns
    rows_per = nrows // nw
    rch = 4

    pb_flat = p_b.reshape(-1)
    pb_ext = jnp.concatenate([
        jnp.full((1,), -BIG, jnp.float32), pb_flat,
        jnp.full((TAB - 1 - pb_flat.shape[0],), BIG, jnp.float32)])
    k_flat = jnp.concatenate(
        [k.reshape(-1), jnp.zeros((TAB - NKB,), jnp.float32)])
    pt_flat = p_t.reshape(-1)
    bg16 = jnp.broadcast_to(b_g.reshape(-1), (16,))

    mesh = plsc.VectorSubcoreMesh(core_axis_name="c", subcore_axis_name="s")
    run = pl.kernel(
        functools.partial(_gal_body, nc, ns, rows_per, rch),
        out_type=jax.ShapeDtypeStruct((nrows, ncols), jnp.float32),
        mesh=mesh,
        compiler_params=pltpu.CompilerParams(
            needs_layout_passes=False, use_tc_tiling_on_sc=True),
        scratch_types=[
            pltpu.VMEM((TAB,), jnp.float32),
            pltpu.VMEM((TAB,), jnp.float32),
            pltpu.VMEM((128,), jnp.float32),
            pltpu.VMEM((TAB,), jnp.float32),
            pltpu.VMEM((16,), jnp.float32),
            [pltpu.VMEM((rch, ncols), jnp.float32)] * 2,
            [pltpu.VMEM((rch, ncols), jnp.float32)] * 2,
            [pltpu.SemaphoreType.DMA] * 2,
            [pltpu.SemaphoreType.DMA] * 2,
        ],
    )
    return run(x, pb_ext, k_flat, pt_flat, bg16)

# --- scband reference (transcript-rebuilt; emitter-appended) ---
"""Pipeline reference for scband-gal-51556787421844 (READ-ONLY COPY).

The authoritative reference and input builder live on the scoring server;
editing this copy changes nothing except your own understanding.
"""

import jax, jax.numpy as jnp
import numpy as np

BORDERS = 64  # n in the original module
N_K = BORDERS * 2 + 2


def _make_borders():
    n = BORDERS
    p_r = np.linspace(1.0 / n, float(n), n, dtype=np.float32).reshape(-1, 1)
    p_l = -p_r  # descending from -1/n to -n
    p_t = np.concatenate([p_l[::-1], p_r], axis=0)  # (2n, 1)
    p_b = np.concatenate([p_l[::-1], np.zeros((1, 1), np.float32), p_r], axis=0)  # (2n+1, 1)
    return jnp.asarray(p_t, dtype=jnp.float32), jnp.asarray(p_b, dtype=jnp.float32)


def _masks():
    m = BORDERS
    triu = np.triu(np.ones((m, m), dtype=bool))
    tril = np.tril(np.ones((m, m), dtype=bool))
    return jnp.asarray(triu), jnp.asarray(tril)


def setup_inputs(seed: int = 0) -> dict:
    key = jax.random.key(seed)
    x = jax.random.normal(jax.random.fold_in(key, 0), (4096, 4096), dtype=jnp.float32)
    p_t, p_b = _make_borders()
    k = jax.random.normal(jax.random.fold_in(key, 1), (N_K, 1), dtype=jnp.float32)
    b_g = jax.random.normal(jax.random.fold_in(key, 2), (1,), dtype=jnp.float32)
    return {"x": x, "p_t": p_t, "p_b": p_b, "k": k, "b_g": b_g}


def reference(x, p_t, p_b, k, b_g):
    n = BORDERS
    triu_mask, tril_mask = _masks()
    kv = k[:, 0]  # (2n+2,)
    # k_l[i, j] = (k[j] - k[j+1]) on upper triangle (equivalent to the masked k-matrix construction)
    kl_vals = kv[:n] - kv[1:n + 1]
    k_l = jnp.where(triu_mask, kl_vals[None, :], 0.0)
    # k_r[i, j] = (k[n+1+j] - k[n+2+j]) on lower triangle
    kr_vals = kv[n + 1:2 * n + 1] - kv[n + 2:2 * n + 2]
    k_r = jnp.where(tril_mask, kr_vals[None, :], 0.0)
    b_left = k_l @ p_t[:n]
    b_right = k_r @ p_t[n:]
    b = jnp.concatenate([b_left, jnp.zeros((2, 1), dtype=x.dtype), b_right], axis=0) + b_g  # (2n+2, 1)
    x_shape = x.shape
    x_flat = x.reshape(-1)
    # torch.bucketize(..., right=False) == searchsorted side='left'
    x_indexes = jnp.searchsorted(p_b.reshape(-1), x_flat, side='left')
    out = x_flat[:, None] * k[x_indexes] + b[x_indexes]
    return out.reshape(x_shape)

if __name__ == "__main__":
    import jax
    _d = setup_inputs()
    print(jax.jit(kernel)(*tuple(_d.values())))

</pallas_src>

<mosaic_0001>
#map = affine_map<(d0, d1) -> (0, 0)>
#map1 = affine_map<(d0, d1) -> (0)>
module attributes {stable_mosaic.version = 14 : i64} {
  func.func @_gal_body(%arg0: i32, %arg1: i32, %arg2: memref<4096x4096xf32, #tpu.memory_space<hbm>>, %arg3: memref<144xf32, #tpu.memory_space<hbm>>, %arg4: memref<144xf32, #tpu.memory_space<hbm>>, %arg5: memref<128xf32, #tpu.memory_space<hbm>>, %arg6: memref<16xf32, #tpu.memory_space<hbm>>, %arg7: memref<4096x4096xf32, #tpu.memory_space<hbm>>, %arg8: memref<144xf32, #tpu.memory_space<vmem>>, %arg9: memref<144xf32, #tpu.memory_space<vmem>>, %arg10: memref<128xf32, #tpu.memory_space<vmem>>, %arg11: memref<144xf32, #tpu.memory_space<vmem>>, %arg12: memref<16xf32, #tpu.memory_space<vmem>>, %arg13: memref<4x4096xf32, #tpu.memory_space<vmem>>, %arg14: memref<4x4096xf32, #tpu.memory_space<vmem>>, %arg15: memref<4x4096xf32, #tpu.memory_space<vmem>>, %arg16: memref<4x4096xf32, #tpu.memory_space<vmem>>, %arg17: memref<!tpu.dma_semaphore, #tpu.memory_space<semaphore_mem>>, %arg18: memref<!tpu.dma_semaphore, #tpu.memory_space<semaphore_mem>>, %arg19: memref<!tpu.dma_semaphore, #tpu.memory_space<semaphore_mem>>, %arg20: memref<!tpu.dma_semaphore, #tpu.memory_space<semaphore_mem>>) attributes {dimension_semantics = [#tpu.dimension_semantics<core_parallel>, #tpu.dimension_semantics<subcore_parallel>], iteration_bounds = array<i64: 2, 16>, scalar_prefetch = 0 : i64, scratch_operands = 13 : i64, tpu.core_type = #tpu.core_type<sc_vector_subcore>, window_params = [{transform_indices = #map}, {transform_indices = #map1}, {transform_indices = #map1}, {transform_indices = #map1}, {transform_indices = #map1}, {transform_indices = #map}]} {
    %mul3A = arith.constant 2 : i32
    %mul3A_0 = arith.muli %arg1, %mul3A : i32
    %add3A = arith.addi %mul3A_0, %arg0 : i32
    %mul3A_1 = arith.constant 128 : i32
    %mul3A_2 = arith.muli %add3A, %mul3A_1 : i32
    "tpu.region"() ({
      %run_scoped3A = tpu.sem_alloc : memref<!tpu.dma_semaphore, #tpu.memory_space<semaphore_mem>>
      tpu.enqueue_dma source(%arg3 : memref<144xf32, #tpu.memory_space<hbm>>) target(%arg8 : memref<144xf32, #tpu.memory_space<vmem>>) target_semaphore(%run_scoped3A : memref<!tpu.dma_semaphore, #tpu.memory_space<semaphore_mem>>)
      tpu.wait_dma2 semaphore(%run_scoped3A : memref<!tpu.dma_semaphore, #tpu.memory_space<semaphore_mem>>) src(%arg3 : memref<144xf32, #tpu.memory_space<hbm>>) dst(%arg8 : memref<144xf32, #tpu.memory_space<vmem>>)
      tpu.yield
    }) : () -> ()
    "tpu.region"() ({
      %run_scoped3A = tpu.sem_alloc : memref<!tpu.dma_semaphore, #tpu.memory_space<semaphore_mem>>
      tpu.enqueue_dma source(%arg4 : memref<144xf32, #tpu.memory_space<hbm>>) target(%arg9 : memref<144xf32, #tpu.memory_space<vmem>>) target_semaphore(%run_scoped3A : memref<!tpu.dma_semaphore, #tpu.memory_space<semaphore_mem>>)
      tpu.wait_dma2 semaphore(%run_scoped3A : memref<!tpu.dma_semaphore, #tpu.memory_space<semaphore_mem>>) src(%arg4 : memref<144xf32, #tpu.memory_space<hbm>>) dst(%arg9 : memref<144xf32, #tpu.memory_space<vmem>>)
      tpu.yield
    }) : () -> ()
    "tpu.region"() ({
      %run_scoped3A = tpu.sem_alloc : memref<!tpu.dma_semaphore, #tpu.memory_space<semaphore_mem>>
      tpu.enqueue_dma source(%arg5 : memref<128xf32, #tpu.memory_space<hbm>>) target(%arg10 : memref<128xf32, #tpu.memory_space<vmem>>) target_semaphore(%run_scoped3A : memref<!tpu.dma_semaphore, #tpu.memory_space<semaphore_mem>>)
      tpu.wait_dma2 semaphore(%run_scoped3A : memref<!tpu.dma_semaphore, #tpu.memory_space<semaphore_mem>>) src(%arg5 : memref<128xf32, #tpu.memory_space<hbm>>) dst(%arg10 : memref<128xf32, #tpu.memory_space<vmem>>)
      tpu.yield
    }) : () -> ()
    "tpu.region"() ({
      %run_scoped3A = tpu.sem_alloc : memref<!tpu.dma_semaphore, #tpu.memory_space<semaphore_mem>>
      tpu.enqueue_dma source(%arg6 : memref<16xf32, #tpu.memory_space<hbm>>) target(%arg12 : memref<16xf32, #tpu.memory_space<vmem>>) target_semaphore(%run_scoped3A : memref<!tpu.dma_semaphore, #tpu.memory_space<semaphore_mem>>)
      tpu.wait_dma2 semaphore(%run_scoped3A : memref<!tpu.dma_semaphore, #tpu.memory_space<semaphore_mem>>) src(%arg6 : memref<16xf32, #tpu.memory_space<hbm>>) dst(%arg12 : memref<16xf32, #tpu.memory_space<vmem>>)
      tpu.yield
    }) : () -> ()
    %iota3A = tpu.iota {dimensions = array<i32: 0>} : vector<16xi32>
    %get3A = arith.constant 0 : index
    %get3A_3 = tpu.vector_load %arg12[%get3A] {strides = array<i32>} : memref<16xf32, #tpu.memory_space<vmem>>, vector<16xf32>,
    %get3A_4 = arith.constant 0 : index
    %get3A_5 = tpu.vector_load %arg9[%get3A_4] {strides = array<i32>} : memref<144xf32, #tpu.memory_space<vmem>>, vector<16xf32>,
    %add3A_6 = arith.constant 1 : i32
    %add3A_7 = vector.broadcast %add3A_6 : i32 to vector<16xi32>
    %add3A_8 = arith.addi %iota3A, %add3A_7 : vector<16xi32>
    %gather3A = tpu.vector_load_idx %arg9[%add3A_8] : memref<144xf32, #tpu.memory_space<vmem>>[vector<16xi32>], vector<16xf32>,
    %sub3A = arith.subf %get3A_5, %gather3A : vector<16xf32>
    %get3A_9 = arith.constant 0 : index
    %get3A_10 = tpu.vector_load %arg10[%get3A_9] {strides = array<i32>} : memref<128xf32, #tpu.memory_space<vmem>>, vector<16xf32>,
    %mul3A_11 = arith.mulf %sub3A, %get3A_10 : vector<16xf32>
    %broadcast_in_dim3A = arith.constant true
    %broadcast_in_dim3A_12 = vector.broadcast %broadcast_in_dim3A : i1 to vector<16xi1>
    %masked_cumsum3A = tpu.scan <sum>, %mul3A_11 masked %broadcast_in_dim3A_12 : vector<16xf32>, vector<16xi1> -> vector<16xf32>
    %add3A_13 = arith.constant 0.000000e+00 : f32
    %add3A_14 = vector.broadcast %add3A_13 : f32 to vector<16xf32>
    %add3A_15 = arith.addf %masked_cumsum3A, %add3A_14 : vector<16xf32>
    %reduce_sum3A = arith.constant true
    %reduce_sum3A_16 = vector.broadcast %reduce_sum3A : i1 to vector<16xi1>
    %reduce_sum3A_17 = tpu.scan <sum>, %mul3A_11 masked %reduce_sum3A_16 : vector<16xf32>, vector<16xi1> -> vector<16xf32>
    %reduce_sum3A_18 = vector.extract %reduce_sum3A_17[15] : f32 from vector<16xf32>
    %add3A_19 = arith.constant 0.000000e+00 : f32
    %add3A_20 = arith.addf %add3A_19, %reduce_sum3A_18 : f32
    %get3A_21 = arith.constant 16 : index
    %get3A_22 = tpu.vector_load %arg9[%get3A_21] {strides = array<i32>} : memref<144xf32, #tpu.memory_space<vmem>>, vector<16xf32>,
    %add3A_23 = arith.constant 17 : i32
    %add3A_24 = vector.broadcast %add3A_23 : i32 to vector<16xi32>
    %add3A_25 = arith.addi %iota3A, %add3A_24 : vector<16xi32>
    %gather3A_26 = tpu.vector_load_idx %arg9[%add3A_25] : memref<144xf32, #tpu.memory_space<vmem>>[vector<16xi32>], vector<16xf32>,
    %sub3A_27 = arith.subf %get3A_22, %gather3A_26 : vector<16xf32>
    %get3A_28 = arith.constant 16 : index
    %get3A_29 = tpu.vector_load %arg10[%get3A_28] {strides = array<i32>} : memref<128xf32, #tpu.memory_space<vmem>>, vector<16xf32>,
    %mul3A_30 = arith.mulf %sub3A_27, %get3A_29 : vector<16xf32>
    %broadcast_in_dim3A_31 = arith.constant true
    %broadcast_in_dim3A_32 = vector.broadcast %broadcast_in_dim3A_31 : i1 to vector<16xi1>
    %masked_cumsum3A_33 = tpu.scan <sum>, %mul3A_30 masked %broadcast_in_dim3A_32 : vector<16xf32>, vector<16xi1> -> vector<16xf32>
    %add3A_34 = vector.broadcast %add3A_20 : f32 to vector<16xf32>
    %add3A_35 = arith.addf %masked_cumsum3A_33, %add3A_34 : vector<16xf32>
    %reduce_sum3A_36 = arith.constant true
    %reduce_sum3A_37 = vector.broadcast %reduce_sum3A_36 : i1 to vector<16xi1>
    %reduce_sum3A_38 = tpu.scan <sum>, %mul3A_30 masked %reduce_sum3A_37 : vector<16xf32>, vector<16xi1> -> vector<16xf32>
    %reduce_sum3A_39 = vector.extract %reduce_sum3A_38[15] : f32 from vector<16xf32>
    %add3A_40 = arith.addf %add3A_20, %reduce_sum3A_39 : f32
    %get3A_41 = arith.constant 32 : index
    %get3A_42 = tpu.vector_load %arg9[%get3A_41] {strides = array<i32>} : memref<144xf32, #tpu.memory_space<vmem>>, vector<16xf32>,
    %add3A_43 = arith.constant 33 : i32
    %add3A_44 = vector.broadcast %add3A_43 : i32 to vector<16xi32>
    %add3A_45 = arith.addi %iota3A, %add3A_44 : vector<16xi32>
    %gather3A_46 = tpu.vector_load_idx %arg9[%add3A_45] : memref<144xf32, #tpu.memory_space<vmem>>[vector<16xi32>], vector<16xf32>,
    %sub3A_47 = arith.subf %get3A_42, %gather3A_46 : vector<16xf32>
    %get3A_48 = arith.constant 32 : index
    %get3A_49 = tpu.vector_load %arg10[%get3A_48] {strides = array<i32>} : memref<128xf32, #tpu.memory_space<vmem>>, vector<16xf32>,
    %mul3A_50 = arith.mulf %sub3A_47, %get3A_49 : vector<16xf32>
    %broadcast_in_dim3A_51 = arith.constant true
    %broadcast_in_dim3A_52 = vector.broadcast %broadcast_in_dim3A_51 : i1 to vector<16xi1>
    %masked_cumsum3A_53 = tpu.scan <sum>, %mul3A_50 masked %broadcast_in_dim3A_52 : vector<16xf32>, vector<16xi1> -> vector<16xf32>
    %add3A_54 = vector.broadcast %add3A_40 : f32 to vector<16xf32>
    %add3A_55 = arith.addf %masked_cumsum3A_53, %add3A_54 : vector<16xf32>
    %reduce_sum3A_56 = arith.constant true
    %reduce_sum3A_57 = vector.broadcast %reduce_sum3A_56 : i1 to vector<16xi1>
    %reduce_sum3A_58 = tpu.scan <sum>, %mul3A_50 masked %reduce_sum3A_57 : vector<16xf32>, vector<16xi1> -> vector<16xf32>
    %reduce_sum3A_59 = vector.extract %reduce_sum3A_58[15] : f32 from vector<16xf32>
    %add3A_60 = arith.addf %add3A_40, %reduce_sum3A_59 : f32
    %get3A_61 = arith.constant 48 : index
    %get3A_62 = tpu.vector_load %arg9[%get3A_61] {strides = array<i32>} : memref<144xf32, #tpu.memory_space<vmem>>, vector<16xf32>,
    %add3A_63 = arith.constant 49 : i32
    %add3A_64 = vector.broadcast %add3A_63 : i32 to vector<16xi32>
    %add3A_65 = arith.addi %iota3A, %add3A_64 : vector<16xi32>
    %gather3A_66 = tpu.vector_load_idx %arg9[%add3A_65] : memref<144xf32, #tpu.memory_space<vmem>>[vector<16xi32>], vector<16xf32>,
    %sub3A_67 = arith.subf %get3A_62, %gather3A_66 : vector<16xf32>
    %get3A_68 = arith.constant 48 : index
    %get3A_69 = tpu.vector_load %arg10[%get3A_68] {strides = array<i32>} : memref<128xf32, #tpu.memory_space<vmem>>, vector<16xf32>,
    %mul3A_70 = arith.mulf %sub3A_67, %get3A_69 : vector<16xf32>
    %broadcast_in_dim3A_71 = arith.constant true
    %broadcast_in_dim3A_72 = vector.broadcast %broadcast_in_dim3A_71 : i1 to vector<16xi1>
    %masked_cumsum3A_73 = tpu.scan <sum>, %mul3A_70 masked %broadcast_in_dim3A_72 : vector<16xf32>, vector<16xi1> -> vector<16xf32>
    %add3A_74 = vector.broadcast %add3A_60 : f32 to vector<16xf32>
    %add3A_75 = arith.addf %masked_cumsum3A_73, %add3A_74 : vector<16xf32>
    %reduce_sum3A_76 = arith.constant true
    %reduce_sum3A_77 = vector.broadcast %reduce_sum3A_76 : i1 to vector<16xi1>
    %reduce_sum3A_78 = tpu.scan <sum>, %mul3A_70 masked %reduce_sum3A_77 : vector<16xf32>, vector<16xi1> -> vector<16xf32>
    %reduce_sum3A_79 = vector.extract %reduce_sum3A_78[15] : f32 from vector<16xf32>
    %add3A_80 = arith.addf %add3A_60, %reduce_sum3A_79 : f32
    %sub3A_81 = vector.broadcast %add3A_80 : f32 to vector<16xf32>
    %sub3A_82 = arith.subf %sub3A_81, %add3A_15 : vector<16xf32>
    %add3A_83 = arith.addf %sub3A_82, %mul3A_11 : vector<16xf32>
    %add3A_84 = arith.addf %add3A_83, %get3A_3 : vector<16xf32>
    %swap3A = arith.constant 0 : index
    %swap3A_85 = tpu.vector_load %arg11[%swap3A] {strides = array<i32>} : memref<144xf32, #tpu.memory_space<vmem>>, vector<16xf32>,
    tpu.vector_store %arg11[%swap3A], %add3A_84 {strides = array<i32>} : memref<144xf32, #tpu.memory_space<vmem>>, vector<16xf32>,
    %sub3A_86 = vector.broadcast %add3A_80 : f32 to vector<16xf32>
    %sub3A_87 = arith.subf %sub3A_86, %add3A_35 : vector<16xf32>
    %add3A_88 = arith.addf %sub3A_87, %mul3A_30 : vector<16xf32>
    %add3A_89 = arith.addf %add3A_88, %get3A_3 : vector<16xf32>
    %swap3A_90 = arith.constant 16 : index
    %swap3A_91 = tpu.vector_load %arg11[%swap3A_90] {strides = array<i32>} : memref<144xf32, #tpu.memory_space<vmem>>, vector<16xf32>,
    tpu.vector_store %arg11[%swap3A_90], %add3A_89 {strides = array<i32>} : memref<144xf32, #tpu.memory_space<vmem>>, vector<16xf32>,
    %sub3A_92 = vector.broadcast %add3A_80 : f32 to vector<16xf32>
    %sub3A_93 = arith.subf %sub3A_92, %add3A_55 : vector<16xf32>
    %add3A_94 = arith.addf %sub3A_93, %mul3A_50 : vector<16xf32>
    %add3A_95 = arith.addf %add3A_94, %get3A_3 : vector<16xf32>
    %swap3A_96 = arith.constant 32 : index
    %swap3A_97 = tpu.vector_load %arg11[%swap3A_96] {strides = array<i32>} : memref<144xf32, #tpu.memory_space<vmem>>, vector<16xf32>,
    tpu.vector_store %arg11[%swap3A_96], %add3A_95 {strides = array<i32>} : memref<144xf32, #tpu.memory_space<vmem>>, vector<16xf32>,
    %sub3A_98 = vector.broadcast %add3A_80 : f32 to vector<16xf32>
    %sub3A_99 = arith.subf %sub3A_98, %add3A_75 : vector<16xf32>
    %add3A_100 = arith.addf %sub3A_99, %mul3A_70 : vector<16xf32>
    %add3A_101 = arith.addf %add3A_100, %get3A_3 : vector<16xf32>
    %swap3A_102 = arith.constant 48 : index
    %swap3A_103 = tpu.vector_load %arg11[%swap3A_102] {strides = array<i32>} : memref<144xf32, #tpu.memory_space<vmem>>, vector<16xf32>,
    tpu.vector_store %arg11[%swap3A_102], %add3A_101 {strides = array<i32>} : memref<144xf32, #tpu.memory_space<vmem>>, vector<16xf32>,
    %add3A_104 = arith.constant 64 : i32
    %add3A_105 = vector.broadcast %add3A_104 : i32 to vector<16xi32>
    %add3A_106 = arith.addi %iota3A, %add3A_105 : vector<16xi32>
    %lt3A = arith.constant 2 : i32
    %lt3A_107 = vector.broadcast %lt3A : i32 to vector<16xi32>
    %lt3A_108 = arith.cmpi slt, %iota3A, %lt3A_107 : vector<16xi32>
    tpu.vector_store_idx %arg11[%add3A_106], %get3A_3 masked %lt3A_108 : memref<144xf32, #tpu.memory_space<vmem>>[vector<16xi32>], vector<16xf32>, vector<16xi1>
    %add3A_109 = arith.constant 65 : i32
    %add3A_110 = vector.broadcast %add3A_109 : i32 to vector<16xi32>
    %add3A_111 = arith.addi %iota3A, %add3A_110 : vector<16xi32>
    %gather3A_112 = tpu.vector_load_idx %arg9[%add3A_111] : memref<144xf32, #tpu.memory_space<vmem>>[vector<16xi32>], vector<16xf32>,
    %add3A_113 = arith.constant 66 : i32
    %add3A_114 = vector.broadcast %add3A_113 : i32 to vector<16xi32>
    %add3A_115 = arith.addi %iota3A, %add3A_114 : vector<16xi32>
    %gather3A_116 = tpu.vector_load_idx %arg9[%add3A_115] : memref<144xf32, #tpu.memory_space<vmem>>[vector<16xi32>], vector<16xf32>,
    %sub3A_117 = arith.subf %gather3A_112, %gather3A_116 : vector<16xf32>
    %get3A_118 = arith.constant 64 : index
    %get3A_119 = tpu.vector_load %arg10[%get3A_118] {strides = array<i32>} : memref<128xf32, #tpu.memory_space<vmem>>, vector<16xf32>,
    %mul3A_120 = arith.mulf %sub3A_117, %get3A_119 : vector<16xf32>
    %broadcast_in_dim3A_121 = arith.constant true
    %broadcast_in_dim3A_122 = vector.broadcast %broadcast_in_dim3A_121 : i1 to vector<16xi1>
    %masked_cumsum3A_123 = tpu.scan <sum>, %mul3A_120 masked %broadcast_in_dim3A_122 : vector<16xf32>, vector<16xi1> -> vector<16xf32>
    %add3A_124 = arith.constant 0.000000e+00 : f32
    %add3A_125 = vector.broadcast %add3A_124 : f32 to vector<16xf32>
    %add3A_126 = arith.addf %masked_cumsum3A_123, %add3A_125 : vector<16xf32>
    %reduce_sum3A_127 = arith.constant true
    %reduce_sum3A_128 = vector.broadcast %reduce_sum3A_127 : i1 to vector<16xi1>
    %reduce_sum3A_129 = tpu.scan <sum>, %mul3A_120 masked %reduce_sum3A_128 : vector<16xf32>, vector<16xi1> -> vector<16xf32>
    %reduce_sum3A_130 = vector.extract %reduce_sum3A_129[15] : f32 from vector<16xf32>
    %add3A_131 = arith.constant 0.000000e+00 : f32
    %add3A_132 = arith.addf %add3A_131, %reduce_sum3A_130 : f32
    %add3A_133 = arith.constant 66 : i32
    %add3A_134 = vector.broadcast %add3A_133 : i32 to vector<16xi32>
    %add3A_135 = arith.addi %iota3A, %add3A_134 : vector<16xi32>
    %add3A_136 = arith.addf %add3A_126, %get3A_3 : vector<16xf32>
    tpu.vector_store_idx %arg11[%add3A_135], %add3A_136 : memref<144xf32, #tpu.memory_space<vmem>>[vector<16xi32>], vector<16xf32>,
    %add3A_137 = arith.constant 81 : i32
    %add3A_138 = vector.broadcast %add3A_137 : i32 to vector<16xi32>
    %add3A_139 = arith.addi %iota3A, %add3A_138 : vector<16xi32>
    %gather3A_140 = tpu.vector_load_idx %arg9[%add3A_139] : memref<144xf32, #tpu.memory_space<vmem>>[vector<16xi32>], vector<16xf32>,
    %add3A_141 = arith.constant 82 : i32
    %add3A_142 = vector.broadcast %add3A_141 : i32 to vector<16xi32>
    %add3A_143 = arith.addi %iota3A, %add3A_142 : vector<16xi32>
    %gather3A_144 = tpu.vector_load_idx %arg9[%add3A_143] : memref<144xf32, #tpu.memory_space<vmem>>[vector<16xi32>], vector<16xf32>,
    %sub3A_145 = arith.subf %gather3A_140, %gather3A_144 : vector<16xf32>
    %get3A_146 = arith.constant 80 : index
    %get3A_147 = tpu.vector_load %arg10[%get3A_146] {strides = array<i32>} : memref<128xf32, #tpu.memory_space<vmem>>, vector<16xf32>,
    %mul3A_148 = arith.mulf %sub3A_145, %get3A_147 : vector<16xf32>
    %broadcast_in_dim3A_149 = arith.constant true
    %broadcast_in_dim3A_150 = vector.broadcast %broadcast_in_dim3A_149 : i1 to vector<16xi1>
    %masked_cumsum3A_151 = tpu.scan <sum>, %mul3A_148 masked %broadcast_in_dim3A_150 : vector<16xf32>, vector<16xi1> -> vector<16xf32>
    %add3A_152 = vector.broadcast %add3A_132 : f32 to vector<16xf32>
    %add3A_153 = arith.addf %masked_cumsum3A_151, %add3A_152 : vector<16xf32>
    %reduce_sum3A_154 = arith.constant true
    %reduce_sum3A_155 = vector.broadcast %reduce_sum3A_154 : i1 to vector<16xi1>
    %reduce_sum3A_156 = tpu.scan <sum>, %mul3A_148 masked %reduce_sum3A_155 : vector<16xf32>, vector<16xi1> -> vector<16xf32>
    %reduce_sum3A_157 = vector.extract %reduce_sum3A_156[15] : f32 from vector<16xf32>
    %add3A_158 = arith.addf %add3A_132, %reduce_sum3A_157 : f32
    %add3A_159 = arith.constant 82 : i32
    %add3A_160 = vector.broadcast %add3A_159 : i32 to vector<16xi32>
    %add3A_161 = arith.addi %iota3A, %add3A_160 : vector<16xi32>
    %add3A_162 = arith.addf %add3A_153, %get3A_3 : vector<16xf32>
    tpu.vector_store_idx %arg11[%add3A_161], %add3A_162 : memref<144xf32, #tpu.memory_space<vmem>>[vector<16xi32>], vector<16xf32>,
    %add3A_163 = arith.constant 97 : i32
    %add3A_164 = vector.broadcast %add3A_163 : i32 to vector<16xi32>
    %add3A_165 = arith.addi %iota3A, %add3A_164 : vector<16xi32>
    %gather3A_166 = tpu.vector_load_idx %arg9[%add3A_165] : memref<144xf32, #tpu.memory_space<vmem>>[vector<16xi32>], vector<16xf32>,
    %add3A_167 = arith.constant 98 : i32
    %add3A_168 = vector.broadcast %add3A_167 : i32 to vector<16xi32>
    %add3A_169 = arith.addi %iota3A, %add3A_168 : vector<16xi32>
    %gather3A_170 = tpu.vector_load_idx %arg9[%add3A_169] : memref<144xf32, #tpu.memory_space<vmem>>[vector<16xi32>], vector<16xf32>,
    %sub3A_171 = arith.subf %gather3A_166, %gather3A_170 : vector<16xf32>
    %get3A_172 = arith.constant 96 : index
    %get3A_173 = tpu.vector_load %arg10[%get3A_172] {strides = array<i32>} : memref<128xf32, #tpu.memory_space<vmem>>, vector<16xf32>,
    %mul3A_174 = arith.mulf %sub3A_171, %get3A_173 : vector<16xf32>
    %broadcast_in_dim3A_175 = arith.constant true
    %broadcast_in_dim3A_176 = vector.broadcast %broadcast_in_dim3A_175 : i1 to vector<16xi1>
    %masked_cumsum3A_177 = tpu.scan <sum>, %mul3A_174 masked %broadcast_in_dim3A_176 : vector<16xf32>, vector<16xi1> -> vector<16xf32>
    %add3A_178 = vector.broadcast %add3A_158 : f32 to vector<16xf32>
    %add3A_179 = arith.addf %masked_cumsum3A_177, %add3A_178 : vector<16xf32>
    %reduce_sum3A_180 = arith.constant true
    %reduce_sum3A_181 = vector.broadcast %reduce_sum3A_180 : i1 to vector<16xi1>
    %reduce_sum3A_182 = tpu.scan <sum>, %mul3A_174 masked %reduce_sum3A_181 : vector<16xf32>, vector<16xi1> -> vector<16xf32>
    %reduce_sum3A_183 = vector.extract %reduce_sum3A_182[15] : f32 from vector<16xf32>
    %add3A_184 = arith.addf %add3A_158, %reduce_sum3A_183 : f32
    %add3A_185 = arith.constant 98 : i32
    %add3A_186 = vector.broadcast %add3A_185 : i32 to vector<16xi32>
    %add3A_187 = arith.addi %iota3A, %add3A_186 : vector<16xi32>
    %add3A_188 = arith.addf %add3A_179, %get3A_3 : vector<16xf32>
    tpu.vector_store_idx %arg11[%add3A_187], %add3A_188 : memref<144xf32, #tpu.memory_space<vmem>>[vector<16xi32>], vector<16xf32>,
    %add3A_189 = arith.constant 113 : i32
    %add3A_190 = vector.broadcast %add3A_189 : i32 to vector<16xi32>
    %add3A_191 = arith.addi %iota3A, %add3A_190 : vector<16xi32>
    %gather3A_192 = tpu.vector_load_idx %arg9[%add3A_191] : memref<144xf32, #tpu.memory_space<vmem>>[vector<16xi32>], vector<16xf32>,
    %add3A_193 = arith.constant 114 : i32
    %add3A_194 = vector.broadcast %add3A_193 : i32 to vector<16xi32>
    %add3A_195 = arith.addi %iota3A, %add3A_194 : vector<16xi32>
    %gather3A_196 = tpu.vector_load_idx %arg9[%add3A_195] : memref<144xf32, #tpu.memory_space<vmem>>[vector<16xi32>], vector<16xf32>,
    %sub3A_197 = arith.subf %gather3A_192, %gather3A_196 : vector<16xf32>
    %get3A_198 = arith.constant 112 : index
    %get3A_199 = tpu.vector_load %arg10[%get3A_198] {strides = array<i32>} : memref<128xf32, #tpu.memory_space<vmem>>, vector<16xf32>,
    %mul3A_200 = arith.mulf %sub3A_197, %get3A_199 : vector<16xf32>
    %broadcast_in_dim3A_201 = arith.constant true
    %broadcast_in_dim3A_202 = vector.broadcast %broadcast_in_dim3A_201 : i1 to vector<16xi1>
    %masked_cumsum3A_203 = tpu.scan <sum>, %mul3A_200 masked %broadcast_in_dim3A_202 : vector<16xf32>, vector<16xi1> -> vector<16xf32>
    %add3A_204 = vector.broadcast %add3A_184 : f32 to vector<16xf32>
    %add3A_205 = arith.addf %masked_cumsum3A_203, %add3A_204 : vector<16xf32>
    %reduce_sum3A_206 = arith.constant true
    %reduce_sum3A_207 = vector.broadcast %reduce_sum3A_206 : i1 to vector<16xi1>
    %reduce_sum3A_208 = tpu.scan <sum>, %mul3A_200 masked %reduce_sum3A_207 : vector<16xf32>, vector<16xi1> -> vector<16xf32>
    %reduce_sum3A_209 = vector.extract %reduce_sum3A_208[15] : f32 from vector<16xf32>
    %add3A_210 = arith.addf %add3A_184, %reduce_sum3A_209 : f32
    %add3A_211 = arith.constant 114 : i32
    %add3A_212 = vector.broadcast %add3A_211 : i32 to vector<16xi32>
    %add3A_213 = arith.addi %iota3A, %add3A_212 : vector<16xi32>
    %add3A_214 = arith.addf %add3A_205, %get3A_3 : vector<16xf32>
    tpu.vector_store_idx %arg11[%add3A_213], %add3A_214 : memref<144xf32, #tpu.memory_space<vmem>>[vector<16xi32>], vector<16xf32>,
    %add3A_215 = arith.constant 0 : i32
    %add3A_216 = arith.addi %mul3A_2, %add3A_215 : i32
    %dma_start3A = arith.constant 0 : i32
    %dma_start3A_217 = tpu.memref_slice %arg2[%add3A_216, %dma_start3A] : memref<4096x4096xf32, #tpu.memory_space<hbm>> -> memref<4x4096xf32, #tpu.memory_space<hbm>>
    %dma_start3A_218 = arith.constant 0 : i32
    %dma_start3A_219 = tpu.memref_slice %arg2[%add3A_216, %dma_start3A_218] : memref<4096x4096xf32, #tpu.memory_space<hbm>> -> memref<4x4096xf32, #tpu.memory_space<hbm>>
    tpu.enqueue_dma source(%dma_start3A_219 : memref<4x4096xf32, #tpu.memory_space<hbm>>) target(%arg13 : memref<4x4096xf32, #tpu.memory_space<vmem>>) target_semaphore(%arg17 : memref<!tpu.dma_semaphore, #tpu.memory_space<semaphore_mem>>)
    %scan3A = arith.constant 0 : i32
    %scan3A_220 = arith.constant 16 : i32
    %scan3A_221 = arith.addi %scan3A, %scan3A_220 : i32
    %scan3A_222 = arith.constant 1 : i32
    scf.for %scan3A_235 = %scan3A to %scan3A_221 step %scan3A_222  : i32 {
      %mul3A_236 = arith.constant 1 : i32
      %mul3A_237 = arith.muli %scan3A_235, %mul3A_236 : i32
      %add3A_238 = arith.constant 0 : i32
      %add3A_239 = arith.addi %add3A_238, %mul3A_237 : i32
      %mul3A_240 = arith.constant 2 : i32
      %mul3A_241 = arith.muli %mul3A_240, %add3A_239 : i32
      %add3A_242 = arith.constant 1 : i32
      %add3A_243 = arith.addi %mul3A_241, %add3A_242 : i32
      %mul3A_244 = arith.constant 4 : i32
      %mul3A_245 = arith.muli %add3A_243, %mul3A_244 : i32
      %add3A_246 = arith.addi %mul3A_2, %mul3A_245 : i32
      %dma_start3A_247 = arith.constant 0 : i32
      %dma_start3A_248 = tpu.memref_slice %arg2[%add3A_246, %dma_start3A_247] : memref<4096x4096xf32, #tpu.memory_space<hbm>> -> memref<4x4096xf32, #tpu.memory_space<hbm>>
      %dma_start3A_249 = arith.constant 0 : i32
      %dma_start3A_250 = tpu.memref_slice %arg2[%add3A_246, %dma_start3A_249] : memref<4096x4096xf32, #tpu.memory_space<hbm>> -> memref<4x4096xf32, #tpu.memory_space<hbm>>
      tpu.enqueue_dma source(%dma_start3A_250 : memref<4x4096xf32, #tpu.memory_space<hbm>>) target(%arg14 : memref<4x4096xf32, #tpu.memory_space<vmem>>) target_semaphore(%arg18 : memref<!tpu.dma_semaphore, #tpu.memory_space<semaphore_mem>>)
      %mul3A_251 = arith.constant 4 : i32
      %mul3A_252 = arith.muli %mul3A_241, %mul3A_251 : i32
      %add3A_253 = arith.addi %mul3A_2, %mul3A_252 : i32
      %dma_wait3A_254 = arith.constant 0 : i32
      %dma_wait3A_255 = tpu.memref_slice %arg2[%add3A_253, %dma_wait3A_254] : memref<4096x4096xf32, #tpu.memory_space<hbm>> -> memref<4x4096xf32, #tpu.memory_space<hbm>>
      %dma_wait3A_256 = arith.constant 0 : i32
      %dma_wait3A_257 = tpu.memref_slice %arg2[%add3A_253, %dma_wait3A_256] : memref<4096x4096xf32, #tpu.memory_space<hbm>> -> memref<4x4096xf32, #tpu.memory_space<hbm>>
      tpu.wait_dma2 semaphore(%arg17 : memref<!tpu.dma_semaphore, #tpu.memory_space<semaphore_mem>>) src(%dma_wait3A_257 : memref<4x4096xf32, #tpu.memory_space<hbm>>) dst(%arg13 : memref<4x4096xf32, #tpu.memory_space<vmem>>)
      %gt3A = arith.constant 0 : i32
      %gt3A_258 = arith.cmpi sgt, %add3A_239, %gt3A : i32
      %convert_element_type3A = arith.extui %gt3A_258 : i1 to i32
      %cond3A = arith.constant 0 : i32
      %cond3A_259 = arith.cmpi ne, %convert_element_type3A, %cond3A : i32
      scf.if %cond3A_259 {
        %sub3A_316 = arith.constant 2 : i32
        %sub3A_317 = arith.subi %mul3A_241, %sub3A_316 : i32
        %mul3A_318 = arith.constant 4 : i32
        %mul3A_319 = arith.muli %sub3A_317, %mul3A_318 : i32
        %add3A_320 = arith.addi %mul3A_2, %mul3A_319 : i32
        %dma_wait3A_321 = arith.constant 0 : i32
        %dma_wait3A_322 = tpu.memref_slice %arg7[%add3A_320, %dma_wait3A_321] : memref<4096x4096xf32, #tpu.memory_space<hbm>> -> memref<4x4096xf32, #tpu.memory_space<hbm>>
        %dma_wait3A_323 = arith.constant 0 : i32
        %dma_wait3A_324 = tpu.memref_slice %arg7[%add3A_320, %dma_wait3A_323] : memref<4096x4096xf32, #tpu.memory_space<hbm>> -> memref<4x4096xf32, #tpu.memory_space<hbm>>
        tpu.wait_dma2 semaphore(%arg19 : memref<!tpu.dma_semaphore, #tpu.memory_space<semaphore_mem>>) src(%arg15 : memref<4x4096xf32, #tpu.memory_space<vmem>>) dst(%dma_wait3A_324 : memref<4x4096xf32, #tpu.memory_space<hbm>>)
      } else {
      }
      %parallel_loop3A = arith.constant 0 : i32
      %parallel_loop3A_260 = arith.constant 4096 : i32
      %parallel_loop3A_261 = arith.constant 16 : i32
      scf.for %parallel_loop3A_316 = %parallel_loop3A to %parallel_loop3A_260 step %parallel_loop3A_261  : i32 {
        %parallel_loop3A_317 = arith.constant 0 : i32
        %parallel_loop3A_318 = arith.index_cast %parallel_loop3A_317 : i32 to index
        %parallel_loop3A_319 = arith.index_cast %parallel_loop3A_316 : i32 to index
        %parallel_loop3A_320 = tpu.vector_load %arg13[%parallel_loop3A_318, %parallel_loop3A_319] {strides = array<i32>} : memref<4x4096xf32, #tpu.memory_space<vmem>>, vector<16xf32>,
        %parallel_loop3A_321 = math.absf %parallel_loop3A_320 : vector<16xf32>
        %parallel_loop3A_322 = arith.constant 0.984615385 : f32
        %parallel_loop3A_323 = vector.broadcast %parallel_loop3A_322 : f32 to vector<16xf32>
        %parallel_loop3A_324 = arith.mulf %parallel_loop3A_321, %parallel_loop3A_323 : vector<16xf32>
        %parallel_loop3A_325 = arith.constant -0.0153846154 : f32
        %parallel_loop3A_326 = vector.broadcast %parallel_loop3A_325 : f32 to vector<16xf32>
        %parallel_loop3A_327 = arith.addf %parallel_loop3A_324, %parallel_loop3A_326 : vector<16xf32>
        %parallel_loop3A_328 = arith.fptosi %parallel_loop3A_327 : vector<16xf32> to vector<16xi32>
        %parallel_loop3A_329 = arith.sitofp %parallel_loop3A_328 : vector<16xi32> to vector<16xf32>
        %parallel_loop3A_330 = arith.constant 1 : i32
        %parallel_loop3A_331 = vector.broadcast %parallel_loop3A_330 : i32 to vector<16xi32>
        %parallel_loop3A_332 = arith.addi %parallel_loop3A_328, %parallel_loop3A_331 : vector<16xi32>
        %parallel_loop3A_333 = arith.cmpf olt, %parallel_loop3A_327, %parallel_loop3A_329 : vector<16xf32>
        %parallel_loop3A_334 = arith.select %parallel_loop3A_333, %parallel_loop3A_328, %parallel_loop3A_332 : vector<16xi1>, vector<16xi32>
        %parallel_loop3A_335 = arith.constant 64 : i32
        %parallel_loop3A_336 = vector.broadcast %parallel_loop3A_335 : i32 to vector<16xi32>
        %parallel_loop3A_337 = arith.minsi %parallel_loop3A_334, %parallel_loop3A_336 : vector<16xi32>
        %parallel_loop3A_338 = arith.constant 0.000000e+00 : f32
        %parallel_loop3A_339 = vector.broadcast %parallel_loop3A_338 : f32 to vector<16xf32>
        %parallel_loop3A_340 = arith.cmpf ogt, %parallel_loop3A_320, %parallel_loop3A_339 : vector<16xf32>
        %parallel_loop3A_341 = arith.constant 65 : i32
        %parallel_loop3A_342 = vector.broadcast %parallel_loop3A_341 : i32 to vector<16xi32>
        %parallel_loop3A_343 = arith.addi %parallel_loop3A_337, %parallel_loop3A_342 : vector<16xi32>
        %parallel_loop3A_344 = arith.constant 64 : i32
        %parallel_loop3A_345 = vector.broadcast %parallel_loop3A_344 : i32 to vector<16xi32>
        %parallel_loop3A_346 = arith.subi %parallel_loop3A_345, %parallel_loop3A_337 : vector<16xi32>
        %parallel_loop3A_347 = arith.select %parallel_loop3A_340, %parallel_loop3A_343, %parallel_loop3A_346 : vector<16xi1>, vector<16xi32>
        %parallel_loop3A_348 = tpu.vector_load_idx %arg8[%parallel_loop3A_347] : memref<144xf32, #tpu.memory_space<vmem>>[vector<16xi32>], vector<16xf32>,
        %parallel_loop3A_349 = arith.cmpf oge, %parallel_loop3A_348, %parallel_loop3A_320 : vector<16xf32>
        %parallel_loop3A_350 = arith.constant 1 : i32
        %parallel_loop3A_351 = vector.broadcast %parallel_loop3A_350 : i32 to vector<16xi32>
        %parallel_loop3A_352 = arith.subi %parallel_loop3A_347, %parallel_loop3A_351 : vector<16xi32>
        %parallel_loop3A_353 = arith.select %parallel_loop3A_349, %parallel_loop3A_352, %parallel_loop3A_347 : vector<16xi1>, vector<16xi32>
        %parallel_loop3A_354 = tpu.vector_load_idx %arg9[%parallel_loop3A_353] : memref<144xf32, #tpu.memory_space<vmem>>[vector<16xi32>], vector<16xf32>,
        %parallel_loop3A_355 = tpu.vector_load_idx %arg11[%parallel_loop3A_353] : memref<144xf32, #tpu.memory_space<vmem>>[vector<16xi32>], vector<16xf32>,
        %parallel_loop3A_356 = arith.mulf %parallel_loop3A_320, %parallel_loop3A_354 : vector<16xf32>
        %parallel_loop3A_357 = arith.addf %parallel_loop3A_356, %parallel_loop3A_355 : vector<16xf32>
        %parallel_loop3A_358 = arith.constant 0 : i32
        %parallel_loop3A_359 = arith.index_cast %parallel_loop3A_358 : i32 to index
        %parallel_loop3A_360 = arith.index_cast %parallel_loop3A_316 : i32 to index
        %parallel_loop3A_361 = tpu.vector_load %arg15[%parallel_loop3A_359, %parallel_loop3A_360] {strides = array<i32>} : memref<4x4096xf32, #tpu.memory_space<vmem>>, vector<16xf32>,
        tpu.vector_store %arg15[%parallel_loop3A_359, %parallel_loop3A_360], %parallel_loop3A_357 {strides = array<i32>} : memref<4x4096xf32, #tpu.memory_space<vmem>>, vector<16xf32>,
      } {sc.loop_unroll_factor = 6 : i64, sc.parallel_access}
      %parallel_loop3A_262 = arith.constant 0 : i32
      %parallel_loop3A_263 = arith.constant 4096 : i32
      %parallel_loop3A_264 = arith.constant 16 : i32
      scf.for %parallel_loop3A_316 = %parallel_loop3A_262 to %parallel_loop3A_263 step %parallel_loop3A_264  : i32 {
        %parallel_loop3A_317 = arith.constant 1 : i32
        %parallel_loop3A_318 = arith.index_cast %parallel_loop3A_317 : i32 to index
        %parallel_loop3A_319 = arith.index_cast %parallel_loop3A_316 : i32 to index
        %parallel_loop3A_320 = tpu.vector_load %arg13[%parallel_loop3A_318, %parallel_loop3A_319] {strides = array<i32>} : memref<4x4096xf32, #tpu.memory_space<vmem>>, vector<16xf32>,
        %parallel_loop3A_321 = math.absf %parallel_loop3A_320 : vector<16xf32>
        %parallel_loop3A_322 = arith.constant 0.984615385 : f32
        %parallel_loop3A_323 = vector.broadcast %parallel_loop3A_322 : f32 to vector<16xf32>
        %parallel_loop3A_324 = arith.mulf %parallel_loop3A_321, %parallel_loop3A_323 : vector<16xf32>
        %parallel_loop3A_325 = arith.constant -0.0153846154 : f32
        %parallel_loop3A_326 = vector.broadcast %parallel_loop3A_325 : f32 to vector<16xf32>
        %parallel_loop3A_327 = arith.addf %parallel_loop3A_324, %parallel_loop3A_326 : vector<16xf32>
        %parallel_loop3A_328 = arith.fptosi %parallel_loop3A_327 : vector<16xf32> to vector<16xi32>
        %parallel_loop3A_329 = arith.sitofp %parallel_loop3A_328 : vector<16xi32> to vector<16xf32>
        %parallel_loop3A_330 = arith.constant 1 : i32
        %parallel_loop3A_331 = vector.broadcast %parallel_loop3A_330 : i32 to vector<16xi32>
        %parallel_loop3A_332 = arith.addi %parallel_loop3A_328, %parallel_loop3A_331 : vector<16xi32>
        %parallel_loop3A_333 = arith.cmpf olt, %parallel_loop3A_327, %parallel_loop3A_329 : vector<16xf32>
        %parallel_loop3A_334 = arith.select %parallel_loop3A_333, %parallel_loop3A_328, %parallel_loop3A_332 : vector<16xi1>, vector<16xi32>
        %parallel_loop3A_335 = arith.constant 64 : i32
        %parallel_loop3A_336 = vector.broadcast %parallel_loop3A_335 : i32 to vector<16xi32>
        %parallel_loop3A_337 = arith.minsi %parallel_loop3A_334, %parallel_loop3A_336 : vector<16xi32>
        %parallel_loop3A_338 = arith.constant 0.000000e+00 : f32
        %parallel_loop3A_339 = vector.broadcast %parallel_loop3A_338 : f32 to vector<16xf32>
        %parallel_loop3A_340 = arith.cmpf ogt, %parallel_loop3A_320, %parallel_loop3A_339 : vector<16xf32>
        %parallel_loop3A_341 = arith.constant 65 : i32
        %parallel_loop3A_342 = vector.broadcast %parallel_loop3A_341 : i32 to vector<16xi32>
        %parallel_loop3A_343 = arith.addi %parallel_loop3A_337, %parallel_loop3A_342 : vector<16xi32>
        %parallel_loop3A_344 = arith.constant 64 : i32
        %parallel_loop3A_345 = vector.broadcast %parallel_loop3A_344 : i32 to vector<16xi32>
        %parallel_loop3A_346 = arith.subi %parallel_loop3A_345, %parallel_loop3A_337 : vector<16xi32>
        %parallel_loop3A_347 = arith.select %parallel_loop3A_340, %parallel_loop3A_343, %parallel_loop3A_346 : vector<16xi1>, vector<16xi32>
        %parallel_loop3A_348 = tpu.vector_load_idx %arg8[%parallel_loop3A_347] : memref<144xf32, #tpu.memory_space<vmem>>[vector<16xi32>], vector<16xf32>,
        %parallel_loop3A_349 = arith.cmpf oge, %parallel_loop3A_348, %parallel_loop3A_320 : vector<16xf32>
        %parallel_loop3A_350 = arith.constant 1 : i32
        %parallel_loop3A_351 = vector.broadcast %parallel_loop3A_350 : i32 to vector<16xi32>
        %parallel_loop3A_352 = arith.subi %parallel_loop3A_347, %parallel_loop3A_351 : vector<16xi32>
        %parallel_loop3A_353 = arith.select %parallel_loop3A_349, %parallel_loop3A_352, %parallel_loop3A_347 : vector<16xi1>, vector<16xi32>
        %parallel_loop3A_354 = tpu.vector_load_idx %arg9[%parallel_loop3A_353] : memref<144xf32, #tpu.memory_space<vmem>>[vector<16xi32>], vector<16xf32>,
        %parallel_loop3A_355 = tpu.vector_load_idx %arg11[%parallel_loop3A_353] : memref<144xf32, #tpu.memory_space<vmem>>[vector<16xi32>], vector<16xf32>,
        %parallel_loop3A_356 = arith.mulf %parallel_loop3A_320, %parallel_loop3A_354 : vector<16xf32>
        %parallel_loop3A_357 = arith.addf %parallel_loop3A_356, %parallel_loop3A_355 : vector<16xf32>
        %parallel_loop3A_358 = arith.constant 1 : i32
        %parallel_loop3A_359 = arith.index_cast %parallel_loop3A_358 : i32 to index
        %parallel_loop3A_360 = arith.index_cast %parallel_loop3A_316 : i32 to index
        %parallel_loop3A_361 = tpu.vector_load %arg15[%parallel_loop3A_359, %parallel_loop3A_360] {strides = array<i32>} : memref<4x4096xf32, #tpu.memory_space<vmem>>, vector<16xf32>,
        tpu.vector_store %arg15[%parallel_loop3A_359, %parallel_loop3A_360], %parallel_loop3A_357 {strides = array<i32>} : memref<4x4096xf32, #tpu.memory_space<vmem>>, vector<16xf32>,
      } {sc.loop_unroll_factor = 6 : i64, sc.parallel_access}
      %parallel_loop3A_265 = arith.constant 0 : i32
      %parallel_loop3A_266 = arith.constant 4096 : i32
      %parallel_loop3A_267 = arith.constant 16 : i32
      scf.for %parallel_loop3A_316 = %parallel_loop3A_265 to %parallel_loop3A_266 step %parallel_loop3A_267  : i32 {
        %parallel_loop3A_317 = arith.constant 2 : i32
        %parallel_loop3A_318 = arith.index_cast %parallel_loop3A_317 : i32 to index
        %parallel_loop3A_319 = arith.index_cast %parallel_loop3A_316 : i32 to index
        %parallel_loop3A_320 = tpu.vector_load %arg13[%parallel_loop3A_318, %parallel_loop3A_319] {strides = array<i32>} : memref<4x4096xf32, #tpu.memory_space<vmem>>, vector<16xf32>,
        %parallel_loop3A_321 = math.absf %parallel_loop3A_320 : vector<16xf32>
        %parallel_loop3A_322 = arith.constant 0.984615385 : f32
        %parallel_loop3A_323 = vector.broadcast %parallel_loop3A_322 : f32 to vector<16xf32>
        %parallel_loop3A_324 = arith.mulf %parallel_loop3A_321, %parallel_loop3A_323 : vector<16xf32>
        %parallel_loop3A_325 = arith.constant -0.0153846154 : f32
        %parallel_loop3A_326 = vector.broadcast %parallel_loop3A_325 : f32 to vector<16xf32>
        %parallel_loop3A_327 = arith.addf %parallel_loop3A_324, %parallel_loop3A_326 : vector<16xf32>
        %parallel_loop3A_328 = arith.fptosi %parallel_loop3A_327 : vector<16xf32> to vector<16xi32>
        %parallel_loop3A_329 = arith.sitofp %parallel_loop3A_328 : vector<16xi32> to vector<16xf32>
        %parallel_loop3A_330 = arith.constant 1 : i32
        %parallel_loop3A_331 = vector.broadcast %parallel_loop3A_330 : i32 to vector<16xi32>
        %parallel_loop3A_332 = arith.addi %parallel_loop3A_328, %parallel_loop3A_331 : vector<16xi32>
        %parallel_loop3A_333 = arith.cmpf olt, %parallel_loop3A_327, %parallel_loop3A_329 : vector<16xf32>
        %parallel_loop3A_334 = arith.select %parallel_loop3A_333, %parallel_loop3A_328, %parallel_loop3A_332 : vector<16xi1>, vector<16xi32>
        %parallel_loop3A_335 = arith.constant 64 : i32
        %parallel_loop3A_336 = vector.broadcast %parallel_loop3A_335 : i32 to vector<16xi32>
        %parallel_loop3A_337 = arith.minsi %parallel_loop3A_334, %parallel_loop3A_336 : vector<16xi32>
        %parallel_loop3A_338 = arith.constant 0.000000e+00 : f32
        %parallel_loop3A_339 = vector.broadcast %parallel_loop3A_338 : f32 to vector<16xf32>
        %parallel_loop3A_340 = arith.cmpf ogt, %parallel_loop3A_320, %parallel_loop3A_339 : vector<16xf32>
        %parallel_loop3A_341 = arith.constant 65 : i32
        %parallel_loop3A_342 = vector.broadcast %parallel_loop3A_341 : i32 to vector<16xi32>
        %parallel_loop3A_343 = arith.addi %parallel_loop3A_337, %parallel_loop3A_342 : vector<16xi32>
        %parallel_loop3A_344 = arith.constant 64 : i32
        %parallel_loop3A_345 = vector.broadcast %parallel_loop3A_344 : i32 to vector<16xi32>
        %parallel_loop3A_346 = arith.subi %parallel_loop3A_345, %parallel_loop3A_337 : vector<16xi32>
        %parallel_loop3A_347 = arith.select %parallel_loop3A_340, %parallel_loop3A_343, %parallel_loop3A_346 : vector<16xi1>, vector<16xi32>
        %parallel_loop3A_348 = tpu.vector_load_idx %arg8[%parallel_loop3A_347] : memref<144xf32, #tpu.memory_space<vmem>>[vector<16xi32>], vector<16xf32>,
        %parallel_loop3A_349 = arith.cmpf oge, %parallel_loop3A_348, %parallel_loop3A_320 : vector<16xf32>
        %parallel_loop3A_350 = arith.constant 1 : i32
        %parallel_loop3A_351 = vector.broadcast %parallel_loop3A_350 : i32 to vector<16xi32>
        %parallel_loop3A_352 = arith.subi %parallel_loop3A_347, %parallel_loop3A_351 : vector<16xi32>
        %parallel_loop3A_353 = arith.select %parallel_loop3A_349, %parallel_loop3A_352, %parallel_loop3A_347 : vector<16xi1>, vector<16xi32>
        %parallel_loop3A_354 = tpu.vector_load_idx %arg9[%parallel_loop3A_353] : memref<144xf32, #tpu.memory_space<vmem>>[vector<16xi32>], vector<16xf32>,
        %parallel_loop3A_355 = tpu.vector_load_idx %arg11[%parallel_loop3A_353] : memref<144xf32, #tpu.memory_space<vmem>>[vector<16xi32>], vector<16xf32>,
        %parallel_loop3A_356 = arith.mulf %parallel_loop3A_320, %parallel_loop3A_354 : vector<16xf32>
        %parallel_loop3A_357 = arith.addf %parallel_loop3A_356, %parallel_loop3A_355 : vector<16xf32>
        %parallel_loop3A_358 = arith.constant 2 : i32
        %parallel_loop3A_359 = arith.index_cast %parallel_loop3A_358 : i32 to index
        %parallel_loop3A_360 = arith.index_cast %parallel_loop3A_316 : i32 to index
        %parallel_loop3A_361 = tpu.vector_load %arg15[%parallel_loop3A_359, %parallel_loop3A_360] {strides = array<i32>} : memref<4x4096xf32, #tpu.memory_space<vmem>>, vector<16xf32>,
        tpu.vector_store %arg15[%parallel_loop3A_359, %parallel_loop3A_360], %parallel_loop3A_357 {strides = array<i32>} : memref<4x4096xf32, #tpu.memory_space<vmem>>, vector<16xf32>,
      } {sc.loop_unroll_factor = 6 : i64, sc.parallel_access}
      %parallel_loop3A_268 = arith.constant 0 : i32
      %parallel_loop3A_269 = arith.constant 4096 : i32
      %parallel_loop3A_270 = arith.constant 16 : i32
      scf.for %parallel_loop3A_316 = %parallel_loop3A_268 to %parallel_loop3A_269 step %parallel_loop3A_270  : i32 {
        %parallel_loop3A_317 = arith.constant 3 : i32
        %parallel_loop3A_318 = arith.index_cast %parallel_loop3A_317 : i32 to index
        %parallel_loop3A_319 = arith.index_cast %parallel_loop3A_316 : i32 to index
        %parallel_loop3A_320 = tpu.vector_load %arg13[%parallel_loop3A_318, %parallel_loop3A_319] {strides = array<i32>} : memref<4x4096xf32, #tpu.memory_space<vmem>>, vector<16xf32>,
        %parallel_loop3A_321 = math.absf %parallel_loop3A_320 : vector<16xf32>
        %parallel_loop3A_322 = arith.constant 0.984615385 : f32
        %parallel_loop3A_323 = vector.broadcast %parallel_loop3A_322 : f32 to vector<16xf32>
        %parallel_loop3A_324 = arith.mulf %parallel_loop3A_321, %parallel_loop3A_323 : vector<16xf32>
        %parallel_loop3A_325 = arith.constant -0.0153846154 : f32
        %parallel_loop3A_326 = vector.broadcast %parallel_loop3A_325 : f32 to vector<16xf32>
        %parallel_loop3A_327 = arith.addf %parallel_loop3A_324, %parallel_loop3A_326 : vector<16xf32>
        %parallel_loop3A_328 = arith.fptosi %parallel_loop3A_327 : vector<16xf32> to vector<16xi32>
        %parallel_loop3A_329 = arith.sitofp %parallel_loop3A_328 : vector<16xi32> to vector<16xf32>
        %parallel_loop3A_330 = arith.constant 1 : i32
        %parallel_loop3A_331 = vector.broadcast %parallel_loop3A_330 : i32 to vector<16xi32>
        %parallel_loop3A_332 = arith.addi %parallel_loop3A_328, %parallel_loop3A_331 : vector<16xi32>
        %parallel_loop3A_333 = arith.cmpf olt, %parallel_loop3A_327, %parallel_loop3A_329 : vector<16xf32>
        %parallel_loop3A_334 = arith.select %parallel_loop3A_333, %parallel_loop3A_328, %parallel_loop3A_332 : vector<16xi1>, vector<16xi32>
        %parallel_loop3A_335 = arith.constant 64 : i32
        %parallel_loop3A_336 = vector.broadcast %parallel_loop3A_335 : i32 to vector<16xi32>
        %parallel_loop3A_337 = arith.minsi %parallel_loop3A_334, %parallel_loop3A_336 : vector<16xi32>
        %parallel_loop3A_338 = arith.constant 0.000000e+00 : f32
        %parallel_loop3A_339 = vector.broadcast %parallel_loop3A_338 : f32 to vector<16xf32>
        %parallel_loop3A_340 = arith.cmpf ogt, %parallel_loop3A_320, %parallel_loop3A_339 : vector<16xf32>
        %parallel_loop3A_341 = arith.constant 65 : i32
        %parallel_loop3A_342 = vector.broadcast %parallel_loop3A_341 : i32 to vector<16xi32>
        %parallel_loop3A_343 = arith.addi %parallel_loop3A_337, %parallel_loop3A_342 : vector<16xi32>
        %parallel_loop3A_344 = arith.constant 64 : i32
        %parallel_loop3A_345 = vector.broadcast %parallel_loop3A_344 : i32 to vector<16xi32>
        %parallel_loop3A_346 = arith.subi %parallel_loop3A_345, %parallel_loop3A_337 : vector<16xi32>
        %parallel_loop3A_347 = arith.select %parallel_loop3A_340, %parallel_loop3A_343, %parallel_loop3A_346 : vector<16xi1>, vector<16xi32>
        %parallel_loop3A_348 = tpu.vector_load_idx %arg8[%parallel_loop3A_347] : memref<144xf32, #tpu.memory_space<vmem>>[vector<16xi32>], vector<16xf32>,
        %parallel_loop3A_349 = arith.cmpf oge, %parallel_loop3A_348, %parallel_loop3A_320 : vector<16xf32>
        %parallel_loop3A_350 = arith.constant 1 : i32
        %parallel_loop3A_351 = vector.broadcast %parallel_loop3A_350 : i32 to vector<16xi32>
        %parallel_loop3A_352 = arith.subi %parallel_loop3A_347, %parallel_loop3A_351 : vector<16xi32>
        %parallel_loop3A_353 = arith.select %parallel_loop3A_349, %parallel_loop3A_352, %parallel_loop3A_347 : vector<16xi1>, vector<16xi32>
        %parallel_loop3A_354 = tpu.vector_load_idx %arg9[%parallel_loop3A_353] : memref<144xf32, #tpu.memory_space<vmem>>[vector<16xi32>], vector<16xf32>,
        %parallel_loop3A_355 = tpu.vector_load_idx %arg11[%parallel_loop3A_353] : memref<144xf32, #tpu.memory_space<vmem>>[vector<16xi32>], vector<16xf32>,
        %parallel_loop3A_356 = arith.mulf %parallel_loop3A_320, %parallel_loop3A_354 : vector<16xf32>
        %parallel_loop3A_357 = arith.addf %parallel_loop3A_356, %parallel_loop3A_355 : vector<16xf32>
        %parallel_loop3A_358 = arith.constant 3 : i32
        %parallel_loop3A_359 = arith.index_cast %parallel_loop3A_358 : i32 to index
        %parallel_loop3A_360 = arith.index_cast %parallel_loop3A_316 : i32 to index
        %parallel_loop3A_361 = tpu.vector_load %arg15[%parallel_loop3A_359, %parallel_loop3A_360] {strides = array<i32>} : memref<4x4096xf32, #tpu.memory_space<vmem>>, vector<16xf32>,
        tpu.vector_store %arg15[%parallel_loop3A_359, %parallel_loop3A_360], %parallel_loop3A_357 {strides = array<i32>} : memref<4x4096xf32, #tpu.memory_space<vmem>>, vector<16xf32>,
      } {sc.loop_unroll_factor = 6 : i64, sc.parallel_access}
      %mul3A_271 = arith.constant 4 : i32
      %mul3A_272 = arith.muli %mul3A_241, %mul3A_271 : i32
      %add3A_273 = arith.addi %mul3A_2, %mul3A_272 : i32
      %dma_start3A_274 = arith.constant 0 : i32
      %dma_start3A_275 = tpu.memref_slice %arg7[%add3A_273, %dma_start3A_274] : memref<4096x4096xf32, #tpu.memory_space<hbm>> -> memref<4x4096xf32, #tpu.memory_space<hbm>>
      %dma_start3A_276 = arith.constant 0 : i32
      %dma_start3A_277 = tpu.memref_slice %arg7[%add3A_273, %dma_start3A_276] : memref<4096x4096xf32, #tpu.memory_space<hbm>> -> memref<4x4096xf32, #tpu.memory_space<hbm>>
      tpu.enqueue_dma source(%arg15 : memref<4x4096xf32, #tpu.memory_space<vmem>>) target(%dma_start3A_277 : memref<4x4096xf32, #tpu.memory_space<hbm>>) target_semaphore(%arg19 : memref<!tpu.dma_semaphore, #tpu.memory_space<semaphore_mem>>)
      %add3A_278 = arith.constant 1 : i32
      %add3A_279 = arith.addi %add3A_239, %add3A_278 : i32
      %lt3A_280 = arith.constant 16 : i32
      %lt3A_281 = arith.cmpi slt, %add3A_279, %lt3A_280 : i32
      %convert_element_type3A_282 = arith.extui %lt3A_281 : i1 to i32
      %cond3A_283 = arith.constant 0 : i32
      %cond3A_284 = arith.cmpi ne, %convert_element_type3A_282, %cond3A_283 : i32
      scf.if %cond3A_284 {
        %add3A_316 = arith.constant 2 : i32
        %add3A_317 = arith.addi %mul3A_241, %add3A_316 : i32
        %mul3A_318 = arith.constant 4 : i32
        %mul3A_319 = arith.muli %add3A_317, %mul3A_318 : i32
        %add3A_320 = arith.addi %mul3A_2, %mul3A_319 : i32
        %dma_start3A_321 = arith.constant 0 : i32
        %dma_start3A_322 = tpu.memref_slice %arg2[%add3A_320, %dma_start3A_321] : memref<4096x4096xf32, #tpu.memory_space<hbm>> -> memref<4x4096xf32, #tpu.memory_space<hbm>>
        %dma_start3A_323 = arith.constant 0 : i32
        %dma_start3A_324 = tpu.memref_slice %arg2[%add3A_320, %dma_start3A_323] : memref<4096x4096xf32, #tpu.memory_space<hbm>> -> memref<4x4096xf32, #tpu.memory_space<hbm>>
        tpu.enqueue_dma source(%dma_start3A_324 : memref<4x4096xf32, #tpu.memory_space<hbm>>) target(%arg13 : memref<4x4096xf32, #tpu.memory_space<vmem>>) target_semaphore(%arg17 : memref<!tpu.dma_semaphore, #tpu.memory_space<semaphore_mem>>)
      } else {
      }
      %mul3A_285 = arith.constant 4 : i32
      %mul3A_286 = arith.muli %add3A_243, %mul3A_285 : i32
      %add3A_287 = arith.addi %mul3A_2, %mul3A_286 : i32
      %dma_wait3A_288 = arith.constant 0 : i32
      %dma_wait3A_289 = tpu.memref_slice %arg2[%add3A_287, %dma_wait3A_288] : memref<4096x4096xf32, #tpu.memory_space<hbm>> -> memref<4x4096xf32, #tpu.memory_space<hbm>>
      %dma_wait3A_290 = arith.constant 0 : i32
      %dma_wait3A_291 = tpu.memref_slice %arg2[%add3A_287, %dma_wait3A_290] : memref<4096x4096xf32, #tpu.memory_space<hbm>> -> memref<4x4096xf32, #tpu.memory_space<hbm>>
      tpu.wait_dma2 semaphore(%arg18 : memref<!tpu.dma_semaphore, #tpu.memory_space<semaphore_mem>>) src(%dma_wait3A_291 : memref<4x4096xf32, #tpu.memory_space<hbm>>) dst(%arg14 : memref<4x4096xf32, #tpu.memory_space<vmem>>)
      %gt3A_292 = arith.constant 0 : i32
      %gt3A_293 = arith.cmpi sgt, %add3A_239, %gt3A_292 : i32
      %convert_element_type3A_294 = arith.extui %gt3A_293 : i1 to i32
      %cond3A_295 = arith.constant 0 : i32
      %cond3A_296 = arith.cmpi ne, %convert_element_type3A_294, %cond3A_295 : i32
      scf.if %cond3A_296 {
        %sub3A_316 = arith.constant 2 : i32
        %sub3A_317 = arith.subi %add3A_243, %sub3A_316 : i32
        %mul3A_318 = arith.constant 4 : i32
        %mul3A_319 = arith.muli %sub3A_317, %mul3A_318 : i32
        %add3A_320 = arith.addi %mul3A_2, %mul3A_319 : i32
        %dma_wait3A_321 = arith.constant 0 : i32
        %dma_wait3A_322 = tpu.memref_slice %arg7[%add3A_320, %dma_wait3A_321] : memref<4096x4096xf32, #tpu.memory_space<hbm>> -> memref<4x4096xf32, #tpu.memory_space<hbm>>
        %dma_wait3A_323 = arith.constant 0 : i32
        %dma_wait3A_324 = tpu.memref_slice %arg7[%add3A_320, %dma_wait3A_323] : memref<4096x4096xf32, #tpu.memory_space<hbm>> -> memref<4x4096xf32, #tpu.memory_space<hbm>>
        tpu.wait_dma2 semaphore(%arg20 : memref<!tpu.dma_semaphore, #tpu.memory_space<semaphore_mem>>) src(%arg16 : memref<4x4096xf32, #tpu.memory_space<vmem>>) dst(%dma_wait3A_324 : memref<4x4096xf32, #tpu.memory_space<hbm>>)
      } else {
      }
      %parallel_loop3A_297 = arith.constant 0 : i32
      %parallel_loop3A_298 = arith.constant 4096 : i32
      %parallel_loop3A_299 = arith.constant 16 : i32
      scf.for %parallel_loop3A_316 = %parallel_loop3A_297 to %parallel_loop3A_298 step %parallel_loop3A_299  : i32 {
        %parallel_loop3A_317 = arith.constant 0 : i32
        %parallel_loop3A_318 = arith.index_cast %parallel_loop3A_317 : i32 to index
        %parallel_loop3A_319 = arith.index_cast %parallel_loop3A_316 : i32 to index
        %parallel_loop3A_320 = tpu.vector_load %arg14[%parallel_loop3A_318, %parallel_loop3A_319] {strides = array<i32>} : memref<4x4096xf32, #tpu.memory_space<vmem>>, vector<16xf32>,
        %parallel_loop3A_321 = math.absf %parallel_loop3A_320 : vector<16xf32>
        %parallel_loop3A_322 = arith.constant 0.984615385 : f32
        %parallel_loop3A_323 = vector.broadcast %parallel_loop3A_322 : f32 to vector<16xf32>
        %parallel_loop3A_324 = arith.mulf %parallel_loop3A_321, %parallel_loop3A_323 : vector<16xf32>
        %parallel_loop3A_325 = arith.constant -0.0153846154 : f32
        %parallel_loop3A_326 = vector.broadcast %parallel_loop3A_325 : f32 to vector<16xf32>
        %parallel_loop3A_327 = arith.addf %parallel_loop3A_324, %parallel_loop3A_326 : vector<16xf32>
        %parallel_loop3A_328 = arith.fptosi %parallel_loop3A_327 : vector<16xf32> to vector<16xi32>
        %parallel_loop3A_329 = arith.sitofp %parallel_loop3A_328 : vector<16xi32> to vector<16xf32>
        %parallel_loop3A_330 = arith.constant 1 : i32
        %parallel_loop3A_331 = vector.broadcast %parallel_loop3A_330 : i32 to vector<16xi32>
        %parallel_loop3A_332 = arith.addi %parallel_loop3A_328, %parallel_loop3A_331 : vector<16xi32>
        %parallel_loop3A_333 = arith.cmpf olt, %parallel_loop3A_327, %parallel_loop3A_329 : vector<16xf32>
        %parallel_loop3A_334 = arith.select %parallel_loop3A_333, %parallel_loop3A_328, %parallel_loop3A_332 : vector<16xi1>, vector<16xi32>
        %parallel_loop3A_335 = arith.constant 64 : i32
        %parallel_loop3A_336 = vector.broadcast %parallel_loop3A_335 : i32 to vector<16xi32>
        %parallel_loop3A_337 = arith.minsi %parallel_loop3A_334, %parallel_loop3A_336 : vector<16xi32>
        %parallel_loop3A_338 = arith.constant 0.000000e+00 : f32
        %parallel_loop3A_339 = vector.broadcast %parallel_loop3A_338 : f32 to vector<16xf32>
        %parallel_loop3A_340 = arith.cmpf ogt, %parallel_loop3A_320, %parallel_loop3A_339 : vector<16xf32>
        %parallel_loop3A_341 = arith.constant 65 : i32
        %parallel_loop3A_342 = vector.broadcast %parallel_loop3A_341 : i32 to vector<16xi32>
        %parallel_loop3A_343 = arith.addi %parallel_loop3A_337, %parallel_loop3A_342 : vector<16xi32>
        %parallel_loop3A_344 = arith.constant 64 : i32
        %parallel_loop3A_345 = vector.broadcast %parallel_loop3A_344 : i32 to vector<16xi32>
        %parallel_loop3A_346 = arith.subi %parallel_loop3A_345, %parallel_loop3A_337 : vector<16xi32>
        %parallel_loop3A_347 = arith.select %parallel_loop3A_340, %parallel_loop3A_343, %parallel_loop3A_346 : vector<16xi1>, vector<16xi32>
        %parallel_loop3A_348 = tpu.vector_load_idx %arg8[%parallel_loop3A_347] : memref<144xf32, #tpu.memory_space<vmem>>[vector<16xi32>], vector<16xf32>,
        %parallel_loop3A_349 = arith.cmpf oge, %parallel_loop3A_348, %parallel_loop3A_320 : vector<16xf32>
        %parallel_loop3A_350 = arith.constant 1 : i32
        %parallel_loop3A_351 = vector.broadcast %parallel_loop3A_350 : i32 to vector<16xi32>
        %parallel_loop3A_352 = arith.subi %parallel_loop3A_347, %parallel_loop3A_351 : vector<16xi32>
        %parallel_loop3A_353 = arith.select %parallel_loop3A_349, %parallel_loop3A_352, %parallel_loop3A_347 : vector<16xi1>, vector<16xi32>
        %parallel_loop3A_354 = tpu.vector_load_idx %arg9[%parallel_loop3A_353] : memref<144xf32, #tpu.memory_space<vmem>>[vector<16xi32>], vector<16xf32>,
        %parallel_loop3A_355 = tpu.vector_load_idx %arg11[%parallel_loop3A_353] : memref<144xf32, #tpu.memory_space<vmem>>[vector<16xi32>], vector<16xf32>,
        %parallel_loop3A_356 = arith.mulf %parallel_loop3A_320, %parallel_loop3A_354 : vector<16xf32>
        %parallel_loop3A_357 = arith.addf %parallel_loop3A_356, %parallel_loop3A_355 : vector<16xf32>
        %parallel_loop3A_358 = arith.constant 0 : i32
        %parallel_loop3A_359 = arith.index_cast %parallel_loop3A_358 : i32 to index
        %parallel_loop3A_360 = arith.index_cast %parallel_loop3A_316 : i32 to index
        %parallel_loop3A_361 = tpu.vector_load %arg16[%parallel_loop3A_359, %parallel_loop3A_360] {strides = array<i32>} : memref<4x4096xf32, #tpu.memory_space<vmem>>, vector<16xf32>,
        tpu.vector_store %arg16[%parallel_loop3A_359, %parallel_loop3A_360], %parallel_loop3A_357 {strides = array<i32>} : memref<4x4096xf32, #tpu.memory_space<vmem>>, vector<16xf32>,
      } {sc.loop_unroll_factor = 6 : i64, sc.parallel_access}
      %parallel_loop3A_300 = arith.constant 0 : i32
      %parallel_loop3A_301 = arith.constant 4096 : i32
      %parallel_loop3A_302 = arith.constant 16 : i32
      scf.for %parallel_loop3A_316 = %parallel_loop3A_300 to %parallel_loop3A_301 step %parallel_loop3A_302  : i32 {
        %parallel_loop3A_317 = arith.constant 1 : i32
        %parallel_loop3A_318 = arith.index_cast %parallel_loop3A_317 : i32 to index
        %parallel_loop3A_319 = arith.index_cast %parallel_loop3A_316 : i32 to index
        %parallel_loop3A_320 = tpu.vector_load %arg14[%parallel_loop3A_318, %parallel_loop3A_319] {strides = array<i32>} : memref<4x4096xf32, #tpu.memory_space<vmem>>, vector<16xf32>,
        %parallel_loop3A_321 = math.absf %parallel_loop3A_320 : vector<16xf32>
        %parallel_loop3A_322 = arith.constant 0.984615385 : f32
        %parallel_loop3A_323 = vector.broadcast %parallel_loop3A_322 : f32 to vector<16xf32>
        %parallel_loop3A_324 = arith.mulf %parallel_loop3A_321, %parallel_loop3A_323 : vector<16xf32>
        %parallel_loop3A_325 = arith.constant -0.0153846154 : f32
        %parallel_loop3A_326 = vector.broadcast %parallel_loop3A_325 : f32 to vector<16xf32>
        %parallel_loop3A_327 = arith.addf %parallel_loop3A_324, %parallel_loop3A_326 : vector<16xf32>
        %parallel_loop3A_328 = arith.fptosi %parallel_loop3A_327 : vector<16xf32> to vector<16xi32>
        %parallel_loop3A_329 = arith.sitofp %parallel_loop3A_328 : vector<16xi32> to vector<16xf32>
        %parallel_loop3A_330 = arith.constant 1 : i32
        %parallel_loop3A_331 = vector.broadcast %parallel_loop3A_330 : i32 to vector<16xi32>
        %parallel_loop3A_332 = arith.addi %parallel_loop3A_328, %parallel_loop3A_331 : vector<16xi32>
        %parallel_loop3A_333 = arith.cmpf olt, %parallel_loop3A_327, %parallel_loop3A_329 : vector<16xf32>
        %parallel_loop3A_334 = arith.select %parallel_loop3A_333, %parallel_loop3A_328, %parallel_loop3A_332 : vector<16xi1>, vector<16xi32>
        %parallel_loop3A_335 = arith.constant 64 : i32
        %parallel_loop3A_336 = vector.broadcast %parallel_loop3A_335 : i32 to vector<16xi32>
        %parallel_loop3A_337 = arith.minsi %parallel_loop3A_334, %parallel_loop3A_336 : vector<16xi32>
        %parallel_loop3A_338 = arith.constant 0.000000e+00 : f32
        %parallel_loop3A_339 = vector.broadcast %parallel_loop3A_338 : f32 to vector<16xf32>
        %parallel_loop3A_340 = arith.cmpf ogt, %parallel_loop3A_320, %parallel_loop3A_339 : vector<16xf32>
        %parallel_loop3A_341 = arith.constant 65 : i32
        %parallel_loop3A_342 = vector.broadcast %parallel_loop3A_341 : i32 to vector<16xi32>
        %parallel_loop3A_343 = arith.addi %parallel_loop3A_337, %parallel_loop3A_342 : vector<16xi32>
        %parallel_loop3A_344 = arith.constant 64 : i32
        %parallel_loop3A_345 = vector.broadcast %parallel_loop3A_344 : i32 to vector<16xi32>
        %parallel_loop3A_346 = arith.subi %parallel_loop3A_345, %parallel_loop3A_337 : vector<16xi32>
        %parallel_loop3A_347 = arith.select %parallel_loop3A_340, %parallel_loop3A_343, %parallel_loop3A_346 : vector<16xi1>, vector<16xi32>
        %parallel_loop3A_348 = tpu.vector_load_idx %arg8[%parallel_loop3A_347] : memref<144xf32, #tpu.memory_space<vmem>>[vector<16xi32>], vector<16xf32>,
        %parallel_loop3A_349 = arith.cmpf oge, %parallel_loop3A_348, %parallel_loop3A_320 : vector<16xf32>
        %parallel_loop3A_350 = arith.constant 1 : i32
        %parallel_loop3A_351 = vector.broadcast %parallel_loop3A_350 : i32 to vector<16xi32>
        %parallel_loop3A_352 = arith.subi %parallel_loop3A_347, %parallel_loop3A_351 : vector<16xi32>
        %parallel_loop3A_353 = arith.select %parallel_loop3A_349, %parallel_loop3A_352, %parallel_loop3A_347 : vector<16xi1>, vector<16xi32>
        %parallel_loop3A_354 = tpu.vector_load_idx %arg9[%parallel_loop3A_353] : memref<144xf32, #tpu.memory_space<vmem>>[vector<16xi32>], vector<16xf32>,
        %parallel_loop3A_355 = tpu.vector_load_idx %arg11[%parallel_loop3A_353] : memref<144xf32, #tpu.memory_space<vmem>>[vector<16xi32>], vector<16xf32>,
        %parallel_loop3A_356 = arith.mulf %parallel_loop3A_320, %parallel_loop3A_354 : vector<16xf32>
        %parallel_loop3A_357 = arith.addf %parallel_loop3A_356, %parallel_loop3A_355 : vector<16xf32>
        %parallel_loop3A_358 = arith.constant 1 : i32
        %parallel_loop3A_359 = arith.index_cast %parallel_loop3A_358 : i32 to index
        %parallel_loop3A_360 = arith.index_cast %parallel_loop3A_316 : i32 to index
        %parallel_loop3A_361 = tpu.vector_load %arg16[%parallel_loop3A_359, %parallel_loop3A_360] {strides = array<i32>} : memref<4x4096xf32, #tpu.memory_space<vmem>>, vector<16xf32>,
        tpu.vector_store %arg16[%parallel_loop3A_359, %parallel_loop3A_360], %parallel_loop3A_357 {strides = array<i32>} : memref<4x4096xf32, #tpu.memory_space<vmem>>, vector<16xf32>,
      } {sc.loop_unroll_factor = 6 : i64, sc.parallel_access}
      %parallel_loop3A_303 = arith.constant 0 : i32
      %parallel_loop3A_304 = arith.constant 4096 : i32
      %parallel_loop3A_305 = arith.constant 16 : i32
      scf.for %parallel_loop3A_316 = %parallel_loop3A_303 to %parallel_loop3A_304 step %parallel_loop3A_305  : i32 {
        %parallel_loop3A_317 = arith.constant 2 : i32
        %parallel_loop3A_318 = arith.index_cast %parallel_loop3A_317 : i32 to index
        %parallel_loop3A_319 = arith.index_cast %parallel_loop3A_316 : i32 to index
        %parallel_loop3A_320 = tpu.vector_load %arg14[%parallel_loop3A_318, %parallel_loop3A_319] {strides = array<i32>} : memref<4x4096xf32, #tpu.memory_space<vmem>>, vector<16xf32>,
        %parallel_loop3A_321 = math.absf %parallel_loop3A_320 : vector<16xf32>
        %parallel_loop3A_322 = arith.constant 0.984615385 : f32
        %parallel_loop3A_323 = vector.broadcast %parallel_loop3A_322 : f32 to vector<16xf32>
        %parallel_loop3A_324 = arith.mulf %parallel_loop3A_321, %parallel_loop3A_323 : vector<16xf32>
        %parallel_loop3A_325 = arith.constant -0.0153846154 : f32
        %parallel_loop3A_326 = vector.broadcast %parallel_loop3A_325 : f32 to vector<16xf32>
        %parallel_loop3A_327 = arith.addf %parallel_loop3A_324, %parallel_loop3A_326 : vector<16xf32>
        %parallel_loop3A_328 = arith.fptosi %parallel_loop3A_327 : vector<16xf32> to vector<16xi32>
        %parallel_loop3A_329 = arith.sitofp %parallel_loop3A_328 : vector<16xi32> to vector<16xf32>
        %parallel_loop3A_330 = arith.constant 1 : i32
        %parallel_loop3A_331 = vector.broadcast %parallel_loop3A_330 : i32 to vector<16xi32>
        %parallel_loop3A_332 = arith.addi %parallel_loop3A_328, %parallel_loop3A_331 : vector<16xi32>
        %parallel_loop3A_333 = arith.cmpf olt, %parallel_loop3A_327, %parallel_loop3A_329 : vector<16xf32>
        %parallel_loop3A_334 = arith.select %parallel_loop3A_333, %parallel_loop3A_328, %parallel_loop3A_332 : vector<16xi1>, vector<16xi32>
        %parallel_loop3A_335 = arith.constant 64 : i32
        %parallel_loop3A_336 = vector.broadcast %parallel_loop3A_335 : i32 to vector<16xi32>
        %parallel_loop3A_337 = arith.minsi %parallel_loop3A_334, %parallel_loop3A_336 : vector<16xi32>
        %parallel_loop3A_338 = arith.constant 0.000000e+00 : f32
        %parallel_loop3A_339 = vector.broadcast %parallel_loop3A_338 : f32 to vector<16xf32>
        %parallel_loop3A_340 = arith.cmpf ogt, %parallel_loop3A_320, %parallel_loop3A_339 : vector<16xf32>
        %parallel_loop3A_341 = arith.constant 65 : i32
        %parallel_loop3A_342 = vector.broadcast %parallel_loop3A_341 : i32 to vector<16xi32>
        %parallel_loop3A_343 = arith.addi %parallel_loop3A_337, %parallel_loop3A_342 : vector<16xi32>
        %parallel_loop3A_344 = arith.constant 64 : i32
        %parallel_loop3A_345 = vector.broadcast %parallel_loop3A_344 : i32 to vector<16xi32>
        %parallel_loop3A_346 = arith.subi %parallel_loop3A_345, %parallel_loop3A_337 : vector<16xi32>
        %parallel_loop3A_347 = arith.select %parallel_loop3A_340, %parallel_loop3A_343, %parallel_loop3A_346 : vector<16xi1>, vector<16xi32>
        %parallel_loop3A_348 = tpu.vector_load_idx %arg8[%parallel_loop3A_347] : memref<144xf32, #tpu.memory_space<vmem>>[vector<16xi32>], vector<16xf32>,
        %parallel_loop3A_349 = arith.cmpf oge, %parallel_loop3A_348, %parallel_loop3A_320 : vector<16xf32>
        %parallel_loop3A_350 = arith.constant 1 : i32
        %parallel_loop3A_351 = vector.broadcast %parallel_loop3A_350 : i32 to vector<16xi32>
        %parallel_loop3A_352 = arith.subi %parallel_loop3A_347, %parallel_loop3A_351 : vector<16xi32>
        %parallel_loop3A_353 = arith.select %parallel_loop3A_349, %parallel_loop3A_352, %parallel_loop3A_347 : vector<16xi1>, vector<16xi32>
        %parallel_loop3A_354 = tpu.vector_load_idx %arg9[%parallel_loop3A_353] : memref<144xf32, #tpu.memory_space<vmem>>[vector<16xi32>], vector<16xf32>,
        %parallel_loop3A_355 = tpu.vector_load_idx %arg11[%parallel_loop3A_353] : memref<144xf32, #tpu.memory_space<vmem>>[vector<16xi32>], vector<16xf32>,
        %parallel_loop3A_356 = arith.mulf %parallel_loop3A_320, %parallel_loop3A_354 : vector<16xf32>
        %parallel_loop3A_357 = arith.addf %parallel_loop3A_356, %parallel_loop3A_355 : vector<16xf32>
        %parallel_loop3A_358 = arith.constant 2 : i32
        %parallel_loop3A_359 = arith.index_cast %parallel_loop3A_358 : i32 to index
        %parallel_loop3A_360 = arith.index_cast %parallel_loop3A_316 : i32 to index
        %parallel_loop3A_361 = tpu.vector_load %arg16[%parallel_loop3A_359, %parallel_loop3A_360] {strides = array<i32>} : memref<4x4096xf32, #tpu.memory_space<vmem>>, vector<16xf32>,
        tpu.vector_store %arg16[%parallel_loop3A_359, %parallel_loop3A_360], %parallel_loop3A_357 {strides = array<i32>} : memref<4x4096xf32, #tpu.memory_space<vmem>>, vector<16xf32>,
      } {sc.loop_unroll_factor = 6 : i64, sc.parallel_access}
      %parallel_loop3A_306 = arith.constant 0 : i32
      %parallel_loop3A_307 = arith.constant 4096 : i32
      %parallel_loop3A_308 = arith.constant 16 : i32
      scf.for %parallel_loop3A_316 = %parallel_loop3A_306 to %parallel_loop3A_307 step %parallel_loop3A_308  : i32 {
        %parallel_loop3A_317 = arith.constant 3 : i32
        %parallel_loop3A_318 = arith.index_cast %parallel_loop3A_317 : i32 to index
        %parallel_loop3A_319 = arith.index_cast %parallel_loop3A_316 : i32 to index
        %parallel_loop3A_320 = tpu.vector_load %arg14[%parallel_loop3A_318, %parallel_loop3A_319] {strides = array<i32>} : memref<4x4096xf32, #tpu.memory_space<vmem>>, vector<16xf32>,
        %parallel_loop3A_321 = math.absf %parallel_loop3A_320 : vector<16xf32>
        %parallel_loop3A_322 = arith.constant 0.984615385 : f32
        %parallel_loop3A_323 = vector.broadcast %parallel_loop3A_322 : f32 to vector<16xf32>
        %parallel_loop3A_324 = arith.mulf %parallel_loop3A_321, %parallel_loop3A_323 : vector<16xf32>
        %parallel_loop3A_325 = arith.constant -0.0153846154 : f32
        %parallel_loop3A_326 = vector.broadcast %parallel_loop3A_325 : f32 to vector<16xf32>
        %parallel_loop3A_327 = arith.addf %parallel_loop3A_324, %parallel_loop3A_326 : vector<16xf32>
        %parallel_loop3A_328 = arith.fptosi %parallel_loop3A_327 : vector<16xf32> to vector<16xi32>
        %parallel_loop3A_329 = arith.sitofp %parallel_loop3A_328 : vector<16xi32> to vector<16xf32>
        %parallel_loop3A_330 = arith.constant 1 : i32
        %parallel_loop3A_331 = vector.broadcast %parallel_loop3A_330 : i32 to vector<16xi32>
        %parallel_loop3A_332 = arith.addi %parallel_loop3A_328, %parallel_loop3A_331 : vector<16xi32>
        %parallel_loop3A_333 = arith.cmpf olt, %parallel_loop3A_327, %parallel_loop3A_329 : vector<16xf32>
        %parallel_loop3A_334 = arith.select %parallel_loop3A_333, %parallel_loop3A_328, %parallel_loop3A_332 : vector<16xi1>, vector<16xi32>
        %parallel_loop3A_335 = arith.constant 64 : i32
        %parallel_loop3A_336 = vector.broadcast %parallel_loop3A_335 : i32 to vector<16xi32>
        %parallel_loop3A_337 = arith.minsi %parallel_loop3A_334, %parallel_loop3A_336 : vector<16xi32>
        %parallel_loop3A_338 = arith.constant 0.000000e+00 : f32
        %parallel_loop3A_339 = vector.broadcast %parallel_loop3A_338 : f32 to vector<16xf32>
        %parallel_loop3A_340 = arith.cmpf ogt, %parallel_loop3A_320, %parallel_loop3A_339 : vector<16xf32>
        %parallel_loop3A_341 = arith.constant 65 : i32
        %parallel_loop3A_342 = vector.broadcast %parallel_loop3A_341 : i32 to vector<16xi32>
        %parallel_loop3A_343 = arith.addi %parallel_loop3A_337, %parallel_loop3A_342 : vector<16xi32>
        %parallel_loop3A_344 = arith.constant 64 : i32
        %parallel_loop3A_345 = vector.broadcast %parallel_loop3A_344 : i32 to vector<16xi32>
        %parallel_loop3A_346 = arith.subi %parallel_loop3A_345, %parallel_loop3A_337 : vector<16xi32>
        %parallel_loop3A_347 = arith.select %parallel_loop3A_340, %parallel_loop3A_343, %parallel_loop3A_346 : vector<16xi1>, vector<16xi32>
        %parallel_loop3A_348 = tpu.vector_load_idx %arg8[%parallel_loop3A_347] : memref<144xf32, #tpu.memory_space<vmem>>[vector<16xi32>], vector<16xf32>,
        %parallel_loop3A_349 = arith.cmpf oge, %parallel_loop3A_348, %parallel_loop3A_320 : vector<16xf32>
        %parallel_loop3A_350 = arith.constant 1 : i32
        %parallel_loop3A_351 = vector.broadcast %parallel_loop3A_350 : i32 to vector<16xi32>
        %parallel_loop3A_352 = arith.subi %parallel_loop3A_347, %parallel_loop3A_351 : vector<16xi32>
        %parallel_loop3A_353 = arith.select %parallel_loop3A_349, %parallel_loop3A_352, %parallel_loop3A_347 : vector<16xi1>, vector<16xi32>
        %parallel_loop3A_354 = tpu.vector_load_idx %arg9[%parallel_loop3A_353] : memref<144xf32, #tpu.memory_space<vmem>>[vector<16xi32>], vector<16xf32>,
        %parallel_loop3A_355 = tpu.vector_load_idx %arg11[%parallel_loop3A_353] : memref<144xf32, #tpu.memory_space<vmem>>[vector<16xi32>], vector<16xf32>,
        %parallel_loop3A_356 = arith.mulf %parallel_loop3A_320, %parallel_loop3A_354 : vector<16xf32>
        %parallel_loop3A_357 = arith.addf %parallel_loop3A_356, %parallel_loop3A_355 : vector<16xf32>
        %parallel_loop3A_358 = arith.constant 3 : i32
        %parallel_loop3A_359 = arith.index_cast %parallel_loop3A_358 : i32 to index
        %parallel_loop3A_360 = arith.index_cast %parallel_loop3A_316 : i32 to index
        %parallel_loop3A_361 = tpu.vector_load %arg16[%parallel_loop3A_359, %parallel_loop3A_360] {strides = array<i32>} : memref<4x4096xf32, #tpu.memory_space<vmem>>, vector<16xf32>,
        tpu.vector_store %arg16[%parallel_loop3A_359, %parallel_loop3A_360], %parallel_loop3A_357 {strides = array<i32>} : memref<4x4096xf32, #tpu.memory_space<vmem>>, vector<16xf32>,
      } {sc.loop_unroll_factor = 6 : i64, sc.parallel_access}
      %mul3A_309 = arith.constant 4 : i32
      %mul3A_310 = arith.muli %add3A_243, %mul3A_309 : i32
      %add3A_311 = arith.addi %mul3A_2, %mul3A_310 : i32
      %dma_start3A_312 = arith.constant 0 : i32
      %dma_start3A_313 = tpu.memref_slice %arg7[%add3A_311, %dma_start3A_312] : memref<4096x4096xf32, #tpu.memory_space<hbm>> -> memref<4x4096xf32, #tpu.memory_space<hbm>>
      %dma_start3A_314 = arith.constant 0 : i32
      %dma_start3A_315 = tpu.memref_slice %arg7[%add3A_311, %dma_start3A_314] : memref<4096x4096xf32, #tpu.memory_space<hbm>> -> memref<4x4096xf32, #tpu.memory_space<hbm>>
      tpu.enqueue_dma source(%arg16 : memref<4x4096xf32, #tpu.memory_space<vmem>>) target(%dma_start3A_315 : memref<4x4096xf32, #tpu.memory_space<hbm>>) target_semaphore(%arg20 : memref<!tpu.dma_semaphore, #tpu.memory_space<semaphore_mem>>)
    }
    %scan3A_223 = arith.constant 16 : i32
    %add3A_224 = arith.constant 120 : i32
    %add3A_225 = arith.addi %mul3A_2, %add3A_224 : i32
    %dma_wait3A = arith.constant 0 : i32
    %dma_wait3A_226 = tpu.memref_slice %arg7[%add3A_225, %dma_wait3A] : memref<4096x4096xf32, #tpu.memory_space<hbm>> -> memref<4x4096xf32, #tpu.memory_space<hbm>>
    %dma_wait3A_227 = arith.constant 0 : i32
    %dma_wait3A_228 = tpu.memref_slice %arg7[%add3A_225, %dma_wait3A_227] : memref<4096x4096xf32, #tpu.memory_space<hbm>> -> memref<4x4096xf32, #tpu.memory_space<hbm>>
    tpu.wait_dma2 semaphore(%arg19 : memref<!tpu.dma_semaphore, #tpu.memory_space<semaphore_mem>>) src(%arg15 : memref<4x4096xf32, #tpu.memory_space<vmem>>) dst(%dma_wait3A_228 : memref<4x4096xf32, #tpu.memory_space<hbm>>)
    %add3A_229 = arith.constant 124 : i32
    %add3A_230 = arith.addi %mul3A_2, %add3A_229 : i32
    %dma_wait3A_231 = arith.constant 0 : i32
    %dma_wait3A_232 = tpu.memref_slice %arg7[%add3A_230, %dma_wait3A_231] : memref<4096x4096xf32, #tpu.memory_space<hbm>> -> memref<4x4096xf32, #tpu.memory_space<hbm>>
    %dma_wait3A_233 = arith.constant 0 : i32
    %dma_wait3A_234 = tpu.memref_slice %arg7[%add3A_230, %dma_wait3A_233] : memref<4096x4096xf32, #tpu.memory_space<hbm>> -> memref<4x4096xf32, #tpu.memory_space<hbm>>
    tpu.wait_dma2 semaphore(%arg20 : memref<!tpu.dma_semaphore, #tpu.memory_space<semaphore_mem>>) src(%arg16 : memref<4x4096xf32, #tpu.memory_space<vmem>>) dst(%dma_wait3A_234 : memref<4x4096xf32, #tpu.memory_space<hbm>>)
    return
  }
}

</mosaic_0001>

<sc_bundles>
// kernel: kernel.3.cloned.1.call-start
scs
__scs_entry_jumppad:
0x0: {  	(pc) =	sbr.rel $0x88, $3  }
0x1: {  	(tag) =	ssettag $0x0;
	lr =	simm.s32 $0x1  }
0x2: {  	[smem:$0x3F9C] =	sst lr;
	_ =	strace $0xD0000000  }
0x3: {  	_ = 	snop  }
0x4: {  	_ = 	snop  }
0x5: {  	_ = 	snop  }
0x6: {  	_ = 	snop  }
0x7: {  	_ = 	snop  }
__scs_overlays_trampoline_lowered:
0x8: {  	[smem:$0x3FAB] =	sst s0  }
0x9: {  	[smem:$0x3FAC] =	sst s1  }
0xa: {  	[smem:$0x3FAD] =	sst s2  }
0xb: {  	[smem:$0x3FAE] =	sst s3  }
0xc: {  	[smem:$0x3FAF] =	sst s4  }
0xd: {  	[smem:$0x3FB0] =	sst s5  }
0xe: {  	[smem:$0x3FB1] =	sst s6  }
0xf: {  	[smem:$0x3FB2] =	sst s7  }
0x10: {  	[smem:$0x3FB3] =	sst s8  }
0x11: {  	[smem:$0x3FB4] =	sst s9;
	s0 =	simm.s32 @!p0 $0x0  }
0x12: {  	s1 =	sld [smem:$0x3F9A];
	s0 =	simm.s32 @p0 $0x1  }
0x13: {  	[smem:$0x3FB5] =	sst s0;
	s0 =	simm.s32 @!p1 $0x0  }
0x14: {  	s2 =	sld [smem:$0x3F99];
	s0 =	simm.s32 @p1 $0x1  }
0x15: {  	[smem:$0x3FB6] =	sst s0;
	s0 =	simm.s32 @!p2 $0x0  }
0x16: {  	s3 =	sld [smem:$0x3FDB];
	s0 =	simm.s32 @p2 $0x1  }
0x17: {  	s4 =	simm.s32 $0x1BF5;
	[smem:$0x3FB8] =	sst s0  }
0x18: {  	s0 =	sld [smem:$0x3F9B];
	_ =	swait.ge [sflag:s4], $0x0  }
0x19: {  	s7 =	sld [smem:$0x3F9C]  }
0x1a: {  	s8 =	sadd.s32 $0xFFFFE003, lr  }
0x1b: {  	s9 =	sadd.s32 $0xFFFFFEF7, lr;
	s5 =	simm.s32 $0xFFFFFFFF;
	p2 =	slt.u32 s8, $0xFFFFF086  }
0x1c: {  	p1 =	slt.u32 s9, $0xF7A;
	s5 =	simm.s32 @!p2 $0x0  }
0x1d: {  	s5 =	simm.s32 @p1 $0x1;
	p0 =	seq.s32 s7, s2  }
0x1e: {  	s7 =	smul.u32 @!p0 $0xF7A, s2;
	p2 =	seq.s32 @!p0 s5, $0x0  }
0x1f: {  	s9 =	smul.u32 $0xF7A, s1;
	s8 =	simm.s32 @!p0 $0x1BF5;
	p2 =	por !p2, p0  }
0x20: {  	[sflag:s8] =	ssyncset.s32 @!p0 $0xFFFFF086;
	s6 =	sadd.s32 @!p0 s3, s7;
	s7 =	simm.s32 @!p0 $0x108  }
0x21: {  	s3 =	sadd.s32 s3, s9;
	s6 =	sadd.s32 @!p0 $0x88, s6;
	s7 =	simm.s32 @p2 $0x1082  }
0x22: {  	[simem:s7], [sflag:s8] =	dma.local @!p0 [hbm:s6], $0xF7A  }
0x23: {  	s9 =	sor.u32 $0xD0000000, s2;
	s6 =	simm.s32 $0x108;
	_ =	swait.ge @!p0 [sflag:s8], $0x0  }
0x24: {  	s3 =	sadd.s32 $0x88, s3;
	s6 =	simm.s32 @!p1 $0x1082;
	[sflag:s4] =	ssyncset.s32 $0xFFFFF086  }
0x25: {  	[simem:s6], [sflag:s4] =	dma.local [hbm:s3], $0xF7A  }
0x26: {  	[smem:$0x3F9C] =	sst s1;
	(tag) =	ssettag s2;
	_ =	strace s9  }
0x27: {  	s1 =	sld [smem:$0x3FAC]  }
0x28: {  	s2 =	sld [smem:$0x3FAD]  }
0x29: {  	s4 =	sld [smem:$0x3FAF]  }
0x2a: {  	p0 =	seq.s32 s5, $0x0;
	s5 =	sld [smem:$0x3FB0]  }
0x2b: {  	s6 =	sld [smem:$0x3FB1]  }
0x2c: {  	s7 =	sld [smem:$0x3FB2]  }
0x2d: {  	s3 =	simm.s32 $0x108;
	s8 =	sld [smem:$0x3FB3]  }
0x2e: {  	s3 =	simm.s32 @!p0 $0x1082;
	s9 =	sld [smem:$0x3FB4]  }
0x2f: {  	lr =	sadd.s32 s0, s3;
	s0 =	sld [smem:$0x3FAB]  }
0x30: {  	s3 =	sld [smem:$0x3FAE]  }
0x31: {  	[smem:$0x3FB7] =	sst s10  }
0x32: {  	s10 =	sld [smem:$0x3FB5];
	_ =	sdelay $0x3  }
0x33: {  	p0 =	seq.s32 s10, $0x1;
	s10 =	sld [smem:$0x3FB7];
	_ =	sdelay $0x3  }
0x34: {  	[smem:$0x3FB7] =	sst s10  }
0x35: {  	s10 =	sld [smem:$0x3FB6];
	_ =	sdelay $0x3  }
0x36: {  	p1 =	seq.s32 s10, $0x1;
	s10 =	sld [smem:$0x3FB7];
	_ =	sdelay $0x3  }
0x37: {  	[smem:$0x3FB7] =	sst s10  }
0x38: {  	s10 =	sld [smem:$0x3FB8]  }
0x39: {  	_ = 	snop;
	(pc) =	sbr.ind lr, $3  }
0x3a: {  	_ = 	snop  }
0x3b: {  	_ = 	snop  }
0x3c: {  	p2 =	seq.s32 s10, $0x1;
	s10 =	sld [smem:$0x3FB7]  }
0x3d: {  	_ =	shalt  }
0x3e: {  	_ =	shalt  }
0x3f: {  	_ =	shalt  }
0x40: {  	_ =	shalt  }
0x41: {  	_ =	shalt  }
0x42: {  	_ =	shalt  }
0x43: {  	_ =	shalt  }
0x44: {  	_ =	shalt  }
0x45: {  	_ =	shalt  }
0x46: {  	_ =	shalt  }
0x47: {  	_ =	shalt  }
0x48: {  	_ =	shalt  }
0x49: {  	_ =	shalt  }
0x4a: {  	_ =	shalt  }
0x4b: {  	_ =	shalt  }
0x4c: {  	_ =	shalt  }
0x4d: {  	_ =	shalt  }
0x4e: {  	_ =	shalt  }
0x4f: {  	_ =	shalt  }
0x50: {  	_ =	shalt  }
0x51: {  	_ =	shalt  }
0x52: {  	_ =	shalt  }
0x53: {  	_ =	shalt  }
0x54: {  	_ =	shalt  }
0x55: {  	_ =	shalt  }
0x56: {  	_ =	shalt  }
0x57: {  	_ =	shalt  }
0x58: {  	_ =	shalt  }
0x59: {  	_ =	shalt  }
0x5a: {  	_ =	shalt  }
0x5b: {  	_ =	shalt  }
0x5c: {  	_ =	shalt  }
0x5d: {  	_ =	shalt  }
0x5e: {  	_ =	shalt  }
0x5f: {  	_ =	shalt  }
0x60: {  	_ =	shalt  }
0x61: {  	_ =	shalt  }
0x62: {  	_ =	shalt  }
0x63: {  	_ =	shalt  }
0x64: {  	_ =	shalt  }
0x65: {  	_ =	shalt  }
0x66: {  	_ =	shalt  }
0x67: {  	_ =	shalt  }
0x68: {  	_ =	shalt  }
0x69: {  	_ =	shalt  }
0x6a: {  	_ =	shalt  }
0x6b: {  	_ =	shalt  }
0x6c: {  	_ =	shalt  }
0x6d: {  	_ =	shalt  }
0x6e: {  	_ =	shalt  }
0x6f: {  	_ =	shalt  }
0x70: {  	_ =	shalt  }
0x71: {  	_ =	shalt  }
0x72: {  	_ =	shalt  }
0x73: {  	_ =	shalt  }
0x74: {  	_ =	shalt  }
0x75: {  	_ =	shalt  }
0x76: {  	_ =	shalt  }
0x77: {  	_ =	shalt  }
0x78: {  	_ =	shalt  }
0x79: {  	_ =	shalt  }
0x7a: {  	_ =	shalt  }
0x7b: {  	_ =	shalt  }
0x7c: {  	_ =	shalt  }
0x7d: {  	_ =	shalt  }
0x7e: {  	_ =	shalt  }
0x7f: {  	_ =	shalt  }
0x80: {  	_ =	shalt  }
0x81: {  	_ =	shalt  }
0x82: {  	_ =	shalt  }
0x83: {  	_ =	shalt  }
0x84: {  	_ =	shalt  }
0x85: {  	_ =	shalt  }
0x86: {  	_ =	shalt  }
0x87: {  	_ =	shalt  }
.Lfunc_end0:
.L_simem_size_0:
called_computation_lowered:
.L_overlay_start_0:
0x88: {  	s2 =	sld [smem:$0x3FD9]  }
0x89: {  	s3 =	sld [smem:$0x3FFE];
	_ =	sdelay $0x1  }
0x8a: {  	s1 =	srdreg.scid  }
0x8b: {  	s0 =	sand.u32 $0x1, s1  }
0x8c: {  	s17 =	sshll.u32 s0, $0xA;
	s2 =	sadd.s32 s3, s2  }
0x8d: {  	s2 =	sadd.s32 s2, s17  }
0x8e: {  	[smem:$0x3FC3] =	sst s2  }
0x8f: {  	_ = 	snop  }
0x90: {  	s2 =	sld [smem:$0x3FC9]  }
0x91: {  	s18 =	sld [smem:$0x3FC8]  }
0x92: {  	s4 =	sld [smem:$0x3FD0];
	(tm) =	ssettm $0x1  }
0x93: {  	s5 =	sld [smem:$0x3FFB];
	_ =	sdelay $0x3  }
0x94: {  	_ =	strace s5  }
0x95: {  	s5 =	sld [smem:$0x3FFC];
	_ =	sdelay $0x3  }
0x96: {  	_ =	strace s5  }
0x97: {  	s5 =	sld [smem:$0x3FFD];
	_ =	sdelay $0x3  }
0x98: {  	_ =	strace s5  }
0x99: {  	_ =	strace $0x8FFFFFFF  }
0x9a: {  	s19 =	sld [smem:$0x3FDB];
	_ =	sdelay $0x1  }
0x9b: {  	s6 =	simm.s32 $_scs_section_size  }
0x9c: {  	s7 =	simm.s32 $_size__tile_overlayer_lowered;
	s8 =	simm.s32 $_tile_overlayer_lowered  }
0x9d: {  	s22 =	simm.s32 $0x1BFF;
	s21 =	sshll.u32 s8, $0x1;
	s5 =	sadd.s32 s6, s19  }
0x9e: {  	s9 =	simm.s32 $0x0;
	s20 =	sshll.u32 s7, $0x1;
	s7 =	sadd.s32 s21, s5  }
0x9f: {  	[timem:s9], [sflag:s22] =	dma.local [hbm:s7], s20  }
0xa0: {  	_ =	swait.ge [sflag:s22], s20  }
0xa1: {  	s6 =	ssub.s32 $0x0, s20;
	[sflag:s22] =	ssyncset.done $0x0  }
0xa2: {  	[sflag:s22] =	ssyncadd.s32 s6;
	_ =	sdelay $0x1  }
0xa3: {  	s23 =	simm.s32 $0x1B8B  }
0xa4: {  	_ =	swait.ge [sflag:s23], $0x1  }
0xa5: {  	[sflag:s23] =	ssyncset.done $0x0  }
0xa6: {  	s25 =	simm.s32 $0x1B8E;
	s24 =	sld [smem:$0x3FFE];
	[sflag:s23] =	ssyncadd.s32 $0xFFFFFFFF  }
0xa7: {  	s26 =	simm.s32 $execute0_lowered;
	[smem:$0x3FD2] =	sst s25  }
0xa8: {  	s7 =	sshll.u32 s26, $0x1;
	_ =	strace $0x80000046;
	[dreg:$0x1] =	wrdreg $0xFFFFFFFF  }
0xa9: {  	s28 =	simm.s32 $_size_execute0_lowered;
	s5 =	sadd.s32 s5, s7;
	[dreg:$0x0] =	wrdreg $0x0  }
0xaa: {  	s7 =	sshll.u32 s28, $0x1;
	[dreg:$0x2] =	wrdreg s5  }
0xab: {  	[dreg:$0x3] =	wrdreg s7  }
0xac: {  	[dreg:$0x4] =	wrdreg $0xC0  }
0xad: {  	_ =	task [dreg:s9], $0x5FFFF  }
0xae: {  	[dreg:$0x1] =	wrdreg $0xFFFFFFFF  }
0xaf: {  	[dreg:$0x0] =	wrdreg $0x60  }
0xb0: {  	[dreg:$0x2] =	wrdreg s2  }
0xb1: {  	[dreg:$0x3] =	wrdreg s24  }
0xb2: {  	[dreg:$0x4] =	wrdreg s18  }
0xb3: {  	[dreg:$0x5] =	wrdreg s4  }
0xb4: {  	[dreg:$0x6] =	wrdreg $0x9  }
0xb5: {  	_ =	task.clear_ibuf [dreg:s9], $0x7FFFF;
	_ =	strace $0x90000046  }
0xb6: {  	s29 =	simm.s32 $0x9;
	_ =	strace $0x80000048  }
0xb7: {  	_ =	swait.ge [sflag:s29], $0x1  }
0xb8: {  	[sflag:s29] =	ssyncadd.s32 $0xFFFFFFFF  }
0xb9: {  	_ =	strace $0x90000048  }
0xba: {  	_ =	sfence  }
0xbb: {  	s30 =	sld [smem:$0x0];
	_ =	sdelay $0x2  }
0xbc: {  	s31 =	sshll.u32 s1, $0xD;
	s1 =	sshrl.u32 s1, $0x2  }
0xbd: {  	s3 =	sand.u32 $0x4000, s31;
	s1 =	sadd.s32 s1, s30  }
0xbe: {  	s0 =	sor.u32 s3, s0;
	s1 =	sshll.u32 s1, $0x11  }
0xbf: {  	s0 =	sor.u32 s1, s0  }
0xc0: {  	s0 =	sadd.s32 $0x8F2B, s0  }
0xc1: {  	[sflag:s0] =	ssyncadd.remote.s32 $0x1  }
0xc2: {  	_ =	sfence.sel $0xFFFF  }
0xc3: {  	[dreg:$0x0] =	wrdreg $0xFFFFFFFF;
	(pc) =	sbr.abs _section_cstart, $3  }
0xc4: {  	[dreg:$0x1] =	wrdreg $0xFFFFFFFF  }
0xc5: {  	_ =	task.clear_ibuf [dreg:s9], $0x2FFFF;
	_ =	strace $0x9FFFFFFF  }
0xc6: {  	(tm) =	ssettm $0x7FFFFFFF  }
0xc7: {  	_ =	shalt  }
tec
execute0_lowered:
.L_overlay_start_1:
0x0: {  	(tag) =	ssettag $0x1  }
0x1: {  	s6 =	rddreg [dreg:$0x0]  }
0x2: {  	s0 =	rddreg [dreg:$0x1];
	s5 =	simm.s32 $0x0;
	s1 =	srdreg.scid  }
0x3: {  	s2 =	stileid.u32;
	[smem:$0x7FF] =	sst s5  }
0x4: {  	s1 =	sand.u32 $0x1, s1;
	s2 =	sshll.u32 s2, $0x8;
	s4 =	sadd.s32 $0x600, s0  }
0x5: {  	s24 =	sadd.s32 $0x400, s0;
	_ =	strace $0x80000047;
	[dreg:$0x5] =	wrdreg s4  }
0x6: {  	s0 =	sadd.s32 $0x800, s0;
	s3 =	sshll.u32 s1, $0x7;
	[dreg:$0x6] =	wrdreg s24  }
0x7: {  	s1 =	ssub.s32 $0x2, s1;
	[dreg:$0x7] =	wrdreg s0;
	s2 =	sor.u32 s3, s2  }
0x8: {  	v12 =	vlaneseq.u32;
	s25 =	sshrl.u32 s1, $0x1;
	s26 =	sshll.u32 s2, $0x9;
	s2 =	sshrl.u32 s2, $0x3  }
0x9: {  	v13 =	vimm.s32 $0x0;
	v0 =	vadd.s32 $0x1, v12;
	s28 =	ssub.s32 s1, s25;
	s30 =	sor.u32 $0x40, s26;
	[dreg:$0xa] =	wrdreg s2  }
0xa: {  	s15 =	simm.s32 $0x100;
	v1 =	vadd.s32 $0x11, v12;
	v2 =	vadd.s32 $0x21, v12;
	v3 =	vadd.s32 $0x31, v12;
	s0 =	smax.u32 s28, $0x1;
	[dreg:$0x9] =	wrdreg s30  }
0xb: {  	s18 =	simm.s32 $0x280;
	v4 =	vor.u32 $0x40, v12;
	v5 =	vadd.s32 $0x41, v12;
	v6 =	vadd.s32 $0x42, v12;
	s29 =	sadd.s32 s6, s26;
	[dreg:$0xb] =	wrdreg s0  }
0xc: {  	v7 =	vadd.s32 $0x51, v12;
	v8 =	vadd.s32 $0x52, v12;
	v9 =	vadd.s32 $0x61, v12;
	s4 =	simm.s32 $0x200;
	[dreg:$0x8] =	wrdreg s29;
	s31 =	sadd.s32 $0x1000, s29  }
0xd: {  	v10 =	vadd.s32 $0x62, v12;
	v11 =	vadd.s32 $0x71, v12;
	v12 =	vadd.s32 $0x72, v12;
	[tilespmem:$0x1FFF0] =	vst v0;
	s6 =	simm.s32 $0x400;
	s2 =	simm.s32 $0x0;
	[dreg:$0xc] =	wrdreg s31  }
.LBB2_1:
0xe: {  	[dreg:$0xd] =	wrdreg s2  }
0xf: {  	s0 =	rddreg [dreg:$0x5];
	s1 =	simm.s32 $0x5  }
0x10: {  	[tilespmem:s5], [sflag:$0x5] =	stream.linear.gather [hbm4b:s0+s5], $0x100, $0x38;
	[tilespmem:$0x10400] =	vst v63  }
0x11: {  	_ =	swait.ge [sflag:s1], $0x100  }
0x12: {  	[sflag:s1] =	ssyncset.done $0x0  }
0x13: {  	s19 =	rddreg [dreg:$0x6];
	[sflag:s1] =	ssyncadd.s32 $0xFFFFFF00  }
0x14: {  	[tilespmem:s15], [sflag:$0x5] =	stream.linear.gather [hbm4b:s19+s5], $0x100, $0x38;
	[tilespmem:$0x10400] =	vst v63  }
0x15: {  	_ =	swait.ge [sflag:s1], $0x100  }
0x16: {  	[sflag:s1] =	ssyncset.done $0x0  }
0x17: {  	[sflag:s1] =	ssyncadd.s32 $0xFFFFFF00  }
0x18: {  	s20 =	rddreg [dreg:$0x2]  }
0x19: {  	[tilespmem:s4], [sflag:$0x5] =	stream.linear.gather [hbm4b:s20+s5], $0x80, $0x38;
	[tilespmem:$0x10400] =	vst v63  }
0x1a: {  	_ =	swait.ge [sflag:s1], $0x80  }
0x1b: {  	[sflag:s1] =	ssyncset.done $0x0  }
0x1c: {  	s22 =	simm.s32 $0x380;
	s21 =	rddreg [dreg:$0x7];
	[sflag:s1] =	ssyncadd.s32 $0xFFFFFF80  }
0x1d: {  	[tilespmem:s22], [sflag:$0x5] =	stream.linear.gather [hbm4b:s21+s5], $0x80, $0x38;
	[tilespmem:$0x10400] =	vst v63  }
0x1e: {  	_ =	swait.ge [sflag:s1], $0x80  }
0x1f: {  	v0 =	vld [tilespmem:$0x1FFF0];
	_ =	sdelay $0x1  }
0x20: {  	[sflag:s1] =	ssyncset.done $0x0  }
0x21: {  	[sflag:s1] =	ssyncadd.s32 $0xFFFFFF80  }
0x22: {  	v14 =	vld [tilespmem:$0x100]  }
0x23: {  	v16 =	vld [tilespmem:$0x200]  }
0x24: {  	v17 =	vld [tilespmem:$0x110]  }
0x25: {  	v18 =	vld.idx.msk [tilespmem:v1+s15+$0x0], $0xffff  }
0x26: {  	v15 =	vld.idx.msk [tilespmem:v0+s15+$0x0], $0xffff  }
0x27: {  	v19 =	vld [tilespmem:$0x210]  }
0x28: {  	v20 =	vld [tilespmem:$0x120]  }
0x29: {  	v21 =	vld.idx.msk [tilespmem:v2+s15+$0x0], $0xffff  }
0x2a: {  	v22 =	vld [tilespmem:$0x220]  }
0x2b: {  	v23 =	vld.idx.msk [tilespmem:v3+s15+$0x0], $0xffff;
	v14 =	vsub.f32 v14, v15  }
0x2c: {  	v15 =	vld [tilespmem:$0x130]  }
0x2d: {  	v50 =	vsub.f32 v17, v18;
	v14 =	vmul.f32 v16, v14  }
0x2e: {  	v51 =	vld [tilespmem:$0x230]  }
0x2f: {  	v52 =	vsub.f32 v20, v21;
	v16 =	vmul.f32 v19, v50;
	(xrf2) =	vadd.scan.msk.f32 $0xffff, v14;
	_ =	sdelay $0x1  }
0x30: {  	v18 =	vmul.f32 v22, v52;
	(xrf2) =	vadd.scan.msk.f32 $0xffff, v16;
	v15 =	vsub.f32 v15, v23;
	_ =	sdelay $0x1  }
0x31: {  	(xrf2) =	vadd.scan.msk.f32 $0xffff, v18;
	v15 =	vmul.f32 v51, v15;
	_ =	sdelay $0x1  }
0x32: {  	(xrf2) =	vadd.scan.msk.f32 $0xffff, v15;
	_ =	sdelay $0x3  }
0x33: {  	v53, _, _ =	vpop (xrf2)  }
0x34: {  	(v2sf) =	vpush v53, $0xF  }
0x35: {  	v54, _, _ =	vpop (xrf2)  }
0x36: {  	(v2sf) =	vpush v54, $0xF  }
0x37: {  	v55, _, _ =	vpop (xrf2)  }
0x38: {  	(v2sf) =	vpush v55, $0xF  }
0x39: {  	v56, _, _ =	vpop (xrf2)  }
0x3a: {  	(v2sf) =	vpush v56, $0xF;
	_ =	sdelay $0x8  }
0x3b: {  	s23 =	spop (v2sf)  }
0x3c: {  	s0 =	sadd.f32 $0.0e+00, s23  }
0x3d: {  	s24 =	spop (v2sf)  }
0x3e: {  	s1 =	sadd.f32 s24, s0  }
0x3f: {  	s25 =	spop (v2sf)  }
0x40: {  	s2 =	sadd.f32 s25, s1  }
0x41: {  	s3 =	spop (v2sf)  }
0x42: {  	v17 =	vadd.f32 $0.0e+00, v53;
	s3 =	sadd.f32 s3, s2  }
0x43: {  	v57 =	vld [tilespmem:$0x380];
	v19 =	vadd.f32 s0, v54  }
0x44: {  	v21 =	vadd.f32 s2, v56;
	v17 =	vsub.f32 s3, v17  }
0x45: {  	v20 =	vadd.f32 s1, v55;
	v19 =	vsub.f32 s3, v19  }
0x46: {  	v59 =	vsub.f32 s3, v21;
	v14 =	vadd.f32 v17, v14  }
0x47: {  	v58 =	vsub.f32 s3, v20;
	v16 =	vadd.f32 v19, v16  }
0x48: {  	v15 =	vadd.f32 v59, v15;
	v14 =	vadd.f32 v14, v57  }
0x49: {  	v17 =	vadd.f32 v58, v18;
	v16 =	vadd.f32 v16, v57  }
0x4a: {  	v15 =	vadd.f32 v15, v57;
	[tilespmem:$0x280] =	vst v14  }
0x4b: {  	v14 =	vadd.f32 v17, v57;
	[tilespmem:$0x290] =	vst v16  }
0x4c: {  	[tilespmem:$0x2B0] =	vst v15  }
0x4d: {  	[tilespmem:$0x2A0] =	vst v14  }
0x4e: {  	[tilespmem:v4+s18+$0x0] =	vst.idx.msk $0x3, v57  }
0x4f: {  	v14 =	vld.idx.msk [tilespmem:v5+s15+$0x0], $0xffff  }
0x50: {  	v15 =	vld.idx.msk [tilespmem:v6+s15+$0x0], $0xffff;
	_ =	sdelay $0x1  }
0x51: {  	v60 =	vld [tilespmem:$0x240];
	_ =	sdelay $0x2  }
0x52: {  	v14 =	vsub.f32 v14, v15;
	_ =	sdelay $0x1  }
0x53: {  	v14 =	vmul.f32 v60, v14;
	_ =	sdelay $0x1  }
0x54: {  	(xrf2) =	vadd.scan.msk.f32 $0xffff, v14;
	_ =	sdelay $0x9  }
0x55: {  	v14, _, _ =	vpop (xrf2)  }
0x56: {  	v15 =	vadd.f32 $0.0e+00, v14;
	_ =	sdelay $0x1  }
0x57: {  	v15 =	vadd.f32 v15, v57;
	_ =	sdelay $0x1  }
0x58: {  	[tilespmem:v6+s18+$0x0] =	vst.idx.msk $0xffff, v15  }
0x59: {  	v15 =	vld.idx.msk [tilespmem:v7+s15+$0x0], $0xffff  }
0x5a: {  	v61 =	vld.idx.msk [tilespmem:v8+s15+$0x0], $0xffff;
	_ =	sdelay $0x1  }
0x5b: {  	(v2sf) =	vpush v14, $0xF;
	v14 =	vld [tilespmem:$0x250];
	_ =	sdelay $0x2  }
0x5c: {  	v15 =	vsub.f32 v15, v61;
	_ =	sdelay $0x1  }
0x5d: {  	v14 =	vmul.f32 v14, v15;
	_ =	sdelay $0x1  }
0x5e: {  	(xrf2) =	vadd.scan.msk.f32 $0xffff, v14;
	_ =	sdelay $0x7  }
0x5f: {  	s26 =	spop (v2sf)  }
0x60: {  	s0 =	sadd.f32 $0.0e+00, s26  }
0x61: {  	v14, _, _ =	vpop (xrf2)  }
0x62: {  	v15 =	vadd.f32 s0, v14;
	_ =	sdelay $0x1  }
0x63: {  	v15 =	vadd.f32 v15, v57;
	_ =	sdelay $0x1  }
0x64: {  	[tilespmem:v8+s18+$0x0] =	vst.idx.msk $0xffff, v15  }
0x65: {  	v15 =	vld.idx.msk [tilespmem:v9+s15+$0x0], $0xffff  }
0x66: {  	v62 =	vld.idx.msk [tilespmem:v10+s15+$0x0], $0xffff;
	_ =	sdelay $0x1  }
0x67: {  	(v2sf) =	vpush v14, $0xF;
	v14 =	vld [tilespmem:$0x260];
	_ =	sdelay $0x2  }
0x68: {  	v15 =	vsub.f32 v15, v62;
	_ =	sdelay $0x1  }
0x69: {  	v14 =	vmul.f32 v14, v15;
	_ =	sdelay $0x1  }
0x6a: {  	(xrf2) =	vadd.scan.msk.f32 $0xffff, v14;
	_ =	sdelay $0x7  }
0x6b: {  	s28 =	spop (v2sf)  }
0x6c: {  	s0 =	sadd.f32 s28, s0  }
0x6d: {  	v14, _, _ =	vpop (xrf2)  }
0x6e: {  	v15 =	vadd.f32 s0, v14;
	_ =	sdelay $0x1  }
0x6f: {  	v15 =	vadd.f32 v15, v57;
	_ =	sdelay $0x1  }
0x70: {  	[tilespmem:v10+s18+$0x0] =	vst.idx.msk $0xffff, v15  }
0x71: {  	v15 =	vld.idx.msk [tilespmem:v11+s15+$0x0], $0xffff  }
0x72: {  	v63 =	vld.idx.msk [tilespmem:v12+s15+$0x0], $0xffff;
	_ =	sdelay $0x1  }
0x73: {  	(v2sf) =	vpush v14, $0xF;
	v14 =	vld [tilespmem:$0x270];
	_ =	sdelay $0x2  }
0x74: {  	v15 =	vsub.f32 v15, v63;
	_ =	sdelay $0x1  }
0x75: {  	v14 =	vmul.f32 v14, v15;
	_ =	sdelay $0x1  }
0x76: {  	(xrf2) =	vadd.scan.msk.f32 $0xffff, v14;
	_ =	sdelay $0x7  }
0x77: {  	s30 =	spop (v2sf)  }
0x78: {  	s0 =	sadd.f32 s30, s0  }
0x79: {  	v14, _, _ =	vpop (xrf2)  }
0x7a: {  	v14 =	vadd.f32 s0, v14;
	_ =	sdelay $0x1  }
0x7b: {  	v14 =	vadd.f32 v14, v57;
	_ =	sdelay $0x1  }
0x7c: {  	s29 =	simm.s32 $0x0;
	s31 =	rddreg [dreg:$0x8];
	[tilespmem:v12+s18+$0x0] =	vst.idx.msk $0xffff, v14  }
0x7d: {  	[tilespmem:s6], [sflag:$0x1] =	stream.strided.gather [hbm4b:s31+s4], $0x4000, s6, s4, $0x38;
	[tilespmem:$0x10400] =	vst v63  }
.LBB2_2:
0x7e: {  	s31 =	sshll.u32 s29, $0xC;
	s0 =	rddreg [dreg:$0x9]  }
0x7f: {  	s2 =	rddreg [dreg:$0x0];
	s3 =	simm.s32 $0x4400;
	s1 =	sadd.s32 s0, s31  }
0x80: {  	s7 =	simm.s32 $0x1;
	[dreg:$0xe] =	wrdreg s1;
	s0 =	sadd.s32 s2, s1  }
0x81: {  	[tilespmem:s3], [sflag:$0x2] =	stream.strided.gather [hbm4b:s0+s4], $0x4000, s6, s4, $0x38;
	[tilespmem:$0x10400] =	vst v63  }
0x82: {  	_ =	swait.ge [sflag:s7], $0x4000  }
0x83: {  	p0 =	seq.s32 s29, $0x0;
	[sflag:s7] =	ssyncset.done $0x0  }
0x84: {  	s0 =	simm.s32 @!p0 $0x3;
	[sflag:s7] =	ssyncadd.s32 $0xFFFFC000  }
0x85: {  	s8 =	simm.s32 $0x140;
	s2 =	simm.s32 $0x50;
	_ =	swait.ge @!p0 [sflag:s0], $0x4000  }
0x86: {  	s1 =	sand.u32 $0x7E00, s8;
	s2 =	sand.u32 $0x70, s2;
	[sflag:s0] =	ssyncset.done @!p0 $0x0  }
0x87: {  	s1 =	sor.u32 s2, s1;
	[sflag:s0] =	ssyncadd.s32 @!p0 $0xFFFFC000  }
0x88: {  	v16 =	vld [tilespmem:s1+$0x400]  }
0x89: {  	s9 =	simm.s32 $0x0  }
0x8a: {  	s10 =	simm.s32 $0x0;
	s11 =	simm.s32 $0x80;
	s12 =	simm.s32 $0x30  }
0x8b: {  	s13 =	simm.s32 $0x40;
	s16 =	simm.s32 $0x100;
	s3 =	simm.s32 $0x20  }
0x8c: {  	s4 =	sand.u32 $0x7E00, s11;
	s6 =	sand.u32 $0x60, s13;
	s3 =	sand.u32 $0x60, s3  }
0x8d: {  	s2 =	sand.u32 $0x3E00, s10;
	s14 =	sor.u32 s3, s4;
	s3 =	sand.u32 $0x7E00, s16;
	v14 =	vand.u32 $0x7FFFFFFF, v16  }
0x8e: {  	s7 =	simm.s32 $0xC0;
	s4 =	sor.u32 s6, s3;
	s0 =	sand.u32 $0x60, s9;
	v27 =	vld [tilespmem:s14+$0x400];
	v14 =	vmul.f32 $9.846153850e-01, v14  }
0x8f: {  	s17 =	sand.u32 $0x7E00, s7;
	s0 =	sor.u32 s0, s2;
	s2 =	sand.u32 $0x70, s12;
	v32 =	vld [tilespmem:s4+$0x400]  }
0x90: {  	v26 =	vld [tilespmem:s0+$0x400];
	s28 =	sor.u32 s2, s17;
	v14 =	vadd.f32 $-1.538461540e-02, v14  }
0x91: {  	v28 =	vld [tilespmem:s28+$0x400]  }
0x92: {  	v25 =	vld [tilespmem:s0+$0x410];
	v15 =	vtrunc.f32 v14  }
0x93: {  	v18 =	vand.u32 $0x7FFFFFFF, v27;
	vm0 =	vlt.f32 v14, v15  }
0x94: {  	v18 =	vmul.f32 $9.846153850e-01, v18;
	v14 =	vcvt.f32.s32 v15;
	vm0 =	vmneg vm0  }
0x95: {  	v21 =	vand.u32 $0x7FFFFFFF, v32;
	vm1 =	vgt.f32 v26, $0.0e+00;
	v17 =	vsel vm0, $0x1, v13  }
0x96: {  	v20 =	vand.u32 $0x7FFFFFFF, v28;
	v18 =	vadd.f32 $-1.538461540e-02, v18;
	v14 =	vadd.s32 v14, v17  }
0x97: {  	v15 =	vand.u32 $0x7FFFFFFF, v26;
	v17 =	vand.u32 $0x7FFFFFFF, v25;
	vm0 =	vlt.s32 v14, $0x40  }
0x98: {  	v15 =	vmul.f32 $9.846153850e-01, v15;
	v17 =	vmul.f32 $9.846153850e-01, v17;
	v14 =	vnsel vm0, $0x40, v14  }
0x99: {  	vm0 =	vgt.f32 v16, $0.0e+00;
	v19 =	vadd.s32 $0x41, v14;
	v14 =	vsub.s32 $0x40, v14  }
0x9a: {  	v23 =	vtrunc.f32 v18;
	v15 =	vadd.f32 $-1.538461540e-02, v15;
	v14 =	vsel vm0, v19, v14  }
0x9b: {  	vm4 =	vlt.f32 v18, v23;
	v17 =	vadd.f32 $-1.538461540e-02, v17;
	v19 =	vmul.f32 $9.846153850e-01, v20  }
0x9c: {  	vm4 =	vmneg vm4;
	v20 =	vmul.f32 $9.846153850e-01, v21;
	v21 =	vtrunc.f32 v15  }
0x9d: {  	vm0 =	vgt.f32 v25, $0.0e+00;
	v22 =	vtrunc.f32 v17;
	vm2 =	vlt.f32 v15, v21  }
0x9e: {  	v19 =	vadd.f32 $-1.538461540e-02, v19;
	v20 =	vadd.f32 $-1.538461540e-02, v20;
	vm3 =	vlt.f32 v17, v22  }
0x9f: {  	vm2 =	vmneg vm2;
	v17 =	vcvt.f32.s32 v21;
	v18 =	vcvt.f32.s32 v22;
	v15 =	vld.idx.msk [tilespmem:v14+s5+$0x0], $0xffff  }
0xa0: {  	v22 =	vsel vm4, $0x1, v13;
	v24 =	vtrunc.f32 v19;
	v29 =	vtrunc.f32 v20  }
0xa1: {  	vm3 =	vmneg vm3;
	vm5 =	vlt.f32 v19, v24;
	vm6 =	vlt.f32 v20, v29  }
0xa2: {  	v19 =	vsel vm2, $0x1, v13;
	v20 =	vcvt.f32.s32 v23;
	v21 =	vcvt.f32.s32 v24  }
0xa3: {  	v24 =	vcvt.f32.s32 v29;
	vm5 =	vmneg vm5;
	vm6 =	vmneg vm6  }
0xa4: {  	v17 =	vadd.s32 v17, v19;
	vm2 =	vge.f32 v15, v16;
	v15 =	vsel vm3, $0x1, v13  }
0xa5: {  	v19 =	vsel vm5, $0x1, v13;
	v23 =	vsel vm2, $0xFFFFFFFF, v13;
	v15 =	vadd.s32 v18, v15  }
0xa6: {  	v18 =	vadd.s32 v20, v22;
	v20 =	vadd.s32 v21, v19;
	vm2 =	vlt.s32 v17, $0x40  }
0xa7: {  	s19 =	simm.s32 $0xB0;
	s20 =	simm.s32 $0x2C0;
	v14 =	vadd.s32 v23, v14;
	v23 =	vsel vm6, $0x1, v13;
	vm3 =	vlt.s32 v15, $0x40  }
0xa8: {  	s3 =	sand.u32 $0x7E00, s20;
	s2 =	sand.u32 $0x70, s19;
	v17 =	vnsel vm2, $0x40, v17;
	vm2 =	vlt.s32 v18, $0x40;
	vm15 =	vlt.s32 v20, $0x40  }
0xa9: {  	s10 =	sor.u32 s2, s3;
	v22 =	vadd.s32 v24, v23;
	v19 =	vadd.s32 $0x41, v17;
	v17 =	vsub.s32 $0x40, v17  }
0xaa: {  	s21 =	simm.s32 $0x60;
	s22 =	simm.s32 $0x180;
	v21 =	vld [tilespmem:s10+$0x400];
	v15 =	vnsel vm3, $0x40, v15;
	v18 =	vnsel vm2, $0x40, v18;
	v20 =	vnsel vm15, $0x40, v20  }
0xab: {  	s23 =	sand.u32 $0x60, s21;
	s24 =	sand.u32 $0x3E00, s22;
	vm2 =	vgt.f32 v28, $0.0e+00;
	vm8 =	vlt.s32 v22, $0x40;
	v19 =	vsel vm1, v19, v17  }
0xac: {  	s2 =	sor.u32 s23, s24;
	v23 =	vadd.s32 $0x41, v15;
	v24 =	vsub.s32 $0x40, v15;
	v29 =	vadd.s32 $0x41, v18  }
0xad: {  	s26 =	simm.s32 $0x90;
	s30 =	simm.s32 $0xA0;
	v18 =	vsub.s32 $0x40, v18;
	v30 =	vadd.s32 $0x41, v20;
	v15 =	vld [tilespmem:s2+$0x400];
	v22 =	vnsel vm8, $0x40, v22  }
0xae: {  	s11 =	simm.s32 $0x280;
	s7 =	sand.u32 $0x70, s26;
	s9 =	simm.s32 $0x240;
	v20 =	vsub.s32 $0x40, v20;
	vm1 =	vgt.f32 v27, $0.0e+00;
	v34 =	vadd.s32 $0x41, v22;
	v17 =	vld.idx.msk [tilespmem:v14+s15+$0x0], $0xffff  }
0xaf: {  	s9 =	sand.u32 $0x7E00, s9;
	s12 =	sand.u32 $0x7E00, s11;
	s3 =	sand.u32 $0x60, s30;
	v35 =	vsub.s32 $0x40, v22;
	v22 =	vsel vm0, v23, v24;
	v24 =	vand.u32 $0x7FFFFFFF, v21;
	v33 =	vld.idx.msk [tilespmem:v14+s18+$0x0], $0xffff  }
0xb0: {  	s17 =	sor.u32 s7, s9;
	s7 =	sor.u32 s3, s12;
	v31 =	vsel vm1, v29, v18;
	v29 =	vsel vm2, v30, v20;
	v14 =	vld [tilespmem:s2+$0x410];
	v20 =	vmul.f32 $9.846153850e-01, v24  }
0xb1: {  	v18 =	vld [tilespmem:s7+$0x400]  }
0xb2: {  	s25 =	simm.s32 $0x80;
	s8 =	simm.s32 $0x200;
	v20 =	vadd.f32 $-1.538461540e-02, v20  }
0xb3: {  	s8 =	sand.u32 $0x7E00, s8;
	s6 =	sand.u32 $0x60, s25;
	vm3 =	vgt.f32 v32, $0.0e+00  }
0xb4: {  	s6 =	sor.u32 s6, s8;
	v30 =	vsel vm3, v34, v35;
	v37 =	vld.idx.msk [tilespmem:v19+s5+$0x0], $0xffff;
	vm2 =	vgt.f32 v15, $0.0e+00;
	v50 =	vtrunc.f32 v20  }
0xb5: {  	v23 =	vmul.f32 v17, v16;
	v16 =	vld [tilespmem:s6+$0x400];
	v24 =	vand.u32 $0x7FFFFFFF, v14;
	vm1 =	vgt.f32 v14, $0.0e+00  }
0xb6: {  	v17 =	vld [tilespmem:s17+$0x400];
	vm3 =	vlt.f32 v20, v50;
	v20 =	vand.u32 $0x7FFFFFFF, v18;
	v34 =	vcvt.f32.s32 v50  }
0xb7: {  	v24 =	vmul.f32 $9.846153850e-01, v24;
	vm3 =	vmneg vm3;
	v20 =	vmul.f32 $9.846153850e-01, v20  }
0xb8: {  	v36 =	vadd.f32 v33, v23;
	v23 =	vand.u32 $0x7FFFFFFF, v15;
	v52 =	vsel vm3, $0x1, v13  }
0xb9: {  	vm0 =	vge.f32 v37, v26;
	v23 =	vmul.f32 $9.846153850e-01, v23;
	v34 =	vadd.s32 v34, v52  }
0xba: {  	v24 =	vadd.f32 $-1.538461540e-02, v24;
	v20 =	vadd.f32 $-1.538461540e-02, v20;
	vm3 =	vlt.s32 v34, $0x40  }
0xbb: {  	v49 =	vand.u32 $0x7FFFFFFF, v16;
	v51 =	vand.u32 $0x7FFFFFFF, v17;
	v23 =	vadd.f32 $-1.538461540e-02, v23  }
0xbc: {  	v34 =	vnsel vm3, $0x40, v34;
	v39 =	vtrunc.f32 v24;
	v41 =	vtrunc.f32 v20  }
0xbd: {  	vm3 =	vgt.f32 v21, $0.0e+00;
	v33 =	vmul.f32 $9.846153850e-01, v49;
	v35 =	vmul.f32 $9.846153850e-01, v51  }
0xbe: {  	v38 =	vadd.s32 $0x41, v34;
	v34 =	vsub.s32 $0x40, v34;
	vm9 =	vlt.f32 v24, v39  }
0xbf: {  	vm7 =	vlt.f32 v20, v41;
	v60 =	vcvt.f32.s32 v41;
	v53 =	vtrunc.f32 v23  }
0xc0: {  	v34 =	vsel vm3, v38, v34;
	vm4 =	vmneg vm9;
	vm7 =	vmneg vm7  }
0xc1: {  	v33 =	vadd.f32 $-1.538461540e-02, v33;
	v35 =	vadd.f32 $-1.538461540e-02, v35;
	vm3 =	vlt.f32 v23, v53  }
0xc2: {  	v20 =	vcvt.f32.s32 v53;
	v23 =	vcvt.f32.s32 v39;
	v61 =	vsel vm7, $0x1, v13  }
0xc3: {  	v58 =	vsel vm4, $0x1, v13;
	vm3 =	vmneg vm3;
	v62 =	vadd.s32 v60, v61  }
0xc4: {  	v40 =	vtrunc.f32 v33;
	v54 =	vtrunc.f32 v35;
	v24 =	vsel vm3, $0x1, v13  }
0xc5: {  	v23 =	vadd.s32 v23, v58;
	vm10 =	vlt.f32 v33, v40;
	vm11 =	vlt.f32 v35, v54  }
0xc6: {  	v63 =	vld.idx.msk [tilespmem:v22+s5+$0x0], $0xffff;
	v56 =	vcvt.f32.s32 v40;
	v57 =	vcvt.f32.s32 v54;
	v20 =	vadd.s32 v20, v24  }
0xc7: {  	vm12 =	vlt.s32 v23, $0x40;
	vm5 =	vmneg vm10;
	vm6 =	vmneg vm11  }
0xc8: {  	vm3 =	vlt.s32 v20, $0x40;
	v23 =	vnsel vm12, $0x40, v23;
	v59 =	vsel vm5, $0x1, v13  }
0xc9: {  	v55 =	vld.idx.msk [tilespmem:v34+s5+$0x0], $0xffff;
	v24 =	vsel vm6, $0x1, v13;
	v20 =	vnsel vm3, $0x40, v20;
	v49 =	vadd.s32 $0x41, v23  }
0xca: {  	v23 =	vsub.s32 $0x40, v23;
	vm3 =	vgt.f32 v17, $0.0e+00;
	v35 =	vadd.s32 v56, v59  }
0xcb: {  	v24 =	vadd.s32 v57, v24;
	v41 =	vsel vm1, v49, v23;
	vm1 =	vge.f32 v63, v25  }
0xcc: {  	s13 =	simm.s32 $0x110;
	s16 =	simm.s32 $0x440;
	v44 =	vld.idx.msk [tilespmem:v29+s5+$0x0], $0xffff;
	v23 =	vsel vm0, $0xFFFFFFFF, v13;
	vm14 =	vlt.s32 v35, $0x40;
	vm15 =	vlt.s32 v24, $0x40  }
0xcd: {  	s22 =	simm.s32 $0xE0;
	s8 =	sand.u32 $0x7E00, s16;
	s3 =	sand.u32 $0x70, s13;
	v52 =	vsel vm1, $0xFFFFFFFF, v13;
	v35 =	vnsel vm14, $0x40, v35;
	v48 =	vnsel vm15, $0x40, v24  }
0xce: {  	s25 =	simm.s32 $0xF0;
	s12 =	simm.s32 $0x380;
	s21 =	sor.u32 s3, s8;
	v42 =	vld.idx.msk [tilespmem:v31+s5+$0x0], $0xffff;
	v24 =	vadd.s32 $0x41, v20;
	v20 =	vsub.s32 $0x40, v20;
	vm13 =	vge.f32 v55, v21  }
0xcf: {  	s26 =	simm.s32 $0x3C0;
	s3 =	sand.u32 $0x60, s22;
	s12 =	sand.u32 $0x7E00, s12;
	v40 =	vld [tilespmem:s21+$0x400];
	v24 =	vsel vm2, v24, v20;
	v50 =	vadd.s32 $0x41, v35;
	v35 =	vsub.s32 $0x40, v35  }
0xd0: {  	s11 =	sand.u32 $0x70, s25;
	s9 =	sand.u32 $0x7E00, s26;
	s12 =	sor.u32 s3, s12;
	v20 =	vld.idx.msk [tilespmem:v30+s5+$0x0], $0xffff;
	v45 =	vadd.s32 $0x41, v48;
	v38 =	vsub.s32 $0x40, v48;
	vm2 =	vgt.f32 v16, $0.0e+00  }
0xd1: {  	s9 =	sor.u32 s11, s9;
	v39 =	vsel vm3, v45, v38;
	vm3 =	vge.f32 v44, v28;
	v44 =	vadd.s32 v23, v19;
	v23 =	vld [tilespmem:s12+$0x400]  }
0xd2: {  	s20 =	simm.s32 $0x300;
	s19 =	simm.s32 $0xC0;
	v33 =	vsel vm13, $0xFFFFFFFF, v13;
	v43 =	vsel vm2, v50, v35;
	v35 =	vadd.s32 v52, v22;
	v22 =	vld [tilespmem:s9+$0x400]  }
0xd3: {  	s23 =	sand.u32 $0x60, s19;
	s24 =	sand.u32 $0x3E00, s20;
	vm8 =	vlt.s32 v62, $0x40;
	v33 =	vadd.s32 v33, v34  }
0xd4: {  	s8 =	sor.u32 s23, s24;
	vm9 =	vgt.f32 v18, $0.0e+00;
	v37 =	vnsel vm8, $0x40, v62  }
0xd5: {  	v46 =	vadd.s32 $0x41, v37;
	v37 =	vsub.s32 $0x40, v37;
	vm10 =	vge.f32 v20, v32;
	v20 =	vld [tilespmem:s8+$0x400]  }
0xd6: {  	v56 =	vand.u32 $0x7FFFFFFF, v40;
	v38 =	vsel vm9, v46, v37;
	vm2 =	vge.f32 v42, v27;
	v19 =	vld [tilespmem:s8+$0x410]  }
0xd7: {  	v53 =	vsel vm2, $0xFFFFFFFF, v13;
	v58 =	vand.u32 $0x7FFFFFFF, v23;
	v59 =	vand.u32 $0x7FFFFFFF, v22  }
0xd8: {  	v55 =	vsel vm10, $0xFFFFFFFF, v13;
	v47 =	vld.idx.msk [tilespmem:v33+s15+$0x0], $0xffff;
	v34 =	vmul.f32 $9.846153850e-01, v58;
	v45 =	vmul.f32 $9.846153850e-01, v59  }
0xd9: {  	v54 =	vsel vm3, $0xFFFFFFFF, v13;
	v31 =	vadd.s32 v53, v31;
	v51 =	vld.idx.msk [tilespmem:v24+s5+$0x0], $0xffff;
	v37 =	vadd.s32 v55, v30  }
0xda: {  	v34 =	vadd.f32 $-1.538461540e-02, v34;
	v45 =	vadd.f32 $-1.538461540e-02, v45;
	v30 =	vand.u32 $0x7FFFFFFF, v20  }
0xdb: {  	v57 =	vand.u32 $0x7FFFFFFF, v19;
	vm2 =	vgt.f32 v19, $0.0e+00;
	v30 =	vmul.f32 $9.846153850e-01, v30  }
0xdc: {  	v33 =	vld.idx.msk [tilespmem:v33+s18+$0x0], $0xffff;
	vm1 =	vgt.f32 v20, $0.0e+00;
	v50 =	vtrunc.f32 v34;
	v52 =	vtrunc.f32 v45  }
0xdd: {  	v21 =	vmul.f32 v47, v21;
	v47 =	vadd.s32 v54, v29;
	v29 =	vmul.f32 $9.846153850e-01, v56  }
0xde: {  	s30 =	simm.s32 $0x100;
	s13 =	simm.s32 $0x400;
	vm0 =	vge.f32 v51, v15;
	vm12 =	vlt.f32 v34, v50;
	vm13 =	vlt.f32 v45, v52  }
0xdf: {  	s13 =	sand.u32 $0x7E00, s13;
	s3 =	sand.u32 $0x60, s30;
	v63 =	vcvt.f32.s32 v50;
	v30 =	vadd.f32 $-1.538461540e-02, v30;
	v29 =	vadd.f32 $-1.538461540e-02, v29  }
0xe0: {  	s26 =	sor.u32 s3, s13;
	vm5 =	vmneg vm12;
	vm6 =	vmneg vm13;
	vm12 =	vgt.f32 v22, $0.0e+00  }
0xe1: {  	v42 =	vadd.f32 v33, v21;
	v21 =	vld [tilespmem:s26+$0x400];
	v33 =	vmul.f32 $9.846153850e-01, v57;
	v60 =	vtrunc.f32 v29  }
0xe2: {  	v57 =	vcvt.f32.s32 v52;
	v59 =	vsel vm5, $0x1, v13;
	vm3 =	vlt.f32 v29, v60  }
0xe3: {  	v34 =	vadd.s32 v63, v59;
	v46 =	vcvt.f32.s32 v60;
	vm3 =	vmneg vm3  }
0xe4: {  	v33 =	vadd.f32 $-1.538461540e-02, v33;
	vm9 =	vlt.s32 v34, $0x40;
	v48 =	vsel vm3, $0x1, v13  }
0xe5: {  	v61 =	vtrunc.f32 v30;
	v34 =	vnsel vm9, $0x40, v34;
	v46 =	vadd.s32 v46, v48  }
0xe6: {  	v49 =	vtrunc.f32 v33;
	v29 =	vand.u32 $0x7FFFFFFF, v21;
	vm3 =	vlt.s32 v46, $0x40  }
0xe7: {  	v59 =	vadd.s32 $0x41, v34;
	v29 =	vmul.f32 $9.846153850e-01, v29;
	v46 =	vnsel vm3, $0x40, v46  }
0xe8: {  	vm3 =	vgt.f32 v40, $0.0e+00;
	v51 =	vadd.s32 $0x41, v46;
	v46 =	vsub.s32 $0x40, v46  }
0xe9: {  	vm11 =	vlt.f32 v33, v49;
	v29 =	vadd.f32 $-1.538461540e-02, v29;
	v46 =	vsel vm3, v51, v46  }
0xea: {  	v45 =	vld.idx.msk [tilespmem:v41+s5+$0x0], $0xffff;
	v34 =	vsub.s32 $0x40, v34;
	vm13 =	vgt.f32 v21, $0.0e+00;
	vm4 =	vmneg vm11  }
0xeb: {  	v52 =	vld.idx.msk [tilespmem:v44+s15+$0x0], $0xffff;
	v58 =	vsel vm4, $0x1, v13;
	v53 =	vtrunc.f32 v29;
	vm3 =	vlt.f32 v30, v61  }
0xec: {  	v48 =	vld.idx.msk [tilespmem:v38+s5+$0x0], $0xffff;
	v30 =	vcvt.f32.s32 v49;
	vm3 =	vmneg vm3;
	vm14 =	vlt.f32 v29, v53  }
0xed: {  	v49 =	vld.idx.msk [tilespmem:v39+s5+$0x0], $0xffff;
	v29 =	vcvt.f32.s32 v61;
	v60 =	vcvt.f32.s32 v53;
	v61 =	vsel vm6, $0x1, v13  }
0xee: {  	vm7 =	vmneg vm14;
	v62 =	vsel vm3, $0x1, v13;
	v30 =	vadd.s32 v30, v58;
	v51 =	vld.idx.msk [tilespmem:v46+s5+$0x0], $0xffff  }
0xef: {  	v53 =	vld.idx.msk [tilespmem:v43+s5+$0x0], $0xffff;
	v33 =	vadd.s32 v57, v61;
	v29 =	vadd.s32 v29, v62;
	v54 =	vsel vm7, $0x1, v13  }
0xf0: {  	v57 =	vld.idx.msk [tilespmem:v47+s15+$0x0], $0xffff;
	vm15 =	vlt.s32 v30, $0x40;
	vm10 =	vlt.s32 v33, $0x40;
	vm3 =	vlt.s32 v29, $0x40  }
0xf1: {  	v58 =	vld.idx.msk [tilespmem:v37+s15+$0x0], $0xffff;
	v62 =	vadd.s32 v60, v54;
	v30 =	vnsel vm15, $0x40, v30;
	v29 =	vnsel vm3, $0x40, v29  }
0xf2: {  	v47 =	vld.idx.msk [tilespmem:v47+s18+$0x0], $0xffff;
	v33 =	vnsel vm10, $0x40, v33;
	v56 =	vadd.s32 $0x41, v29;
	v29 =	vsub.s32 $0x40, v29  }
0xf3: {  	s16 =	simm.s32 $0x170;
	s24 =	simm.s32 $0x5C0;
	v54 =	vld.idx.msk [tilespmem:v35+s15+$0x0], $0xffff;
	vm11 =	vlt.s32 v62, $0x40;
	v29 =	vsel vm1, v56, v29;
	vm3 =	vge.f32 v51, v40  }
0xf4: {  	s20 =	sand.u32 $0x7E00, s24;
	s3 =	sand.u32 $0x70, s16;
	v60 =	vadd.s32 $0x41, v33;
	v50 =	vnsel vm11, $0x40, v62;
	v51 =	vld.idx.msk [tilespmem:v31+s15+$0x0], $0xffff;
	v55 =	vsel vm3, $0xFFFFFFFF, v13  }
0xf5: {  	s3 =	sor.u32 s3, s20;
	v33 =	vsub.s32 $0x40, v33;
	v62 =	vld.idx.msk [tilespmem:v35+s18+$0x0], $0xffff;
	v61 =	vadd.s32 $0x41, v50;
	v46 =	vadd.s32 v55, v46  }
0xf6: {  	s19 =	simm.s32 $0x140;
	s16 =	simm.s32 $0x500;
	v35 =	vld [tilespmem:s3+$0x400];
	v63 =	vsub.s32 $0x40, v50;
	v55 =	vadd.s32 $0x41, v30;
	v30 =	vsub.s32 $0x40, v30  }
0xf7: {  	s19 =	sand.u32 $0x60, s19;
	s16 =	sand.u32 $0x7E00, s16;
	v50 =	vld.idx.msk [tilespmem:v31+s18+$0x0], $0xffff;
	vm3 =	vgt.f32 v23, $0.0e+00;
	v30 =	vsel vm2, v55, v30;
	vm2 =	vge.f32 v53, v16  }
0xf8: {  	s11 =	simm.s32 $0x120;
	s23 =	simm.s32 $0x480;
	s20 =	sor.u32 s19, s16;
	v31 =	vsel vm3, v59, v34;
	v34 =	vsel vm12, v60, v33;
	v56 =	vld.idx.msk [tilespmem:v29+s5+$0x0], $0xffff;
	v60 =	vsel vm2, $0xFFFFFFFF, v13  }
0xf9: {  	s25 =	simm.s32 $0x160;
	s30 =	sand.u32 $0x60, s11;
	s23 =	sand.u32 $0x3E00, s23;
	vm3 =	vge.f32 v49, v17;
	v49 =	vadd.s32 v60, v43;
	v60 =	vmul.f32 v51, v27;
	v27 =	vld [tilespmem:s20+$0x400]  }
0xfa: {  	s22 =	simm.s32 $0x150;
	s13 =	sor.u32 s30, s23;
	s30 =	simm.s32 $0x540;
	vm14 =	vge.f32 v48, v18;
	v33 =	vsel vm13, v61, v63;
	v61 =	vsel vm0, $0xFFFFFFFF, v13;
	v55 =	vld.idx.msk [tilespmem:v46+s15+$0x0], $0xffff  }
0xfb: {  	s22 =	sand.u32 $0x70, s22;
	s23 =	sand.u32 $0x7E00, s30;
	s16 =	simm.s32 $0x580;
	vm1 =	vge.f32 v45, v14;
	v45 =	vld.idx.msk [tilespmem:v46+s18+$0x0], $0xffff;
	v46 =	vadd.s32 v61, v24;
	v24 =	vsel vm3, $0xFFFFFFFF, v13  }
0xfc: {  	s30 =	sand.u32 $0x60, s25;
	s22 =	sor.u32 s22, s23;
	s16 =	sand.u32 $0x7E00, s16;
	v61 =	vsel vm14, $0xFFFFFFFF, v13;
	v59 =	vadd.s32 v24, v39;
	v24 =	vld [tilespmem:s13+$0x400]  }
0xfd: {  	s25 =	sor.u32 s30, s16;
	v63 =	vsel vm1, $0xFFFFFFFF, v13;
	v53 =	vadd.s32 v61, v38;
	v38 =	vmul.f32 v54, v25;
	v25 =	vld [tilespmem:s22+$0x400]  }
0xfe: {  	v32 =	vmul.f32 v58, v32;
	v48 =	vadd.s32 v63, v41;
	v61 =	vmul.f32 v57, v28;
	v28 =	vld [tilespmem:s25+$0x400]  }
0xff: {  	vm0 =	vge.f32 v56, v20;
	v57 =	vadd.f32 v50, v60;
	v63 =	vmul.f32 v55, v40  }
0x100: {  	v44 =	vld.idx.msk [tilespmem:v44+s18+$0x0], $0xffff;
	v54 =	vadd.f32 v62, v38;
	v60 =	vadd.f32 v47, v61;
	v40 =	vmul.f32 v52, v26  }
0x101: {  	v55 =	vand.u32 $0x7FFFFFFF, v27;
	v51 =	vadd.f32 v45, v63;
	v63 =	vand.u32 $0x7FFFFFFF, v35  }
0x102: {  	v26 =	vld [tilespmem:s13+$0x410];
	v47 =	vand.u32 $0x7FFFFFFF, v24;
	vm1 =	vgt.f32 v24, $0.0e+00;
	v45 =	vmul.f32 $9.846153850e-01, v63  }
0x103: {  	v41 =	vmul.f32 $9.846153850e-01, v55;
	v56 =	vand.u32 $0x7FFFFFFF, v25;
	v61 =	vand.u32 $0x7FFFFFFF, v28  }
0x104: {  	v39 =	vmul.f32 $9.846153850e-01, v47;
	v43 =	vmul.f32 $9.846153850e-01, v56;
	v38 =	vadd.f32 $-1.538461540e-02, v45  }
0x105: {  	v52 =	vadd.f32 v44, v40;
	v62 =	vmul.f32 $9.846153850e-01, v61;
	v41 =	vadd.f32 $-1.538461540e-02, v41  }
0x106: {  	v39 =	vadd.f32 $-1.538461540e-02, v39;
	v47 =	vadd.f32 $-1.538461540e-02, v43;
	v58 =	vtrunc.f32 v38  }
0x107: {  	v50 =	vand.u32 $0x7FFFFFFF, v26;
	vm2 =	vgt.f32 v26, $0.0e+00;
	vm3 =	vlt.f32 v38, v58  }
0x108: {  	v40 =	vmul.f32 $9.846153850e-01, v50;
	v44 =	vcvt.f32.s32 v58;
	vm3 =	vmneg vm3  }
0x109: {  	v55 =	vtrunc.f32 v39;
	v61 =	vtrunc.f32 v47;
	v63 =	vsel vm3, $0x1, v13  }
0x10a: {  	vm10 =	vlt.f32 v47, v61;
	v40 =	vadd.f32 $-1.538461540e-02, v40;
	v45 =	vadd.s32 v44, v63  }
0x10b: {  	v38 =	vadd.f32 $-1.538461540e-02, v62;
	v58 =	vtrunc.f32 v41;
	vm3 =	vlt.s32 v45, $0x40  }
0x10c: {  	vm6 =	vmneg vm10;
	v56 =	vtrunc.f32 v40;
	v43 =	vnsel vm3, $0x40, v45  }
0x10d: {  	[tilespmem:s10+$0x8400] =	vst v42;
	v37 =	vld.idx.msk [tilespmem:v37+s18+$0x0], $0xffff;
	vm3 =	vgt.f32 v35, $0.0e+00;
	v50 =	vadd.s32 $0x41, v43;
	v43 =	vsub.s32 $0x40, v43  }
0x10e: {  	v42 =	vld.idx.msk [tilespmem:v53+s15+$0x0], $0xffff;
	vm9 =	vlt.f32 v41, v58;
	vm15 =	vlt.f32 v40, v56;
	v63 =	vsel vm3, v50, v43  }
0x10f: {  	v47 =	vcvt.f32.s32 v58;
	v44 =	vld.idx.msk [tilespmem:v31+s5+$0x0], $0xffff;
	v40 =	vcvt.f32.s32 v56;
	vm4 =	vmneg vm15  }
0x110: {  	v62 =	vtrunc.f32 v38;
	vm5 =	vmneg vm9;
	v45 =	vld.idx.msk [tilespmem:v34+s5+$0x0], $0xffff;
	v58 =	vsel vm4, $0x1, v13  }
0x111: {  	vm11 =	vlt.f32 v38, v62;
	v38 =	vcvt.f32.s32 v55;
	v58 =	vadd.s32 v40, v58;
	v40 =	vld.idx.msk [tilespmem:v49+s15+$0x0], $0xffff  }
0x112: {  	vm7 =	vmneg vm11;
	v43 =	vld.idx.msk [tilespmem:v30+s5+$0x0], $0xffff;
	vm3 =	vlt.f32 v39, v55;
	v55 =	vcvt.f32.s32 v61  }
0x113: {  	[tilespmem:s1+$0x8400] =	vst v36;
	v61 =	vsel vm5, $0x1, v13;
	vm12 =	vlt.s32 v58, $0x40;
	vm3 =	vmneg vm3;
	v56 =	vld.idx.msk [tilespmem:v63+s5+$0x0], $0xffff  }
0x114: {  	[tilespmem:s14+$0x8400] =	vst v57;
	v50 =	vld.idx.msk [tilespmem:v33+s5+$0x0], $0xffff;
	v47 =	vadd.s32 v47, v61;
	v61 =	vsel vm7, $0x1, v13;
	v58 =	vnsel vm12, $0x40, v58  }
0x115: {  	[tilespmem:s0+$0x8410] =	vst v54;
	v39 =	vld.idx.msk [tilespmem:v46+s15+$0x0], $0xffff;
	v41 =	vsel vm3, $0x1, v13;
	vm13 =	vlt.s32 v47, $0x40;
	v54 =	vadd.s32 $0x41, v58  }
0x116: {  	[tilespmem:s28+$0x8400] =	vst v60;
	v46 =	vld.idx.msk [tilespmem:v46+s18+$0x0], $0xffff;
	v0 =	vadd.s32 v38, v41;
	v41 =	vcvt.f32.s32 v62;
	v62 =	vsel vm6, $0x1, v13  }
0x117: {  	[tilespmem:s21+$0x8400] =	vst v51;
	v58 =	vsub.s32 $0x40, v58;
	v38 =	vld.idx.msk [tilespmem:v48+s15+$0x0], $0xffff;
	v55 =	vadd.s32 v55, v62;
	vm3 =	vlt.s32 v0, $0x40  }
0x118: {  	[tilespmem:s0+$0x8400] =	vst v52;
	v48 =	vld.idx.msk [tilespmem:v48+s18+$0x0], $0xffff;
	v36 =	vadd.s32 v41, v61;
	v0 =	vnsel vm3, $0x40, v0;
	vm15 =	vge.f32 v56, v35  }
0x119: {  	s0 =	rddreg [dreg:$0xa];
	v41 =	vld.idx.msk [tilespmem:v59+s15+$0x0], $0xffff;
	vm3 =	vlt.s32 v55, $0x40;
	v61 =	vnsel vm13, $0x40, v47;
	v62 =	vsel vm15, $0xFFFFFFFF, v13  }
0x11a: {  	s0 =	sadd.s32 s0, s29;
	v47 =	vld.idx.msk [tilespmem:v49+s18+$0x0], $0xffff;
	vm14 =	vlt.s32 v36, $0x40;
	v55 =	vnsel vm3, $0x40, v55;
	v51 =	vadd.s32 v62, v63  }
0x11b: {  	v49 =	vld.idx.msk [tilespmem:v59+s18+$0x0], $0xffff;
	[dreg:$0xf] =	wrdreg s0;
	v52 =	vadd.s32 $0x41, v0;
	v57 =	vsub.s32 $0x40, v0;
	v59 =	vadd.s32 $0x41, v61  }
0x11c: {  	v60 =	vsub.s32 $0x40, v61;
	v56 =	vnsel vm14, $0x40, v36;
	v36 =	vld.idx.msk [tilespmem:v53+s18+$0x0], $0xffff;
	v53 =	vadd.s32 $0x41, v55  }
.LBB2_3:
0x11d: {  	v0 =	vsub.s32 $0x40, v55;
	v55 =	vadd.s32 $0x41, v56;
	v56 =	vsub.s32 $0x40, v56;
	s1 =	smov.u32 s11;
	s11 =	sadd.s32 $0x60, s11  }
0x11e: {  	vm3 =	vgt.f32 v27, $0.0e+00;
	vm4 =	vgt.f32 v25, $0.0e+00;
	vm5 =	vgt.f32 v28, $0.0e+00;
	s10 =	sadd.s32 $0x80, s1;
	s14 =	sadd.s32 $0x90, s1;
	s16 =	sadd.s32 $0xA0, s1  }
0x11f: {  	v52 =	vsel vm1, v52, v57;
	v57 =	vsel vm2, v54, v58;
	s19 =	sand.u32 $0x60, s11;
	v58 =	vsel vm3, v59, v60;
	s10 =	sand.u32 $0x60, s10;
	s21 =	sand.u32 $0x70, s14;
	v59 =	vld.idx.msk [tilespmem:v51+s15+$0x0], $0xffff  }
0x120: {  	s24 =	sadd.s32 $0x180, s24;
	vm1 =	vge.f32 v43, v19;
	s1 =	sadd.s32 $0xB0, s1;
	v0 =	vsel vm4, v53, v0;
	v55 =	vsel vm5, v55, v56;
	s16 =	sand.u32 $0x60, s16  }
0x121: {  	vm2 =	vge.f32 v44, v23;
	s23 =	sand.u32 $0x7E00, s24;
	vm3 =	vge.f32 v45, v22;
	vm4 =	vge.f32 v50, v21;
	s14 =	sadd.s32 $0xFFFFFEC0, s24;
	s1 =	sand.u32 $0x70, s1;
	v43 =	vld.idx.msk [tilespmem:v51+s18+$0x0], $0xffff  }
0x122: {  	v44 =	vsel vm0, $0xFFFFFFFF, v13;
	s28 =	sadd.s32 $0xFFFFFF40, s24;
	s30 =	sadd.s32 $0xFFFFFF80, s24;
	v45 =	vsel vm1, $0xFFFFFFFF, v13;
	v50 =	vsel vm2, $0xFFFFFFFF, v13;
	s23 =	sor.u32 s1, s23  }
0x123: {  	s0 =	sadd.s32 $0xFFFFFFC0, s24;
	v53 =	vadd.s32 v44, v29;
	v29 =	vmovc v52;
	s28 =	sand.u32 $0x7E00, s28;
	v44 =	vsel vm3, $0xFFFFFFFF, v13;
	v60 =	vsel vm4, $0xFFFFFFFF, v13;
	s1 =	sand.u32 $0x3E00, s14;
	v56 =	vld [tilespmem:s23+$0x400]  }
0x124: {  	s0 =	sand.u32 $0x7E00, s0;
	v62 =	vadd.s32 v45, v30;
	v54 =	vadd.s32 v50, v31;
	s14 =	sor.u32 s19, s1;
	s1 =	sand.u32 $0x7E00, s30;
	v51 =	vadd.s32 v44, v34;
	v61 =	vld.idx.msk [tilespmem:v52+s5+$0x0], $0xffff  }
0x125: {  	v15 =	vmul.f32 v39, v15;
	v30 =	vmovc v57;
	s10 =	sor.u32 s10, s28;
	s0 =	sor.u32 s16, s0;
	s1 =	sor.u32 s21, s1;
	v44 =	vmul.f32 v59, v35;
	v52 =	vadd.s32 v60, v33;
	v45 =	vld [tilespmem:s14+$0x400]  }
0x126: {  	v14 =	vmul.f32 v38, v14;
	v16 =	vmul.f32 v40, v16;
	v38 =	vadd.f32 v37, v32;
	p1 =	slt.u32 s11, $0xF60;
	v31 =	vmovc v58;
	v39 =	vld [tilespmem:s14+$0x410]  }
0x127: {  	v17 =	vmul.f32 v41, v17;
	v32 =	vmul.f32 v42, v18;
	v34 =	vmovc v0;
	v40 =	vadd.f32 v43, v44;
	v37 =	vld [tilespmem:s10+$0x400]  }
0x128: {  	v41 =	vadd.f32 v46, v15;
	v14 =	vadd.f32 v48, v14;
	v33 =	vmovc v55;
	v0 =	vld [tilespmem:s1+$0x400];
	v18 =	vand.u32 $0x7FFFFFFF, v56;
	[tilespmem:s4+$0x8400] =	vst v38;
	s4 =	smov.u32 s7  }
0x129: {  	v16 =	vadd.f32 v47, v16;
	v17 =	vadd.f32 v49, v17;
	v35 =	vmovc v56;
	v46 =	vld [tilespmem:s0+$0x400];
	v18 =	vmul.f32 $9.846153850e-01, v18;
	[tilespmem:s3+$0x8400] =	vst v40;
	s3 =	smov.u32 s23  }
0x12a: {  	v15 =	vmovc v20;
	s7 =	smov.u32 s26;
	s26 =	smov.u32 s25;
	s25 =	smov.u32 s0;
	vm0 =	vge.f32 v61, v24;
	v38 =	vand.u32 $0x7FFFFFFF, v45;
	vm1 =	vgt.f32 v45, $0.0e+00;
	v43 =	vld.idx.msk [tilespmem:v57+s5+$0x0], $0xffff;
	[tilespmem:s2+$0x8400] =	vst v41  }
0x12b: {  	v20 =	vmovc v24;
	v24 =	vmovc v45;
	v40 =	vmul.f32 $9.846153850e-01, v38;
	v38 =	vand.u32 $0x7FFFFFFF, v39;
	v18 =	vadd.f32 $-1.538461540e-02, v18;
	v44 =	vld.idx.msk [tilespmem:v58+s5+$0x0], $0xffff  }
0x12c: {  	vm2 =	vgt.f32 v39, $0.0e+00;
	v41 =	vmul.f32 $9.846153850e-01, v38;
	v38 =	vand.u32 $0x7FFFFFFF, v37;
	v45 =	vld.idx.msk [tilespmem:v34+s5+$0x0], $0xffff;
	[tilespmem:s2+$0x8410] =	vst v14;
	v14 =	vmovc v19;
	v19 =	vmovc v26;
	s2 =	smov.u32 s8;
	s8 =	smov.u32 s13;
	s13 =	smov.u32 s14  }
0x12d: {  	v26 =	vmovc v39;
	v42 =	vmul.f32 $9.846153850e-01, v38;
	v38 =	vand.u32 $0x7FFFFFFF, v0;
	v47 =	vtrunc.f32 v18;
	v50 =	vld.idx.msk [tilespmem:v55+s5+$0x0], $0xffff;
	[tilespmem:s6+$0x8400] =	vst v16;
	v16 =	vmovc v23;
	s6 =	smov.u32 s12;
	s12 =	smov.u32 s20;
	s20 =	smov.u32 s10  }
0x12e: {  	v23 =	vmovc v27;
	v48 =	vmul.f32 $9.846153850e-01, v38;
	v38 =	vand.u32 $0x7FFFFFFF, v46;
	vm3 =	vlt.f32 v18, v47;
	v39 =	vld.idx.msk [tilespmem:v53+s15+$0x0], $0xffff;
	[tilespmem:s17+$0x8400] =	vst v17;
	s17 =	smov.u32 s9;
	s9 =	smov.u32 s22;
	s22 =	smov.u32 s1  }
0x12f: {  	v27 =	vmovc v37;
	v58 =	vcvt.f32.s32 v47;
	v17 =	vmovc v22;
	v49 =	vmul.f32 $9.846153850e-01, v38;
	vm3 =	vmneg vm3;
	v38 =	vld.idx.msk [tilespmem:v62+s15+$0x0], $0xffff  }
0x130: {  	v55 =	vadd.f32 $-1.538461540e-02, v40;
	v56 =	vadd.f32 $-1.538461540e-02, v41;
	v22 =	vmovc v25;
	v25 =	vmovc v0;
	v60 =	vsel vm3, $0x1, v13;
	v40 =	vld.idx.msk [tilespmem:v54+s15+$0x0], $0xffff  }
0x131: {  	v0 =	vadd.f32 $-1.538461540e-02, v42;
	v18 =	vmovc v21;
	v21 =	vmovc v28;
	v57 =	vadd.f32 $-1.538461540e-02, v48;
	v47 =	vadd.s32 v58, v60;
	v41 =	vld.idx.msk [tilespmem:v51+s15+$0x0], $0xffff  }
0x132: {  	v37 =	vmovc v36;
	v28 =	vmovc v46;
	v58 =	vtrunc.f32 v55;
	v59 =	vadd.f32 $-1.538461540e-02, v49;
	vm3 =	vlt.s32 v47, $0x40;
	v42 =	vld.idx.msk [tilespmem:v52+s15+$0x0], $0xffff  }
0x133: {  	v60 =	vtrunc.f32 v56;
	v61 =	vtrunc.f32 v0;
	v36 =	vnsel vm3, $0x40, v47;
	v46 =	vld.idx.msk [tilespmem:v53+s18+$0x0], $0xffff  }
0x134: {  	vm3 =	vgt.f32 v35, $0.0e+00;
	v47 =	vadd.s32 $0x41, v36;
	v36 =	vsub.s32 $0x40, v36;
	v48 =	vld.idx.msk [tilespmem:v62+s18+$0x0], $0xffff  }
0x135: {  	v53 =	vtrunc.f32 v57;
	v62 =	vtrunc.f32 v59;
	v63 =	vsel vm3, v47, v36;
	v47 =	vld.idx.msk [tilespmem:v54+s18+$0x0], $0xffff  }
0x136: {  	vm4 =	vlt.f32 v56, v60;
	vm5 =	vlt.f32 v0, v61;
	vm3 =	vlt.f32 v55, v58;
	v49 =	vld.idx.msk [tilespmem:v51+s18+$0x0], $0xffff  }
0x137: {  	vm6 =	vlt.f32 v57, v53;
	vm7 =	vlt.f32 v59, v62;
	vm3 =	vmneg vm3;
	v36 =	vld.idx.msk [tilespmem:v52+s18+$0x0], $0xffff  }
0x138: {  	vm4 =	vmneg vm4;
	vm5 =	vmneg vm5;
	vm6 =	vmneg vm6  }
0x139: {  	v0 =	vcvt.f32.s32 v58;
	v51 =	vcvt.f32.s32 v60;
	vm7 =	vmneg vm7  }
0x13a: {  	v53 =	vcvt.f32.s32 v53;
	v54 =	vcvt.f32.s32 v61;
	v52 =	vsel vm3, $0x1, v13;
	v55 =	vld.idx.msk [tilespmem:v63+s5+$0x0], $0xffff  }
0x13b: {  	v56 =	vsel vm4, $0x1, v13;
	v57 =	vsel vm5, $0x1, v13;
	v58 =	vcvt.f32.s32 v62  }
0x13c: {  	v59 =	vsel vm7, $0x1, v13;
	v0 =	vadd.s32 v0, v52;
	v52 =	vsel vm6, $0x1, v13  }
0x13d: {  	v54 =	vadd.s32 v54, v57;
	v51 =	vadd.s32 v51, v56;
	v52 =	vadd.s32 v53, v52  }
0x13e: {  	vm3 =	vlt.s32 v0, $0x40;
	vm4 =	vlt.s32 v51, $0x40;
	v53 =	vadd.s32 v58, v59  }
0x13f: {  	vm5 =	vlt.s32 v54, $0x40;
	vm6 =	vlt.s32 v52, $0x40;
	vm7 =	vlt.s32 v53, $0x40  }
.Ltmp0:
0x140: {  	v0 =	vnsel vm3, $0x40, v0;
	v58 =	vnsel vm4, $0x40, v51;
	vm3 =	vge.f32 v55, v35;
	(pc) =	sbr.rel @p1 .LBB2_3-.Ltmp0, $4  }
0x141: {  	v60 =	vnsel vm5, $0x40, v54;
	v55 =	vnsel vm6, $0x40, v52;
	v51 =	vsel vm3, $0xFFFFFFFF, v13  }
0x142: {  	v56 =	vnsel vm7, $0x40, v53;
	v52 =	vadd.s32 $0x41, v0;
	v51 =	vadd.s32 v51, v63  }
0x143: {  	v57 =	vsub.s32 $0x40, v0;
	v54 =	vadd.s32 $0x41, v58;
	v58 =	vsub.s32 $0x40, v58  }
0x144: {  	v59 =	vadd.s32 $0x41, v60;
	v60 =	vsub.s32 $0x40, v60;
	v53 =	vadd.s32 $0x41, v55  }
0x145: {  	_ = 	snop  }
0x146: {  	v0 =	vsel vm1, v52, v57  }
0x147: {  	v61 =	vsub.s32 $0x40, v55;
	vm4 =	vgt.f32 v27, $0.0e+00;
	v54 =	vsel vm2, v54, v58  }
0x148: {  	v62 =	vadd.s32 $0x41, v56;
	vm5 =	vgt.f32 v25, $0.0e+00;
	v57 =	vsel vm4, v59, v60  }
0x149: {  	v63 =	vsub.s32 $0x40, v56;
	vm6 =	vgt.f32 v28, $0.0e+00;
	v58 =	vld.idx.msk [tilespmem:v51+s15+$0x0], $0xffff;
	v52 =	vsel vm5, v53, v61  }
0x14a: {  	vm7 =	vge.f32 v43, v19;
	v43 =	vld.idx.msk [tilespmem:v51+s18+$0x0], $0xffff;
	v53 =	vsel vm6, v62, v63;
	v59 =	vsel vm0, $0xFFFFFFFF, v13  }
0x14b: {  	vm8 =	vge.f32 v44, v23;
	v60 =	vsel vm7, $0xFFFFFFFF, v13;
	v29 =	vadd.s32 v59, v29;
	v51 =	vld.idx.msk [tilespmem:v0+s5+$0x0], $0xffff  }
0x14c: {  	vm10 =	vge.f32 v50, v21;
	v61 =	vsel vm8, $0xFFFFFFFF, v13;
	v30 =	vadd.s32 v60, v30;
	v44 =	vld.idx.msk [tilespmem:v54+s5+$0x0], $0xffff  }
0x14d: {  	vm9 =	vge.f32 v45, v22;
	v63 =	vsel vm10, $0xFFFFFFFF, v13;
	v31 =	vadd.s32 v61, v31;
	v45 =	vld.idx.msk [tilespmem:v57+s5+$0x0], $0xffff  }
0x14e: {  	v33 =	vadd.s32 v63, v33;
	v50 =	vld.idx.msk [tilespmem:v52+s5+$0x0], $0xffff  }
0x14f: {  	v55 =	vld.idx.msk [tilespmem:v53+s5+$0x0], $0xffff  }
0x150: {  	v56 =	vld.idx.msk [tilespmem:v29+s15+$0x0], $0xffff  }
0x151: {  	v59 =	vld.idx.msk [tilespmem:v30+s15+$0x0], $0xffff  }
0x152: {  	v62 =	vsel vm9, $0xFFFFFFFF, v13;
	v60 =	vld.idx.msk [tilespmem:v31+s15+$0x0], $0xffff  }
0x153: {  	v15 =	vmul.f32 v39, v15;
	v34 =	vadd.s32 v62, v34;
	v39 =	vld.idx.msk [tilespmem:v33+s15+$0x0], $0xffff;
	vm11 =	vge.f32 v51, v24  }
0x154: {  	v35 =	vmul.f32 v58, v35;
	v29 =	vld.idx.msk [tilespmem:v29+s18+$0x0], $0xffff;
	vm12 =	vge.f32 v44, v26;
	v58 =	vsel vm11, $0xFFFFFFFF, v13  }
0x155: {  	v14 =	vmul.f32 v38, v14;
	v30 =	vld.idx.msk [tilespmem:v30+s18+$0x0], $0xffff;
	v61 =	vsel vm12, $0xFFFFFFFF, v13;
	v0 =	vadd.s32 v58, v0  }
0x156: {  	v16 =	vmul.f32 v40, v16;
	v31 =	vld.idx.msk [tilespmem:v31+s18+$0x0], $0xffff;
	vm13 =	vge.f32 v45, v27;
	v45 =	vadd.s32 v61, v54  }
0x157: {  	v32 =	vadd.f32 v37, v32;
	v17 =	vmul.f32 v41, v17;
	v18 =	vmul.f32 v42, v18;
	v33 =	vld.idx.msk [tilespmem:v33+s18+$0x0], $0xffff  }
0x158: {  	v15 =	vadd.f32 v46, v15;
	v51 =	vld.idx.msk [tilespmem:v34+s15+$0x0], $0xffff;
	vm14 =	vge.f32 v50, v25;
	v62 =	vsel vm13, $0xFFFFFFFF, v13  }
0x159: {  	v34 =	vld.idx.msk [tilespmem:v34+s18+$0x0], $0xffff;
	vm15 =	vge.f32 v55, v28;
	v50 =	vsel vm14, $0xFFFFFFFF, v13;
	v44 =	vadd.s32 v62, v57  }
0x15a: {  	[tilespmem:s4+$0x8400] =	vst v32;
	v14 =	vadd.f32 v48, v14;
	v63 =	vsel vm15, $0xFFFFFFFF, v13;
	v50 =	vadd.s32 v50, v52;
	v46 =	vld.idx.msk [tilespmem:v0+s15+$0x0], $0xffff  }
0x15b: {  	v16 =	vadd.f32 v47, v16;
	[tilespmem:s2+$0x8400] =	vst v15;
	v37 =	vadd.s32 v63, v53;
	v52 =	vld.idx.msk [tilespmem:v45+s15+$0x0], $0xffff  }
0x15c: {  	v17 =	vadd.f32 v49, v17;
	[tilespmem:s2+$0x8410] =	vst v14;
	v0 =	vld.idx.msk [tilespmem:v0+s18+$0x0], $0xffff  }
0x15d: {  	v18 =	vadd.f32 v36, v18;
	[tilespmem:s6+$0x8400] =	vst v16;
	v14 =	vmul.f32 v56, v20;
	v58 =	vld.idx.msk [tilespmem:v45+s18+$0x0], $0xffff  }
0x15e: {  	[tilespmem:s17+$0x8400] =	vst v17;
	v35 =	vadd.f32 v43, v35;
	v54 =	vmul.f32 v59, v19;
	v15 =	vld.idx.msk [tilespmem:v44+s15+$0x0], $0xffff  }
0x15f: {  	[tilespmem:s7+$0x8400] =	vst v18;
	v56 =	vmul.f32 v60, v23;
	v14 =	vadd.f32 v29, v14;
	v53 =	vld.idx.msk [tilespmem:v50+s15+$0x0], $0xffff  }
0x160: {  	[tilespmem:s3+$0x8400] =	vst v35;
	v59 =	vmul.f32 v39, v21;
	v16 =	vadd.f32 v30, v54;
	v55 =	vld.idx.msk [tilespmem:v37+s15+$0x0], $0xffff  }
0x161: {  	v17 =	vadd.f32 v31, v56;
	v57 =	vmul.f32 v51, v22;
	[tilespmem:s8+$0x8400] =	vst v14;
	v14 =	vld.idx.msk [tilespmem:v44+s18+$0x0], $0xffff  }
0x162: {  	v21 =	vadd.f32 v33, v59;
	[tilespmem:s8+$0x8410] =	vst v16;
	v60 =	vld.idx.msk [tilespmem:v50+s18+$0x0], $0xffff;
	v61 =	vmul.f32 v46, v24  }
0x163: {  	[tilespmem:s12+$0x8400] =	vst v17;
	v22 =	vadd.f32 v34, v57;
	v62 =	vld.idx.msk [tilespmem:v37+s18+$0x0], $0xffff;
	v63 =	vmul.f32 v52, v26  }
0x164: {  	[tilespmem:s26+$0x8400] =	vst v21;
	v15 =	vmul.f32 v15, v27;
	v0 =	vadd.f32 v0, v61  }
0x165: {  	[tilespmem:s9+$0x8400] =	vst v22;
	v20 =	vmul.f32 v53, v25;
	v18 =	vadd.f32 v58, v63  }
0x166: {  	v19 =	vmul.f32 v55, v28;
	v14 =	vadd.f32 v14, v15;
	[tilespmem:s13+$0x8400] =	vst v0  }
0x167: {  	v0 =	vadd.f32 v60, v20;
	[tilespmem:s13+$0x8410] =	vst v18  }
0x168: {  	[tilespmem:s20+$0x8400] =	vst v14;
	v14 =	vadd.f32 v62, v19  }
0x169: {  	s1 =	simm.s32 $0x440;
	[tilespmem:s22+$0x8400] =	vst v0  }
0x16a: {  	s4 =	simm.s32 $0x3F00;
	s2 =	simm.s32 $0x8440;
	s3 =	simm.s32 $0xFB0;
	[tilespmem:s25+$0x8400] =	vst v14  }
.LBB2_5:
0x16b: {  	s0 =	sand.u32 $0x3FFFFE00, s4  }
0x16c: {  	s6 =	sadd.s32 s0, s1  }
0x16d: {  	v0 =	vld [tilespmem:s6+$0x0];
	_ =	sdelay $0x4  }
0x16e: {  	v14 =	vand.u32 $0x7FFFFFFF, v0  }
0x16f: {  	v14 =	vmul.f32 $9.846153850e-01, v14;
	_ =	sdelay $0x1  }
0x170: {  	v14 =	vadd.f32 $-1.538461540e-02, v14;
	_ =	sdelay $0x1  }
0x171: {  	v15 =	vtrunc.f32 v14  }
0x172: {  	vm0 =	vlt.f32 v14, v15  }
0x173: {  	v14 =	vcvt.f32.s32 v15;
	vm0 =	vmneg vm0  }
0x174: {  	v15 =	vsel vm0, $0x1, v13  }
0x175: {  	v14 =	vadd.s32 v14, v15  }
0x176: {  	vm13 =	vlt.s32 v14, $0x40  }
0x177: {  	v14 =	vnsel vm13, $0x40, v14  }
0x178: {  	vm14 =	vgt.f32 v0, $0.0e+00;
	v15 =	vadd.s32 $0x41, v14;
	v14 =	vsub.s32 $0x40, v14  }
0x179: {  	v14 =	vsel vm14, v15, v14;
	_ =	sdelay $0x4  }
0x17a: {  	v15 =	vld.idx.msk [tilespmem:v14+s5+$0x0], $0xffff;
	_ =	sdelay $0x4  }
0x17b: {  	vm15 =	vge.f32 v15, v0  }
0x17c: {  	v15 =	vsel vm15, $0xFFFFFFFF, v13  }
0x17d: {  	v14 =	vadd.s32 v15, v14;
	_ =	sdelay $0x4  }
0x17e: {  	v15 =	vld.idx.msk [tilespmem:v14+s15+$0x0], $0xffff;
	_ =	sdelay $0x1  }
0x17f: {  	v14 =	vld.idx.msk [tilespmem:v14+s18+$0x0], $0xffff  }
0x180: {  	s3 =	sadd.s32 $0x10, s3  }
0x181: {  	p1 =	slt.u32 s3, $0xFF0  }
.Ltmp1:
0x182: {  	v0 =	vmul.f32 v15, v0;
	(pc) =	sbr.rel @p1 .LBB2_5-.Ltmp1, $4  }
0x183: {  	_ = 	snop  }
0x184: {  	v0 =	vadd.f32 v14, v0  }
0x185: {  	s4 =	sadd.s32 $0x40, s4;
	s0 =	sadd.s32 s0, s2  }
0x186: {  	s1 =	sadd.s32 $0x10, s1;
	s2 =	sadd.s32 $0x10, s2;
	s6 =	simm.s32 $0x140;
	[tilespmem:s0+$0x0] =	vst v0  }
0x187: {  	s0 =	simm.s32 $0x50  }
0x188: {  	s1 =	sand.u32 $0x7E00, s6;
	s0 =	sand.u32 $0x70, s0  }
0x189: {  	s13 =	sor.u32 s1, s0  }
0x18a: {  	v16 =	vld [tilespmem:s13+$0x480]  }
0x18b: {  	s2 =	simm.s32 $0x20;
	s3 =	simm.s32 $0x80  }
0x18c: {  	s26 =	sand.u32 $0x60, s2;
	s28 =	sand.u32 $0x7E00, s3  }
0x18d: {  	s23 =	simm.s32 $0x0;
	s24 =	simm.s32 $0x0;
	s28 =	sor.u32 s28, s26  }
0x18e: {  	s25 =	simm.s32 $0x30;
	s30 =	simm.s32 $0x40;
	s4 =	simm.s32 $0xC0;
	v27 =	vld [tilespmem:s28+$0x480]  }
0x18f: {  	s2 =	simm.s32 $0x100;
	s0 =	sand.u32 $0x60, s23;
	s1 =	sand.u32 $0x3E00, s24;
	v0 =	vand.u32 $0x7FFFFFFF, v16  }
0x190: {  	s3 =	sand.u32 $0x60, s30;
	s7 =	sand.u32 $0x7E00, s2;
	s14 =	sor.u32 s0, s1;
	v0 =	vmul.f32 $9.846153850e-01, v0  }
0x191: {  	s6 =	sand.u32 $0x7E00, s4;
	s0 =	sand.u32 $0x70, s25;
	s4 =	sor.u32 s7, s3;
	v26 =	vld [tilespmem:s14+$0x480]  }
0x192: {  	s1 =	sor.u32 s6, s0;
	v32 =	vld [tilespmem:s4+$0x480];
	v0 =	vadd.f32 $-1.538461540e-02, v0  }
0x193: {  	v28 =	vld [tilespmem:s1+$0x480];
	v17 =	vand.u32 $0x7FFFFFFF, v27  }
0x194: {  	v25 =	vld [tilespmem:s14+$0x490];
	v17 =	vmul.f32 $9.846153850e-01, v17;
	v14 =	vtrunc.f32 v0  }
0x195: {  	vm0 =	vlt.f32 v0, v14  }
0x196: {  	v17 =	vadd.f32 $-1.538461540e-02, v17;
	v0 =	vcvt.f32.s32 v14;
	vm0 =	vmneg vm0  }
0x197: {  	v20 =	vand.u32 $0x7FFFFFFF, v32;
	vm1 =	vgt.f32 v26, $0.0e+00;
	v15 =	vsel vm0, $0x1, v13  }
0x198: {  	v19 =	vand.u32 $0x7FFFFFFF, v28;
	v22 =	vtrunc.f32 v17;
	v0 =	vadd.s32 v0, v15  }
0x199: {  	v14 =	vand.u32 $0x7FFFFFFF, v26;
	v15 =	vand.u32 $0x7FFFFFFF, v25;
	vm0 =	vlt.s32 v0, $0x40  }
0x19a: {  	v14 =	vmul.f32 $9.846153850e-01, v14;
	v15 =	vmul.f32 $9.846153850e-01, v15;
	v0 =	vnsel vm0, $0x40, v0  }
0x19b: {  	vm0 =	vgt.f32 v16, $0.0e+00;
	v18 =	vadd.s32 $0x41, v0;
	v0 =	vsub.s32 $0x40, v0  }
0x19c: {  	v14 =	vadd.f32 $-1.538461540e-02, v14;
	v15 =	vadd.f32 $-1.538461540e-02, v15;
	v0 =	vsel vm0, v18, v0  }
0x19d: {  	vm4 =	vlt.f32 v17, v22;
	v18 =	vmul.f32 $9.846153850e-01, v19;
	v19 =	vmul.f32 $9.846153850e-01, v20  }
0x19e: {  	vm4 =	vmneg vm4;
	v20 =	vtrunc.f32 v14;
	v21 =	vtrunc.f32 v15  }
0x19f: {  	vm2 =	vlt.f32 v14, v20;
	v18 =	vadd.f32 $-1.538461540e-02, v18;
	v19 =	vadd.f32 $-1.538461540e-02, v19  }
0x1a0: {  	vm3 =	vlt.f32 v15, v21;
	vm2 =	vmneg vm2;
	v15 =	vcvt.f32.s32 v20  }
0x1a1: {  	v17 =	vcvt.f32.s32 v21;
	v21 =	vsel vm4, $0x1, v13;
	v23 =	vtrunc.f32 v18;
	v14 =	vld.idx.msk [tilespmem:v0+s5+$0x0], $0xffff  }
0x1a2: {  	vm3 =	vmneg vm3;
	v24 =	vtrunc.f32 v19;
	vm5 =	vlt.f32 v18, v23  }
0x1a3: {  	vm6 =	vlt.f32 v19, v24;
	v18 =	vsel vm2, $0x1, v13;
	v19 =	vcvt.f32.s32 v22  }
0x1a4: {  	v20 =	vcvt.f32.s32 v23;
	v23 =	vcvt.f32.s32 v24;
	vm5 =	vmneg vm5  }
0x1a5: {  	vm6 =	vmneg vm6;
	v15 =	vadd.s32 v15, v18;
	v18 =	vsel vm5, $0x1, v13  }
0x1a6: {  	v18 =	vadd.s32 v20, v18;
	vm2 =	vge.f32 v14, v16;
	v14 =	vsel vm3, $0x1, v13  }
0x1a7: {  	vm15 =	vlt.s32 v18, $0x40;
	v22 =	vsel vm2, $0xFFFFFFFF, v13;
	v14 =	vadd.s32 v17, v14  }
0x1a8: {  	v17 =	vadd.s32 v19, v21;
	vm2 =	vlt.s32 v15, $0x40;
	v0 =	vadd.s32 v22, v0  }
0x1a9: {  	s8 =	simm.s32 $0xB0;
	s9 =	simm.s32 $0x2C0;
	s10 =	simm.s32 $0x60;
	v22 =	vsel vm6, $0x1, v13;
	vm3 =	vlt.s32 v14, $0x40;
	v15 =	vnsel vm2, $0x40, v15  }
0x1aa: {  	s12 =	simm.s32 $0x180;
	s2 =	sand.u32 $0x7E00, s9;
	s0 =	sand.u32 $0x70, s8;
	vm2 =	vlt.s32 v17, $0x40;
	v20 =	vadd.s32 v23, v22;
	v19 =	vadd.s32 $0x41, v15  }
0x1ab: {  	s16 =	sand.u32 $0x60, s10;
	s17 =	sand.u32 $0x3E00, s12;
	s11 =	sor.u32 s2, s0;
	v15 =	vsub.s32 $0x40, v15;
	v14 =	vnsel vm3, $0x40, v14;
	vm8 =	vlt.s32 v20, $0x40  }
0x1ac: {  	s2 =	sor.u32 s16, s17;
	v21 =	vld [tilespmem:s11+$0x480];
	v19 =	vsel vm1, v19, v15;
	v15 =	vnsel vm2, $0x40, v17;
	v17 =	vnsel vm15, $0x40, v18  }
0x1ad: {  	s20 =	simm.s32 $0x90;
	s8 =	simm.s32 $0x240;
	v22 =	vsub.s32 $0x40, v14;
	v24 =	vadd.s32 $0x41, v15;
	v29 =	vsub.s32 $0x40, v15;
	v15 =	vld [tilespmem:s2+$0x480]  }
0x1ae: {  	s6 =	sand.u32 $0x70, s20;
	s8 =	sand.u32 $0x7E00, s8;
	vm1 =	vgt.f32 v27, $0.0e+00;
	v18 =	vnsel vm8, $0x40, v20;
	v20 =	vadd.s32 $0x41, v14;
	v14 =	vld [tilespmem:s2+$0x490]  }
0x1af: {  	s6 =	sor.u32 s8, s6;
	vm2 =	vgt.f32 v28, $0.0e+00;
	v30 =	vadd.s32 $0x41, v17;
	v17 =	vsub.s32 $0x40, v17;
	v23 =	vld.idx.msk [tilespmem:v0+s15+$0x0], $0xffff  }
0x1b0: {  	v31 =	vsel vm1, v24, v29;
	v29 =	vsel vm2, v30, v17;
	v17 =	vld [tilespmem:s6+$0x480]  }
0x1b1: {  	s19 =	simm.s32 $0x80;
	s7 =	simm.s32 $0x200;
	v0 =	vld.idx.msk [tilespmem:v0+s18+$0x0], $0xffff  }
0x1b2: {  	s3 =	sand.u32 $0x60, s19;
	s7 =	sand.u32 $0x7E00, s7;
	vm0 =	vgt.f32 v25, $0.0e+00;
	vm3 =	vgt.f32 v32, $0.0e+00;
	v34 =	vld.idx.msk [tilespmem:v19+s5+$0x0], $0xffff  }
0x1b3: {  	s21 =	simm.s32 $0xA0;
	s9 =	simm.s32 $0x280;
	s17 =	sor.u32 s7, s3;
	v33 =	vadd.s32 $0x41, v18;
	v18 =	vsub.s32 $0x40, v18;
	v22 =	vsel vm0, v20, v22  }
0x1b4: {  	s22 =	sand.u32 $0x7E00, s9;
	s0 =	sand.u32 $0x60, s21;
	v30 =	vsel vm3, v33, v18;
	v20 =	vmul.f32 v23, v16;
	v16 =	vld [tilespmem:s17+$0x480];
	v23 =	vand.u32 $0x7FFFFFFF, v21  }
0x1b5: {  	s7 =	sor.u32 s22, s0;
	vm2 =	vgt.f32 v15, $0.0e+00;
	v60 =	vand.u32 $0x7FFFFFFF, v17;
	v23 =	vmul.f32 $9.846153850e-01, v23  }
0x1b6: {  	v18 =	vld [tilespmem:s7+$0x480];
	v36 =	vadd.f32 v0, v20;
	v0 =	vand.u32 $0x7FFFFFFF, v15;
	v20 =	vand.u32 $0x7FFFFFFF, v14  }
0x1b7: {  	vm0 =	vge.f32 v34, v26;
	v34 =	vmul.f32 $9.846153850e-01, v60;
	v23 =	vadd.f32 $-1.538461540e-02, v23  }
0x1b8: {  	vm1 =	vgt.f32 v14, $0.0e+00;
	v0 =	vmul.f32 $9.846153850e-01, v0;
	v20 =	vmul.f32 $9.846153850e-01, v20  }
0x1b9: {  	v34 =	vadd.f32 $-1.538461540e-02, v34;
	v24 =	vand.u32 $0x7FFFFFFF, v16;
	v59 =	vtrunc.f32 v23  }
0x1ba: {  	v0 =	vadd.f32 $-1.538461540e-02, v0;
	v20 =	vadd.f32 $-1.538461540e-02, v20;
	v24 =	vmul.f32 $9.846153850e-01, v24  }
0x1bb: {  	vm3 =	vlt.f32 v23, v59;
	v23 =	vand.u32 $0x7FFFFFFF, v18;
	v33 =	vcvt.f32.s32 v59  }
0x1bc: {  	v62 =	vtrunc.f32 v34;
	vm3 =	vmneg vm3;
	v23 =	vmul.f32 $9.846153850e-01, v23  }
0x1bd: {  	v61 =	vtrunc.f32 v0;
	v38 =	vtrunc.f32 v20;
	vm11 =	vlt.f32 v34, v62  }
0x1be: {  	v44 =	vcvt.f32.s32 v62;
	v35 =	vsel vm3, $0x1, v13;
	v24 =	vadd.f32 $-1.538461540e-02, v24  }
0x1bf: {  	vm9 =	vlt.f32 v20, v38;
	vm6 =	vmneg vm11;
	v20 =	vcvt.f32.s32 v38  }
0x1c0: {  	v33 =	vadd.s32 v33, v35;
	v23 =	vadd.f32 $-1.538461540e-02, v23;
	vm4 =	vmneg vm9  }
0x1c1: {  	vm9 =	vgt.f32 v18, $0.0e+00;
	vm3 =	vlt.s32 v33, $0x40;
	v39 =	vtrunc.f32 v24  }
0x1c2: {  	v45 =	vsel vm4, $0x1, v13;
	v33 =	vnsel vm3, $0x40, v33;
	vm3 =	vgt.f32 v21, $0.0e+00  }
0x1c3: {  	v40 =	vtrunc.f32 v23;
	vm10 =	vlt.f32 v24, v39;
	v63 =	vcvt.f32.s32 v39  }
0x1c4: {  	v20 =	vadd.s32 v20, v45;
	v37 =	vadd.s32 $0x41, v33;
	v33 =	vsub.s32 $0x40, v33  }
0x1c5: {  	vm7 =	vlt.f32 v23, v40;
	vm5 =	vmneg vm10;
	v47 =	vcvt.f32.s32 v40  }
0x1c6: {  	v50 =	vld.idx.msk [tilespmem:v22+s5+$0x0], $0xffff;
	vm12 =	vlt.s32 v20, $0x40;
	v33 =	vsel vm3, v37, v33;
	vm3 =	vlt.f32 v0, v61  }
0x1c7: {  	s23 =	simm.s32 $0x110;
	s24 =	simm.s32 $0x440;
	v0 =	vcvt.f32.s32 v61;
	vm7 =	vmneg vm7;
	v46 =	vsel vm5, $0x1, v13  }
0x1c8: {  	s3 =	sand.u32 $0x7E00, s24;
	s0 =	sand.u32 $0x70, s23;
	v20 =	vnsel vm12, $0x40, v20;
	vm3 =	vmneg vm3;
	v48 =	vsel vm7, $0x1, v13  }
0x1c9: {  	s23 =	sor.u32 s3, s0;
	v34 =	vadd.s32 v63, v46;
	v51 =	vadd.s32 $0x41, v20;
	v20 =	vsub.s32 $0x40, v20  }
0x1ca: {  	v40 =	vld [tilespmem:s23+$0x480];
	v23 =	vsel vm3, $0x1, v13;
	v49 =	vadd.s32 v47, v48;
	vm14 =	vlt.s32 v34, $0x40  }
0x1cb: {  	v41 =	vsel vm1, v51, v20;
	vm1 =	vge.f32 v50, v25;
	v0 =	vadd.s32 v0, v23  }
0x1cc: {  	v23 =	vsel vm6, $0x1, v13;
	vm8 =	vlt.s32 v49, $0x40;
	v34 =	vnsel vm14, $0x40, v34  }
0x1cd: {  	s30 =	simm.s32 $0xE0;
	s10 =	simm.s32 $0x380;
	v23 =	vadd.s32 v44, v23;
	vm3 =	vlt.s32 v0, $0x40;
	v35 =	vnsel vm8, $0x40, v49;
	v44 =	vld.idx.msk [tilespmem:v29+s5+$0x0], $0xffff  }
0x1ce: {  	s26 =	simm.s32 $0x300;
	s10 =	sand.u32 $0x7E00, s10;
	s25 =	simm.s32 $0xC0;
	v52 =	vadd.s32 $0x41, v34;
	v34 =	vsub.s32 $0x40, v34;
	v24 =	vld.idx.msk [tilespmem:v33+s5+$0x0], $0xffff;
	vm15 =	vlt.s32 v23, $0x40  }
0x1cf: {  	s19 =	simm.s32 $0xF0;
	s12 =	sand.u32 $0x60, s25;
	s16 =	sand.u32 $0x3E00, s26;
	v58 =	vand.u32 $0x7FFFFFFF, v40;
	v0 =	vnsel vm3, $0x40, v0;
	v23 =	vnsel vm15, $0x40, v23  }
0x1d0: {  	s20 =	simm.s32 $0x3C0;
	s8 =	sor.u32 s12, s16;
	s0 =	sand.u32 $0x60, s30;
	vm3 =	vgt.f32 v17, $0.0e+00;
	v53 =	vadd.s32 $0x41, v23;
	v23 =	vsub.s32 $0x40, v23  }
0x1d1: {  	s9 =	sand.u32 $0x70, s19;
	s3 =	sand.u32 $0x7E00, s20;
	s12 =	sor.u32 s10, s0;
	v20 =	vld [tilespmem:s8+$0x480];
	v45 =	vadd.s32 $0x41, v35;
	v39 =	vsel vm3, v53, v23;
	v23 =	vsel vm1, $0xFFFFFFFF, v13  }
0x1d2: {  	s9 =	sor.u32 s3, s9;
	v35 =	vsub.s32 $0x40, v35;
	vm3 =	vge.f32 v44, v28;
	v44 =	vadd.s32 v23, v22;
	v23 =	vld [tilespmem:s12+$0x480]  }
0x1d3: {  	v38 =	vsel vm9, v45, v35;
	v22 =	vld [tilespmem:s9+$0x480];
	vm13 =	vge.f32 v24, v21;
	v56 =	vsel vm3, $0xFFFFFFFF, v13  }
0x1d4: {  	v42 =	vld.idx.msk [tilespmem:v31+s5+$0x0], $0xffff;
	v24 =	vsel vm13, $0xFFFFFFFF, v13;
	v45 =	vadd.s32 v56, v29;
	v29 =	vmul.f32 $9.846153850e-01, v58  }
0x1d5: {  	v33 =	vadd.s32 v24, v33;
	v24 =	vadd.s32 $0x41, v0;
	v0 =	vsub.s32 $0x40, v0  }
0x1d6: {  	v24 =	vsel vm2, v24, v0;
	v0 =	vld.idx.msk [tilespmem:v30+s5+$0x0], $0xffff;
	vm2 =	vgt.f32 v16, $0.0e+00;
	v29 =	vadd.f32 $-1.538461540e-02, v29  }
0x1d7: {  	vm1 =	vgt.f32 v20, $0.0e+00;
	v43 =	vsel vm2, v52, v34;
	v60 =	vand.u32 $0x7FFFFFFF, v23  }
0x1d8: {  	v61 =	vand.u32 $0x7FFFFFFF, v22;
	v62 =	vtrunc.f32 v29;
	v34 =	vmul.f32 $9.846153850e-01, v60  }
0x1d9: {  	vm2 =	vge.f32 v42, v27;
	v35 =	vmul.f32 $9.846153850e-01, v61;
	vm3 =	vlt.f32 v29, v62  }
0x1da: {  	v55 =	vsel vm2, $0xFFFFFFFF, v13;
	vm3 =	vmneg vm3;
	v34 =	vadd.f32 $-1.538461540e-02, v34  }
0x1db: {  	v46 =	vld.idx.msk [tilespmem:v33+s15+$0x0], $0xffff;
	v35 =	vadd.f32 $-1.538461540e-02, v35;
	vm10 =	vge.f32 v0, v32;
	v0 =	vsel vm0, $0xFFFFFFFF, v13  }
0x1dc: {  	v31 =	vadd.s32 v55, v31;
	v33 =	vld.idx.msk [tilespmem:v33+s18+$0x0], $0xffff;
	v47 =	vsel vm3, $0x1, v13;
	v0 =	vadd.s32 v0, v19  }
0x1dd: {  	v54 =	vld.idx.msk [tilespmem:v24+s5+$0x0], $0xffff;
	v57 =	vsel vm10, $0xFFFFFFFF, v13;
	v49 =	vtrunc.f32 v34;
	v51 =	vtrunc.f32 v35  }
0x1de: {  	v19 =	vld [tilespmem:s8+$0x490];
	v37 =	vadd.s32 v57, v30;
	v30 =	vand.u32 $0x7FFFFFFF, v20;
	vm12 =	vlt.f32 v34, v49  }
0x1df: {  	vm13 =	vlt.f32 v35, v51;
	v56 =	vcvt.f32.s32 v49;
	v57 =	vcvt.f32.s32 v51  }
0x1e0: {  	v30 =	vmul.f32 $9.846153850e-01, v30;
	vm5 =	vmneg vm12;
	vm6 =	vmneg vm13  }
0x1e1: {  	s21 =	simm.s32 $0x100;
	s22 =	simm.s32 $0x400;
	vm12 =	vgt.f32 v22, $0.0e+00;
	v21 =	vmul.f32 v46, v21;
	v46 =	vcvt.f32.s32 v62  }
0x1e2: {  	s24 =	sand.u32 $0x7E00, s22;
	s0 =	sand.u32 $0x60, s21;
	v61 =	vsel vm6, $0x1, v13;
	vm0 =	vge.f32 v54, v15;
	v30 =	vadd.f32 $-1.538461540e-02, v30  }
0x1e3: {  	s26 =	sor.u32 s24, s0;
	v42 =	vadd.f32 v33, v21;
	v59 =	vand.u32 $0x7FFFFFFF, v19;
	v46 =	vadd.s32 v46, v47  }
0x1e4: {  	v21 =	vld [tilespmem:s26+$0x480];
	vm2 =	vgt.f32 v19, $0.0e+00;
	v33 =	vmul.f32 $9.846153850e-01, v59;
	vm3 =	vlt.s32 v46, $0x40  }
0x1e5: {  	v51 =	vld.idx.msk [tilespmem:v0+s15+$0x0], $0xffff;
	v63 =	vtrunc.f32 v30;
	v59 =	vsel vm5, $0x1, v13;
	v46 =	vnsel vm3, $0x40, v46  }
0x1e6: {  	vm3 =	vgt.f32 v40, $0.0e+00;
	v34 =	vadd.s32 v56, v59;
	v33 =	vadd.f32 $-1.538461540e-02, v33  }
0x1e7: {  	v50 =	vadd.s32 $0x41, v46;
	v46 =	vsub.s32 $0x40, v46;
	vm9 =	vlt.s32 v34, $0x40  }
0x1e8: {  	v0 =	vld.idx.msk [tilespmem:v0+s18+$0x0], $0xffff;
	v46 =	vsel vm3, v50, v46;
	vm3 =	vlt.f32 v30, v63;
	v34 =	vnsel vm9, $0x40, v34  }
0x1e9: {  	v29 =	vand.u32 $0x7FFFFFFF, v21;
	v48 =	vtrunc.f32 v33;
	vm3 =	vmneg vm3  }
0x1ea: {  	vm13 =	vgt.f32 v21, $0.0e+00;
	v51 =	vmul.f32 v51, v26;
	v29 =	vmul.f32 $9.846153850e-01, v29  }
0x1eb: {  	vm11 =	vlt.f32 v33, v48;
	v30 =	vcvt.f32.s32 v48;
	v55 =	vsel vm3, $0x1, v13  }
0x1ec: {  	v35 =	vld.idx.msk [tilespmem:v41+s5+$0x0], $0xffff;
	v33 =	vadd.s32 v57, v61;
	vm4 =	vmneg vm11;
	v29 =	vadd.f32 $-1.538461540e-02, v29  }
0x1ed: {  	v47 =	vld.idx.msk [tilespmem:v38+s5+$0x0], $0xffff;
	vm10 =	vlt.s32 v33, $0x40;
	v0 =	vadd.f32 v0, v51;
	v58 =	vsel vm4, $0x1, v13  }
0x1ee: {  	v33 =	vnsel vm10, $0x40, v33;
	v50 =	vld.idx.msk [tilespmem:v46+s5+$0x0], $0xffff;
	v30 =	vadd.s32 v30, v58;
	v52 =	vtrunc.f32 v29  }
0x1ef: {  	s19 =	simm.s32 $0x480;
	s24 =	simm.s32 $0x120;
	v57 =	vld.idx.msk [tilespmem:v37+s15+$0x0], $0xffff;
	v58 =	vadd.s32 $0x41, v34;
	vm14 =	vlt.f32 v29, v52;
	v29 =	vcvt.f32.s32 v63  }
0x1f0: {  	s19 =	sand.u32 $0x3E00, s19;
	s20 =	sand.u32 $0x60, s24;
	v56 =	vld.idx.msk [tilespmem:v45+s15+$0x0], $0xffff;
	v34 =	vsub.s32 $0x40, v34;
	v59 =	vadd.s32 $0x41, v33;
	v33 =	vsub.s32 $0x40, v33  }
0x1f1: {  	s20 =	sor.u32 s20, s19;
	v45 =	vld.idx.msk [tilespmem:v45+s18+$0x0], $0xffff;
	vm15 =	vlt.s32 v30, $0x40;
	v60 =	vcvt.f32.s32 v52;
	v29 =	vadd.s32 v29, v55  }
0x1f2: {  	v26 =	vld [tilespmem:s20+$0x490];
	v30 =	vnsel vm15, $0x40, v30;
	vm7 =	vmneg vm14;
	vm3 =	vlt.s32 v29, $0x40  }
0x1f3: {  	v48 =	vld.idx.msk [tilespmem:v39+s5+$0x0], $0xffff;
	v53 =	vsel vm7, $0x1, v13;
	v29 =	vnsel vm3, $0x40, v29;
	vm3 =	vge.f32 v50, v40  }
0x1f4: {  	v61 =	vld.idx.msk [tilespmem:v31+s18+$0x0], $0xffff;
	v32 =	vmul.f32 v57, v32;
	v62 =	vadd.s32 v60, v53;
	v54 =	vsel vm3, $0xFFFFFFFF, v13  }
0x1f5: {  	v52 =	vld.idx.msk [tilespmem:v43+s5+$0x0], $0xffff;
	vm14 =	vge.f32 v47, v18;
	vm11 =	vlt.s32 v62, $0x40;
	v46 =	vadd.s32 v54, v46  }
0x1f6: {  	s25 =	simm.s32 $0x170;
	s21 =	simm.s32 $0x5C0;
	v53 =	vld.idx.msk [tilespmem:v44+s15+$0x0], $0xffff;
	v55 =	vadd.s32 $0x41, v29;
	v49 =	vnsel vm11, $0x40, v62;
	v29 =	vsub.s32 $0x40, v29  }
0x1f7: {  	s0 =	sand.u32 $0x70, s25;
	s22 =	sand.u32 $0x7E00, s21;
	v44 =	vld.idx.msk [tilespmem:v44+s18+$0x0], $0xffff;
	vm3 =	vgt.f32 v23, $0.0e+00;
	v62 =	vsel vm14, $0xFFFFFFFF, v13;
	v54 =	vadd.s32 $0x41, v30  }
0x1f8: {  	s10 =	sor.u32 s22, s0;
	v50 =	vld.idx.msk [tilespmem:v31+s15+$0x0], $0xffff;
	v30 =	vsub.s32 $0x40, v30;
	v29 =	vsel vm1, v55, v29;
	v31 =	vsel vm3, v58, v34  }
0x1f9: {  	vm1 =	vge.f32 v35, v14;
	vm3 =	vge.f32 v48, v17;
	v58 =	vsel vm0, $0xFFFFFFFF, v13;
	v35 =	vld [tilespmem:s10+$0x480]  }
0x1fa: {  	s16 =	simm.s32 $0x150;
	s30 =	simm.s32 $0x140;
	s25 =	simm.s32 $0x540;
	v60 =	vadd.s32 $0x41, v49;
	v47 =	vadd.s32 v58, v24;
	v24 =	vsel vm3, $0xFFFFFFFF, v13;
	v63 =	vld.idx.msk [tilespmem:v46+s15+$0x0], $0xffff  }
0x1fb: {  	s16 =	sand.u32 $0x70, s16;
	s22 =	simm.s32 $0x500;
	s19 =	sand.u32 $0x7E00, s25;
	v49 =	vsub.s32 $0x40, v49;
	v34 =	vsel vm12, v59, v33;
	v58 =	vadd.s32 v24, v39;
	v24 =	vld [tilespmem:s20+$0x480]  }
0x1fc: {  	s3 =	sand.u32 $0x60, s30;
	s22 =	sand.u32 $0x7E00, s22;
	s25 =	sor.u32 s19, s16;
	v30 =	vsel vm2, v54, v30;
	v33 =	vsel vm13, v60, v49;
	vm2 =	vge.f32 v52, v16;
	v46 =	vld.idx.msk [tilespmem:v46+s18+$0x0], $0xffff  }
0x1fd: {  	s22 =	sor.u32 s22, s3;
	v59 =	vsel vm1, $0xFFFFFFFF, v13;
	v60 =	vsel vm2, $0xFFFFFFFF, v13;
	v54 =	vmul.f32 v53, v25;
	v25 =	vld [tilespmem:s25+$0x480]  }
0x1fe: {  	s30 =	simm.s32 $0x580;
	s0 =	simm.s32 $0x160;
	v48 =	vadd.s32 v59, v41;
	v49 =	vadd.s32 v60, v43;
	v60 =	vmul.f32 v50, v27;
	v27 =	vld [tilespmem:s22+$0x480]  }
0x1ff: {  	s0 =	sand.u32 $0x60, s0;
	s3 =	sand.u32 $0x7E00, s30;
	v59 =	vadd.s32 v62, v38;
	v62 =	vmul.f32 v56, v28;
	v63 =	vmul.f32 v63, v40  }
0x200: {  	s3 =	sor.u32 s3, s0;
	vm2 =	vgt.f32 v26, $0.0e+00;
	v51 =	vadd.f32 v44, v54;
	v55 =	vld.idx.msk [tilespmem:v29+s5+$0x0], $0xffff;
	v53 =	vadd.f32 v61, v60  }
0x201: {  	v28 =	vld [tilespmem:s3+$0x480];
	v60 =	vadd.f32 v45, v62;
	v46 =	vadd.f32 v46, v63;
	v63 =	vand.u32 $0x7FFFFFFF, v35  }
0x202: {  	v54 =	vand.u32 $0x7FFFFFFF, v24;
	vm1 =	vgt.f32 v24, $0.0e+00;
	v50 =	vmul.f32 $9.846153850e-01, v63  }
0x203: {  	v57 =	vand.u32 $0x7FFFFFFF, v25;
	v39 =	vmul.f32 $9.846153850e-01, v54;
	v56 =	vand.u32 $0x7FFFFFFF, v27  }
0x204: {  	v43 =	vmul.f32 $9.846153850e-01, v57;
	v41 =	vmul.f32 $9.846153850e-01, v56;
	v38 =	vadd.f32 $-1.538461540e-02, v50  }
0x205: {  	vm0 =	vge.f32 v55, v20;
	v55 =	vand.u32 $0x7FFFFFFF, v26;
	v39 =	vadd.f32 $-1.538461540e-02, v39  }
0x206: {  	v62 =	vand.u32 $0x7FFFFFFF, v28;
	v40 =	vmul.f32 $9.846153850e-01, v55;
	v61 =	vtrunc.f32 v38  }
0x207: {  	v41 =	vadd.f32 $-1.538461540e-02, v41;
	v52 =	vtrunc.f32 v39;
	vm3 =	vlt.f32 v38, v61  }
0x208: {  	v63 =	vmul.f32 $9.846153850e-01, v62;
	v44 =	vcvt.f32.s32 v61;
	vm3 =	vmneg vm3  }
0x209: {  	v40 =	vadd.f32 $-1.538461540e-02, v40;
	v55 =	vtrunc.f32 v41;
	v56 =	vsel vm3, $0x1, v13  }
0x20a: {  	vm9 =	vlt.f32 v41, v55;
	v50 =	vadd.f32 $-1.538461540e-02, v43;
	v57 =	vadd.s32 v44, v56  }
0x20b: {  	v54 =	vtrunc.f32 v40;
	vm5 =	vmneg vm9;
	vm3 =	vlt.s32 v57, $0x40  }
0x20c: {  	vm15 =	vlt.f32 v40, v54;
	v40 =	vcvt.f32.s32 v54;
	v43 =	vnsel vm3, $0x40, v57  }
0x20d: {  	v37 =	vld.idx.msk [tilespmem:v37+s18+$0x0], $0xffff;
	vm3 =	vgt.f32 v35, $0.0e+00;
	v61 =	vadd.s32 $0x41, v43;
	v43 =	vsub.s32 $0x40, v43  }
0x20e: {  	v45 =	vld.idx.msk [tilespmem:v34+s5+$0x0], $0xffff;
	v38 =	vadd.f32 $-1.538461540e-02, v63;
	v56 =	vtrunc.f32 v50;
	v61 =	vsel vm3, v61, v43  }
0x20f: {  	[tilespmem:s11+$0x8480] =	vst v42;
	v42 =	vld.idx.msk [tilespmem:v59+s15+$0x0], $0xffff;
	v62 =	vsel vm5, $0x1, v13;
	vm4 =	vmneg vm15;
	vm10 =	vlt.f32 v50, v56  }
0x210: {  	[tilespmem:s23+$0x8480] =	vst v46;
	v46 =	vld.idx.msk [tilespmem:v47+s18+$0x0], $0xffff;
	v54 =	vcvt.f32.s32 v56;
	v56 =	vsel vm4, $0x1, v13;
	v57 =	vtrunc.f32 v38  }
0x211: {  	v44 =	vld.idx.msk [tilespmem:v31+s5+$0x0], $0xffff;
	vm6 =	vmneg vm10;
	v56 =	vadd.s32 v40, v56;
	vm11 =	vlt.f32 v38, v57  }
0x212: {  	v50 =	vld.idx.msk [tilespmem:v33+s5+$0x0], $0xffff;
	v38 =	vcvt.f32.s32 v52;
	vm3 =	vlt.f32 v39, v52;
	v52 =	vcvt.f32.s32 v55  }
0x213: {  	vm12 =	vlt.s32 v56, $0x40;
	vm7 =	vmneg vm11;
	vm3 =	vmneg vm3;
	v55 =	vld.idx.msk [tilespmem:v61+s5+$0x0], $0xffff  }
0x214: {  	v40 =	vld.idx.msk [tilespmem:v49+s15+$0x0], $0xffff;
	v41 =	vsel vm3, $0x1, v13;
	v52 =	vadd.s32 v52, v62;
	v62 =	vsel vm7, $0x1, v13  }
0x215: {  	v43 =	vld.idx.msk [tilespmem:v30+s5+$0x0], $0xffff;
	v63 =	vadd.s32 v38, v41;
	v41 =	vcvt.f32.s32 v57;
	v57 =	vsel vm6, $0x1, v13  }
0x216: {  	[tilespmem:s13+$0x8480] =	vst v36;
	v39 =	vld.idx.msk [tilespmem:v47+s15+$0x0], $0xffff;
	vm13 =	vlt.s32 v52, $0x40;
	v54 =	vadd.s32 v54, v57;
	vm3 =	vlt.s32 v63, $0x40  }
0x217: {  	[tilespmem:s14+$0x8480] =	vst v0;
	v47 =	vld.idx.msk [tilespmem:v49+s18+$0x0], $0xffff;
	v0 =	vnsel vm13, $0x40, v52;
	v36 =	vadd.s32 v41, v62;
	v57 =	vnsel vm3, $0x40, v63  }
0x218: {  	v49 =	vld.idx.msk [tilespmem:v58+s18+$0x0], $0xffff;
	vm3 =	vlt.s32 v54, $0x40;
	v62 =	vnsel vm12, $0x40, v56;
	vm15 =	vge.f32 v55, v35  }
0x219: {  	[tilespmem:s1+$0x8480] =	vst v60;
	v38 =	vld.idx.msk [tilespmem:v48+s15+$0x0], $0xffff;
	v60 =	vsub.s32 $0x40, v0;
	vm14 =	vlt.s32 v36, $0x40;
	v63 =	vsel vm15, $0xFFFFFFFF, v13  }
0x21a: {  	[tilespmem:s14+$0x8490] =	vst v51;
	v48 =	vld.idx.msk [tilespmem:v48+s18+$0x0], $0xffff;
	v52 =	vadd.s32 $0x41, v57;
	v57 =	vsub.s32 $0x40, v57;
	v51 =	vadd.s32 v63, v61  }
0x21b: {  	v41 =	vld.idx.msk [tilespmem:v58+s15+$0x0], $0xffff;
	v58 =	vsub.s32 $0x40, v62;
	v56 =	vnsel vm14, $0x40, v36;
	v55 =	vnsel vm3, $0x40, v54  }
0x21c: {  	[tilespmem:s28+$0x8480] =	vst v53;
	v36 =	vld.idx.msk [tilespmem:v59+s18+$0x0], $0xffff;
	v59 =	vadd.s32 $0x41, v0;
	v54 =	vadd.s32 $0x41, v62;
	v53 =	vadd.s32 $0x41, v55  }
.LBB2_7:
0x21d: {  	v0 =	vsub.s32 $0x40, v55;
	v55 =	vadd.s32 $0x41, v56;
	v56 =	vsub.s32 $0x40, v56;
	s0 =	smov.u32 s24;
	s24 =	sadd.s32 $0x60, s24  }
0x21e: {  	vm3 =	vgt.f32 v27, $0.0e+00;
	vm4 =	vgt.f32 v25, $0.0e+00;
	vm5 =	vgt.f32 v28, $0.0e+00;
	s1 =	sadd.s32 $0x80, s0;
	s11 =	sadd.s32 $0x90, s0;
	s13 =	sadd.s32 $0xA0, s0  }
0x21f: {  	v52 =	vsel vm1, v52, v57;
	v57 =	vsel vm2, v54, v58;
	s14 =	sand.u32 $0x60, s24;
	v58 =	vsel vm3, v59, v60;
	s1 =	sand.u32 $0x60, s1;
	s16 =	sand.u32 $0x70, s11;
	v59 =	vld.idx.msk [tilespmem:v51+s15+$0x0], $0xffff  }
0x220: {  	s21 =	sadd.s32 $0x180, s21;
	vm1 =	vge.f32 v43, v19;
	s0 =	sadd.s32 $0xB0, s0;
	v0 =	vsel vm4, v53, v0;
	v55 =	vsel vm5, v55, v56;
	s19 =	sand.u32 $0x60, s13  }
0x221: {  	vm2 =	vge.f32 v44, v23;
	vm3 =	vge.f32 v45, v22;
	vm4 =	vge.f32 v50, v21;
	s11 =	sadd.s32 $0xFFFFFEC0, s21;
	s0 =	sand.u32 $0x70, s0;
	s13 =	sand.u32 $0x7E00, s21;
	v43 =	vld.idx.msk [tilespmem:v51+s18+$0x0], $0xffff  }
0x222: {  	v44 =	vsel vm0, $0xFFFFFFFF, v13;
	s23 =	sadd.s32 $0xFFFFFF40, s21;
	s28 =	sadd.s32 $0xFFFFFF80, s21;
	v45 =	vsel vm1, $0xFFFFFFFF, v13;
	v50 =	vsel vm2, $0xFFFFFFFF, v13;
	s0 =	sor.u32 s13, s0  }
0x223: {  	s30 =	sadd.s32 $0xFFFFFFC0, s21;
	v53 =	vadd.s32 v44, v29;
	v29 =	vmovc v52;
	s23 =	sand.u32 $0x7E00, s23;
	v44 =	vsel vm3, $0xFFFFFFFF, v13;
	v60 =	vsel vm4, $0xFFFFFFFF, v13;
	s11 =	sand.u32 $0x3E00, s11;
	v56 =	vld [tilespmem:s0+$0x480]  }
0x224: {  	v62 =	vadd.s32 v45, v30;
	v54 =	vadd.s32 v50, v31;
	s13 =	sor.u32 s14, s11;
	s14 =	sand.u32 $0x7E00, s28;
	s28 =	sand.u32 $0x7E00, s30;
	v51 =	vadd.s32 v44, v34;
	v61 =	vld.idx.msk [tilespmem:v52+s5+$0x0], $0xffff  }
0x225: {  	v15 =	vmul.f32 v39, v15;
	v30 =	vmovc v57;
	s11 =	sor.u32 s23, s1;
	s1 =	sor.u32 s14, s16;
	s14 =	sor.u32 s28, s19;
	v44 =	vmul.f32 v59, v35;
	v52 =	vadd.s32 v60, v33;
	v45 =	vld [tilespmem:s13+$0x480]  }
0x226: {  	v14 =	vmul.f32 v38, v14;
	v16 =	vmul.f32 v40, v16;
	v38 =	vadd.f32 v37, v32;
	p1 =	slt.u32 s24, $0xF60;
	v31 =	vmovc v58;
	v39 =	vld [tilespmem:s13+$0x490]  }
0x227: {  	v17 =	vmul.f32 v41, v17;
	v32 =	vmul.f32 v42, v18;
	v34 =	vmovc v0;
	v40 =	vadd.f32 v43, v44;
	v37 =	vld [tilespmem:s11+$0x480]  }
0x228: {  	v41 =	vadd.f32 v46, v15;
	v14 =	vadd.f32 v48, v14;
	v33 =	vmovc v55;
	v0 =	vld [tilespmem:s1+$0x480];
	v18 =	vand.u32 $0x7FFFFFFF, v56;
	[tilespmem:s4+$0x8480] =	vst v38;
	s4 =	smov.u32 s7  }
0x229: {  	v16 =	vadd.f32 v47, v16;
	v17 =	vadd.f32 v49, v17;
	v35 =	vmovc v56;
	v46 =	vld [tilespmem:s14+$0x480];
	v18 =	vmul.f32 $9.846153850e-01, v18;
	[tilespmem:s10+$0x8480] =	vst v40;
	s10 =	smov.u32 s0  }
0x22a: {  	v15 =	vmovc v20;
	s7 =	smov.u32 s26;
	s26 =	smov.u32 s3;
	s3 =	smov.u32 s14;
	vm0 =	vge.f32 v61, v24;
	v38 =	vand.u32 $0x7FFFFFFF, v45;
	vm1 =	vgt.f32 v45, $0.0e+00;
	v43 =	vld.idx.msk [tilespmem:v57+s5+$0x0], $0xffff;
	[tilespmem:s2+$0x8480] =	vst v41  }
0x22b: {  	v20 =	vmovc v24;
	v24 =	vmovc v45;
	v40 =	vmul.f32 $9.846153850e-01, v38;
	v38 =	vand.u32 $0x7FFFFFFF, v39;
	v18 =	vadd.f32 $-1.538461540e-02, v18;
	v44 =	vld.idx.msk [tilespmem:v58+s5+$0x0], $0xffff  }
0x22c: {  	vm2 =	vgt.f32 v39, $0.0e+00;
	v41 =	vmul.f32 $9.846153850e-01, v38;
	v38 =	vand.u32 $0x7FFFFFFF, v37;
	v45 =	vld.idx.msk [tilespmem:v34+s5+$0x0], $0xffff;
	[tilespmem:s2+$0x8490] =	vst v14;
	v14 =	vmovc v19;
	v19 =	vmovc v26;
	s2 =	smov.u32 s8;
	s8 =	smov.u32 s20;
	s20 =	smov.u32 s13  }
0x22d: {  	v26 =	vmovc v39;
	v42 =	vmul.f32 $9.846153850e-01, v38;
	v38 =	vand.u32 $0x7FFFFFFF, v0;
	v47 =	vtrunc.f32 v18;
	v50 =	vld.idx.msk [tilespmem:v55+s5+$0x0], $0xffff;
	[tilespmem:s17+$0x8480] =	vst v16;
	v16 =	vmovc v23;
	s17 =	smov.u32 s12;
	s12 =	smov.u32 s22;
	s22 =	smov.u32 s11  }
0x22e: {  	v23 =	vmovc v27;
	v48 =	vmul.f32 $9.846153850e-01, v38;
	v38 =	vand.u32 $0x7FFFFFFF, v46;
	vm3 =	vlt.f32 v18, v47;
	v39 =	vld.idx.msk [tilespmem:v53+s15+$0x0], $0xffff;
	[tilespmem:s6+$0x8480] =	vst v17;
	s6 =	smov.u32 s9;
	s9 =	smov.u32 s25;
	s25 =	smov.u32 s1  }
0x22f: {  	v27 =	vmovc v37;
	v58 =	vcvt.f32.s32 v47;
	v17 =	vmovc v22;
	v49 =	vmul.f32 $9.846153850e-01, v38;
	vm3 =	vmneg vm3;
	v38 =	vld.idx.msk [tilespmem:v62+s15+$0x0], $0xffff  }
0x230: {  	v55 =	vadd.f32 $-1.538461540e-02, v40;
	v56 =	vadd.f32 $-1.538461540e-02, v41;
	v22 =	vmovc v25;
	v25 =	vmovc v0;
	v60 =	vsel vm3, $0x1, v13;
	v40 =	vld.idx.msk [tilespmem:v54+s15+$0x0], $0xffff  }
0x231: {  	v0 =	vadd.f32 $-1.538461540e-02, v42;
	v18 =	vmovc v21;
	v21 =	vmovc v28;
	v57 =	vadd.f32 $-1.538461540e-02, v48;
	v47 =	vadd.s32 v58, v60;
	v41 =	vld.idx.msk [tilespmem:v51+s15+$0x0], $0xffff  }
0x232: {  	v37 =	vmovc v36;
	v28 =	vmovc v46;
	v58 =	vtrunc.f32 v55;
	v59 =	vadd.f32 $-1.538461540e-02, v49;
	vm3 =	vlt.s32 v47, $0x40;
	v42 =	vld.idx.msk [tilespmem:v52+s15+$0x0], $0xffff  }
0x233: {  	v60 =	vtrunc.f32 v56;
	v61 =	vtrunc.f32 v0;
	v36 =	vnsel vm3, $0x40, v47;
	v46 =	vld.idx.msk [tilespmem:v53+s18+$0x0], $0xffff  }
0x234: {  	vm3 =	vgt.f32 v35, $0.0e+00;
	v47 =	vadd.s32 $0x41, v36;
	v36 =	vsub.s32 $0x40, v36;
	v48 =	vld.idx.msk [tilespmem:v62+s18+$0x0], $0xffff  }
0x235: {  	v53 =	vtrunc.f32 v57;
	v62 =	vtrunc.f32 v59;
	v63 =	vsel vm3, v47, v36;
	v47 =	vld.idx.msk [tilespmem:v54+s18+$0x0], $0xffff  }
0x236: {  	vm4 =	vlt.f32 v56, v60;
	vm5 =	vlt.f32 v0, v61;
	vm3 =	vlt.f32 v55, v58;
	v49 =	vld.idx.msk [tilespmem:v51+s18+$0x0], $0xffff  }
0x237: {  	vm6 =	vlt.f32 v57, v53;
	vm7 =	vlt.f32 v59, v62;
	vm3 =	vmneg vm3;
	v36 =	vld.idx.msk [tilespmem:v52+s18+$0x0], $0xffff  }
0x238: {  	vm4 =	vmneg vm4;
	vm5 =	vmneg vm5;
	vm6 =	vmneg vm6  }
0x239: {  	v0 =	vcvt.f32.s32 v58;
	v51 =	vcvt.f32.s32 v60;
	vm7 =	vmneg vm7  }
0x23a: {  	v53 =	vcvt.f32.s32 v53;
	v54 =	vcvt.f32.s32 v61;
	v52 =	vsel vm3, $0x1, v13;
	v55 =	vld.idx.msk [tilespmem:v63+s5+$0x0], $0xffff  }
0x23b: {  	v56 =	vsel vm4, $0x1, v13;
	v57 =	vsel vm5, $0x1, v13;
	v58 =	vcvt.f32.s32 v62  }
0x23c: {  	v59 =	vsel vm7, $0x1, v13;
	v0 =	vadd.s32 v0, v52;
	v52 =	vsel vm6, $0x1, v13  }
0x23d: {  	v54 =	vadd.s32 v54, v57;
	v51 =	vadd.s32 v51, v56;
	v52 =	vadd.s32 v53, v52  }
0x23e: {  	vm3 =	vlt.s32 v0, $0x40;
	vm4 =	vlt.s32 v51, $0x40;
	v53 =	vadd.s32 v58, v59  }
0x23f: {  	vm5 =	vlt.s32 v54, $0x40;
	vm6 =	vlt.s32 v52, $0x40;
	vm7 =	vlt.s32 v53, $0x40  }
.Ltmp2:
0x240: {  	v0 =	vnsel vm3, $0x40, v0;
	v58 =	vnsel vm4, $0x40, v51;
	vm3 =	vge.f32 v55, v35;
	(pc) =	sbr.rel @p1 .LBB2_7-.Ltmp2, $4  }
0x241: {  	v60 =	vnsel vm5, $0x40, v54;
	v55 =	vnsel vm6, $0x40, v52;
	v51 =	vsel vm3, $0xFFFFFFFF, v13  }
0x242: {  	v56 =	vnsel vm7, $0x40, v53;
	v52 =	vadd.s32 $0x41, v0;
	v51 =	vadd.s32 v51, v63  }
0x243: {  	v57 =	vsub.s32 $0x40, v0;
	v54 =	vadd.s32 $0x41, v58;
	v58 =	vsub.s32 $0x40, v58  }
0x244: {  	v59 =	vadd.s32 $0x41, v60;
	v60 =	vsub.s32 $0x40, v60;
	v53 =	vadd.s32 $0x41, v55  }
0x245: {  	_ = 	snop  }
0x246: {  	v0 =	vsel vm1, v52, v57  }
0x247: {  	v61 =	vsub.s32 $0x40, v55;
	vm4 =	vgt.f32 v27, $0.0e+00;
	v54 =	vsel vm2, v54, v58  }
0x248: {  	v62 =	vadd.s32 $0x41, v56;
	vm5 =	vgt.f32 v25, $0.0e+00;
	v57 =	vsel vm4, v59, v60  }
0x249: {  	v63 =	vsub.s32 $0x40, v56;
	vm6 =	vgt.f32 v28, $0.0e+00;
	v58 =	vld.idx.msk [tilespmem:v51+s15+$0x0], $0xffff;
	v52 =	vsel vm5, v53, v61  }
0x24a: {  	vm7 =	vge.f32 v43, v19;
	v43 =	vld.idx.msk [tilespmem:v51+s18+$0x0], $0xffff;
	v53 =	vsel vm6, v62, v63;
	v59 =	vsel vm0, $0xFFFFFFFF, v13  }
0x24b: {  	vm8 =	vge.f32 v44, v23;
	v60 =	vsel vm7, $0xFFFFFFFF, v13;
	v29 =	vadd.s32 v59, v29;
	v51 =	vld.idx.msk [tilespmem:v0+s5+$0x0], $0xffff  }
0x24c: {  	vm10 =	vge.f32 v50, v21;
	v61 =	vsel vm8, $0xFFFFFFFF, v13;
	v30 =	vadd.s32 v60, v30;
	v44 =	vld.idx.msk [tilespmem:v54+s5+$0x0], $0xffff  }
0x24d: {  	vm9 =	vge.f32 v45, v22;
	v63 =	vsel vm10, $0xFFFFFFFF, v13;
	v31 =	vadd.s32 v61, v31;
	v45 =	vld.idx.msk [tilespmem:v57+s5+$0x0], $0xffff  }
0x24e: {  	v33 =	vadd.s32 v63, v33;
	v50 =	vld.idx.msk [tilespmem:v52+s5+$0x0], $0xffff  }
0x24f: {  	v55 =	vld.idx.msk [tilespmem:v53+s5+$0x0], $0xffff  }
0x250: {  	v56 =	vld.idx.msk [tilespmem:v29+s15+$0x0], $0xffff  }
0x251: {  	v59 =	vld.idx.msk [tilespmem:v30+s15+$0x0], $0xffff  }
0x252: {  	v62 =	vsel vm9, $0xFFFFFFFF, v13;
	v60 =	vld.idx.msk [tilespmem:v31+s15+$0x0], $0xffff  }
0x253: {  	v15 =	vmul.f32 v39, v15;
	v34 =	vadd.s32 v62, v34;
	v39 =	vld.idx.msk [tilespmem:v33+s15+$0x0], $0xffff;
	vm11 =	vge.f32 v51, v24  }
0x254: {  	v35 =	vmul.f32 v58, v35;
	v29 =	vld.idx.msk [tilespmem:v29+s18+$0x0], $0xffff;
	vm12 =	vge.f32 v44, v26;
	v58 =	vsel vm11, $0xFFFFFFFF, v13  }
0x255: {  	v14 =	vmul.f32 v38, v14;
	v30 =	vld.idx.msk [tilespmem:v30+s18+$0x0], $0xffff;
	v61 =	vsel vm12, $0xFFFFFFFF, v13;
	v0 =	vadd.s32 v58, v0  }
0x256: {  	v16 =	vmul.f32 v40, v16;
	v31 =	vld.idx.msk [tilespmem:v31+s18+$0x0], $0xffff;
	vm13 =	vge.f32 v45, v27;
	v45 =	vadd.s32 v61, v54  }
0x257: {  	v32 =	vadd.f32 v37, v32;
	v17 =	vmul.f32 v41, v17;
	v18 =	vmul.f32 v42, v18;
	v33 =	vld.idx.msk [tilespmem:v33+s18+$0x0], $0xffff  }
0x258: {  	v15 =	vadd.f32 v46, v15;
	v51 =	vld.idx.msk [tilespmem:v34+s15+$0x0], $0xffff;
	vm14 =	vge.f32 v50, v25;
	v62 =	vsel vm13, $0xFFFFFFFF, v13  }
0x259: {  	v34 =	vld.idx.msk [tilespmem:v34+s18+$0x0], $0xffff;
	vm15 =	vge.f32 v55, v28;
	v50 =	vsel vm14, $0xFFFFFFFF, v13;
	v44 =	vadd.s32 v62, v57  }
0x25a: {  	[tilespmem:s4+$0x8480] =	vst v32;
	v14 =	vadd.f32 v48, v14;
	v63 =	vsel vm15, $0xFFFFFFFF, v13;
	v50 =	vadd.s32 v50, v52;
	v46 =	vld.idx.msk [tilespmem:v0+s15+$0x0], $0xffff  }
0x25b: {  	v16 =	vadd.f32 v47, v16;
	[tilespmem:s2+$0x8480] =	vst v15;
	v37 =	vadd.s32 v63, v53;
	v52 =	vld.idx.msk [tilespmem:v45+s15+$0x0], $0xffff  }
0x25c: {  	v17 =	vadd.f32 v49, v17;
	[tilespmem:s2+$0x8490] =	vst v14;
	v0 =	vld.idx.msk [tilespmem:v0+s18+$0x0], $0xffff  }
0x25d: {  	v18 =	vadd.f32 v36, v18;
	[tilespmem:s17+$0x8480] =	vst v16;
	v14 =	vmul.f32 v56, v20;
	v58 =	vld.idx.msk [tilespmem:v45+s18+$0x0], $0xffff  }
0x25e: {  	[tilespmem:s6+$0x8480] =	vst v17;
	v35 =	vadd.f32 v43, v35;
	v54 =	vmul.f32 v59, v19;
	v15 =	vld.idx.msk [tilespmem:v44+s15+$0x0], $0xffff  }
0x25f: {  	[tilespmem:s7+$0x8480] =	vst v18;
	v56 =	vmul.f32 v60, v23;
	v14 =	vadd.f32 v29, v14;
	v53 =	vld.idx.msk [tilespmem:v50+s15+$0x0], $0xffff  }
0x260: {  	[tilespmem:s10+$0x8480] =	vst v35;
	v59 =	vmul.f32 v39, v21;
	v16 =	vadd.f32 v30, v54;
	v55 =	vld.idx.msk [tilespmem:v37+s15+$0x0], $0xffff  }
0x261: {  	v17 =	vadd.f32 v31, v56;
	v57 =	vmul.f32 v51, v22;
	[tilespmem:s8+$0x8480] =	vst v14;
	v14 =	vld.idx.msk [tilespmem:v44+s18+$0x0], $0xffff  }
0x262: {  	v21 =	vadd.f32 v33, v59;
	[tilespmem:s8+$0x8490] =	vst v16;
	v60 =	vld.idx.msk [tilespmem:v50+s18+$0x0], $0xffff;
	v61 =	vmul.f32 v46, v24  }
0x263: {  	[tilespmem:s12+$0x8480] =	vst v17;
	v22 =	vadd.f32 v34, v57;
	v62 =	vld.idx.msk [tilespmem:v37+s18+$0x0], $0xffff;
	v63 =	vmul.f32 v52, v26  }
0x264: {  	[tilespmem:s26+$0x8480] =	vst v21;
	v15 =	vmul.f32 v15, v27;
	v0 =	vadd.f32 v0, v61  }
0x265: {  	[tilespmem:s9+$0x8480] =	vst v22;
	v20 =	vmul.f32 v53, v25;
	v18 =	vadd.f32 v58, v63  }
0x266: {  	v19 =	vmul.f32 v55, v28;
	v14 =	vadd.f32 v14, v15;
	[tilespmem:s20+$0x8480] =	vst v0  }
0x267: {  	v0 =	vadd.f32 v60, v20;
	[tilespmem:s20+$0x8490] =	vst v18  }
0x268: {  	[tilespmem:s22+$0x8480] =	vst v14;
	v14 =	vadd.f32 v62, v19  }
0x269: {  	s1 =	simm.s32 $0x4C0;
	[tilespmem:s25+$0x8480] =	vst v0  }
0x26a: {  	s4 =	simm.s32 $0xFB0;
	s2 =	simm.s32 $0x84C0;
	s6 =	simm.s32 $0x3F00;
	[tilespmem:s3+$0x8480] =	vst v14  }
.LBB2_9:
0x26b: {  	s0 =	sand.u32 $0x3FFFFE00, s6  }
0x26c: {  	s3 =	sadd.s32 s0, s1  }
0x26d: {  	v0 =	vld [tilespmem:s3+$0x0];
	_ =	sdelay $0x4  }
0x26e: {  	v14 =	vand.u32 $0x7FFFFFFF, v0  }
0x26f: {  	v14 =	vmul.f32 $9.846153850e-01, v14;
	_ =	sdelay $0x1  }
0x270: {  	v14 =	vadd.f32 $-1.538461540e-02, v14;
	_ =	sdelay $0x1  }
0x271: {  	v15 =	vtrunc.f32 v14  }
0x272: {  	vm0 =	vlt.f32 v14, v15  }
0x273: {  	v14 =	vcvt.f32.s32 v15;
	vm0 =	vmneg vm0  }
0x274: {  	v15 =	vsel vm0, $0x1, v13  }
0x275: {  	v14 =	vadd.s32 v14, v15  }
0x276: {  	vm13 =	vlt.s32 v14, $0x40  }
0x277: {  	v14 =	vnsel vm13, $0x40, v14  }
0x278: {  	vm14 =	vgt.f32 v0, $0.0e+00;
	v15 =	vadd.s32 $0x41, v14;
	v14 =	vsub.s32 $0x40, v14  }
0x279: {  	v14 =	vsel vm14, v15, v14;
	_ =	sdelay $0x4  }
0x27a: {  	v15 =	vld.idx.msk [tilespmem:v14+s5+$0x0], $0xffff;
	_ =	sdelay $0x4  }
0x27b: {  	vm15 =	vge.f32 v15, v0  }
0x27c: {  	v15 =	vsel vm15, $0xFFFFFFFF, v13  }
0x27d: {  	v14 =	vadd.s32 v15, v14;
	_ =	sdelay $0x4  }
0x27e: {  	v15 =	vld.idx.msk [tilespmem:v14+s15+$0x0], $0xffff;
	_ =	sdelay $0x1  }
0x27f: {  	v14 =	vld.idx.msk [tilespmem:v14+s18+$0x0], $0xffff  }
0x280: {  	s4 =	sadd.s32 $0x10, s4  }
0x281: {  	p1 =	slt.u32 s4, $0xFF0  }
.Ltmp3:
0x282: {  	v0 =	vmul.f32 v15, v0;
	(pc) =	sbr.rel @p1 .LBB2_9-.Ltmp3, $4  }
0x283: {  	_ = 	snop  }
0x284: {  	v0 =	vadd.f32 v14, v0  }
0x285: {  	s6 =	sadd.s32 $0x40, s6;
	s0 =	sadd.s32 s0, s2  }
0x286: {  	s1 =	sadd.s32 $0x10, s1;
	s2 =	sadd.s32 $0x10, s2;
	s3 =	simm.s32 $0x140;
	[tilespmem:s0+$0x0] =	vst v0  }
0x287: {  	s0 =	simm.s32 $0x50  }
0x288: {  	s1 =	sand.u32 $0x7E00, s3;
	s0 =	sand.u32 $0x70, s0  }
0x289: {  	s13 =	sor.u32 s1, s0  }
0x28a: {  	v16 =	vld [tilespmem:s13+$0x500]  }
0x28b: {  	s2 =	simm.s32 $0x20;
	s28 =	simm.s32 $0x80  }
0x28c: {  	s2 =	sand.u32 $0x60, s2;
	s3 =	sand.u32 $0x7E00, s28  }
0x28d: {  	s25 =	simm.s32 $0x0;
	s26 =	simm.s32 $0x0;
	s28 =	sor.u32 s3, s2  }
0x28e: {  	s30 =	simm.s32 $0x30;
	s6 =	simm.s32 $0x40;
	s4 =	simm.s32 $0xC0;
	v27 =	vld [tilespmem:s28+$0x500]  }
0x28f: {  	s7 =	simm.s32 $0x100;
	s0 =	sand.u32 $0x60, s25;
	s1 =	sand.u32 $0x3E00, s26;
	v0 =	vand.u32 $0x7FFFFFFF, v16  }
0x290: {  	s9 =	sand.u32 $0x7E00, s7;
	s3 =	sand.u32 $0x60, s6;
	s14 =	sor.u32 s0, s1;
	v0 =	vmul.f32 $9.846153850e-01, v0  }
0x291: {  	s8 =	sand.u32 $0x7E00, s4;
	s0 =	sand.u32 $0x70, s30;
	s4 =	sor.u32 s9, s3;
	v26 =	vld [tilespmem:s14+$0x500]  }
0x292: {  	s1 =	sor.u32 s8, s0;
	v32 =	vld [tilespmem:s4+$0x500];
	v0 =	vadd.f32 $-1.538461540e-02, v0  }
0x293: {  	v28 =	vld [tilespmem:s1+$0x500];
	v17 =	vand.u32 $0x7FFFFFFF, v27  }
0x294: {  	v25 =	vld [tilespmem:s14+$0x510];
	v17 =	vmul.f32 $9.846153850e-01, v17;
	v14 =	vtrunc.f32 v0  }
0x295: {  	vm0 =	vlt.f32 v0, v14  }
0x296: {  	v17 =	vadd.f32 $-1.538461540e-02, v17;
	v0 =	vcvt.f32.s32 v14;
	vm0 =	vmneg vm0  }
0x297: {  	v20 =	vand.u32 $0x7FFFFFFF, v32;
	vm1 =	vgt.f32 v26, $0.0e+00;
	v15 =	vsel vm0, $0x1, v13  }
0x298: {  	v19 =	vand.u32 $0x7FFFFFFF, v28;
	v22 =	vtrunc.f32 v17;
	v0 =	vadd.s32 v0, v15  }
0x299: {  	v14 =	vand.u32 $0x7FFFFFFF, v26;
	v15 =	vand.u32 $0x7FFFFFFF, v25;
	vm0 =	vlt.s32 v0, $0x40  }
0x29a: {  	v14 =	vmul.f32 $9.846153850e-01, v14;
	v15 =	vmul.f32 $9.846153850e-01, v15;
	v0 =	vnsel vm0, $0x40, v0  }
0x29b: {  	vm0 =	vgt.f32 v16, $0.0e+00;
	v18 =	vadd.s32 $0x41, v0;
	v0 =	vsub.s32 $0x40, v0  }
0x29c: {  	v14 =	vadd.f32 $-1.538461540e-02, v14;
	v15 =	vadd.f32 $-1.538461540e-02, v15;
	v0 =	vsel vm0, v18, v0  }
0x29d: {  	vm4 =	vlt.f32 v17, v22;
	v18 =	vmul.f32 $9.846153850e-01, v19;
	v19 =	vmul.f32 $9.846153850e-01, v20  }
0x29e: {  	vm4 =	vmneg vm4;
	v20 =	vtrunc.f32 v14;
	v21 =	vtrunc.f32 v15  }
0x29f: {  	vm2 =	vlt.f32 v14, v20;
	v18 =	vadd.f32 $-1.538461540e-02, v18;
	v19 =	vadd.f32 $-1.538461540e-02, v19  }
0x2a0: {  	vm3 =	vlt.f32 v15, v21;
	vm2 =	vmneg vm2;
	v15 =	vcvt.f32.s32 v20  }
0x2a1: {  	v17 =	vcvt.f32.s32 v21;
	v21 =	vsel vm4, $0x1, v13;
	v23 =	vtrunc.f32 v18;
	v14 =	vld.idx.msk [tilespmem:v0+s5+$0x0], $0xffff  }
0x2a2: {  	vm3 =	vmneg vm3;
	v24 =	vtrunc.f32 v19;
	vm5 =	vlt.f32 v18, v23  }
0x2a3: {  	vm6 =	vlt.f32 v19, v24;
	v18 =	vsel vm2, $0x1, v13;
	v19 =	vcvt.f32.s32 v22  }
0x2a4: {  	v20 =	vcvt.f32.s32 v23;
	v23 =	vcvt.f32.s32 v24;
	vm5 =	vmneg vm5  }
0x2a5: {  	vm6 =	vmneg vm6;
	v15 =	vadd.s32 v15, v18;
	v18 =	vsel vm5, $0x1, v13  }
0x2a6: {  	v18 =	vadd.s32 v20, v18;
	vm2 =	vge.f32 v14, v16;
	v14 =	vsel vm3, $0x1, v13  }
0x2a7: {  	vm15 =	vlt.s32 v18, $0x40;
	v22 =	vsel vm2, $0xFFFFFFFF, v13;
	v14 =	vadd.s32 v17, v14  }
0x2a8: {  	v17 =	vadd.s32 v19, v21;
	vm2 =	vlt.s32 v15, $0x40;
	v0 =	vadd.s32 v22, v0  }
0x2a9: {  	s10 =	simm.s32 $0xB0;
	s11 =	simm.s32 $0x2C0;
	s12 =	simm.s32 $0x60;
	v22 =	vsel vm6, $0x1, v13;
	vm3 =	vlt.s32 v14, $0x40;
	v15 =	vnsel vm2, $0x40, v15  }
0x2aa: {  	s2 =	sand.u32 $0x7E00, s11;
	s6 =	simm.s32 $0x180;
	s0 =	sand.u32 $0x70, s10;
	vm2 =	vlt.s32 v17, $0x40;
	v20 =	vadd.s32 v23, v22;
	v19 =	vadd.s32 $0x41, v15  }
0x2ab: {  	s16 =	sand.u32 $0x60, s12;
	s17 =	sand.u32 $0x3E00, s6;
	s11 =	sor.u32 s2, s0;
	v15 =	vsub.s32 $0x40, v15;
	v14 =	vnsel vm3, $0x40, v14;
	vm8 =	vlt.s32 v20, $0x40  }
0x2ac: {  	s2 =	sor.u32 s16, s17;
	v21 =	vld [tilespmem:s11+$0x500];
	v19 =	vsel vm1, v19, v15;
	v15 =	vnsel vm2, $0x40, v17;
	v17 =	vnsel vm15, $0x40, v18  }
0x2ad: {  	s20 =	simm.s32 $0x90;
	s8 =	simm.s32 $0x240;
	v22 =	vsub.s32 $0x40, v14;
	v24 =	vadd.s32 $0x41, v15;
	v29 =	vsub.s32 $0x40, v15;
	v15 =	vld [tilespmem:s2+$0x500]  }
0x2ae: {  	s6 =	sand.u32 $0x70, s20;
	s8 =	sand.u32 $0x7E00, s8;
	vm1 =	vgt.f32 v27, $0.0e+00;
	v18 =	vnsel vm8, $0x40, v20;
	v20 =	vadd.s32 $0x41, v14;
	v14 =	vld [tilespmem:s2+$0x510]  }
0x2af: {  	s6 =	sor.u32 s8, s6;
	vm2 =	vgt.f32 v28, $0.0e+00;
	v30 =	vadd.s32 $0x41, v17;
	v17 =	vsub.s32 $0x40, v17;
	v23 =	vld.idx.msk [tilespmem:v0+s15+$0x0], $0xffff  }
0x2b0: {  	v31 =	vsel vm1, v24, v29;
	v29 =	vsel vm2, v30, v17;
	v17 =	vld [tilespmem:s6+$0x500]  }
0x2b1: {  	s19 =	simm.s32 $0x80;
	s7 =	simm.s32 $0x200;
	v0 =	vld.idx.msk [tilespmem:v0+s18+$0x0], $0xffff  }
0x2b2: {  	s7 =	sand.u32 $0x7E00, s7;
	s3 =	sand.u32 $0x60, s19;
	vm0 =	vgt.f32 v25, $0.0e+00;
	vm3 =	vgt.f32 v32, $0.0e+00;
	v34 =	vld.idx.msk [tilespmem:v19+s5+$0x0], $0xffff  }
0x2b3: {  	s21 =	simm.s32 $0xA0;
	s9 =	simm.s32 $0x280;
	s17 =	sor.u32 s7, s3;
	v33 =	vadd.s32 $0x41, v18;
	v18 =	vsub.s32 $0x40, v18;
	v22 =	vsel vm0, v20, v22  }
0x2b4: {  	s22 =	sand.u32 $0x7E00, s9;
	s0 =	sand.u32 $0x60, s21;
	v30 =	vsel vm3, v33, v18;
	v20 =	vmul.f32 v23, v16;
	v16 =	vld [tilespmem:s17+$0x500];
	v23 =	vand.u32 $0x7FFFFFFF, v21  }
0x2b5: {  	s7 =	sor.u32 s22, s0;
	vm2 =	vgt.f32 v15, $0.0e+00;
	v60 =	vand.u32 $0x7FFFFFFF, v17;
	v23 =	vmul.f32 $9.846153850e-01, v23  }
0x2b6: {  	v18 =	vld [tilespmem:s7+$0x500];
	v36 =	vadd.f32 v0, v20;
	v0 =	vand.u32 $0x7FFFFFFF, v15;
	v20 =	vand.u32 $0x7FFFFFFF, v14  }
0x2b7: {  	vm0 =	vge.f32 v34, v26;
	v34 =	vmul.f32 $9.846153850e-01, v60;
	v23 =	vadd.f32 $-1.538461540e-02, v23  }
0x2b8: {  	vm1 =	vgt.f32 v14, $0.0e+00;
	v0 =	vmul.f32 $9.846153850e-01, v0;
	v20 =	vmul.f32 $9.846153850e-01, v20  }
0x2b9: {  	v34 =	vadd.f32 $-1.538461540e-02, v34;
	v24 =	vand.u32 $0x7FFFFFFF, v16;
	v59 =	vtrunc.f32 v23  }
0x2ba: {  	v0 =	vadd.f32 $-1.538461540e-02, v0;
	v20 =	vadd.f32 $-1.538461540e-02, v20;
	v24 =	vmul.f32 $9.846153850e-01, v24  }
0x2bb: {  	vm3 =	vlt.f32 v23, v59;
	v23 =	vand.u32 $0x7FFFFFFF, v18;
	v33 =	vcvt.f32.s32 v59  }
0x2bc: {  	v62 =	vtrunc.f32 v34;
	vm3 =	vmneg vm3;
	v23 =	vmul.f32 $9.846153850e-01, v23  }
0x2bd: {  	v61 =	vtrunc.f32 v0;
	v38 =	vtrunc.f32 v20;
	vm11 =	vlt.f32 v34, v62  }
0x2be: {  	v44 =	vcvt.f32.s32 v62;
	v35 =	vsel vm3, $0x1, v13;
	v24 =	vadd.f32 $-1.538461540e-02, v24  }
0x2bf: {  	vm9 =	vlt.f32 v20, v38;
	vm6 =	vmneg vm11;
	v20 =	vcvt.f32.s32 v38  }
0x2c0: {  	v33 =	vadd.s32 v33, v35;
	v23 =	vadd.f32 $-1.538461540e-02, v23;
	vm4 =	vmneg vm9  }
0x2c1: {  	vm9 =	vgt.f32 v18, $0.0e+00;
	vm3 =	vlt.s32 v33, $0x40;
	v39 =	vtrunc.f32 v24  }
0x2c2: {  	v45 =	vsel vm4, $0x1, v13;
	v33 =	vnsel vm3, $0x40, v33;
	vm3 =	vgt.f32 v21, $0.0e+00  }
0x2c3: {  	v40 =	vtrunc.f32 v23;
	vm10 =	vlt.f32 v24, v39;
	v63 =	vcvt.f32.s32 v39  }
0x2c4: {  	v20 =	vadd.s32 v20, v45;
	v37 =	vadd.s32 $0x41, v33;
	v33 =	vsub.s32 $0x40, v33  }
0x2c5: {  	vm7 =	vlt.f32 v23, v40;
	vm5 =	vmneg vm10;
	v47 =	vcvt.f32.s32 v40  }
0x2c6: {  	v50 =	vld.idx.msk [tilespmem:v22+s5+$0x0], $0xffff;
	vm12 =	vlt.s32 v20, $0x40;
	v33 =	vsel vm3, v37, v33;
	vm3 =	vlt.f32 v0, v61  }
0x2c7: {  	s23 =	simm.s32 $0x110;
	s24 =	simm.s32 $0x440;
	v0 =	vcvt.f32.s32 v61;
	vm7 =	vmneg vm7;
	v46 =	vsel vm5, $0x1, v13  }
0x2c8: {  	s3 =	sand.u32 $0x7E00, s24;
	s0 =	sand.u32 $0x70, s23;
	v20 =	vnsel vm12, $0x40, v20;
	vm3 =	vmneg vm3;
	v48 =	vsel vm7, $0x1, v13  }
0x2c9: {  	s23 =	sor.u32 s3, s0;
	v34 =	vadd.s32 v63, v46;
	v51 =	vadd.s32 $0x41, v20;
	v20 =	vsub.s32 $0x40, v20  }
0x2ca: {  	v40 =	vld [tilespmem:s23+$0x500];
	v23 =	vsel vm3, $0x1, v13;
	v49 =	vadd.s32 v47, v48;
	vm14 =	vlt.s32 v34, $0x40  }
0x2cb: {  	v41 =	vsel vm1, v51, v20;
	vm1 =	vge.f32 v50, v25;
	v0 =	vadd.s32 v0, v23  }
0x2cc: {  	v23 =	vsel vm6, $0x1, v13;
	vm8 =	vlt.s32 v49, $0x40;
	v34 =	vnsel vm14, $0x40, v34  }
0x2cd: {  	s25 =	simm.s32 $0xC0;
	s26 =	simm.s32 $0x300;
	v23 =	vadd.s32 v44, v23;
	vm3 =	vlt.s32 v0, $0x40;
	v35 =	vnsel vm8, $0x40, v49;
	v44 =	vld.idx.msk [tilespmem:v29+s5+$0x0], $0xffff  }
0x2ce: {  	s30 =	simm.s32 $0xE0;
	s19 =	simm.s32 $0xF0;
	s20 =	simm.s32 $0x3C0;
	v52 =	vadd.s32 $0x41, v34;
	v34 =	vsub.s32 $0x40, v34;
	v24 =	vld.idx.msk [tilespmem:v33+s5+$0x0], $0xffff;
	vm15 =	vlt.s32 v23, $0x40  }
0x2cf: {  	s12 =	sand.u32 $0x60, s25;
	s10 =	simm.s32 $0x380;
	s16 =	sand.u32 $0x3E00, s26;
	v58 =	vand.u32 $0x7FFFFFFF, v40;
	v0 =	vnsel vm3, $0x40, v0;
	v23 =	vnsel vm15, $0x40, v23  }
0x2d0: {  	s10 =	sand.u32 $0x7E00, s10;
	s8 =	sor.u32 s12, s16;
	s0 =	sand.u32 $0x60, s30;
	vm3 =	vgt.f32 v17, $0.0e+00;
	v53 =	vadd.s32 $0x41, v23;
	v23 =	vsub.s32 $0x40, v23  }
0x2d1: {  	s9 =	sand.u32 $0x70, s19;
	s3 =	sand.u32 $0x7E00, s20;
	s12 =	sor.u32 s10, s0;
	v20 =	vld [tilespmem:s8+$0x500];
	v45 =	vadd.s32 $0x41, v35;
	v39 =	vsel vm3, v53, v23;
	v23 =	vsel vm1, $0xFFFFFFFF, v13  }
0x2d2: {  	s9 =	sor.u32 s3, s9;
	v35 =	vsub.s32 $0x40, v35;
	vm3 =	vge.f32 v44, v28;
	v44 =	vadd.s32 v23, v22;
	v23 =	vld [tilespmem:s12+$0x500]  }
0x2d3: {  	v38 =	vsel vm9, v45, v35;
	v22 =	vld [tilespmem:s9+$0x500];
	vm13 =	vge.f32 v24, v21;
	v56 =	vsel vm3, $0xFFFFFFFF, v13  }
0x2d4: {  	v42 =	vld.idx.msk [tilespmem:v31+s5+$0x0], $0xffff;
	v24 =	vsel vm13, $0xFFFFFFFF, v13;
	v45 =	vadd.s32 v56, v29;
	v29 =	vmul.f32 $9.846153850e-01, v58  }
0x2d5: {  	v33 =	vadd.s32 v24, v33;
	v24 =	vadd.s32 $0x41, v0;
	v0 =	vsub.s32 $0x40, v0  }
0x2d6: {  	v24 =	vsel vm2, v24, v0;
	v0 =	vld.idx.msk [tilespmem:v30+s5+$0x0], $0xffff;
	vm2 =	vgt.f32 v16, $0.0e+00;
	v29 =	vadd.f32 $-1.538461540e-02, v29  }
0x2d7: {  	vm1 =	vgt.f32 v20, $0.0e+00;
	v43 =	vsel vm2, v52, v34;
	v60 =	vand.u32 $0x7FFFFFFF, v23  }
0x2d8: {  	v61 =	vand.u32 $0x7FFFFFFF, v22;
	v62 =	vtrunc.f32 v29;
	v34 =	vmul.f32 $9.846153850e-01, v60  }
0x2d9: {  	vm2 =	vge.f32 v42, v27;
	v35 =	vmul.f32 $9.846153850e-01, v61;
	vm3 =	vlt.f32 v29, v62  }
0x2da: {  	v55 =	vsel vm2, $0xFFFFFFFF, v13;
	vm3 =	vmneg vm3;
	v34 =	vadd.f32 $-1.538461540e-02, v34  }
0x2db: {  	v46 =	vld.idx.msk [tilespmem:v33+s15+$0x0], $0xffff;
	v35 =	vadd.f32 $-1.538461540e-02, v35;
	vm10 =	vge.f32 v0, v32;
	v0 =	vsel vm0, $0xFFFFFFFF, v13  }
0x2dc: {  	v31 =	vadd.s32 v55, v31;
	v33 =	vld.idx.msk [tilespmem:v33+s18+$0x0], $0xffff;
	v47 =	vsel vm3, $0x1, v13;
	v0 =	vadd.s32 v0, v19  }
0x2dd: {  	v54 =	vld.idx.msk [tilespmem:v24+s5+$0x0], $0xffff;
	v57 =	vsel vm10, $0xFFFFFFFF, v13;
	v49 =	vtrunc.f32 v34;
	v51 =	vtrunc.f32 v35  }
0x2de: {  	v19 =	vld [tilespmem:s8+$0x510];
	v37 =	vadd.s32 v57, v30;
	v30 =	vand.u32 $0x7FFFFFFF, v20;
	vm12 =	vlt.f32 v34, v49  }
0x2df: {  	vm13 =	vlt.f32 v35, v51;
	v56 =	vcvt.f32.s32 v49;
	v57 =	vcvt.f32.s32 v51  }
0x2e0: {  	v30 =	vmul.f32 $9.846153850e-01, v30;
	vm5 =	vmneg vm12;
	vm6 =	vmneg vm13  }
0x2e1: {  	s21 =	simm.s32 $0x100;
	s22 =	simm.s32 $0x400;
	vm12 =	vgt.f32 v22, $0.0e+00;
	v21 =	vmul.f32 v46, v21;
	v46 =	vcvt.f32.s32 v62  }
0x2e2: {  	s24 =	sand.u32 $0x7E00, s22;
	s0 =	sand.u32 $0x60, s21;
	v61 =	vsel vm6, $0x1, v13;
	vm0 =	vge.f32 v54, v15;
	v30 =	vadd.f32 $-1.538461540e-02, v30  }
0x2e3: {  	s26 =	sor.u32 s24, s0;
	v42 =	vadd.f32 v33, v21;
	v59 =	vand.u32 $0x7FFFFFFF, v19;
	v46 =	vadd.s32 v46, v47  }
0x2e4: {  	v21 =	vld [tilespmem:s26+$0x500];
	vm2 =	vgt.f32 v19, $0.0e+00;
	v33 =	vmul.f32 $9.846153850e-01, v59;
	vm3 =	vlt.s32 v46, $0x40  }
0x2e5: {  	v51 =	vld.idx.msk [tilespmem:v0+s15+$0x0], $0xffff;
	v63 =	vtrunc.f32 v30;
	v59 =	vsel vm5, $0x1, v13;
	v46 =	vnsel vm3, $0x40, v46  }
0x2e6: {  	vm3 =	vgt.f32 v40, $0.0e+00;
	v34 =	vadd.s32 v56, v59;
	v33 =	vadd.f32 $-1.538461540e-02, v33  }
0x2e7: {  	v50 =	vadd.s32 $0x41, v46;
	v46 =	vsub.s32 $0x40, v46;
	vm9 =	vlt.s32 v34, $0x40  }
0x2e8: {  	v0 =	vld.idx.msk [tilespmem:v0+s18+$0x0], $0xffff;
	v46 =	vsel vm3, v50, v46;
	vm3 =	vlt.f32 v30, v63;
	v34 =	vnsel vm9, $0x40, v34  }
0x2e9: {  	v29 =	vand.u32 $0x7FFFFFFF, v21;
	v48 =	vtrunc.f32 v33;
	vm3 =	vmneg vm3  }
0x2ea: {  	vm13 =	vgt.f32 v21, $0.0e+00;
	v51 =	vmul.f32 v51, v26;
	v29 =	vmul.f32 $9.846153850e-01, v29  }
0x2eb: {  	vm11 =	vlt.f32 v33, v48;
	v30 =	vcvt.f32.s32 v48;
	v55 =	vsel vm3, $0x1, v13  }
0x2ec: {  	v35 =	vld.idx.msk [tilespmem:v41+s5+$0x0], $0xffff;
	v33 =	vadd.s32 v57, v61;
	vm4 =	vmneg vm11;
	v29 =	vadd.f32 $-1.538461540e-02, v29  }
0x2ed: {  	v47 =	vld.idx.msk [tilespmem:v38+s5+$0x0], $0xffff;
	vm10 =	vlt.s32 v33, $0x40;
	v0 =	vadd.f32 v0, v51;
	v58 =	vsel vm4, $0x1, v13  }
0x2ee: {  	v33 =	vnsel vm10, $0x40, v33;
	v50 =	vld.idx.msk [tilespmem:v46+s5+$0x0], $0xffff;
	v30 =	vadd.s32 v30, v58;
	v52 =	vtrunc.f32 v29  }
0x2ef: {  	s19 =	simm.s32 $0x480;
	s24 =	simm.s32 $0x120;
	v57 =	vld.idx.msk [tilespmem:v37+s15+$0x0], $0xffff;
	v58 =	vadd.s32 $0x41, v34;
	vm14 =	vlt.f32 v29, v52;
	v29 =	vcvt.f32.s32 v63  }
0x2f0: {  	s19 =	sand.u32 $0x3E00, s19;
	s20 =	sand.u32 $0x60, s24;
	v56 =	vld.idx.msk [tilespmem:v45+s15+$0x0], $0xffff;
	v34 =	vsub.s32 $0x40, v34;
	v59 =	vadd.s32 $0x41, v33;
	v33 =	vsub.s32 $0x40, v33  }
0x2f1: {  	s20 =	sor.u32 s20, s19;
	v45 =	vld.idx.msk [tilespmem:v45+s18+$0x0], $0xffff;
	vm15 =	vlt.s32 v30, $0x40;
	v60 =	vcvt.f32.s32 v52;
	v29 =	vadd.s32 v29, v55  }
0x2f2: {  	v26 =	vld [tilespmem:s20+$0x510];
	v30 =	vnsel vm15, $0x40, v30;
	vm7 =	vmneg vm14;
	vm3 =	vlt.s32 v29, $0x40  }
0x2f3: {  	v48 =	vld.idx.msk [tilespmem:v39+s5+$0x0], $0xffff;
	v53 =	vsel vm7, $0x1, v13;
	v29 =	vnsel vm3, $0x40, v29;
	vm3 =	vge.f32 v50, v40  }
0x2f4: {  	v61 =	vld.idx.msk [tilespmem:v31+s18+$0x0], $0xffff;
	v32 =	vmul.f32 v57, v32;
	v62 =	vadd.s32 v60, v53;
	v54 =	vsel vm3, $0xFFFFFFFF, v13  }
0x2f5: {  	v52 =	vld.idx.msk [tilespmem:v43+s5+$0x0], $0xffff;
	vm14 =	vge.f32 v47, v18;
	vm11 =	vlt.s32 v62, $0x40;
	v46 =	vadd.s32 v54, v46  }
0x2f6: {  	s25 =	simm.s32 $0x170;
	s21 =	simm.s32 $0x5C0;
	v53 =	vld.idx.msk [tilespmem:v44+s15+$0x0], $0xffff;
	v55 =	vadd.s32 $0x41, v29;
	v49 =	vnsel vm11, $0x40, v62;
	v29 =	vsub.s32 $0x40, v29  }
0x2f7: {  	s0 =	sand.u32 $0x70, s25;
	s22 =	sand.u32 $0x7E00, s21;
	v44 =	vld.idx.msk [tilespmem:v44+s18+$0x0], $0xffff;
	vm3 =	vgt.f32 v23, $0.0e+00;
	v62 =	vsel vm14, $0xFFFFFFFF, v13;
	v54 =	vadd.s32 $0x41, v30  }
0x2f8: {  	s10 =	sor.u32 s22, s0;
	v50 =	vld.idx.msk [tilespmem:v31+s15+$0x0], $0xffff;
	v30 =	vsub.s32 $0x40, v30;
	v29 =	vsel vm1, v55, v29;
	v31 =	vsel vm3, v58, v34  }
0x2f9: {  	vm1 =	vge.f32 v35, v14;
	vm3 =	vge.f32 v48, v17;
	v58 =	vsel vm0, $0xFFFFFFFF, v13;
	v35 =	vld [tilespmem:s10+$0x500]  }
0x2fa: {  	s16 =	simm.s32 $0x150;
	s30 =	simm.s32 $0x140;
	s25 =	simm.s32 $0x540;
	v60 =	vadd.s32 $0x41, v49;
	v47 =	vadd.s32 v58, v24;
	v24 =	vsel vm3, $0xFFFFFFFF, v13;
	v63 =	vld.idx.msk [tilespmem:v46+s15+$0x0], $0xffff  }
0x2fb: {  	s16 =	sand.u32 $0x70, s16;
	s22 =	simm.s32 $0x500;
	s19 =	sand.u32 $0x7E00, s25;
	v49 =	vsub.s32 $0x40, v49;
	v34 =	vsel vm12, v59, v33;
	v58 =	vadd.s32 v24, v39;
	v24 =	vld [tilespmem:s20+$0x500]  }
0x2fc: {  	s3 =	sand.u32 $0x60, s30;
	s22 =	sand.u32 $0x7E00, s22;
	s25 =	sor.u32 s19, s16;
	v30 =	vsel vm2, v54, v30;
	v33 =	vsel vm13, v60, v49;
	vm2 =	vge.f32 v52, v16;
	v46 =	vld.idx.msk [tilespmem:v46+s18+$0x0], $0xffff  }
0x2fd: {  	s22 =	sor.u32 s22, s3;
	v59 =	vsel vm1, $0xFFFFFFFF, v13;
	v60 =	vsel vm2, $0xFFFFFFFF, v13;
	v54 =	vmul.f32 v53, v25;
	v25 =	vld [tilespmem:s25+$0x500]  }
0x2fe: {  	s30 =	simm.s32 $0x580;
	s0 =	simm.s32 $0x160;
	v48 =	vadd.s32 v59, v41;
	v49 =	vadd.s32 v60, v43;
	v60 =	vmul.f32 v50, v27;
	v27 =	vld [tilespmem:s22+$0x500]  }
0x2ff: {  	s0 =	sand.u32 $0x60, s0;
	s3 =	sand.u32 $0x7E00, s30;
	v59 =	vadd.s32 v62, v38;
	v62 =	vmul.f32 v56, v28;
	v63 =	vmul.f32 v63, v40  }
0x300: {  	s3 =	sor.u32 s3, s0;
	vm2 =	vgt.f32 v26, $0.0e+00;
	v51 =	vadd.f32 v44, v54;
	v55 =	vld.idx.msk [tilespmem:v29+s5+$0x0], $0xffff;
	v53 =	vadd.f32 v61, v60  }
0x301: {  	v28 =	vld [tilespmem:s3+$0x500];
	v60 =	vadd.f32 v45, v62;
	v46 =	vadd.f32 v46, v63;
	v63 =	vand.u32 $0x7FFFFFFF, v35  }
0x302: {  	v54 =	vand.u32 $0x7FFFFFFF, v24;
	vm1 =	vgt.f32 v24, $0.0e+00;
	v50 =	vmul.f32 $9.846153850e-01, v63  }
0x303: {  	v57 =	vand.u32 $0x7FFFFFFF, v25;
	v39 =	vmul.f32 $9.846153850e-01, v54;
	v56 =	vand.u32 $0x7FFFFFFF, v27  }
0x304: {  	v43 =	vmul.f32 $9.846153850e-01, v57;
	v41 =	vmul.f32 $9.846153850e-01, v56;
	v38 =	vadd.f32 $-1.538461540e-02, v50  }
0x305: {  	vm0 =	vge.f32 v55, v20;
	v55 =	vand.u32 $0x7FFFFFFF, v26;
	v39 =	vadd.f32 $-1.538461540e-02, v39  }
0x306: {  	v62 =	vand.u32 $0x7FFFFFFF, v28;
	v40 =	vmul.f32 $9.846153850e-01, v55;
	v61 =	vtrunc.f32 v38  }
0x307: {  	v41 =	vadd.f32 $-1.538461540e-02, v41;
	v52 =	vtrunc.f32 v39;
	vm3 =	vlt.f32 v38, v61  }
0x308: {  	v63 =	vmul.f32 $9.846153850e-01, v62;
	v44 =	vcvt.f32.s32 v61;
	vm3 =	vmneg vm3  }
0x309: {  	v40 =	vadd.f32 $-1.538461540e-02, v40;
	v55 =	vtrunc.f32 v41;
	v56 =	vsel vm3, $0x1, v13  }
0x30a: {  	vm9 =	vlt.f32 v41, v55;
	v50 =	vadd.f32 $-1.538461540e-02, v43;
	v57 =	vadd.s32 v44, v56  }
0x30b: {  	v54 =	vtrunc.f32 v40;
	vm5 =	vmneg vm9;
	vm3 =	vlt.s32 v57, $0x40  }
0x30c: {  	vm15 =	vlt.f32 v40, v54;
	v40 =	vcvt.f32.s32 v54;
	v43 =	vnsel vm3, $0x40, v57  }
0x30d: {  	v37 =	vld.idx.msk [tilespmem:v37+s18+$0x0], $0xffff;
	vm3 =	vgt.f32 v35, $0.0e+00;
	v61 =	vadd.s32 $0x41, v43;
	v43 =	vsub.s32 $0x40, v43  }
0x30e: {  	v45 =	vld.idx.msk [tilespmem:v34+s5+$0x0], $0xffff;
	v38 =	vadd.f32 $-1.538461540e-02, v63;
	v56 =	vtrunc.f32 v50;
	v61 =	vsel vm3, v61, v43  }
0x30f: {  	[tilespmem:s11+$0x8500] =	vst v42;
	v42 =	vld.idx.msk [tilespmem:v59+s15+$0x0], $0xffff;
	v62 =	vsel vm5, $0x1, v13;
	vm4 =	vmneg vm15;
	vm10 =	vlt.f32 v50, v56  }
0x310: {  	[tilespmem:s23+$0x8500] =	vst v46;
	v46 =	vld.idx.msk [tilespmem:v47+s18+$0x0], $0xffff;
	v54 =	vcvt.f32.s32 v56;
	v56 =	vsel vm4, $0x1, v13;
	v57 =	vtrunc.f32 v38  }
0x311: {  	v44 =	vld.idx.msk [tilespmem:v31+s5+$0x0], $0xffff;
	vm6 =	vmneg vm10;
	v56 =	vadd.s32 v40, v56;
	vm11 =	vlt.f32 v38, v57  }
0x312: {  	v50 =	vld.idx.msk [tilespmem:v33+s5+$0x0], $0xffff;
	v38 =	vcvt.f32.s32 v52;
	vm3 =	vlt.f32 v39, v52;
	v52 =	vcvt.f32.s32 v55  }
0x313: {  	vm12 =	vlt.s32 v56, $0x40;
	vm7 =	vmneg vm11;
	vm3 =	vmneg vm3;
	v55 =	vld.idx.msk [tilespmem:v61+s5+$0x0], $0xffff  }
0x314: {  	v40 =	vld.idx.msk [tilespmem:v49+s15+$0x0], $0xffff;
	v41 =	vsel vm3, $0x1, v13;
	v52 =	vadd.s32 v52, v62;
	v62 =	vsel vm7, $0x1, v13  }
0x315: {  	v43 =	vld.idx.msk [tilespmem:v30+s5+$0x0], $0xffff;
	v63 =	vadd.s32 v38, v41;
	v41 =	vcvt.f32.s32 v57;
	v57 =	vsel vm6, $0x1, v13  }
0x316: {  	[tilespmem:s13+$0x8500] =	vst v36;
	v39 =	vld.idx.msk [tilespmem:v47+s15+$0x0], $0xffff;
	vm13 =	vlt.s32 v52, $0x40;
	v54 =	vadd.s32 v54, v57;
	vm3 =	vlt.s32 v63, $0x40  }
0x317: {  	[tilespmem:s14+$0x8500] =	vst v0;
	v47 =	vld.idx.msk [tilespmem:v49+s18+$0x0], $0xffff;
	v0 =	vnsel vm13, $0x40, v52;
	v36 =	vadd.s32 v41, v62;
	v57 =	vnsel vm3, $0x40, v63  }
0x318: {  	v49 =	vld.idx.msk [tilespmem:v58+s18+$0x0], $0xffff;
	vm3 =	vlt.s32 v54, $0x40;
	v62 =	vnsel vm12, $0x40, v56;
	vm15 =	vge.f32 v55, v35  }
0x319: {  	[tilespmem:s1+$0x8500] =	vst v60;
	v38 =	vld.idx.msk [tilespmem:v48+s15+$0x0], $0xffff;
	v60 =	vsub.s32 $0x40, v0;
	vm14 =	vlt.s32 v36, $0x40;
	v63 =	vsel vm15, $0xFFFFFFFF, v13  }
0x31a: {  	[tilespmem:s14+$0x8510] =	vst v51;
	v48 =	vld.idx.msk [tilespmem:v48+s18+$0x0], $0xffff;
	v52 =	vadd.s32 $0x41, v57;
	v57 =	vsub.s32 $0x40, v57;
	v51 =	vadd.s32 v63, v61  }
0x31b: {  	v41 =	vld.idx.msk [tilespmem:v58+s15+$0x0], $0xffff;
	v58 =	vsub.s32 $0x40, v62;
	v56 =	vnsel vm14, $0x40, v36;
	v55 =	vnsel vm3, $0x40, v54  }
0x31c: {  	[tilespmem:s28+$0x8500] =	vst v53;
	v36 =	vld.idx.msk [tilespmem:v59+s18+$0x0], $0xffff;
	v59 =	vadd.s32 $0x41, v0;
	v54 =	vadd.s32 $0x41, v62;
	v53 =	vadd.s32 $0x41, v55  }
.LBB2_11:
0x31d: {  	v0 =	vsub.s32 $0x40, v55;
	v55 =	vadd.s32 $0x41, v56;
	v56 =	vsub.s32 $0x40, v56;
	s0 =	smov.u32 s24;
	s24 =	sadd.s32 $0x60, s24  }
0x31e: {  	vm3 =	vgt.f32 v27, $0.0e+00;
	vm4 =	vgt.f32 v25, $0.0e+00;
	vm5 =	vgt.f32 v28, $0.0e+00;
	s1 =	sadd.s32 $0x80, s0;
	s11 =	sadd.s32 $0x90, s0;
	s13 =	sadd.s32 $0xA0, s0  }
0x31f: {  	v52 =	vsel vm1, v52, v57;
	v57 =	vsel vm2, v54, v58;
	s14 =	sand.u32 $0x60, s24;
	v58 =	vsel vm3, v59, v60;
	s1 =	sand.u32 $0x60, s1;
	s16 =	sand.u32 $0x70, s11;
	v59 =	vld.idx.msk [tilespmem:v51+s15+$0x0], $0xffff  }
0x320: {  	s21 =	sadd.s32 $0x180, s21;
	vm1 =	vge.f32 v43, v19;
	s0 =	sadd.s32 $0xB0, s0;
	v0 =	vsel vm4, v53, v0;
	v55 =	vsel vm5, v55, v56;
	s19 =	sand.u32 $0x60, s13  }
0x321: {  	vm2 =	vge.f32 v44, v23;
	vm3 =	vge.f32 v45, v22;
	vm4 =	vge.f32 v50, v21;
	s11 =	sadd.s32 $0xFFFFFEC0, s21;
	s0 =	sand.u32 $0x70, s0;
	s13 =	sand.u32 $0x7E00, s21;
	v43 =	vld.idx.msk [tilespmem:v51+s18+$0x0], $0xffff  }
0x322: {  	v44 =	vsel vm0, $0xFFFFFFFF, v13;
	s23 =	sadd.s32 $0xFFFFFF40, s21;
	s28 =	sadd.s32 $0xFFFFFF80, s21;
	v45 =	vsel vm1, $0xFFFFFFFF, v13;
	v50 =	vsel vm2, $0xFFFFFFFF, v13;
	s0 =	sor.u32 s13, s0  }
0x323: {  	s30 =	sadd.s32 $0xFFFFFFC0, s21;
	v53 =	vadd.s32 v44, v29;
	v29 =	vmovc v52;
	s23 =	sand.u32 $0x7E00, s23;
	v44 =	vsel vm3, $0xFFFFFFFF, v13;
	v60 =	vsel vm4, $0xFFFFFFFF, v13;
	s11 =	sand.u32 $0x3E00, s11;
	v56 =	vld [tilespmem:s0+$0x500]  }
0x324: {  	v62 =	vadd.s32 v45, v30;
	v54 =	vadd.s32 v50, v31;
	s13 =	sor.u32 s14, s11;
	s14 =	sand.u32 $0x7E00, s28;
	s28 =	sand.u32 $0x7E00, s30;
	v51 =	vadd.s32 v44, v34;
	v61 =	vld.idx.msk [tilespmem:v52+s5+$0x0], $0xffff  }
0x325: {  	v15 =	vmul.f32 v39, v15;
	v30 =	vmovc v57;
	s11 =	sor.u32 s23, s1;
	s1 =	sor.u32 s14, s16;
	s14 =	sor.u32 s28, s19;
	v44 =	vmul.f32 v59, v35;
	v52 =	vadd.s32 v60, v33;
	v45 =	vld [tilespmem:s13+$0x500]  }
0x326: {  	v14 =	vmul.f32 v38, v14;
	v16 =	vmul.f32 v40, v16;
	v38 =	vadd.f32 v37, v32;
	p1 =	slt.u32 s24, $0xF60;
	v31 =	vmovc v58;
	v39 =	vld [tilespmem:s13+$0x510]  }
0x327: {  	v17 =	vmul.f32 v41, v17;
	v32 =	vmul.f32 v42, v18;
	v34 =	vmovc v0;
	v40 =	vadd.f32 v43, v44;
	v37 =	vld [tilespmem:s11+$0x500]  }
0x328: {  	v41 =	vadd.f32 v46, v15;
	v14 =	vadd.f32 v48, v14;
	v33 =	vmovc v55;
	v0 =	vld [tilespmem:s1+$0x500];
	v18 =	vand.u32 $0x7FFFFFFF, v56;
	[tilespmem:s4+$0x8500] =	vst v38;
	s4 =	smov.u32 s7  }
0x329: {  	v16 =	vadd.f32 v47, v16;
	v17 =	vadd.f32 v49, v17;
	v35 =	vmovc v56;
	v46 =	vld [tilespmem:s14+$0x500];
	v18 =	vmul.f32 $9.846153850e-01, v18;
	[tilespmem:s10+$0x8500] =	vst v40;
	s10 =	smov.u32 s0  }
0x32a: {  	v15 =	vmovc v20;
	s7 =	smov.u32 s26;
	s26 =	smov.u32 s3;
	s3 =	smov.u32 s14;
	vm0 =	vge.f32 v61, v24;
	v38 =	vand.u32 $0x7FFFFFFF, v45;
	vm1 =	vgt.f32 v45, $0.0e+00;
	v43 =	vld.idx.msk [tilespmem:v57+s5+$0x0], $0xffff;
	[tilespmem:s2+$0x8500] =	vst v41  }
0x32b: {  	v20 =	vmovc v24;
	v24 =	vmovc v45;
	v40 =	vmul.f32 $9.846153850e-01, v38;
	v38 =	vand.u32 $0x7FFFFFFF, v39;
	v18 =	vadd.f32 $-1.538461540e-02, v18;
	v44 =	vld.idx.msk [tilespmem:v58+s5+$0x0], $0xffff  }
0x32c: {  	vm2 =	vgt.f32 v39, $0.0e+00;
	v41 =	vmul.f32 $9.846153850e-01, v38;
	v38 =	vand.u32 $0x7FFFFFFF, v37;
	v45 =	vld.idx.msk [tilespmem:v34+s5+$0x0], $0xffff;
	[tilespmem:s2+$0x8510] =	vst v14;
	v14 =	vmovc v19;
	v19 =	vmovc v26;
	s2 =	smov.u32 s8;
	s8 =	smov.u32 s20;
	s20 =	smov.u32 s13  }
0x32d: {  	v26 =	vmovc v39;
	v42 =	vmul.f32 $9.846153850e-01, v38;
	v38 =	vand.u32 $0x7FFFFFFF, v0;
	v47 =	vtrunc.f32 v18;
	v50 =	vld.idx.msk [tilespmem:v55+s5+$0x0], $0xffff;
	[tilespmem:s17+$0x8500] =	vst v16;
	v16 =	vmovc v23;
	s17 =	smov.u32 s12;
	s12 =	smov.u32 s22;
	s22 =	smov.u32 s11  }
0x32e: {  	v23 =	vmovc v27;
	v48 =	vmul.f32 $9.846153850e-01, v38;
	v38 =	vand.u32 $0x7FFFFFFF, v46;
	vm3 =	vlt.f32 v18, v47;
	v39 =	vld.idx.msk [tilespmem:v53+s15+$0x0], $0xffff;
	[tilespmem:s6+$0x8500] =	vst v17;
	s6 =	smov.u32 s9;
	s9 =	smov.u32 s25;
	s25 =	smov.u32 s1  }
0x32f: {  	v27 =	vmovc v37;
	v58 =	vcvt.f32.s32 v47;
	v17 =	vmovc v22;
	v49 =	vmul.f32 $9.846153850e-01, v38;
	vm3 =	vmneg vm3;
	v38 =	vld.idx.msk [tilespmem:v62+s15+$0x0], $0xffff  }
0x330: {  	v55 =	vadd.f32 $-1.538461540e-02, v40;
	v56 =	vadd.f32 $-1.538461540e-02, v41;
	v22 =	vmovc v25;
	v25 =	vmovc v0;
	v60 =	vsel vm3, $0x1, v13;
	v40 =	vld.idx.msk [tilespmem:v54+s15+$0x0], $0xffff  }
0x331: {  	v0 =	vadd.f32 $-1.538461540e-02, v42;
	v18 =	vmovc v21;
	v21 =	vmovc v28;
	v57 =	vadd.f32 $-1.538461540e-02, v48;
	v47 =	vadd.s32 v58, v60;
	v41 =	vld.idx.msk [tilespmem:v51+s15+$0x0], $0xffff  }
0x332: {  	v37 =	vmovc v36;
	v28 =	vmovc v46;
	v58 =	vtrunc.f32 v55;
	v59 =	vadd.f32 $-1.538461540e-02, v49;
	vm3 =	vlt.s32 v47, $0x40;
	v42 =	vld.idx.msk [tilespmem:v52+s15+$0x0], $0xffff  }
0x333: {  	v60 =	vtrunc.f32 v56;
	v61 =	vtrunc.f32 v0;
	v36 =	vnsel vm3, $0x40, v47;
	v46 =	vld.idx.msk [tilespmem:v53+s18+$0x0], $0xffff  }
0x334: {  	vm3 =	vgt.f32 v35, $0.0e+00;
	v47 =	vadd.s32 $0x41, v36;
	v36 =	vsub.s32 $0x40, v36;
	v48 =	vld.idx.msk [tilespmem:v62+s18+$0x0], $0xffff  }
0x335: {  	v53 =	vtrunc.f32 v57;
	v62 =	vtrunc.f32 v59;
	v63 =	vsel vm3, v47, v36;
	v47 =	vld.idx.msk [tilespmem:v54+s18+$0x0], $0xffff  }
0x336: {  	vm4 =	vlt.f32 v56, v60;
	vm5 =	vlt.f32 v0, v61;
	vm3 =	vlt.f32 v55, v58;
	v49 =	vld.idx.msk [tilespmem:v51+s18+$0x0], $0xffff  }
0x337: {  	vm6 =	vlt.f32 v57, v53;
	vm7 =	vlt.f32 v59, v62;
	vm3 =	vmneg vm3;
	v36 =	vld.idx.msk [tilespmem:v52+s18+$0x0], $0xffff  }
0x338: {  	vm4 =	vmneg vm4;
	vm5 =	vmneg vm5;
	vm6 =	vmneg vm6  }
0x339: {  	v0 =	vcvt.f32.s32 v58;
	v51 =	vcvt.f32.s32 v60;
	vm7 =	vmneg vm7  }
0x33a: {  	v53 =	vcvt.f32.s32 v53;
	v54 =	vcvt.f32.s32 v61;
	v52 =	vsel vm3, $0x1, v13;
	v55 =	vld.idx.msk [tilespmem:v63+s5+$0x0], $0xffff  }
0x33b: {  	v56 =	vsel vm4, $0x1, v13;
	v57 =	vsel vm5, $0x1, v13;
	v58 =	vcvt.f32.s32 v62  }
0x33c: {  	v59 =	vsel vm7, $0x1, v13;
	v0 =	vadd.s32 v0, v52;
	v52 =	vsel vm6, $0x1, v13  }
0x33d: {  	v54 =	vadd.s32 v54, v57;
	v51 =	vadd.s32 v51, v56;
	v52 =	vadd.s32 v53, v52  }
0x33e: {  	vm3 =	vlt.s32 v0, $0x40;
	vm4 =	vlt.s32 v51, $0x40;
	v53 =	vadd.s32 v58, v59  }
0x33f: {  	vm5 =	vlt.s32 v54, $0x40;
	vm6 =	vlt.s32 v52, $0x40;
	vm7 =	vlt.s32 v53, $0x40  }
.Ltmp4:
0x340: {  	v0 =	vnsel vm3, $0x40, v0;
	v58 =	vnsel vm4, $0x40, v51;
	vm3 =	vge.f32 v55, v35;
	(pc) =	sbr.rel @p1 .LBB2_11-.Ltmp4, $4  }
0x341: {  	v60 =	vnsel vm5, $0x40, v54;
	v55 =	vnsel vm6, $0x40, v52;
	v51 =	vsel vm3, $0xFFFFFFFF, v13  }
0x342: {  	v56 =	vnsel vm7, $0x40, v53;
	v52 =	vadd.s32 $0x41, v0;
	v51 =	vadd.s32 v51, v63  }
0x343: {  	v57 =	vsub.s32 $0x40, v0;
	v54 =	vadd.s32 $0x41, v58;
	v58 =	vsub.s32 $0x40, v58  }
0x344: {  	v59 =	vadd.s32 $0x41, v60;
	v60 =	vsub.s32 $0x40, v60;
	v53 =	vadd.s32 $0x41, v55  }
0x345: {  	_ = 	snop  }
0x346: {  	v0 =	vsel vm1, v52, v57  }
0x347: {  	v61 =	vsub.s32 $0x40, v55;
	vm4 =	vgt.f32 v27, $0.0e+00;
	v54 =	vsel vm2, v54, v58  }
0x348: {  	v62 =	vadd.s32 $0x41, v56;
	vm5 =	vgt.f32 v25, $0.0e+00;
	v57 =	vsel vm4, v59, v60  }
0x349: {  	v63 =	vsub.s32 $0x40, v56;
	vm6 =	vgt.f32 v28, $0.0e+00;
	v58 =	vld.idx.msk [tilespmem:v51+s15+$0x0], $0xffff;
	v52 =	vsel vm5, v53, v61  }
0x34a: {  	vm7 =	vge.f32 v43, v19;
	v43 =	vld.idx.msk [tilespmem:v51+s18+$0x0], $0xffff;
	v53 =	vsel vm6, v62, v63;
	v59 =	vsel vm0, $0xFFFFFFFF, v13  }
0x34b: {  	vm8 =	vge.f32 v44, v23;
	v60 =	vsel vm7, $0xFFFFFFFF, v13;
	v29 =	vadd.s32 v59, v29;
	v51 =	vld.idx.msk [tilespmem:v0+s5+$0x0], $0xffff  }
0x34c: {  	vm10 =	vge.f32 v50, v21;
	v61 =	vsel vm8, $0xFFFFFFFF, v13;
	v30 =	vadd.s32 v60, v30;
	v44 =	vld.idx.msk [tilespmem:v54+s5+$0x0], $0xffff  }
0x34d: {  	vm9 =	vge.f32 v45, v22;
	v63 =	vsel vm10, $0xFFFFFFFF, v13;
	v31 =	vadd.s32 v61, v31;
	v45 =	vld.idx.msk [tilespmem:v57+s5+$0x0], $0xffff  }
0x34e: {  	v33 =	vadd.s32 v63, v33;
	v50 =	vld.idx.msk [tilespmem:v52+s5+$0x0], $0xffff  }
0x34f: {  	v55 =	vld.idx.msk [tilespmem:v53+s5+$0x0], $0xffff  }
0x350: {  	v56 =	vld.idx.msk [tilespmem:v29+s15+$0x0], $0xffff  }
0x351: {  	v59 =	vld.idx.msk [tilespmem:v30+s15+$0x0], $0xffff  }
0x352: {  	v62 =	vsel vm9, $0xFFFFFFFF, v13;
	v60 =	vld.idx.msk [tilespmem:v31+s15+$0x0], $0xffff  }
0x353: {  	v15 =	vmul.f32 v39, v15;
	v34 =	vadd.s32 v62, v34;
	v39 =	vld.idx.msk [tilespmem:v33+s15+$0x0], $0xffff;
	vm11 =	vge.f32 v51, v24  }
0x354: {  	v35 =	vmul.f32 v58, v35;
	v29 =	vld.idx.msk [tilespmem:v29+s18+$0x0], $0xffff;
	vm12 =	vge.f32 v44, v26;
	v58 =	vsel vm11, $0xFFFFFFFF, v13  }
0x355: {  	v14 =	vmul.f32 v38, v14;
	v30 =	vld.idx.msk [tilespmem:v30+s18+$0x0], $0xffff;
	v61 =	vsel vm12, $0xFFFFFFFF, v13;
	v0 =	vadd.s32 v58, v0  }
0x356: {  	v16 =	vmul.f32 v40, v16;
	v31 =	vld.idx.msk [tilespmem:v31+s18+$0x0], $0xffff;
	vm13 =	vge.f32 v45, v27;
	v45 =	vadd.s32 v61, v54  }
0x357: {  	v32 =	vadd.f32 v37, v32;
	v17 =	vmul.f32 v41, v17;
	v18 =	vmul.f32 v42, v18;
	v33 =	vld.idx.msk [tilespmem:v33+s18+$0x0], $0xffff  }
0x358: {  	v15 =	vadd.f32 v46, v15;
	v51 =	vld.idx.msk [tilespmem:v34+s15+$0x0], $0xffff;
	vm14 =	vge.f32 v50, v25;
	v62 =	vsel vm13, $0xFFFFFFFF, v13  }
0x359: {  	v34 =	vld.idx.msk [tilespmem:v34+s18+$0x0], $0xffff;
	vm15 =	vge.f32 v55, v28;
	v50 =	vsel vm14, $0xFFFFFFFF, v13;
	v44 =	vadd.s32 v62, v57  }
0x35a: {  	[tilespmem:s4+$0x8500] =	vst v32;
	v14 =	vadd.f32 v48, v14;
	v63 =	vsel vm15, $0xFFFFFFFF, v13;
	v50 =	vadd.s32 v50, v52;
	v46 =	vld.idx.msk [tilespmem:v0+s15+$0x0], $0xffff  }
0x35b: {  	v16 =	vadd.f32 v47, v16;
	[tilespmem:s2+$0x8500] =	vst v15;
	v37 =	vadd.s32 v63, v53;
	v52 =	vld.idx.msk [tilespmem:v45+s15+$0x0], $0xffff  }
0x35c: {  	v17 =	vadd.f32 v49, v17;
	[tilespmem:s2+$0x8510] =	vst v14;
	v0 =	vld.idx.msk [tilespmem:v0+s18+$0x0], $0xffff  }
0x35d: {  	v18 =	vadd.f32 v36, v18;
	[tilespmem:s17+$0x8500] =	vst v16;
	v14 =	vmul.f32 v56, v20;
	v58 =	vld.idx.msk [tilespmem:v45+s18+$0x0], $0xffff  }
0x35e: {  	[tilespmem:s6+$0x8500] =	vst v17;
	v35 =	vadd.f32 v43, v35;
	v54 =	vmul.f32 v59, v19;
	v15 =	vld.idx.msk [tilespmem:v44+s15+$0x0], $0xffff  }
0x35f: {  	[tilespmem:s7+$0x8500] =	vst v18;
	v56 =	vmul.f32 v60, v23;
	v14 =	vadd.f32 v29, v14;
	v53 =	vld.idx.msk [tilespmem:v50+s15+$0x0], $0xffff  }
0x360: {  	[tilespmem:s10+$0x8500] =	vst v35;
	v59 =	vmul.f32 v39, v21;
	v16 =	vadd.f32 v30, v54;
	v55 =	vld.idx.msk [tilespmem:v37+s15+$0x0], $0xffff  }
0x361: {  	v17 =	vadd.f32 v31, v56;
	v57 =	vmul.f32 v51, v22;
	[tilespmem:s8+$0x8500] =	vst v14;
	v14 =	vld.idx.msk [tilespmem:v44+s18+$0x0], $0xffff  }
0x362: {  	v21 =	vadd.f32 v33, v59;
	[tilespmem:s8+$0x8510] =	vst v16;
	v60 =	vld.idx.msk [tilespmem:v50+s18+$0x0], $0xffff;
	v61 =	vmul.f32 v46, v24  }
0x363: {  	[tilespmem:s12+$0x8500] =	vst v17;
	v22 =	vadd.f32 v34, v57;
	v62 =	vld.idx.msk [tilespmem:v37+s18+$0x0], $0xffff;
	v63 =	vmul.f32 v52, v26  }
0x364: {  	[tilespmem:s26+$0x8500] =	vst v21;
	v15 =	vmul.f32 v15, v27;
	v0 =	vadd.f32 v0, v61  }
0x365: {  	[tilespmem:s9+$0x8500] =	vst v22;
	v20 =	vmul.f32 v53, v25;
	v18 =	vadd.f32 v58, v63  }
0x366: {  	v19 =	vmul.f32 v55, v28;
	v14 =	vadd.f32 v14, v15;
	[tilespmem:s20+$0x8500] =	vst v0  }
0x367: {  	v0 =	vadd.f32 v60, v20;
	[tilespmem:s20+$0x8510] =	vst v18  }
0x368: {  	[tilespmem:s22+$0x8500] =	vst v14;
	v14 =	vadd.f32 v62, v19  }
0x369: {  	s1 =	simm.s32 $0x540;
	[tilespmem:s25+$0x8500] =	vst v0  }
0x36a: {  	s4 =	simm.s32 $0xFB0;
	s2 =	simm.s32 $0x8540;
	s6 =	simm.s32 $0x3F00;
	[tilespmem:s3+$0x8500] =	vst v14  }
.LBB2_13:
0x36b: {  	s0 =	sand.u32 $0x3FFFFE00, s6  }
0x36c: {  	s3 =	sadd.s32 s0, s1  }
0x36d: {  	v0 =	vld [tilespmem:s3+$0x0];
	_ =	sdelay $0x4  }
0x36e: {  	v14 =	vand.u32 $0x7FFFFFFF, v0  }
0x36f: {  	v14 =	vmul.f32 $9.846153850e-01, v14;
	_ =	sdelay $0x1  }
0x370: {  	v14 =	vadd.f32 $-1.538461540e-02, v14;
	_ =	sdelay $0x1  }
0x371: {  	v15 =	vtrunc.f32 v14  }
0x372: {  	vm0 =	vlt.f32 v14, v15  }
0x373: {  	v14 =	vcvt.f32.s32 v15;
	vm0 =	vmneg vm0  }
0x374: {  	v15 =	vsel vm0, $0x1, v13  }
0x375: {  	v14 =	vadd.s32 v14, v15  }
0x376: {  	vm13 =	vlt.s32 v14, $0x40  }
0x377: {  	v14 =	vnsel vm13, $0x40, v14  }
0x378: {  	vm14 =	vgt.f32 v0, $0.0e+00;
	v15 =	vadd.s32 $0x41, v14;
	v14 =	vsub.s32 $0x40, v14  }
0x379: {  	v14 =	vsel vm14, v15, v14;
	_ =	sdelay $0x3  }
0x37a: {  	s7 =	simm.s32 $0x0  }
0x37b: {  	v15 =	vld.idx.msk [tilespmem:v14+s7+$0x0], $0xffff;
	_ =	sdelay $0x4  }
0x37c: {  	vm15 =	vge.f32 v15, v0  }
0x37d: {  	v15 =	vsel vm15, $0xFFFFFFFF, v13  }
0x37e: {  	v14 =	vadd.s32 v15, v14;
	_ =	sdelay $0x4  }
0x37f: {  	v15 =	vld.idx.msk [tilespmem:v14+s15+$0x0], $0xffff;
	_ =	sdelay $0x1  }
0x380: {  	v14 =	vld.idx.msk [tilespmem:v14+s18+$0x0], $0xffff  }
0x381: {  	s4 =	sadd.s32 $0x10, s4  }
0x382: {  	p1 =	slt.u32 s4, $0xFF0  }
.Ltmp5:
0x383: {  	v0 =	vmul.f32 v15, v0;
	(pc) =	sbr.rel @p1 .LBB2_13-.Ltmp5, $4  }
0x384: {  	_ = 	snop  }
0x385: {  	s6 =	sadd.s32 $0x40, s6;
	v0 =	vadd.f32 v14, v0  }
0x386: {  	s9 =	simm.s32 $0x2;
	s8 =	simm.s32 $0x1;
	s0 =	sadd.s32 s0, s2  }
0x387: {  	s1 =	sadd.s32 $0x10, s1;
	s2 =	sadd.s32 $0x10, s2;
	s3 =	simm.s32 $0x140;
	[tilespmem:s0+$0x0] =	vst v0  }
0x388: {  	s0 =	sand.u32 $0x3, s7  }
0x389: {  	s0 =	sshll.u32 s0, $0x5  }
0x38a: {  	s0 =	sadd.s32 $0x0, s0  }
0x38b: {  	s10 =	sor.u32 $0x190, s0  }
0x38c: {  	s17 =	sand.u32 $0x3, s9;
	s2 =	sor.u32 $0x180, s0;
	v16 =	vld [tilespmem:s10+$0x400]  }
0x38d: {  	s1 =	sand.u32 $0x3, s8;
	s0 =	sshll.u32 s17, $0x5;
	v14 =	vld [tilespmem:s2+$0x400]  }
0x38e: {  	s1 =	sshll.u32 s1, $0x5;
	s0 =	sadd.s32 $0x140, s0  }
0x38f: {  	s19 =	sadd.s32 $0x140, s1;
	s0 =	sadd.s32 $0xFFFFFFC0, s0  }
0x390: {  	s21 =	simm.s32 $0x50;
	s11 =	sor.u32 $0x180, s0;
	s0 =	sadd.s32 $0xFFFFFF40, s19  }
0x391: {  	s22 =	sand.u32 $0x7E00, s3;
	s14 =	sor.u32 $0x180, s0;
	s0 =	sand.u32 $0x70, s21  }
0x392: {  	s17 =	sor.u32 s22, s0;
	v0 =	vand.u32 $0x7FFFFFFF, v16;
	v15 =	vand.u32 $0x7FFFFFFF, v14  }
0x393: {  	v21 =	vld [tilespmem:s17+$0x580];
	v0 =	vmul.f32 $9.846153850e-01, v0;
	v15 =	vmul.f32 $9.846153850e-01, v15  }
0x394: {  	v17 =	vld [tilespmem:s11+$0x400]  }
0x395: {  	v0 =	vadd.f32 $-1.538461540e-02, v0;
	v15 =	vadd.f32 $-1.538461540e-02, v15;
	_ =	sdelay $0x1  }
0x396: {  	v18 =	vtrunc.f32 v0;
	v19 =	vtrunc.f32 v15  }
0x397: {  	s20 =	simm.s32 $0x30;
	s4 =	simm.s32 $0xC0;
	v26 =	vand.u32 $0x7FFFFFFF, v21;
	vm0 =	vlt.f32 v0, v18;
	v0 =	vcvt.f32.s32 v18;
	v18 =	vld [tilespmem:s14+$0x400]  }
0x398: {  	s4 =	sand.u32 $0x7E00, s4;
	s1 =	sand.u32 $0x70, s20;
	vm1 =	vlt.f32 v15, v19;
	v15 =	vand.u32 $0x7FFFFFFF, v17;
	vm0 =	vmneg vm0  }
0x399: {  	s13 =	sor.u32 s4, s1;
	v19 =	vcvt.f32.s32 v19;
	v15 =	vmul.f32 $9.846153850e-01, v15;
	v20 =	vsel vm0, $0x1, v13  }
0x39a: {  	vm1 =	vmneg vm1;
	vm0 =	vgt.f32 v14, $0.0e+00;
	v0 =	vadd.s32 v0, v20;
	v20 =	vld [tilespmem:s13+$0x580]  }
0x39b: {  	v24 =	vsel vm1, $0x1, v13;
	v15 =	vadd.f32 $-1.538461540e-02, v15;
	vm2 =	vlt.s32 v0, $0x40  }
0x39c: {  	v0 =	vnsel vm2, $0x40, v0;
	vm2 =	vgt.f32 v16, $0.0e+00;
	v23 =	vand.u32 $0x7FFFFFFF, v18  }
0x39d: {  	v25 =	vtrunc.f32 v15;
	v22 =	vadd.s32 $0x41, v0;
	v0 =	vsub.s32 $0x40, v0  }
0x39e: {  	v0 =	vsel vm2, v22, v0;
	v22 =	vmul.f32 $9.846153850e-01, v23;
	vm2 =	vlt.f32 v15, v25  }
0x39f: {  	v15 =	vmul.f32 $9.846153850e-01, v26;
	v25 =	vcvt.f32.s32 v25;
	v23 =	vand.u32 $0x7FFFFFFF, v20  }
0x3a0: {  	vm3 =	vmneg vm2;
	v23 =	vmul.f32 $9.846153850e-01, v23;
	v22 =	vadd.f32 $-1.538461540e-02, v22  }
0x3a1: {  	vm1 =	vgt.f32 v18, $0.0e+00;
	v26 =	vsel vm3, $0x1, v13;
	v15 =	vadd.f32 $-1.538461540e-02, v15  }
0x3a2: {  	v25 =	vadd.s32 v25, v26;
	v23 =	vadd.f32 $-1.538461540e-02, v23;
	v27 =	vtrunc.f32 v22  }
0x3a3: {  	vm4 =	vlt.s32 v25, $0x40;
	vm3 =	vlt.f32 v22, v27;
	v22 =	vtrunc.f32 v15  }
0x3a4: {  	v26 =	vtrunc.f32 v23;
	vm6 =	vlt.f32 v15, v22;
	v15 =	vcvt.f32.s32 v27  }
0x3a5: {  	vm3 =	vmneg vm3;
	vm5 =	vlt.f32 v23, v26;
	v23 =	vnsel vm4, $0x40, v25  }
0x3a6: {  	s23 =	simm.s32 $0x3;
	vm4 =	vgt.f32 v17, $0.0e+00;
	v25 =	vadd.s32 $0x41, v23;
	v23 =	vsub.s32 $0x40, v23  }
0x3a7: {  	s0 =	sand.u32 $0x3, s23;
	v25 =	vsel vm4, v25, v23;
	vm4 =	vmneg vm5;
	v23 =	vcvt.f32.s32 v26  }
0x3a8: {  	s0 =	sshll.u32 s0, $0x5;
	v22 =	vcvt.f32.s32 v22;
	v26 =	vsel vm3, $0x1, v13;
	v27 =	vsel vm4, $0x1, v13  }
0x3a9: {  	s0 =	sadd.s32 $0x180, s0;
	vm5 =	vmneg vm6;
	v15 =	vadd.s32 v15, v26;
	v23 =	vadd.s32 v23, v27  }
0x3aa: {  	s26 =	sor.u32 $0x190, s0;
	v28 =	vsel vm5, $0x1, v13;
	v26 =	vld.idx.msk [tilespmem:v0+s5+$0x0], $0xffff;
	vm3 =	vlt.s32 v15, $0x40;
	vm4 =	vlt.s32 v23, $0x40  }
0x3ab: {  	v22 =	vadd.s32 v22, v28;
	v15 =	vnsel vm3, $0x40, v15;
	v28 =	vnsel vm4, $0x40, v23;
	v23 =	vld [tilespmem:s26+$0x400]  }
0x3ac: {  	vm5 =	vlt.s32 v22, $0x40;
	v29 =	vadd.s32 $0x41, v15;
	v15 =	vsub.s32 $0x40, v15;
	v27 =	vld.idx.msk [tilespmem:v25+s5+$0x0], $0xffff  }
0x3ad: {  	s4 =	sor.u32 $0x180, s0;
	vm2 =	vgt.f32 v20, $0.0e+00;
	v22 =	vnsel vm5, $0x40, v22;
	v29 =	vsel vm1, v29, v15  }
0x3ae: {  	v30 =	vadd.s32 $0x41, v28;
	v28 =	vsub.s32 $0x40, v28;
	v15 =	vld [tilespmem:s4+$0x400];
	vm1 =	vgt.f32 v21, $0.0e+00  }
0x3af: {  	v28 =	vsel vm2, v30, v28;
	v30 =	vadd.s32 $0x41, v22;
	v22 =	vsub.s32 $0x40, v22  }
0x3b0: {  	v19 =	vadd.s32 v19, v24;
	vm2 =	vge.f32 v26, v16;
	v30 =	vsel vm1, v30, v22  }
0x3b1: {  	v22 =	vsel vm2, $0xFFFFFFFF, v13;
	v24 =	vand.u32 $0x7FFFFFFF, v23;
	vm1 =	vge.f32 v27, v17  }
0x3b2: {  	v0 =	vadd.s32 v22, v0;
	v26 =	vld.idx.msk [tilespmem:v29+s5+$0x0], $0xffff;
	v24 =	vmul.f32 $9.846153850e-01, v24;
	v22 =	vsel vm1, $0xFFFFFFFF, v13  }
0x3b3: {  	v27 =	vand.u32 $0x7FFFFFFF, v15;
	vm1 =	vlt.s32 v19, $0x40;
	v25 =	vadd.s32 v22, v25  }
0x3b4: {  	v31 =	vld.idx.msk [tilespmem:v28+s5+$0x0], $0xffff;
	v22 =	vmul.f32 $9.846153850e-01, v27;
	v19 =	vnsel vm1, $0x40, v19;
	v24 =	vadd.f32 $-1.538461540e-02, v24  }
0x3b5: {  	s24 =	simm.s32 $0x5;
	vm2 =	vmmov vm0;
	v27 =	vld.idx.msk [tilespmem:v30+s5+$0x0], $0xffff;
	v32 =	vadd.s32 $0x41, v19;
	v19 =	vsub.s32 $0x40, v19  }
0x3b6: {  	s25 =	simm.s32 $0x4;
	s0 =	sand.u32 $0x3, s24;
	v33 =	vadd.f32 $-1.538461540e-02, v22;
	v22 =	vsel vm2, v32, v19;
	v19 =	vtrunc.f32 v24  }
0x3b7: {  	s1 =	sand.u32 $0x3, s25;
	s0 =	sshll.u32 s0, $0x5;
	v48 =	vld.idx.msk [tilespmem:v0+s15+$0x0], $0xffff;
	vm1 =	vge.f32 v26, v18;
	v35 =	vcvt.f32.s32 v19  }
0x3b8: {  	s1 =	sshll.u32 s1, $0x5;
	s0 =	sadd.s32 $0x2C0, s0;
	v0 =	vld.idx.msk [tilespmem:v0+s18+$0x0], $0xffff;
	vm2 =	vlt.f32 v24, v19;
	v34 =	vtrunc.f32 v33;
	v26 =	vsel vm1, $0xFFFFFFFF, v13  }
0x3b9: {  	s28 =	simm.s32 $0x90;
	s1 =	sadd.s32 $0x2C0, s1;
	s0 =	sadd.s32 $0xFFFFFFC0, s0;
	vm1 =	vge.f32 v31, v20;
	vm2 =	vmneg vm2;
	v36 =	vld.idx.msk [tilespmem:v25+s15+$0x0], $0xffff;
	v19 =	vadd.s32 v26, v29  }
0x3ba: {  	s6 =	simm.s32 $0x240;
	s1 =	sadd.s32 $0xFFFFFF40, s1;
	s23 =	sor.u32 $0x180, s0;
	v24 =	vsel vm1, $0xFFFFFFFF, v13;
	v29 =	vld.idx.msk [tilespmem:v25+s18+$0x0], $0xffff;
	vm1 =	vge.f32 v27, v21;
	v27 =	vsel vm2, $0x1, v13  }
0x3bb: {  	s3 =	sand.u32 $0x70, s28;
	s9 =	sand.u32 $0x7E00, s6;
	s6 =	sor.u32 $0x180, s1;
	v26 =	vld [tilespmem:s23+$0x400];
	v24 =	vadd.s32 v24, v28;
	v25 =	vsel vm1, $0xFFFFFFFF, v13;
	vm1 =	vlt.f32 v33, v34  }
0x3bc: {  	s7 =	sor.u32 s9, s3;
	v28 =	vld [tilespmem:s6+$0x400];
	v30 =	vadd.s32 v25, v30;
	v25 =	vadd.s32 v35, v27;
	v27 =	vmul.f32 v48, v16  }
0x3bd: {  	s30 =	simm.s32 $0xB0;
	s8 =	simm.s32 $0x2C0;
	v31 =	vcvt.f32.s32 v34;
	vm1 =	vmneg vm1;
	v16 =	vld [tilespmem:s7+$0x580];
	vm2 =	vlt.s32 v25, $0x40  }
0x3be: {  	s12 =	sand.u32 $0x70, s30;
	s0 =	sand.u32 $0x7E00, s8;
	v50 =	vnsel vm2, $0x40, v25;
	vm2 =	vgt.f32 v23, $0.0e+00;
	v25 =	vadd.f32 v0, v27  }
0x3bf: {  	s8 =	sor.u32 s0, s12;
	v49 =	vmul.f32 v36, v17;
	v0 =	vadd.s32 $0x41, v50;
	v33 =	vsub.s32 $0x40, v50  }
0x3c0: {  	v17 =	vld [tilespmem:s8+$0x580];
	v51 =	vand.u32 $0x7FFFFFFF, v26;
	vm11 =	vgt.f32 v26, $0.0e+00;
	v0 =	vsel vm2, v0, v33  }
0x3c1: {  	v52 =	vld.idx.msk [tilespmem:v19+s15+$0x0], $0xffff;
	v53 =	vand.u32 $0x7FFFFFFF, v28;
	v32 =	vmul.f32 $9.846153850e-01, v51;
	v27 =	vadd.f32 v29, v49  }
0x3c2: {  	v29 =	vsel vm1, $0x1, v13;
	v33 =	vmul.f32 $9.846153850e-01, v53;
	v54 =	vand.u32 $0x7FFFFFFF, v16  }
0x3c3: {  	vm1 =	vgt.f32 v28, $0.0e+00;
	v35 =	vmul.f32 $9.846153850e-01, v54;
	v32 =	vadd.f32 $-1.538461540e-02, v32  }
0x3c4: {  	vm2 =	vgt.f32 v16, $0.0e+00;
	v29 =	vadd.s32 v31, v29;
	v33 =	vadd.f32 $-1.538461540e-02, v33  }
0x3c5: {  	v55 =	vand.u32 $0x7FFFFFFF, v17;
	v35 =	vadd.f32 $-1.538461540e-02, v35;
	v37 =	vtrunc.f32 v32  }
0x3c6: {  	v34 =	vmul.f32 v52, v18;
	v36 =	vmul.f32 $9.846153850e-01, v55;
	vm4 =	vlt.f32 v32, v37  }
0x3c7: {  	v18 =	vtrunc.f32 v33;
	v57 =	vcvt.f32.s32 v37;
	vm4 =	vmneg vm4  }
0x3c8: {  	v58 =	vtrunc.f32 v35;
	vm5 =	vlt.f32 v33, v18;
	v18 =	vcvt.f32.s32 v18  }
0x3c9: {  	v56 =	vadd.f32 $-1.538461540e-02, v36;
	v59 =	vsel vm4, $0x1, v13;
	vm4 =	vlt.f32 v35, v58  }
0x3ca: {  	vm5 =	vmneg vm5;
	v62 =	vcvt.f32.s32 v58;
	v33 =	vadd.s32 v57, v59  }
0x3cb: {  	vm4 =	vmneg vm4;
	v47 =	vsel vm5, $0x1, v13;
	v38 =	vtrunc.f32 v56  }
0x3cc: {  	vm7 =	vlt.s32 v33, $0x40;
	v39 =	vsel vm4, $0x1, v13;
	v18 =	vadd.s32 v18, v47  }
0x3cd: {  	s16 =	simm.s32 $0x6;
	v61 =	vld.idx.msk [tilespmem:v22+s5+$0x0], $0xffff;
	vm10 =	vlt.f32 v56, v38;
	v60 =	vnsel vm7, $0x40, v33;
	v46 =	vcvt.f32.s32 v38  }
0x3ce: {  	s0 =	sand.u32 $0x3, s16;
	v49 =	vld.idx.msk [tilespmem:v0+s5+$0x0], $0xffff;
	v36 =	vadd.s32 v62, v39;
	vm4 =	vlt.s32 v18, $0x40;
	v33 =	vadd.s32 $0x41, v60  }
0x3cf: {  	s0 =	sshll.u32 s0, $0x5;
	v48 =	vld.idx.msk [tilespmem:v19+s18+$0x0], $0xffff;
	v32 =	vsub.s32 $0x40, v60;
	vm6 =	vmneg vm10;
	vm5 =	vlt.s32 v36, $0x40  }
0x3d0: {  	s0 =	sadd.s32 $0x300, s0;
	v63 =	vld.idx.msk [tilespmem:v24+s15+$0x0], $0xffff;
	v18 =	vnsel vm4, $0x40, v18;
	v32 =	vsel vm11, v33, v32;
	v41 =	vsel vm6, $0x1, v13  }
0x3d1: {  	s1 =	sor.u32 $0x180, s0;
	v40 =	vld.idx.msk [tilespmem:v30+s15+$0x0], $0xffff;
	v36 =	vnsel vm5, $0x40, v36;
	v50 =	vadd.s32 $0x41, v18;
	v18 =	vsub.s32 $0x40, v18  }
0x3d2: {  	v19 =	vadd.s32 v46, v41;
	v42 =	vadd.s32 $0x41, v36;
	v39 =	vsel vm1, v50, v18;
	v18 =	vld [tilespmem:s1+$0x400]  }
0x3d3: {  	v30 =	vld.idx.msk [tilespmem:v30+s18+$0x0], $0xffff;
	v36 =	vsub.s32 $0x40, v36;
	vm1 =	vge.f32 v49, v23;
	vm12 =	vlt.s32 v19, $0x40  }
0x3d4: {  	s3 =	sor.u32 $0x190, s0;
	v24 =	vld.idx.msk [tilespmem:v24+s18+$0x0], $0xffff;
	v36 =	vsel vm2, v42, v36;
	v31 =	vsel vm1, $0xFFFFFFFF, v13;
	v19 =	vnsel vm12, $0x40, v19  }
0x3d5: {  	v0 =	vadd.s32 v31, v0;
	v43 =	vadd.s32 $0x41, v19;
	v44 =	vsub.s32 $0x40, v19;
	v19 =	vld [tilespmem:s3+$0x400]  }
0x3d6: {  	vm0 =	vgt.f32 v15, $0.0e+00;
	v21 =	vmul.f32 v40, v21;
	v51 =	vld.idx.msk [tilespmem:v32+s5+$0x0], $0xffff  }
0x3d7: {  	vm3 =	vgt.f32 v17, $0.0e+00;
	v20 =	vmul.f32 v63, v20;
	v53 =	vand.u32 $0x7FFFFFFF, v18  }
0x3d8: {  	v37 =	vadd.f32 v30, v21;
	v52 =	vsel vm3, v43, v44;
	v30 =	vmul.f32 $9.846153850e-01, v53  }
0x3d9: {  	s20 =	simm.s32 $0x7;
	vm0 =	vmmov vm0;
	v34 =	vadd.f32 v48, v34;
	v21 =	vld.idx.msk [tilespmem:v36+s5+$0x0], $0xffff  }
0x3da: {  	s21 =	sand.u32 $0x3, s20;
	v33 =	vadd.f32 v24, v20;
	v56 =	vld.idx.msk [tilespmem:v0+s15+$0x0], $0xffff;
	v20 =	vand.u32 $0x7FFFFFFF, v19;
	v30 =	vadd.f32 $-1.538461540e-02, v30  }
0x3db: {  	s28 =	simm.s32 $0x110;
	s25 =	simm.s32 $0x440;
	s9 =	sshll.u32 s21, $0x5;
	vm2 =	vge.f32 v61, v14;
	v24 =	vld.idx.msk [tilespmem:v39+s5+$0x0], $0xffff;
	vm1 =	vge.f32 v51, v26;
	v20 =	vmul.f32 $9.846153850e-01, v20  }
0x3dc: {  	s30 =	sand.u32 $0x7E00, s25;
	s9 =	sadd.s32 $0x440, s9;
	s12 =	simm.s32 $0x8;
	v31 =	vsel vm1, $0xFFFFFFFF, v13;
	vm1 =	vlt.s32 v29, $0x40;
	v58 =	vtrunc.f32 v30  }
0x3dd: {  	s24 =	simm.s32 $0x3C0;
	s16 =	simm.s32 $0xF0;
	s19 =	sand.u32 $0x3, s12;
	v54 =	vld.idx.msk [tilespmem:v52+s5+$0x0], $0xffff;
	v31 =	vadd.s32 v31, v32;
	v29 =	vnsel vm1, $0x40, v29;
	v55 =	vadd.f32 $-1.538461540e-02, v20  }
0x3de: {  	s22 =	sand.u32 $0x70, s16;
	s0 =	sshll.u32 s19, $0x5;
	s19 =	sadd.s32 $0xFFFFFF40, s9;
	v0 =	vld.idx.msk [tilespmem:v0+s18+$0x0], $0xffff;
	vm1 =	vge.f32 v21, v16;
	v20 =	vadd.s32 $0x41, v29;
	v29 =	vsub.s32 $0x40, v29  }
0x3df: {  	s16 =	sand.u32 $0x7E00, s24;
	s21 =	sor.u32 $0x180, s19;
	s19 =	sand.u32 $0x70, s28;
	v59 =	vsel vm1, $0xFFFFFFFF, v13;
	v47 =	vmul.f32 v56, v23;
	v20 =	vsel vm0, v20, v29  }
0x3e0: {  	s24 =	sor.u32 s16, s22;
	s0 =	sadd.s32 $0x440, s0;
	s22 =	sor.u32 s30, s19;
	v21 =	vld [tilespmem:s21+$0x400];
	v29 =	vsel vm2, $0xFFFFFFFF, v13;
	v57 =	vtrunc.f32 v55;
	vm0 =	vge.f32 v24, v28  }
0x3e1: {  	s0 =	sadd.s32 $0xFFFFFFC0, s0;
	v23 =	vld [tilespmem:s22+$0x580];
	v60 =	vadd.s32 v59, v36;
	v41 =	vadd.s32 v29, v22;
	v24 =	vcvt.f32.s32 v57  }
0x3e2: {  	s9 =	sor.u32 $0x180, s0;
	v22 =	vsel vm0, $0xFFFFFFFF, v13;
	vm0 =	vlt.f32 v55, v57;
	vm1 =	vge.f32 v54, v17  }
0x3e3: {  	v0 =	vadd.f32 v0, v47;
	v39 =	vadd.s32 v22, v39;
	v22 =	vld [tilespmem:s9+$0x400];
	vm0 =	vmneg vm0  }
0x3e4: {  	v61 =	vsel vm1, $0xFFFFFFFF, v13;
	vm1 =	vlt.f32 v30, v58;
	v29 =	vld.idx.msk [tilespmem:v31+s15+$0x0], $0xffff;
	v62 =	vsel vm0, $0x1, v13  }
0x3e5: {  	v63 =	vadd.s32 v61, v52;
	v49 =	vand.u32 $0x7FFFFFFF, v21;
	vm1 =	vmneg vm1  }
0x3e6: {  	v31 =	vld.idx.msk [tilespmem:v31+s18+$0x0], $0xffff;
	v30 =	vadd.s32 v24, v62;
	v36 =	vmul.f32 $9.846153850e-01, v49;
	v52 =	vand.u32 $0x7FFFFFFF, v23  }
0x3e7: {  	v24 =	vld [tilespmem:s24+$0x580];
	v35 =	vsel vm1, $0x1, v13;
	vm1 =	vgt.f32 v21, $0.0e+00;
	vm3 =	vgt.f32 v23, $0.0e+00  }
0x3e8: {  	vm0 =	vlt.s32 v30, $0x40;
	v53 =	vmul.f32 $9.846153850e-01, v52;
	v36 =	vadd.f32 $-1.538461540e-02, v36  }
0x3e9: {  	v48 =	vld.idx.msk [tilespmem:v39+s15+$0x0], $0xffff;
	vm15 =	vgt.f32 v22, $0.0e+00;
	v26 =	vmul.f32 v29, v26;
	v29 =	vnsel vm0, $0x40, v30  }
0x3ea: {  	vm0 =	vgt.f32 v19, $0.0e+00;
	v30 =	vand.u32 $0x7FFFFFFF, v22;
	v45 =	vtrunc.f32 v36  }
0x3eb: {  	v30 =	vmul.f32 $9.846153850e-01, v30;
	v50 =	vadd.s32 $0x41, v29;
	v29 =	vsub.s32 $0x40, v29  }
0x3ec: {  	vm4 =	vlt.f32 v36, v45;
	v51 =	vadd.f32 v31, v26;
	v26 =	vand.u32 $0x7FFFFFFF, v24  }
0x3ed: {  	vm4 =	vmneg vm4;
	v30 =	vadd.f32 $-1.538461540e-02, v30;
	v31 =	vmul.f32 $9.846153850e-01, v26  }
0x3ee: {  	v26 =	vsel vm0, v50, v29;
	v29 =	vmul.f32 v48, v28;
	v28 =	vadd.f32 $-1.538461540e-02, v53  }
0x3ef: {  	v61 =	vsel vm4, $0x1, v13;
	v54 =	vtrunc.f32 v30;
	v31 =	vadd.f32 $-1.538461540e-02, v31  }
0x3f0: {  	vm0 =	vlt.f32 v30, v54;
	v30 =	vcvt.f32.s32 v54;
	v57 =	vtrunc.f32 v28  }
0x3f1: {  	[tilespmem:s10+$0x8400] =	vst v25;
	v25 =	vld.idx.msk [tilespmem:v20+s5+$0x0], $0xffff;
	v55 =	vtrunc.f32 v31;
	vm2 =	vmneg vm0;
	vm0 =	vgt.f32 v18, $0.0e+00  }
0x3f2: {  	[tilespmem:s11+$0x8400] =	vst v27;
	v32 =	vld.idx.msk [tilespmem:v60+s18+$0x0], $0xffff;
	vm13 =	vlt.f32 v28, v57;
	vm5 =	vlt.f32 v31, v55;
	v31 =	vsel vm2, $0x1, v13  }
0x3f3: {  	[tilespmem:s13+$0x8580] =	vst v33;
	v28 =	vld.idx.msk [tilespmem:v60+s15+$0x0], $0xffff;
	v60 =	vcvt.f32.s32 v57;
	vm2 =	vgt.f32 v24, $0.0e+00;
	v56 =	vadd.s32 v30, v31  }
0x3f4: {  	[tilespmem:s26+$0x8400] =	vst v0;
	v33 =	vld.idx.msk [tilespmem:v39+s18+$0x0], $0xffff;
	vm6 =	vmneg vm13;
	v0 =	vcvt.f32.s32 v55;
	vm14 =	vlt.s32 v56, $0x40  }
0x3f5: {  	[tilespmem:s14+$0x8400] =	vst v34;
	v34 =	vld.idx.msk [tilespmem:v63+s18+$0x0], $0xffff;
	v31 =	vcvt.f32.s32 v58;
	v58 =	vcvt.f32.s32 v45;
	v27 =	vnsel vm14, $0x40, v56  }
0x3f6: {  	[tilespmem:s17+$0x8580] =	vst v37;
	v36 =	vld.idx.msk [tilespmem:v41+s15+$0x0], $0xffff;
	vm5 =	vmneg vm5;
	v59 =	vadd.s32 $0x41, v27;
	v27 =	vsub.s32 $0x40, v27  }
0x3f7: {  	[tilespmem:s23+$0x8400] =	vst v51;
	v30 =	vld.idx.msk [tilespmem:v63+s15+$0x0], $0xffff;
	v63 =	vsel vm6, $0x1, v13;
	v62 =	vsel vm5, $0x1, v13;
	v37 =	vsel vm15, v59, v27  }
0x3f8: {  	s10 =	simm.s32 $0x300;
	s11 =	simm.s32 $0xC0;
	s13 =	simm.s32 $0x9;
	v40 =	vadd.s32 v60, v63;
	v38 =	vadd.s32 v58, v61;
	v39 =	vadd.s32 v0, v62;
	v27 =	vld.idx.msk [tilespmem:v41+s18+$0x0], $0xffff  }
.LBB2_15:
0x3f9: {  	vm5 =	vlt.s32 v38, $0x40  }
0x3fa: {  	s0 =	sand.u32 $0x3, s13;
	vm6 =	vlt.s32 v39, $0x40;
	vm7 =	vlt.s32 v40, $0x40;
	vm4 =	vmmov vm0  }
0x3fb: {  	s10 =	sadd.s32 $0x180, s10;
	s0 =	sshll.u32 s0, $0x5;
	v0 =	vld.idx.msk [tilespmem:v26+s5+$0x0], $0xffff;
	v38 =	vnsel vm5, $0x40, v38;
	v39 =	vnsel vm6, $0x40, v39;
	v40 =	vnsel vm7, $0x40, v40  }
0x3fc: {  	s0 =	sadd.s32 s0, s10;
	v41 =	vadd.s32 $0x41, v38;
	v38 =	vsub.s32 $0x40, v38;
	v42 =	vadd.s32 $0x41, v39;
	v43 =	vld.idx.msk [tilespmem:v37+s5+$0x0], $0xffff  }
0x3fd: {  	v39 =	vsub.s32 $0x40, v39;
	v44 =	vadd.s32 $0x41, v40;
	v40 =	vsub.s32 $0x40, v40;
	s17 =	sor.u32 $0x180, s0;
	s14 =	sor.u32 $0x190, s0  }
0x3fe: {  	v38 =	vsel vm1, v41, v38;
	v39 =	vsel vm2, v42, v39;
	v40 =	vsel vm3, v44, v40;
	v45 =	vld [tilespmem:s14+$0x400]  }
0x3ff: {  	v29 =	vadd.f32 v33, v29;
	v28 =	vmul.f32 v28, v16;
	v30 =	vmul.f32 v30, v17;
	v16 =	vmovc v24;
	v41 =	vld [tilespmem:s17+$0x400]  }
0x400: {  	v24 =	vadd.s32 v31, v35;
	vm1 =	vge.f32 v25, v15;
	v25 =	vmul.f32 v36, v14;
	v14 =	vmovc v15  }
0x401: {  	vm0 =	vge.f32 v0, v19;
	v0 =	vadd.f32 v32, v28;
	v28 =	vadd.f32 v34, v30;
	[tilespmem:s6+$0x8400] =	vst v29;
	s6 =	smov.u32 s21  }
0x402: {  	v17 =	vmovc v23;
	vm2 =	vlt.s32 v24, $0x40;
	v15 =	vmovc v18;
	v29 =	vsel vm0, $0xFFFFFFFF, v13;
	vm0 =	vge.f32 v43, v22  }
0x403: {  	v23 =	vadd.s32 v29, v26;
	v29 =	vsel vm0, $0xFFFFFFFF, v13;
	v32 =	vand.u32 $0x7FFFFFFF, v45;
	v26 =	vld.idx.msk [tilespmem:v38+s5+$0x0], $0xffff;
	[tilespmem:s7+$0x8580] =	vst v0;
	s7 =	smov.u32 s24  }
0x404: {  	v29 =	vadd.s32 v29, v37;
	v0 =	vand.u32 $0x7FFFFFFF, v41;
	v30 =	vmul.f32 $9.846153850e-01, v32;
	v31 =	vld.idx.msk [tilespmem:v39+s5+$0x0], $0xffff;
	[tilespmem:s8+$0x8580] =	vst v28;
	v18 =	vmovc v41;
	s8 =	smov.u32 s22  }
0x405: {  	s0 =	sadd.s32 $0x90, s11;
	v24 =	vnsel vm2, $0x40, v24;
	v0 =	vmul.f32 $9.846153850e-01, v0;
	vm0 =	vgt.f32 v18, $0.0e+00;
	v28 =	vld.idx.msk [tilespmem:v40+s5+$0x0], $0xffff  }
0x406: {  	s16 =	sadd.s32 $0xB0, s11;
	s20 =	sadd.s32 $0x3, s20;
	s0 =	sand.u32 $0x70, s0;
	v32 =	vadd.s32 $0x41, v24;
	v24 =	vsub.s32 $0x40, v24;
	v30 =	vadd.f32 $-1.538461540e-02, v30  }
0x407: {  	s12 =	sadd.s32 $0x3, s12;
	s19 =	sand.u32 $0x3, s20;
	s16 =	sand.u32 $0x70, s16;
	v24 =	vsel vm4, v32, v24;
	v32 =	vsel vm1, $0xFFFFFFFF, v13;
	v0 =	vadd.f32 $-1.538461540e-02, v0  }
0x408: {  	s19 =	sshll.u32 s19, $0x5;
	s11 =	sadd.s32 $0x60, s11;
	v25 =	vadd.f32 v27, v25;
	s21 =	sand.u32 $0x3, s12;
	v37 =	vadd.s32 v32, v20;
	v20 =	vmovc v24;
	v33 =	vtrunc.f32 v30;
	v34 =	vld.idx.msk [tilespmem:v23+s15+$0x0], $0xffff  }
0x409: {  	s25 =	sadd.s32 $0x180, s25;
	p1 =	slt.u32 s11, $0xF60;
	s21 =	sshll.u32 s21, $0x5;
	vm1 =	vge.f32 v26, v21;
	v27 =	vtrunc.f32 v0;
	v32 =	vcvt.f32.s32 v33;
	v26 =	vld.idx.msk [tilespmem:v29+s15+$0x0], $0xffff  }
0x40a: {  	s19 =	sadd.s32 s25, s19;
	s21 =	sadd.s32 s25, s21;
	s22 =	sadd.s32 $0xFFFFFF80, s25;
	vm2 =	vlt.f32 v30, v33;
	v30 =	vld.idx.msk [tilespmem:v23+s18+$0x0], $0xffff;
	v23 =	vsel vm1, $0xFFFFFFFF, v13;
	vm1 =	vge.f32 v31, v16;
	[tilespmem:s2+$0x8400] =	vst v25  }
0x40b: {  	s2 =	sadd.s32 $0xFFFFFF40, s19;
	s19 =	sand.u32 $0x7E00, s22;
	s22 =	sadd.s32 $0xFFFFFFC0, s21;
	v33 =	vadd.s32 v23, v38;
	v23 =	vsel vm1, $0xFFFFFFFF, v13;
	v29 =	vld.idx.msk [tilespmem:v29+s18+$0x0], $0xffff;
	vm1 =	vge.f32 v28, v17  }
0x40c: {  	vm2 =	vmneg vm2;
	s21 =	sor.u32 $0x180, s2;
	s23 =	sor.u32 $0x180, s22;
	s2 =	sand.u32 $0x7E00, s25;
	v25 =	vld.idx.msk [tilespmem:v24+s5+$0x0], $0xffff;
	v36 =	vadd.s32 v23, v39;
	v23 =	vsel vm1, $0xFFFFFFFF, v13  }
0x40d: {  	s24 =	sor.u32 s19, s0;
	vm1 =	vlt.f32 v0, v27;
	v0 =	vsel vm2, $0x1, v13;
	s22 =	sor.u32 s2, s16;
	s2 =	smov.u32 s4;
	v38 =	vld [tilespmem:s23+$0x400];
	v39 =	vadd.s32 v23, v40  }
0x40e: {  	s4 =	smov.u32 s1;
	s1 =	smov.u32 s17;
	vm1 =	vmneg vm1;
	v0 =	vadd.s32 v32, v0;
	v28 =	vmul.f32 v34, v19;
	v19 =	vmovc v45;
	v40 =	vld [tilespmem:s21+$0x400]  }
0x40f: {  	v31 =	vcvt.f32.s32 v27;
	vm2 =	vlt.s32 v0, $0x40;
	v32 =	vmul.f32 v26, v22;
	v24 =	vld [tilespmem:s24+$0x580]  }
0x410: {  	v0 =	vnsel vm2, $0x40, v0;
	vm2 =	vgt.f32 v19, $0.0e+00;
	v27 =	vadd.f32 v30, v28;
	v23 =	vld [tilespmem:s22+$0x580]  }
0x411: {  	v26 =	vadd.s32 $0x41, v0;
	v0 =	vsub.s32 $0x40, v0;
	v29 =	vadd.f32 v29, v32;
	v41 =	vld.idx.msk [tilespmem:v33+s15+$0x0], $0xffff  }
0x412: {  	v35 =	vsel vm1, $0x1, v13;
	v26 =	vsel vm2, v26, v0;
	v0 =	vand.u32 $0x7FFFFFFF, v38;
	[tilespmem:s3+$0x8400] =	vst v27;
	v28 =	vld.idx.msk [tilespmem:v36+s15+$0x0], $0xffff;
	v22 =	vmovc v38  }
0x413: {  	s3 =	smov.u32 s14;
	v27 =	vand.u32 $0x7FFFFFFF, v40;
	vm1 =	vgt.f32 v40, $0.0e+00;
	v0 =	vmul.f32 $9.846153850e-01, v0;
	[tilespmem:s9+$0x8400] =	vst v29;
	v30 =	vld.idx.msk [tilespmem:v39+s15+$0x0], $0xffff;
	s9 =	smov.u32 s23  }
0x414: {  	v27 =	vmul.f32 $9.846153850e-01, v27;
	v29 =	vand.u32 $0x7FFFFFFF, v24;
	vm2 =	vgt.f32 v24, $0.0e+00;
	v33 =	vld.idx.msk [tilespmem:v33+s18+$0x0], $0xffff  }
0x415: {  	v29 =	vmul.f32 $9.846153850e-01, v29;
	v0 =	vadd.f32 $-1.538461540e-02, v0;
	v34 =	vand.u32 $0x7FFFFFFF, v23;
	v32 =	vld.idx.msk [tilespmem:v36+s18+$0x0], $0xffff  }
0x416: {  	vm3 =	vgt.f32 v23, $0.0e+00;
	v38 =	vadd.f32 $-1.538461540e-02, v27;
	v27 =	vmul.f32 $9.846153850e-01, v34;
	v34 =	vld.idx.msk [tilespmem:v39+s18+$0x0], $0xffff  }
0x417: {  	v39 =	vadd.f32 $-1.538461540e-02, v29;
	v42 =	vtrunc.f32 v0;
	v29 =	vmul.f32 v41, v21;
	v36 =	vld.idx.msk [tilespmem:v37+s15+$0x0], $0xffff;
	v21 =	vmovc v40  }
0x418: {  	v40 =	vtrunc.f32 v38;
	vm4 =	vlt.f32 v0, v42;
	v0 =	vadd.f32 $-1.538461540e-02, v27;
	v27 =	vld.idx.msk [tilespmem:v37+s18+$0x0], $0xffff  }
0x419: {  	v41 =	vcvt.f32.s32 v42;
	v37 =	vtrunc.f32 v39;
	vm4 =	vmneg vm4  }
0x41a: {  	vm5 =	vlt.f32 v38, v40;
	v38 =	vsel vm4, $0x1, v13;
	v42 =	vtrunc.f32 v0  }
0x41b: {  	vm4 =	vlt.f32 v39, v37;
	v38 =	vadd.s32 v41, v38;
	vm6 =	vlt.f32 v0, v42  }
0x41c: {  	vm5 =	vmneg vm5;
	v0 =	vcvt.f32.s32 v40;
	vm7 =	vlt.s32 v38, $0x40  }
.Ltmp6:
0x41d: {  	vm4 =	vmneg vm4;
	vm6 =	vmneg vm6;
	v38 =	vnsel vm7, $0x40, v38;
	(pc) =	sbr.rel @p1 .LBB2_15-.Ltmp6, $4  }
0x41e: {  	vm7 =	vgt.f32 v22, $0.0e+00;
	v39 =	vadd.s32 $0x41, v38;
	v38 =	vsub.s32 $0x40, v38  }
0x41f: {  	v40 =	vcvt.f32.s32 v37;
	v41 =	vcvt.f32.s32 v42;
	v37 =	vsel vm7, v39, v38  }
0x420: {  	v42 =	vsel vm6, $0x1, v13;
	v38 =	vsel vm5, $0x1, v13;
	v39 =	vsel vm4, $0x1, v13  }
0x421: {  	s13 =	sadd.s32 $0x3, s13;
	v38 =	vadd.s32 v0, v38;
	v39 =	vadd.s32 v40, v39;
	v40 =	vadd.s32 v41, v42  }
0x422: {  	_ =	sdelay $0x1  }
0x423: {  	vm4 =	vlt.s32 v38, $0x40;
	vm5 =	vlt.s32 v39, $0x40;
	vm6 =	vlt.s32 v40, $0x40  }
0x424: {  	v31 =	vadd.s32 v31, v35;
	v0 =	vnsel vm4, $0x40, v38;
	v49 =	vnsel vm5, $0x40, v39  }
0x425: {  	v52 =	vld.idx.msk [tilespmem:v26+s5+$0x0], $0xffff;
	v50 =	vnsel vm6, $0x40, v40;
	v51 =	vadd.s32 $0x41, v0;
	v0 =	vsub.s32 $0x40, v0  }
0x426: {  	v53 =	vld.idx.msk [tilespmem:v37+s5+$0x0], $0xffff;
	v41 =	vadd.s32 $0x41, v49;
	v38 =	vsub.s32 $0x40, v49;
	v0 =	vsel vm1, v51, v0  }
0x427: {  	v42 =	vadd.s32 $0x41, v50;
	v39 =	vsub.s32 $0x40, v50;
	v38 =	vsel vm2, v41, v38  }
0x428: {  	vm8 =	vlt.s32 v31, $0x40;
	v39 =	vsel vm3, v42, v39  }
0x429: {  	vm0 =	vmmov vm0;
	v31 =	vnsel vm8, $0x40, v31  }
0x42a: {  	v56 =	vadd.s32 $0x41, v31;
	v31 =	vsub.s32 $0x40, v31;
	vm9 =	vge.f32 v52, v19  }
0x42b: {  	v31 =	vsel vm0, v56, v31;
	vm10 =	vge.f32 v53, v22;
	v43 =	vsel vm9, $0xFFFFFFFF, v13;
	v54 =	vld.idx.msk [tilespmem:v0+s5+$0x0], $0xffff  }
0x42c: {  	v59 =	vsel vm10, $0xFFFFFFFF, v13;
	v58 =	vadd.s32 v43, v26;
	v55 =	vld.idx.msk [tilespmem:v38+s5+$0x0], $0xffff  }
0x42d: {  	v60 =	vadd.s32 v59, v37;
	v57 =	vld.idx.msk [tilespmem:v39+s5+$0x0], $0xffff  }
0x42e: {  	vm14 =	vge.f32 v25, v15  }
0x42f: {  	v47 =	vsel vm14, $0xFFFFFFFF, v13  }
0x430: {  	v20 =	vadd.s32 v47, v20;
	v62 =	vld.idx.msk [tilespmem:v31+s5+$0x0], $0xffff;
	vm11 =	vge.f32 v54, v21  }
0x431: {  	v63 =	vld.idx.msk [tilespmem:v58+s15+$0x0], $0xffff;
	vm12 =	vge.f32 v55, v24;
	v35 =	vsel vm11, $0xFFFFFFFF, v13  }
0x432: {  	v42 =	vld.idx.msk [tilespmem:v60+s15+$0x0], $0xffff;
	vm13 =	vge.f32 v57, v23;
	v61 =	vsel vm12, $0xFFFFFFFF, v13;
	v0 =	vadd.s32 v35, v0  }
0x433: {  	v26 =	vld.idx.msk [tilespmem:v58+s18+$0x0], $0xffff;
	v45 =	vsel vm13, $0xFFFFFFFF, v13;
	v35 =	vadd.s32 v61, v38  }
0x434: {  	v46 =	vld.idx.msk [tilespmem:v60+s18+$0x0], $0xffff;
	v38 =	vadd.s32 v45, v39  }
0x435: {  	v55 =	vld.idx.msk [tilespmem:v20+s15+$0x0], $0xffff;
	vm15 =	vge.f32 v62, v18  }
0x436: {  	v20 =	vld.idx.msk [tilespmem:v20+s18+$0x0], $0xffff;
	v40 =	vsel vm15, $0xFFFFFFFF, v13  }
0x437: {  	v16 =	vmul.f32 v28, v16;
	v31 =	vadd.s32 v40, v31;
	v48 =	vld.idx.msk [tilespmem:v0+s15+$0x0], $0xffff  }
0x438: {  	v14 =	vmul.f32 v36, v14;
	v49 =	vld.idx.msk [tilespmem:v35+s15+$0x0], $0xffff  }
0x439: {  	v17 =	vmul.f32 v30, v17;
	v16 =	vadd.f32 v32, v16;
	v50 =	vld.idx.msk [tilespmem:v38+s15+$0x0], $0xffff  }
0x43a: {  	v14 =	vadd.f32 v27, v14;
	v56 =	vmul.f32 v42, v22;
	v0 =	vld.idx.msk [tilespmem:v0+s18+$0x0], $0xffff  }
0x43b: {  	v17 =	vadd.f32 v34, v17;
	[tilespmem:s7+$0x8580] =	vst v16;
	v53 =	vld.idx.msk [tilespmem:v38+s18+$0x0], $0xffff  }
0x43c: {  	[tilespmem:s2+$0x8400] =	vst v14;
	v54 =	vmul.f32 v63, v19;
	v14 =	vadd.f32 v46, v56;
	v57 =	vld.idx.msk [tilespmem:v31+s15+$0x0], $0xffff  }
0x43d: {  	v51 =	vadd.f32 v33, v29;
	[tilespmem:s8+$0x8580] =	vst v17;
	v52 =	vld.idx.msk [tilespmem:v35+s18+$0x0], $0xffff;
	v59 =	vmul.f32 v48, v21  }
0x43e: {  	v58 =	vadd.f32 v26, v54;
	v61 =	vld.idx.msk [tilespmem:v31+s18+$0x0], $0xffff;
	[tilespmem:s9+$0x8400] =	vst v14;
	v14 =	vmul.f32 v55, v15  }
0x43f: {  	[tilespmem:s6+$0x8400] =	vst v51;
	v62 =	vmul.f32 v50, v23;
	v0 =	vadd.f32 v0, v59  }
0x440: {  	[tilespmem:s3+$0x8400] =	vst v58;
	v14 =	vadd.f32 v20, v14;
	v60 =	vmul.f32 v49, v24  }
0x441: {  	v63 =	vmul.f32 v57, v18;
	[tilespmem:s21+$0x8400] =	vst v0;
	v0 =	vadd.f32 v53, v62  }
0x442: {  	[tilespmem:s4+$0x8400] =	vst v14;
	v15 =	vadd.f32 v52, v60  }
0x443: {  	[tilespmem:s22+$0x8580] =	vst v0;
	v0 =	vadd.f32 v61, v63  }
0x444: {  	s2 =	simm.s32 $0x85C0;
	[tilespmem:s24+$0x8580] =	vst v15  }
0x445: {  	s6 =	simm.s32 $0x5C0;
	s3 =	simm.s32 $0xFB0;
	s4 =	simm.s32 $0x3F00;
	[tilespmem:s1+$0x8400] =	vst v0  }
.LBB2_17:
0x446: {  	s0 =	sand.u32 $0x3FFFFE00, s4  }
0x447: {  	s1 =	sadd.s32 s0, s6  }
0x448: {  	v0 =	vld [tilespmem:s1+$0x0];
	_ =	sdelay $0x4  }
0x449: {  	v14 =	vand.u32 $0x7FFFFFFF, v0  }
0x44a: {  	v14 =	vmul.f32 $9.846153850e-01, v14;
	_ =	sdelay $0x1  }
0x44b: {  	v14 =	vadd.f32 $-1.538461540e-02, v14;
	_ =	sdelay $0x1  }
0x44c: {  	v15 =	vtrunc.f32 v14  }
0x44d: {  	vm0 =	vlt.f32 v14, v15  }
0x44e: {  	v14 =	vcvt.f32.s32 v15;
	vm0 =	vmneg vm0  }
0x44f: {  	v15 =	vsel vm0, $0x1, v13  }
0x450: {  	v14 =	vadd.s32 v14, v15  }
0x451: {  	vm13 =	vlt.s32 v14, $0x40  }
0x452: {  	v14 =	vnsel vm13, $0x40, v14  }
0x453: {  	vm14 =	vgt.f32 v0, $0.0e+00;
	v15 =	vadd.s32 $0x41, v14;
	v14 =	vsub.s32 $0x40, v14  }
0x454: {  	v14 =	vsel vm14, v15, v14;
	_ =	sdelay $0x4  }
0x455: {  	v15 =	vld.idx.msk [tilespmem:v14+s5+$0x0], $0xffff;
	_ =	sdelay $0x4  }
0x456: {  	vm15 =	vge.f32 v15, v0  }
0x457: {  	v15 =	vsel vm15, $0xFFFFFFFF, v13  }
0x458: {  	v14 =	vadd.s32 v15, v14;
	_ =	sdelay $0x4  }
0x459: {  	v15 =	vld.idx.msk [tilespmem:v14+s15+$0x0], $0xffff;
	_ =	sdelay $0x1  }
0x45a: {  	v14 =	vld.idx.msk [tilespmem:v14+s18+$0x0], $0xffff  }
0x45b: {  	s3 =	sadd.s32 $0x10, s3  }
0x45c: {  	p1 =	slt.u32 s3, $0xFF0  }
.Ltmp7:
0x45d: {  	v0 =	vmul.f32 v15, v0;
	(pc) =	sbr.rel @p1 .LBB2_17-.Ltmp7, $4  }
0x45e: {  	_ = 	snop  }
0x45f: {  	v0 =	vadd.f32 v14, v0  }
0x460: {  	s0 =	sadd.s32 s0, s2  }
0x461: {  	s4 =	sadd.s32 $0x40, s4;
	s6 =	sadd.s32 $0x10, s6;
	s2 =	sadd.s32 $0x10, s2;
	[tilespmem:s0+$0x0] =	vst v0  }
0x462: {  	p1 =	sne.s32 s29, $0xF  }
.Ltmp8:
0x463: {  	_ = 	snop;
	(pc) =	sbr.rel @p1 .LBB2_20-.Ltmp8, $4  }
0x464: {  	s0 =	rddreg [dreg:$0xf]  }
0x465: {  	s1 =	rddreg [dreg:$0x3];
	s2 =	simm.s32 $0x400;
	s0 =	sshll.u32 s0, $0xC  }
0x466: {  	s3 =	simm.s32 $0x8400;
	s0 =	sadd.s32 s1, s0;
	s1 =	simm.s32 $0x200  }
0x467: {  	[hbm4b:s0+s1] =	stream.strided.scatter [tilespmem:s3], [sflag:$0x3], $0x4000, s2, s1, $0x38;
	[tilespmem:$0x10400] =	vst v63  }
.Ltmp9:
0x468: {  	(pc) =	sbr.rel .LBB2_21-.Ltmp9, $4  }
0x469: {  	s0 =	simm.s32 $0x2  }
0x46a: {  	_ =	swait.ge [sflag:s0], $0x4000  }
0x46b: {  	[sflag:s0] =	ssyncset.done $0x0  }
0x46c: {  	[sflag:s0] =	ssyncadd.s32 $0xFFFFC000  }
.LBB2_20:
0x46d: {  	s0 =	rddreg [dreg:$0xc]  }
.Ltmp10:
0x46e: {  	s0 =	sadd.s32 s0, s31;
	s31 =	simm.s32 $0x2;
	(pc) =	sbr.rel @p0 .LBB2_22-.Ltmp10, $4  }
0x46f: {  	[tilespmem:s2], [sflag:$0x1] =	stream.strided.gather [hbm4b:s0+s1], $0x4000, s2, s1, $0x38;
	[tilespmem:$0x10400] =	vst v63  }
0x470: {  	_ =	swait.ge [sflag:s31], $0x4000  }
0x471: {  	[sflag:s31] =	ssyncset.done $0x0  }
0x472: {  	[sflag:s31] =	ssyncadd.s32 $0xFFFFC000  }
.LBB2_21:
0x473: {  	s0 =	simm.s32 $0x4  }
0x474: {  	_ =	swait.ge [sflag:s0], $0x4000  }
0x475: {  	[sflag:s0] =	ssyncset.done $0x0  }
0x476: {  	[sflag:s0] =	ssyncadd.s32 $0xFFFFC000  }
.LBB2_22:
0x477: {  	s0 =	simm.s32 $0x140;
	s1 =	simm.s32 $0x50  }
0x478: {  	s1 =	sand.u32 $0x70, s1;
	s0 =	sand.u32 $0x7E00, s0  }
0x479: {  	s13 =	sor.u32 s1, s0  }
0x47a: {  	v16 =	vld [tilespmem:s13+$0x4400]  }
0x47b: {  	s2 =	simm.s32 $0x20;
	s3 =	simm.s32 $0x80  }
0x47c: {  	s26 =	sand.u32 $0x60, s2;
	s30 =	sand.u32 $0x7E00, s3  }
0x47d: {  	s23 =	simm.s32 $0x0;
	s24 =	simm.s32 $0x0;
	s26 =	sor.u32 s26, s30  }
0x47e: {  	s25 =	simm.s32 $0x30;
	s31 =	simm.s32 $0x40;
	s4 =	simm.s32 $0xC0;
	v27 =	vld [tilespmem:s26+$0x4400]  }
0x47f: {  	s6 =	simm.s32 $0x100;
	s0 =	sand.u32 $0x60, s23;
	s1 =	sand.u32 $0x3E00, s24;
	v0 =	vand.u32 $0x7FFFFFFF, v16  }
0x480: {  	s7 =	sand.u32 $0x7E00, s4;
	s14 =	sor.u32 s0, s1;
	s0 =	sand.u32 $0x70, s25;
	v0 =	vmul.f32 $9.846153850e-01, v0  }
0x481: {  	s3 =	sand.u32 $0x60, s31;
	s8 =	sand.u32 $0x7E00, s6;
	v26 =	vld [tilespmem:s14+$0x4400];
	s1 =	sor.u32 s0, s7  }
0x482: {  	s0 =	sor.u32 s3, s8;
	v28 =	vld [tilespmem:s1+$0x4400];
	v0 =	vadd.f32 $-1.538461540e-02, v0  }
0x483: {  	v32 =	vld [tilespmem:s0+$0x4400];
	v17 =	vand.u32 $0x7FFFFFFF, v27  }
0x484: {  	v25 =	vld [tilespmem:s14+$0x4410];
	v17 =	vmul.f32 $9.846153850e-01, v17;
	v14 =	vtrunc.f32 v0  }
0x485: {  	vm0 =	vlt.f32 v0, v14  }
0x486: {  	v17 =	vadd.f32 $-1.538461540e-02, v17;
	v0 =	vcvt.f32.s32 v14;
	vm0 =	vmneg vm0  }
0x487: {  	vm1 =	vgt.f32 v26, $0.0e+00;
	v19 =	vand.u32 $0x7FFFFFFF, v28;
	v15 =	vsel vm0, $0x1, v13  }
0x488: {  	v20 =	vand.u32 $0x7FFFFFFF, v32;
	v22 =	vtrunc.f32 v17;
	v0 =	vadd.s32 v0, v15  }
0x489: {  	v14 =	vand.u32 $0x7FFFFFFF, v26;
	v15 =	vand.u32 $0x7FFFFFFF, v25;
	vm0 =	vlt.s32 v0, $0x40  }
0x48a: {  	v14 =	vmul.f32 $9.846153850e-01, v14;
	v15 =	vmul.f32 $9.846153850e-01, v15;
	v0 =	vnsel vm0, $0x40, v0  }
0x48b: {  	vm0 =	vgt.f32 v16, $0.0e+00;
	v18 =	vadd.s32 $0x41, v0;
	v0 =	vsub.s32 $0x40, v0  }
0x48c: {  	v14 =	vadd.f32 $-1.538461540e-02, v14;
	v15 =	vadd.f32 $-1.538461540e-02, v15;
	v0 =	vsel vm0, v18, v0  }
0x48d: {  	vm4 =	vlt.f32 v17, v22;
	v18 =	vmul.f32 $9.846153850e-01, v19;
	v19 =	vmul.f32 $9.846153850e-01, v20  }
0x48e: {  	vm4 =	vmneg vm4;
	v20 =	vtrunc.f32 v14;
	v21 =	vtrunc.f32 v15  }
0x48f: {  	vm2 =	vlt.f32 v14, v20;
	v18 =	vadd.f32 $-1.538461540e-02, v18;
	v19 =	vadd.f32 $-1.538461540e-02, v19  }
0x490: {  	vm3 =	vlt.f32 v15, v21;
	vm2 =	vmneg vm2;
	v15 =	vcvt.f32.s32 v20  }
0x491: {  	v17 =	vcvt.f32.s32 v21;
	v21 =	vsel vm4, $0x1, v13;
	v23 =	vtrunc.f32 v18;
	v14 =	vld.idx.msk [tilespmem:v0+s5+$0x0], $0xffff  }
0x492: {  	vm3 =	vmneg vm3;
	v24 =	vtrunc.f32 v19;
	vm5 =	vlt.f32 v18, v23  }
0x493: {  	vm6 =	vlt.f32 v19, v24;
	v18 =	vsel vm2, $0x1, v13;
	v19 =	vcvt.f32.s32 v22  }
0x494: {  	v20 =	vcvt.f32.s32 v23;
	v23 =	vcvt.f32.s32 v24;
	vm5 =	vmneg vm5  }
0x495: {  	vm6 =	vmneg vm6;
	v15 =	vadd.s32 v15, v18;
	v18 =	vsel vm5, $0x1, v13  }
0x496: {  	v18 =	vadd.s32 v20, v18;
	vm2 =	vge.f32 v14, v16;
	v14 =	vsel vm3, $0x1, v13  }
0x497: {  	vm15 =	vlt.s32 v18, $0x40;
	v22 =	vsel vm2, $0xFFFFFFFF, v13;
	v14 =	vadd.s32 v17, v14  }
0x498: {  	v17 =	vadd.s32 v19, v21;
	vm2 =	vlt.s32 v15, $0x40;
	v0 =	vadd.s32 v22, v0  }
0x499: {  	s9 =	simm.s32 $0xB0;
	s10 =	simm.s32 $0x2C0;
	s11 =	simm.s32 $0x60;
	v22 =	vsel vm6, $0x1, v13;
	vm3 =	vlt.s32 v14, $0x40;
	v15 =	vnsel vm2, $0x40, v15  }
0x49a: {  	s2 =	sand.u32 $0x70, s9;
	s6 =	simm.s32 $0x180;
	s3 =	sand.u32 $0x7E00, s10;
	vm2 =	vlt.s32 v17, $0x40;
	v20 =	vadd.s32 v23, v22;
	v19 =	vadd.s32 $0x41, v15  }
0x49b: {  	s12 =	sand.u32 $0x60, s11;
	s16 =	sand.u32 $0x3E00, s6;
	s10 =	sor.u32 s2, s3;
	v15 =	vsub.s32 $0x40, v15;
	v14 =	vnsel vm3, $0x40, v14;
	vm8 =	vlt.s32 v20, $0x40  }
0x49c: {  	s17 =	simm.s32 $0x80;
	s19 =	simm.s32 $0x90;
	s2 =	sor.u32 s12, s16;
	v21 =	vld [tilespmem:s10+$0x4400];
	v19 =	vsel vm1, v19, v15;
	v15 =	vnsel vm2, $0x40, v17;
	v17 =	vnsel vm15, $0x40, v18  }
0x49d: {  	s21 =	simm.s32 $0x240;
	s4 =	sand.u32 $0x60, s17;
	s7 =	simm.s32 $0x200;
	v22 =	vsub.s32 $0x40, v14;
	v24 =	vadd.s32 $0x41, v15;
	v29 =	vsub.s32 $0x40, v15;
	v15 =	vld [tilespmem:s2+$0x4400]  }
0x49e: {  	s11 =	sand.u32 $0x7E00, s21;
	s8 =	sand.u32 $0x70, s19;
	s7 =	sand.u32 $0x7E00, s7;
	vm1 =	vgt.f32 v27, $0.0e+00;
	v18 =	vnsel vm8, $0x40, v20;
	v20 =	vadd.s32 $0x41, v14;
	v14 =	vld [tilespmem:s2+$0x4410]  }
0x49f: {  	s6 =	sor.u32 s4, s7;
	s4 =	sor.u32 s8, s11;
	vm2 =	vgt.f32 v28, $0.0e+00;
	v30 =	vadd.s32 $0x41, v17;
	v17 =	vsub.s32 $0x40, v17;
	v23 =	vld.idx.msk [tilespmem:v0+s15+$0x0], $0xffff  }
0x4a0: {  	v31 =	vsel vm1, v24, v29;
	v29 =	vsel vm2, v30, v17;
	v17 =	vld [tilespmem:s4+$0x4400]  }
0x4a1: {  	v0 =	vld.idx.msk [tilespmem:v0+s18+$0x0], $0xffff  }
0x4a2: {  	vm0 =	vgt.f32 v25, $0.0e+00;
	vm3 =	vgt.f32 v32, $0.0e+00;
	v34 =	vld.idx.msk [tilespmem:v19+s5+$0x0], $0xffff  }
0x4a3: {  	s20 =	simm.s32 $0xA0;
	s9 =	simm.s32 $0x280;
	v33 =	vadd.s32 $0x41, v18;
	v18 =	vsub.s32 $0x40, v18;
	v22 =	vsel vm0, v20, v22  }
0x4a4: {  	s22 =	sand.u32 $0x7E00, s9;
	s3 =	sand.u32 $0x60, s20;
	v30 =	vsel vm3, v33, v18;
	v20 =	vmul.f32 v23, v16;
	v16 =	vld [tilespmem:s6+$0x4400];
	v23 =	vand.u32 $0x7FFFFFFF, v21  }
0x4a5: {  	s7 =	sor.u32 s3, s22;
	vm2 =	vgt.f32 v15, $0.0e+00;
	v60 =	vand.u32 $0x7FFFFFFF, v17;
	v23 =	vmul.f32 $9.846153850e-01, v23  }
0x4a6: {  	v18 =	vld [tilespmem:s7+$0x4400];
	v36 =	vadd.f32 v0, v20;
	v0 =	vand.u32 $0x7FFFFFFF, v15;
	v20 =	vand.u32 $0x7FFFFFFF, v14  }
0x4a7: {  	vm0 =	vge.f32 v34, v26;
	v34 =	vmul.f32 $9.846153850e-01, v60;
	v23 =	vadd.f32 $-1.538461540e-02, v23  }
0x4a8: {  	vm1 =	vgt.f32 v14, $0.0e+00;
	v0 =	vmul.f32 $9.846153850e-01, v0;
	v20 =	vmul.f32 $9.846153850e-01, v20  }
0x4a9: {  	v34 =	vadd.f32 $-1.538461540e-02, v34;
	v24 =	vand.u32 $0x7FFFFFFF, v16;
	v59 =	vtrunc.f32 v23  }
0x4aa: {  	v0 =	vadd.f32 $-1.538461540e-02, v0;
	v20 =	vadd.f32 $-1.538461540e-02, v20;
	v24 =	vmul.f32 $9.846153850e-01, v24  }
0x4ab: {  	vm3 =	vlt.f32 v23, v59;
	v23 =	vand.u32 $0x7FFFFFFF, v18;
	v33 =	vcvt.f32.s32 v59  }
0x4ac: {  	v62 =	vtrunc.f32 v34;
	vm3 =	vmneg vm3;
	v23 =	vmul.f32 $9.846153850e-01, v23  }
0x4ad: {  	v61 =	vtrunc.f32 v0;
	v38 =	vtrunc.f32 v20;
	vm11 =	vlt.f32 v34, v62  }
0x4ae: {  	v44 =	vcvt.f32.s32 v62;
	v35 =	vsel vm3, $0x1, v13;
	v24 =	vadd.f32 $-1.538461540e-02, v24  }
0x4af: {  	vm9 =	vlt.f32 v20, v38;
	vm6 =	vmneg vm11;
	v20 =	vcvt.f32.s32 v38  }
0x4b0: {  	v33 =	vadd.s32 v33, v35;
	v23 =	vadd.f32 $-1.538461540e-02, v23;
	vm4 =	vmneg vm9  }
0x4b1: {  	vm9 =	vgt.f32 v18, $0.0e+00;
	vm3 =	vlt.s32 v33, $0x40;
	v39 =	vtrunc.f32 v24  }
0x4b2: {  	v45 =	vsel vm4, $0x1, v13;
	v33 =	vnsel vm3, $0x40, v33;
	vm3 =	vgt.f32 v21, $0.0e+00  }
0x4b3: {  	v40 =	vtrunc.f32 v23;
	vm10 =	vlt.f32 v24, v39;
	v63 =	vcvt.f32.s32 v39  }
0x4b4: {  	v20 =	vadd.s32 v20, v45;
	v37 =	vadd.s32 $0x41, v33;
	v33 =	vsub.s32 $0x40, v33  }
0x4b5: {  	vm7 =	vlt.f32 v23, v40;
	vm5 =	vmneg vm10;
	v47 =	vcvt.f32.s32 v40  }
0x4b6: {  	v50 =	vld.idx.msk [tilespmem:v22+s5+$0x0], $0xffff;
	vm12 =	vlt.s32 v20, $0x40;
	v33 =	vsel vm3, v37, v33;
	vm3 =	vlt.f32 v0, v61  }
0x4b7: {  	s23 =	simm.s32 $0x110;
	s24 =	simm.s32 $0x440;
	v0 =	vcvt.f32.s32 v61;
	vm7 =	vmneg vm7;
	v46 =	vsel vm5, $0x1, v13  }
0x4b8: {  	s3 =	sand.u32 $0x70, s23;
	s8 =	sand.u32 $0x7E00, s24;
	v20 =	vnsel vm12, $0x40, v20;
	vm3 =	vmneg vm3;
	v48 =	vsel vm7, $0x1, v13  }
0x4b9: {  	s21 =	sor.u32 s3, s8;
	v34 =	vadd.s32 v63, v46;
	v51 =	vadd.s32 $0x41, v20;
	v20 =	vsub.s32 $0x40, v20  }
0x4ba: {  	v40 =	vld [tilespmem:s21+$0x4400];
	v23 =	vsel vm3, $0x1, v13;
	v49 =	vadd.s32 v47, v48;
	vm14 =	vlt.s32 v34, $0x40  }
0x4bb: {  	v41 =	vsel vm1, v51, v20;
	vm1 =	vge.f32 v50, v25;
	v0 =	vadd.s32 v0, v23  }
0x4bc: {  	v23 =	vsel vm6, $0x1, v13;
	vm8 =	vlt.s32 v49, $0x40;
	v34 =	vnsel vm14, $0x40, v34  }
0x4bd: {  	s31 =	simm.s32 $0xE0;
	s17 =	simm.s32 $0xF0;
	v23 =	vadd.s32 v44, v23;
	vm3 =	vlt.s32 v0, $0x40;
	v35 =	vnsel vm8, $0x40, v49;
	v44 =	vld.idx.msk [tilespmem:v29+s5+$0x0], $0xffff  }
0x4be: {  	s30 =	simm.s32 $0x300;
	s25 =	simm.s32 $0xC0;
	s19 =	simm.s32 $0x3C0;
	v52 =	vadd.s32 $0x41, v34;
	v34 =	vsub.s32 $0x40, v34;
	v24 =	vld.idx.msk [tilespmem:v33+s5+$0x0], $0xffff;
	vm15 =	vlt.s32 v23, $0x40  }
0x4bf: {  	s9 =	sand.u32 $0x60, s25;
	s16 =	sand.u32 $0x3E00, s30;
	s12 =	simm.s32 $0x380;
	v58 =	vand.u32 $0x7FFFFFFF, v40;
	v0 =	vnsel vm3, $0x40, v0;
	v23 =	vnsel vm15, $0x40, v23  }
0x4c0: {  	s12 =	sand.u32 $0x7E00, s12;
	s8 =	sor.u32 s9, s16;
	s3 =	sand.u32 $0x60, s31;
	vm3 =	vgt.f32 v17, $0.0e+00;
	v53 =	vadd.s32 $0x41, v23;
	v23 =	vsub.s32 $0x40, v23  }
0x4c1: {  	s11 =	sand.u32 $0x70, s17;
	s9 =	sand.u32 $0x7E00, s19;
	s12 =	sor.u32 s3, s12;
	v20 =	vld [tilespmem:s8+$0x4400];
	v45 =	vadd.s32 $0x41, v35;
	v39 =	vsel vm3, v53, v23;
	v23 =	vsel vm1, $0xFFFFFFFF, v13  }
0x4c2: {  	s9 =	sor.u32 s11, s9;
	v35 =	vsub.s32 $0x40, v35;
	vm3 =	vge.f32 v44, v28;
	v44 =	vadd.s32 v23, v22;
	v23 =	vld [tilespmem:s12+$0x4400]  }
0x4c3: {  	v38 =	vsel vm9, v45, v35;
	v22 =	vld [tilespmem:s9+$0x4400];
	vm13 =	vge.f32 v24, v21;
	v56 =	vsel vm3, $0xFFFFFFFF, v13  }
0x4c4: {  	v42 =	vld.idx.msk [tilespmem:v31+s5+$0x0], $0xffff;
	v24 =	vsel vm13, $0xFFFFFFFF, v13;
	v45 =	vadd.s32 v56, v29;
	v29 =	vmul.f32 $9.846153850e-01, v58  }
0x4c5: {  	v33 =	vadd.s32 v24, v33;
	v24 =	vadd.s32 $0x41, v0;
	v0 =	vsub.s32 $0x40, v0  }
0x4c6: {  	v24 =	vsel vm2, v24, v0;
	v0 =	vld.idx.msk [tilespmem:v30+s5+$0x0], $0xffff;
	vm2 =	vgt.f32 v16, $0.0e+00;
	v29 =	vadd.f32 $-1.538461540e-02, v29  }
0x4c7: {  	vm1 =	vgt.f32 v20, $0.0e+00;
	v43 =	vsel vm2, v52, v34;
	v60 =	vand.u32 $0x7FFFFFFF, v23  }
0x4c8: {  	v61 =	vand.u32 $0x7FFFFFFF, v22;
	v62 =	vtrunc.f32 v29;
	v34 =	vmul.f32 $9.846153850e-01, v60  }
0x4c9: {  	vm2 =	vge.f32 v42, v27;
	v35 =	vmul.f32 $9.846153850e-01, v61;
	vm3 =	vlt.f32 v29, v62  }
0x4ca: {  	v55 =	vsel vm2, $0xFFFFFFFF, v13;
	vm3 =	vmneg vm3;
	v34 =	vadd.f32 $-1.538461540e-02, v34  }
0x4cb: {  	v46 =	vld.idx.msk [tilespmem:v33+s15+$0x0], $0xffff;
	v35 =	vadd.f32 $-1.538461540e-02, v35;
	vm10 =	vge.f32 v0, v32;
	v0 =	vsel vm0, $0xFFFFFFFF, v13  }
0x4cc: {  	v31 =	vadd.s32 v55, v31;
	v33 =	vld.idx.msk [tilespmem:v33+s18+$0x0], $0xffff;
	v47 =	vsel vm3, $0x1, v13;
	v0 =	vadd.s32 v0, v19  }
0x4cd: {  	v54 =	vld.idx.msk [tilespmem:v24+s5+$0x0], $0xffff;
	v57 =	vsel vm10, $0xFFFFFFFF, v13;
	v49 =	vtrunc.f32 v34;
	v51 =	vtrunc.f32 v35  }
0x4ce: {  	v19 =	vld [tilespmem:s8+$0x4410];
	v37 =	vadd.s32 v57, v30;
	v30 =	vand.u32 $0x7FFFFFFF, v20;
	vm12 =	vlt.f32 v34, v49  }
0x4cf: {  	vm13 =	vlt.f32 v35, v51;
	v56 =	vcvt.f32.s32 v49;
	v57 =	vcvt.f32.s32 v51  }
0x4d0: {  	v30 =	vmul.f32 $9.846153850e-01, v30;
	vm5 =	vmneg vm12;
	vm6 =	vmneg vm13  }
0x4d1: {  	s20 =	simm.s32 $0x100;
	s16 =	simm.s32 $0x400;
	vm12 =	vgt.f32 v22, $0.0e+00;
	v21 =	vmul.f32 v46, v21;
	v46 =	vcvt.f32.s32 v62  }
0x4d2: {  	s3 =	sand.u32 $0x60, s20;
	s22 =	sand.u32 $0x7E00, s16;
	v61 =	vsel vm6, $0x1, v13;
	vm0 =	vge.f32 v54, v15;
	v30 =	vadd.f32 $-1.538461540e-02, v30  }
0x4d3: {  	s17 =	sor.u32 s3, s22;
	v42 =	vadd.f32 v33, v21;
	v59 =	vand.u32 $0x7FFFFFFF, v19;
	v46 =	vadd.s32 v46, v47  }
0x4d4: {  	v21 =	vld [tilespmem:s17+$0x4400];
	vm2 =	vgt.f32 v19, $0.0e+00;
	v33 =	vmul.f32 $9.846153850e-01, v59;
	vm3 =	vlt.s32 v46, $0x40  }
0x4d5: {  	v51 =	vld.idx.msk [tilespmem:v0+s15+$0x0], $0xffff;
	v63 =	vtrunc.f32 v30;
	v59 =	vsel vm5, $0x1, v13;
	v46 =	vnsel vm3, $0x40, v46  }
0x4d6: {  	vm3 =	vgt.f32 v40, $0.0e+00;
	v34 =	vadd.s32 v56, v59;
	v33 =	vadd.f32 $-1.538461540e-02, v33  }
0x4d7: {  	v50 =	vadd.s32 $0x41, v46;
	v46 =	vsub.s32 $0x40, v46;
	vm9 =	vlt.s32 v34, $0x40  }
0x4d8: {  	v0 =	vld.idx.msk [tilespmem:v0+s18+$0x0], $0xffff;
	v46 =	vsel vm3, v50, v46;
	vm3 =	vlt.f32 v30, v63;
	v34 =	vnsel vm9, $0x40, v34  }
0x4d9: {  	v29 =	vand.u32 $0x7FFFFFFF, v21;
	v48 =	vtrunc.f32 v33;
	vm3 =	vmneg vm3  }
0x4da: {  	vm13 =	vgt.f32 v21, $0.0e+00;
	v51 =	vmul.f32 v51, v26;
	v29 =	vmul.f32 $9.846153850e-01, v29  }
0x4db: {  	vm11 =	vlt.f32 v33, v48;
	v30 =	vcvt.f32.s32 v48;
	v55 =	vsel vm3, $0x1, v13  }
0x4dc: {  	v35 =	vld.idx.msk [tilespmem:v41+s5+$0x0], $0xffff;
	v33 =	vadd.s32 v57, v61;
	vm4 =	vmneg vm11;
	v29 =	vadd.f32 $-1.538461540e-02, v29  }
0x4dd: {  	v47 =	vld.idx.msk [tilespmem:v38+s5+$0x0], $0xffff;
	vm10 =	vlt.s32 v33, $0x40;
	v0 =	vadd.f32 v0, v51;
	v58 =	vsel vm4, $0x1, v13  }
0x4de: {  	v33 =	vnsel vm10, $0x40, v33;
	v50 =	vld.idx.msk [tilespmem:v46+s5+$0x0], $0xffff;
	v30 =	vadd.s32 v30, v58;
	v52 =	vtrunc.f32 v29  }
0x4df: {  	s23 =	simm.s32 $0x170;
	s11 =	simm.s32 $0x120;
	s22 =	simm.s32 $0x480;
	v57 =	vld.idx.msk [tilespmem:v37+s15+$0x0], $0xffff;
	v58 =	vadd.s32 $0x41, v34;
	vm14 =	vlt.f32 v29, v52;
	v29 =	vcvt.f32.s32 v63  }
0x4e0: {  	s3 =	sand.u32 $0x70, s23;
	s23 =	sand.u32 $0x60, s11;
	s22 =	sand.u32 $0x3E00, s22;
	v56 =	vld.idx.msk [tilespmem:v45+s15+$0x0], $0xffff;
	v34 =	vsub.s32 $0x40, v34;
	v59 =	vadd.s32 $0x41, v33;
	v33 =	vsub.s32 $0x40, v33  }
0x4e1: {  	s28 =	sor.u32 s23, s22;
	v45 =	vld.idx.msk [tilespmem:v45+s18+$0x0], $0xffff;
	vm15 =	vlt.s32 v30, $0x40;
	v60 =	vcvt.f32.s32 v52;
	v29 =	vadd.s32 v29, v55  }
0x4e2: {  	v26 =	vld [tilespmem:s28+$0x4410];
	v30 =	vnsel vm15, $0x40, v30;
	vm7 =	vmneg vm14;
	vm3 =	vlt.s32 v29, $0x40  }
0x4e3: {  	v48 =	vld.idx.msk [tilespmem:v39+s5+$0x0], $0xffff;
	v53 =	vsel vm7, $0x1, v13;
	v29 =	vnsel vm3, $0x40, v29;
	vm3 =	vge.f32 v50, v40  }
0x4e4: {  	v61 =	vld.idx.msk [tilespmem:v31+s18+$0x0], $0xffff;
	v32 =	vmul.f32 v57, v32;
	v62 =	vadd.s32 v60, v53;
	v54 =	vsel vm3, $0xFFFFFFFF, v13  }
0x4e5: {  	v52 =	vld.idx.msk [tilespmem:v43+s5+$0x0], $0xffff;
	vm14 =	vge.f32 v47, v18;
	vm11 =	vlt.s32 v62, $0x40;
	v46 =	vadd.s32 v54, v46  }
0x4e6: {  	s24 =	simm.s32 $0x5C0;
	v53 =	vld.idx.msk [tilespmem:v44+s15+$0x0], $0xffff;
	v55 =	vadd.s32 $0x41, v29;
	v49 =	vnsel vm11, $0x40, v62;
	v29 =	vsub.s32 $0x40, v29  }
0x4e7: {  	s19 =	sand.u32 $0x7E00, s24;
	v44 =	vld.idx.msk [tilespmem:v44+s18+$0x0], $0xffff;
	vm3 =	vgt.f32 v23, $0.0e+00;
	v62 =	vsel vm14, $0xFFFFFFFF, v13;
	v54 =	vadd.s32 $0x41, v30  }
0x4e8: {  	s3 =	sor.u32 s3, s19;
	v50 =	vld.idx.msk [tilespmem:v31+s15+$0x0], $0xffff;
	v30 =	vsub.s32 $0x40, v30;
	v29 =	vsel vm1, v55, v29;
	v31 =	vsel vm3, v58, v34  }
0x4e9: {  	s25 =	simm.s32 $0x140;
	vm1 =	vge.f32 v35, v14;
	vm3 =	vge.f32 v48, v17;
	v58 =	vsel vm0, $0xFFFFFFFF, v13;
	v35 =	vld [tilespmem:s3+$0x4400]  }
0x4ea: {  	s20 =	simm.s32 $0x150;
	s16 =	sand.u32 $0x60, s25;
	s23 =	simm.s32 $0x540;
	v60 =	vadd.s32 $0x41, v49;
	v47 =	vadd.s32 v58, v24;
	v24 =	vsel vm3, $0xFFFFFFFF, v13;
	v63 =	vld.idx.msk [tilespmem:v46+s15+$0x0], $0xffff  }
0x4eb: {  	s25 =	simm.s32 $0x500;
	s22 =	sand.u32 $0x70, s20;
	s23 =	sand.u32 $0x7E00, s23;
	v49 =	vsub.s32 $0x40, v49;
	v34 =	vsel vm12, v59, v33;
	v58 =	vadd.s32 v24, v39;
	v24 =	vld [tilespmem:s28+$0x4400]  }
0x4ec: {  	s30 =	sand.u32 $0x7E00, s25;
	s22 =	sor.u32 s22, s23;
	v30 =	vsel vm2, v54, v30;
	v33 =	vsel vm13, v60, v49;
	vm2 =	vge.f32 v52, v16;
	v46 =	vld.idx.msk [tilespmem:v46+s18+$0x0], $0xffff  }
0x4ed: {  	s20 =	sor.u32 s16, s30;
	v59 =	vsel vm1, $0xFFFFFFFF, v13;
	v60 =	vsel vm2, $0xFFFFFFFF, v13;
	v54 =	vmul.f32 v53, v25;
	v25 =	vld [tilespmem:s22+$0x4400]  }
0x4ee: {  	s31 =	simm.s32 $0x580;
	s19 =	simm.s32 $0x160;
	v48 =	vadd.s32 v59, v41;
	v49 =	vadd.s32 v60, v43;
	v60 =	vmul.f32 v50, v27;
	v27 =	vld [tilespmem:s20+$0x4400]  }
0x4ef: {  	s19 =	sand.u32 $0x60, s19;
	s16 =	sand.u32 $0x7E00, s31;
	v59 =	vadd.s32 v62, v38;
	v62 =	vmul.f32 v56, v28;
	v63 =	vmul.f32 v63, v40  }
0x4f0: {  	s25 =	sor.u32 s19, s16;
	vm2 =	vgt.f32 v26, $0.0e+00;
	v51 =	vadd.f32 v44, v54;
	v55 =	vld.idx.msk [tilespmem:v29+s5+$0x0], $0xffff;
	v53 =	vadd.f32 v61, v60  }
0x4f1: {  	v28 =	vld [tilespmem:s25+$0x4400];
	v60 =	vadd.f32 v45, v62;
	v46 =	vadd.f32 v46, v63;
	v63 =	vand.u32 $0x7FFFFFFF, v35  }
0x4f2: {  	v54 =	vand.u32 $0x7FFFFFFF, v24;
	vm1 =	vgt.f32 v24, $0.0e+00;
	v50 =	vmul.f32 $9.846153850e-01, v63  }
0x4f3: {  	v57 =	vand.u32 $0x7FFFFFFF, v25;
	v39 =	vmul.f32 $9.846153850e-01, v54;
	v56 =	vand.u32 $0x7FFFFFFF, v27  }
0x4f4: {  	v43 =	vmul.f32 $9.846153850e-01, v57;
	v41 =	vmul.f32 $9.846153850e-01, v56;
	v38 =	vadd.f32 $-1.538461540e-02, v50  }
0x4f5: {  	vm0 =	vge.f32 v55, v20;
	v55 =	vand.u32 $0x7FFFFFFF, v26;
	v39 =	vadd.f32 $-1.538461540e-02, v39  }
0x4f6: {  	v62 =	vand.u32 $0x7FFFFFFF, v28;
	v40 =	vmul.f32 $9.846153850e-01, v55;
	v61 =	vtrunc.f32 v38  }
0x4f7: {  	v41 =	vadd.f32 $-1.538461540e-02, v41;
	v52 =	vtrunc.f32 v39;
	vm3 =	vlt.f32 v38, v61  }
0x4f8: {  	v63 =	vmul.f32 $9.846153850e-01, v62;
	v44 =	vcvt.f32.s32 v61;
	vm3 =	vmneg vm3  }
0x4f9: {  	v40 =	vadd.f32 $-1.538461540e-02, v40;
	v55 =	vtrunc.f32 v41;
	v56 =	vsel vm3, $0x1, v13  }
0x4fa: {  	vm9 =	vlt.f32 v41, v55;
	v50 =	vadd.f32 $-1.538461540e-02, v43;
	v57 =	vadd.s32 v44, v56  }
0x4fb: {  	v54 =	vtrunc.f32 v40;
	vm5 =	vmneg vm9;
	vm3 =	vlt.s32 v57, $0x40  }
0x4fc: {  	vm15 =	vlt.f32 v40, v54;
	v40 =	vcvt.f32.s32 v54;
	v43 =	vnsel vm3, $0x40, v57  }
0x4fd: {  	v37 =	vld.idx.msk [tilespmem:v37+s18+$0x0], $0xffff;
	vm3 =	vgt.f32 v35, $0.0e+00;
	v61 =	vadd.s32 $0x41, v43;
	v43 =	vsub.s32 $0x40, v43  }
0x4fe: {  	v45 =	vld.idx.msk [tilespmem:v34+s5+$0x0], $0xffff;
	v38 =	vadd.f32 $-1.538461540e-02, v63;
	v56 =	vtrunc.f32 v50;
	v61 =	vsel vm3, v61, v43  }
0x4ff: {  	[tilespmem:s10+$0xC400] =	vst v42;
	v42 =	vld.idx.msk [tilespmem:v59+s15+$0x0], $0xffff;
	v62 =	vsel vm5, $0x1, v13;
	vm4 =	vmneg vm15;
	vm10 =	vlt.f32 v50, v56  }
0x500: {  	[tilespmem:s21+$0xC400] =	vst v46;
	v46 =	vld.idx.msk [tilespmem:v47+s18+$0x0], $0xffff;
	v54 =	vcvt.f32.s32 v56;
	v56 =	vsel vm4, $0x1, v13;
	v57 =	vtrunc.f32 v38  }
0x501: {  	v44 =	vld.idx.msk [tilespmem:v31+s5+$0x0], $0xffff;
	vm6 =	vmneg vm10;
	v56 =	vadd.s32 v40, v56;
	vm11 =	vlt.f32 v38, v57  }
0x502: {  	v50 =	vld.idx.msk [tilespmem:v33+s5+$0x0], $0xffff;
	v38 =	vcvt.f32.s32 v52;
	vm3 =	vlt.f32 v39, v52;
	v52 =	vcvt.f32.s32 v55  }
0x503: {  	vm12 =	vlt.s32 v56, $0x40;
	vm7 =	vmneg vm11;
	vm3 =	vmneg vm3;
	v55 =	vld.idx.msk [tilespmem:v61+s5+$0x0], $0xffff  }
0x504: {  	v40 =	vld.idx.msk [tilespmem:v49+s15+$0x0], $0xffff;
	v41 =	vsel vm3, $0x1, v13;
	v52 =	vadd.s32 v52, v62;
	v62 =	vsel vm7, $0x1, v13  }
0x505: {  	v43 =	vld.idx.msk [tilespmem:v30+s5+$0x0], $0xffff;
	v63 =	vadd.s32 v38, v41;
	v41 =	vcvt.f32.s32 v57;
	v57 =	vsel vm6, $0x1, v13  }
0x506: {  	[tilespmem:s13+$0xC400] =	vst v36;
	v39 =	vld.idx.msk [tilespmem:v47+s15+$0x0], $0xffff;
	vm13 =	vlt.s32 v52, $0x40;
	v54 =	vadd.s32 v54, v57;
	vm3 =	vlt.s32 v63, $0x40  }
0x507: {  	[tilespmem:s14+$0xC400] =	vst v0;
	v47 =	vld.idx.msk [tilespmem:v49+s18+$0x0], $0xffff;
	v0 =	vnsel vm13, $0x40, v52;
	v36 =	vadd.s32 v41, v62;
	v57 =	vnsel vm3, $0x40, v63  }
0x508: {  	v49 =	vld.idx.msk [tilespmem:v58+s18+$0x0], $0xffff;
	vm3 =	vlt.s32 v54, $0x40;
	v62 =	vnsel vm12, $0x40, v56;
	vm15 =	vge.f32 v55, v35  }
0x509: {  	[tilespmem:s1+$0xC400] =	vst v60;
	v38 =	vld.idx.msk [tilespmem:v48+s15+$0x0], $0xffff;
	v60 =	vsub.s32 $0x40, v0;
	vm14 =	vlt.s32 v36, $0x40;
	v63 =	vsel vm15, $0xFFFFFFFF, v13  }
0x50a: {  	[tilespmem:s14+$0xC410] =	vst v51;
	v48 =	vld.idx.msk [tilespmem:v48+s18+$0x0], $0xffff;
	v52 =	vadd.s32 $0x41, v57;
	v57 =	vsub.s32 $0x40, v57;
	v51 =	vadd.s32 v63, v61  }
0x50b: {  	v41 =	vld.idx.msk [tilespmem:v58+s15+$0x0], $0xffff;
	v58 =	vsub.s32 $0x40, v62;
	v56 =	vnsel vm14, $0x40, v36;
	v55 =	vnsel vm3, $0x40, v54  }
0x50c: {  	s29 =	sadd.s32 $0x1, s29;
	[tilespmem:s26+$0xC400] =	vst v53;
	v36 =	vld.idx.msk [tilespmem:v59+s18+$0x0], $0xffff;
	v59 =	vadd.s32 $0x41, v0;
	v54 =	vadd.s32 $0x41, v62;
	v53 =	vadd.s32 $0x41, v55  }
.LBB2_23:
0x50d: {  	v0 =	vsub.s32 $0x40, v55;
	v55 =	vadd.s32 $0x41, v56;
	v56 =	vsub.s32 $0x40, v56;
	s1 =	smov.u32 s11;
	s11 =	sadd.s32 $0x60, s11  }
0x50e: {  	vm3 =	vgt.f32 v27, $0.0e+00;
	vm4 =	vgt.f32 v25, $0.0e+00;
	vm5 =	vgt.f32 v28, $0.0e+00;
	s10 =	sadd.s32 $0x80, s1;
	s13 =	sadd.s32 $0x90, s1;
	s14 =	sadd.s32 $0xA0, s1  }
0x50f: {  	v52 =	vsel vm1, v52, v57;
	v57 =	vsel vm2, v54, v58;
	s16 =	sand.u32 $0x60, s11;
	v58 =	vsel vm3, v59, v60;
	s10 =	sand.u32 $0x60, s10;
	s19 =	sand.u32 $0x70, s13;
	v59 =	vld.idx.msk [tilespmem:v51+s15+$0x0], $0xffff  }
0x510: {  	s24 =	sadd.s32 $0x180, s24;
	vm1 =	vge.f32 v43, v19;
	s1 =	sadd.s32 $0xB0, s1;
	v0 =	vsel vm4, v53, v0;
	v55 =	vsel vm5, v55, v56;
	s14 =	sand.u32 $0x60, s14  }
0x511: {  	vm2 =	vge.f32 v44, v23;
	s21 =	sand.u32 $0x7E00, s24;
	vm3 =	vge.f32 v45, v22;
	vm4 =	vge.f32 v50, v21;
	s13 =	sadd.s32 $0xFFFFFEC0, s24;
	s1 =	sand.u32 $0x70, s1;
	v43 =	vld.idx.msk [tilespmem:v51+s18+$0x0], $0xffff  }
0x512: {  	v44 =	vsel vm0, $0xFFFFFFFF, v13;
	s23 =	sadd.s32 $0xFFFFFF40, s24;
	s26 =	sadd.s32 $0xFFFFFF80, s24;
	v45 =	vsel vm1, $0xFFFFFFFF, v13;
	v50 =	vsel vm2, $0xFFFFFFFF, v13;
	s21 =	sor.u32 s1, s21  }
0x513: {  	s30 =	sadd.s32 $0xFFFFFFC0, s24;
	v53 =	vadd.s32 v44, v29;
	v29 =	vmovc v52;
	s23 =	sand.u32 $0x7E00, s23;
	v44 =	vsel vm3, $0xFFFFFFFF, v13;
	v60 =	vsel vm4, $0xFFFFFFFF, v13;
	s1 =	sand.u32 $0x3E00, s13;
	v56 =	vld [tilespmem:s21+$0x4400]  }
0x514: {  	v62 =	vadd.s32 v45, v30;
	v54 =	vadd.s32 v50, v31;
	s13 =	sor.u32 s16, s1;
	s1 =	sand.u32 $0x7E00, s26;
	s16 =	sand.u32 $0x7E00, s30;
	v51 =	vadd.s32 v44, v34;
	v61 =	vld.idx.msk [tilespmem:v52+s5+$0x0], $0xffff  }
0x515: {  	v15 =	vmul.f32 v39, v15;
	v30 =	vmovc v57;
	s10 =	sor.u32 s10, s23;
	s1 =	sor.u32 s19, s1;
	s14 =	sor.u32 s14, s16;
	v44 =	vmul.f32 v59, v35;
	v52 =	vadd.s32 v60, v33;
	v45 =	vld [tilespmem:s13+$0x4400]  }
0x516: {  	v14 =	vmul.f32 v38, v14;
	v16 =	vmul.f32 v40, v16;
	v38 =	vadd.f32 v37, v32;
	p0 =	slt.u32 s11, $0xF60;
	v31 =	vmovc v58;
	v39 =	vld [tilespmem:s13+$0x4410]  }
0x517: {  	v17 =	vmul.f32 v41, v17;
	v32 =	vmul.f32 v42, v18;
	v34 =	vmovc v0;
	v40 =	vadd.f32 v43, v44;
	v37 =	vld [tilespmem:s10+$0x4400]  }
0x518: {  	v41 =	vadd.f32 v46, v15;
	v14 =	vadd.f32 v48, v14;
	v33 =	vmovc v55;
	v0 =	vld [tilespmem:s1+$0x4400];
	v18 =	vand.u32 $0x7FFFFFFF, v56;
	[tilespmem:s0+$0xC400] =	vst v38;
	s0 =	smov.u32 s7  }
0x519: {  	v16 =	vadd.f32 v47, v16;
	v17 =	vadd.f32 v49, v17;
	v35 =	vmovc v56;
	v46 =	vld [tilespmem:s14+$0x4400];
	v18 =	vmul.f32 $9.846153850e-01, v18;
	[tilespmem:s3+$0xC400] =	vst v40;
	s3 =	smov.u32 s21  }
0x51a: {  	v15 =	vmovc v20;
	s7 =	smov.u32 s17;
	s17 =	smov.u32 s25;
	s25 =	smov.u32 s14;
	vm0 =	vge.f32 v61, v24;
	v38 =	vand.u32 $0x7FFFFFFF, v45;
	vm1 =	vgt.f32 v45, $0.0e+00;
	v43 =	vld.idx.msk [tilespmem:v57+s5+$0x0], $0xffff;
	[tilespmem:s2+$0xC400] =	vst v41  }
0x51b: {  	v20 =	vmovc v24;
	v24 =	vmovc v45;
	v40 =	vmul.f32 $9.846153850e-01, v38;
	v38 =	vand.u32 $0x7FFFFFFF, v39;
	v18 =	vadd.f32 $-1.538461540e-02, v18;
	v44 =	vld.idx.msk [tilespmem:v58+s5+$0x0], $0xffff  }
0x51c: {  	vm2 =	vgt.f32 v39, $0.0e+00;
	v41 =	vmul.f32 $9.846153850e-01, v38;
	v38 =	vand.u32 $0x7FFFFFFF, v37;
	v45 =	vld.idx.msk [tilespmem:v34+s5+$0x0], $0xffff;
	[tilespmem:s2+$0xC410] =	vst v14;
	v14 =	vmovc v19;
	v19 =	vmovc v26;
	s2 =	smov.u32 s8;
	s8 =	smov.u32 s28;
	s28 =	smov.u32 s13  }
0x51d: {  	v26 =	vmovc v39;
	v42 =	vmul.f32 $9.846153850e-01, v38;
	v38 =	vand.u32 $0x7FFFFFFF, v0;
	v47 =	vtrunc.f32 v18;
	v50 =	vld.idx.msk [tilespmem:v55+s5+$0x0], $0xffff;
	[tilespmem:s6+$0xC400] =	vst v16;
	v16 =	vmovc v23;
	s6 =	smov.u32 s12;
	s12 =	smov.u32 s20;
	s20 =	smov.u32 s10  }
0x51e: {  	v23 =	vmovc v27;
	v48 =	vmul.f32 $9.846153850e-01, v38;
	v38 =	vand.u32 $0x7FFFFFFF, v46;
	vm3 =	vlt.f32 v18, v47;
	v39 =	vld.idx.msk [tilespmem:v53+s15+$0x0], $0xffff;
	[tilespmem:s4+$0xC400] =	vst v17;
	s4 =	smov.u32 s9;
	s9 =	smov.u32 s22;
	s22 =	smov.u32 s1  }
0x51f: {  	v27 =	vmovc v37;
	v58 =	vcvt.f32.s32 v47;
	v17 =	vmovc v22;
	v49 =	vmul.f32 $9.846153850e-01, v38;
	vm3 =	vmneg vm3;
	v38 =	vld.idx.msk [tilespmem:v62+s15+$0x0], $0xffff  }
0x520: {  	v55 =	vadd.f32 $-1.538461540e-02, v40;
	v56 =	vadd.f32 $-1.538461540e-02, v41;
	v22 =	vmovc v25;
	v25 =	vmovc v0;
	v60 =	vsel vm3, $0x1, v13;
	v40 =	vld.idx.msk [tilespmem:v54+s15+$0x0], $0xffff  }
0x521: {  	v0 =	vadd.f32 $-1.538461540e-02, v42;
	v18 =	vmovc v21;
	v21 =	vmovc v28;
	v57 =	vadd.f32 $-1.538461540e-02, v48;
	v47 =	vadd.s32 v58, v60;
	v41 =	vld.idx.msk [tilespmem:v51+s15+$0x0], $0xffff  }
0x522: {  	v37 =	vmovc v36;
	v28 =	vmovc v46;
	v58 =	vtrunc.f32 v55;
	v59 =	vadd.f32 $-1.538461540e-02, v49;
	vm3 =	vlt.s32 v47, $0x40;
	v42 =	vld.idx.msk [tilespmem:v52+s15+$0x0], $0xffff  }
0x523: {  	v60 =	vtrunc.f32 v56;
	v61 =	vtrunc.f32 v0;
	v36 =	vnsel vm3, $0x40, v47;
	v46 =	vld.idx.msk [tilespmem:v53+s18+$0x0], $0xffff  }
0x524: {  	vm3 =	vgt.f32 v35, $0.0e+00;
	v47 =	vadd.s32 $0x41, v36;
	v36 =	vsub.s32 $0x40, v36;
	v48 =	vld.idx.msk [tilespmem:v62+s18+$0x0], $0xffff  }
0x525: {  	v53 =	vtrunc.f32 v57;
	v62 =	vtrunc.f32 v59;
	v63 =	vsel vm3, v47, v36;
	v47 =	vld.idx.msk [tilespmem:v54+s18+$0x0], $0xffff  }
0x526: {  	vm4 =	vlt.f32 v56, v60;
	vm5 =	vlt.f32 v0, v61;
	vm3 =	vlt.f32 v55, v58;
	v49 =	vld.idx.msk [tilespmem:v51+s18+$0x0], $0xffff  }
0x527: {  	vm6 =	vlt.f32 v57, v53;
	vm7 =	vlt.f32 v59, v62;
	vm3 =	vmneg vm3;
	v36 =	vld.idx.msk [tilespmem:v52+s18+$0x0], $0xffff  }
0x528: {  	vm4 =	vmneg vm4;
	vm5 =	vmneg vm5;
	vm6 =	vmneg vm6  }
0x529: {  	v0 =	vcvt.f32.s32 v58;
	v51 =	vcvt.f32.s32 v60;
	vm7 =	vmneg vm7  }
0x52a: {  	v53 =	vcvt.f32.s32 v53;
	v54 =	vcvt.f32.s32 v61;
	v52 =	vsel vm3, $0x1, v13;
	v55 =	vld.idx.msk [tilespmem:v63+s5+$0x0], $0xffff  }
0x52b: {  	v56 =	vsel vm4, $0x1, v13;
	v57 =	vsel vm5, $0x1, v13;
	v58 =	vcvt.f32.s32 v62  }
0x52c: {  	v59 =	vsel vm7, $0x1, v13;
	v0 =	vadd.s32 v0, v52;
	v52 =	vsel vm6, $0x1, v13  }
0x52d: {  	v54 =	vadd.s32 v54, v57;
	v51 =	vadd.s32 v51, v56;
	v52 =	vadd.s32 v53, v52  }
0x52e: {  	vm3 =	vlt.s32 v0, $0x40;
	vm4 =	vlt.s32 v51, $0x40;
	v53 =	vadd.s32 v58, v59  }
0x52f: {  	vm5 =	vlt.s32 v54, $0x40;
	vm6 =	vlt.s32 v52, $0x40;
	vm7 =	vlt.s32 v53, $0x40  }
.Ltmp11:
0x530: {  	v0 =	vnsel vm3, $0x40, v0;
	v58 =	vnsel vm4, $0x40, v51;
	vm3 =	vge.f32 v55, v35;
	(pc) =	sbr.rel @p0 .LBB2_23-.Ltmp11, $4  }
0x531: {  	v60 =	vnsel vm5, $0x40, v54;
	v55 =	vnsel vm6, $0x40, v52;
	v51 =	vsel vm3, $0xFFFFFFFF, v13  }
0x532: {  	v56 =	vnsel vm7, $0x40, v53;
	v52 =	vadd.s32 $0x41, v0;
	v51 =	vadd.s32 v51, v63  }
0x533: {  	v57 =	vsub.s32 $0x40, v0;
	v54 =	vadd.s32 $0x41, v58;
	v58 =	vsub.s32 $0x40, v58  }
0x534: {  	v59 =	vadd.s32 $0x41, v60;
	v60 =	vsub.s32 $0x40, v60;
	v53 =	vadd.s32 $0x41, v55  }
0x535: {  	_ = 	snop  }
0x536: {  	v0 =	vsel vm1, v52, v57  }
0x537: {  	v61 =	vsub.s32 $0x40, v55;
	vm4 =	vgt.f32 v27, $0.0e+00;
	v54 =	vsel vm2, v54, v58  }
0x538: {  	v62 =	vadd.s32 $0x41, v56;
	vm5 =	vgt.f32 v25, $0.0e+00;
	v57 =	vsel vm4, v59, v60  }
0x539: {  	v63 =	vsub.s32 $0x40, v56;
	vm6 =	vgt.f32 v28, $0.0e+00;
	v58 =	vld.idx.msk [tilespmem:v51+s15+$0x0], $0xffff;
	v52 =	vsel vm5, v53, v61  }
0x53a: {  	vm7 =	vge.f32 v43, v19;
	v43 =	vld.idx.msk [tilespmem:v51+s18+$0x0], $0xffff;
	v53 =	vsel vm6, v62, v63;
	v59 =	vsel vm0, $0xFFFFFFFF, v13  }
0x53b: {  	vm8 =	vge.f32 v44, v23;
	v60 =	vsel vm7, $0xFFFFFFFF, v13;
	v29 =	vadd.s32 v59, v29;
	v51 =	vld.idx.msk [tilespmem:v0+s5+$0x0], $0xffff  }
0x53c: {  	vm10 =	vge.f32 v50, v21;
	v61 =	vsel vm8, $0xFFFFFFFF, v13;
	v30 =	vadd.s32 v60, v30;
	v44 =	vld.idx.msk [tilespmem:v54+s5+$0x0], $0xffff  }
0x53d: {  	vm9 =	vge.f32 v45, v22;
	v63 =	vsel vm10, $0xFFFFFFFF, v13;
	v31 =	vadd.s32 v61, v31;
	v45 =	vld.idx.msk [tilespmem:v57+s5+$0x0], $0xffff  }
0x53e: {  	v33 =	vadd.s32 v63, v33;
	v50 =	vld.idx.msk [tilespmem:v52+s5+$0x0], $0xffff  }
0x53f: {  	v55 =	vld.idx.msk [tilespmem:v53+s5+$0x0], $0xffff  }
0x540: {  	v56 =	vld.idx.msk [tilespmem:v29+s15+$0x0], $0xffff  }
0x541: {  	v59 =	vld.idx.msk [tilespmem:v30+s15+$0x0], $0xffff  }
0x542: {  	v62 =	vsel vm9, $0xFFFFFFFF, v13;
	v60 =	vld.idx.msk [tilespmem:v31+s15+$0x0], $0xffff  }
0x543: {  	v15 =	vmul.f32 v39, v15;
	v34 =	vadd.s32 v62, v34;
	v39 =	vld.idx.msk [tilespmem:v33+s15+$0x0], $0xffff;
	vm11 =	vge.f32 v51, v24  }
0x544: {  	v35 =	vmul.f32 v58, v35;
	v29 =	vld.idx.msk [tilespmem:v29+s18+$0x0], $0xffff;
	vm12 =	vge.f32 v44, v26;
	v58 =	vsel vm11, $0xFFFFFFFF, v13  }
0x545: {  	v14 =	vmul.f32 v38, v14;
	v30 =	vld.idx.msk [tilespmem:v30+s18+$0x0], $0xffff;
	v61 =	vsel vm12, $0xFFFFFFFF, v13;
	v0 =	vadd.s32 v58, v0  }
0x546: {  	v16 =	vmul.f32 v40, v16;
	v31 =	vld.idx.msk [tilespmem:v31+s18+$0x0], $0xffff;
	vm13 =	vge.f32 v45, v27;
	v45 =	vadd.s32 v61, v54  }
0x547: {  	v32 =	vadd.f32 v37, v32;
	v17 =	vmul.f32 v41, v17;
	v18 =	vmul.f32 v42, v18;
	v33 =	vld.idx.msk [tilespmem:v33+s18+$0x0], $0xffff  }
0x548: {  	v15 =	vadd.f32 v46, v15;
	v51 =	vld.idx.msk [tilespmem:v34+s15+$0x0], $0xffff;
	vm14 =	vge.f32 v50, v25;
	v62 =	vsel vm13, $0xFFFFFFFF, v13  }
0x549: {  	v34 =	vld.idx.msk [tilespmem:v34+s18+$0x0], $0xffff;
	vm15 =	vge.f32 v55, v28;
	v50 =	vsel vm14, $0xFFFFFFFF, v13;
	v44 =	vadd.s32 v62, v57  }
0x54a: {  	[tilespmem:s0+$0xC400] =	vst v32;
	v14 =	vadd.f32 v48, v14;
	v63 =	vsel vm15, $0xFFFFFFFF, v13;
	v50 =	vadd.s32 v50, v52;
	v46 =	vld.idx.msk [tilespmem:v0+s15+$0x0], $0xffff  }
0x54b: {  	v16 =	vadd.f32 v47, v16;
	[tilespmem:s2+$0xC400] =	vst v15;
	v37 =	vadd.s32 v63, v53;
	v52 =	vld.idx.msk [tilespmem:v45+s15+$0x0], $0xffff  }
0x54c: {  	v17 =	vadd.f32 v49, v17;
	[tilespmem:s2+$0xC410] =	vst v14;
	v0 =	vld.idx.msk [tilespmem:v0+s18+$0x0], $0xffff  }
0x54d: {  	v18 =	vadd.f32 v36, v18;
	[tilespmem:s6+$0xC400] =	vst v16;
	v14 =	vmul.f32 v56, v20;
	v58 =	vld.idx.msk [tilespmem:v45+s18+$0x0], $0xffff  }
0x54e: {  	[tilespmem:s4+$0xC400] =	vst v17;
	v35 =	vadd.f32 v43, v35;
	v54 =	vmul.f32 v59, v19;
	v15 =	vld.idx.msk [tilespmem:v44+s15+$0x0], $0xffff  }
0x54f: {  	[tilespmem:s7+$0xC400] =	vst v18;
	v56 =	vmul.f32 v60, v23;
	v14 =	vadd.f32 v29, v14;
	v53 =	vld.idx.msk [tilespmem:v50+s15+$0x0], $0xffff  }
0x550: {  	[tilespmem:s3+$0xC400] =	vst v35;
	v59 =	vmul.f32 v39, v21;
	v16 =	vadd.f32 v30, v54;
	v55 =	vld.idx.msk [tilespmem:v37+s15+$0x0], $0xffff  }
0x551: {  	v17 =	vadd.f32 v31, v56;
	v57 =	vmul.f32 v51, v22;
	[tilespmem:s8+$0xC400] =	vst v14;
	v14 =	vld.idx.msk [tilespmem:v44+s18+$0x0], $0xffff  }
0x552: {  	v21 =	vadd.f32 v33, v59;
	[tilespmem:s8+$0xC410] =	vst v16;
	v60 =	vld.idx.msk [tilespmem:v50+s18+$0x0], $0xffff;
	v61 =	vmul.f32 v46, v24  }
0x553: {  	[tilespmem:s12+$0xC400] =	vst v17;
	v22 =	vadd.f32 v34, v57;
	v62 =	vld.idx.msk [tilespmem:v37+s18+$0x0], $0xffff;
	v63 =	vmul.f32 v52, v26  }
0x554: {  	[tilespmem:s17+$0xC400] =	vst v21;
	v15 =	vmul.f32 v15, v27;
	v0 =	vadd.f32 v0, v61  }
0x555: {  	[tilespmem:s9+$0xC400] =	vst v22;
	v20 =	vmul.f32 v53, v25;
	v18 =	vadd.f32 v58, v63  }
0x556: {  	v19 =	vmul.f32 v55, v28;
	v14 =	vadd.f32 v14, v15;
	[tilespmem:s28+$0xC400] =	vst v0  }
0x557: {  	v0 =	vadd.f32 v60, v20;
	[tilespmem:s28+$0xC410] =	vst v18  }
0x558: {  	[tilespmem:s20+$0xC400] =	vst v14;
	v14 =	vadd.f32 v62, v19  }
0x559: {  	s1 =	simm.s32 $0xC440;
	[tilespmem:s22+$0xC400] =	vst v0  }
0x55a: {  	s0 =	simm.s32 $0x4440;
	s2 =	simm.s32 $0xFB0;
	s3 =	simm.s32 $0x3F00;
	[tilespmem:s25+$0xC400] =	vst v14  }
.LBB2_25:
0x55b: {  	s4 =	sand.u32 $0x3FFFFE00, s3  }
0x55c: {  	s6 =	sadd.s32 s4, s0  }
0x55d: {  	v0 =	vld [tilespmem:s6+$0x0];
	_ =	sdelay $0x4  }
0x55e: {  	v14 =	vand.u32 $0x7FFFFFFF, v0  }
0x55f: {  	v14 =	vmul.f32 $9.846153850e-01, v14;
	_ =	sdelay $0x1  }
0x560: {  	v14 =	vadd.f32 $-1.538461540e-02, v14;
	_ =	sdelay $0x1  }
0x561: {  	v15 =	vtrunc.f32 v14  }
0x562: {  	vm0 =	vlt.f32 v14, v15  }
0x563: {  	v14 =	vcvt.f32.s32 v15;
	vm0 =	vmneg vm0  }
0x564: {  	v15 =	vsel vm0, $0x1, v13  }
0x565: {  	v14 =	vadd.s32 v14, v15  }
0x566: {  	vm13 =	vlt.s32 v14, $0x40  }
0x567: {  	v14 =	vnsel vm13, $0x40, v14  }
0x568: {  	vm14 =	vgt.f32 v0, $0.0e+00;
	v15 =	vadd.s32 $0x41, v14;
	v14 =	vsub.s32 $0x40, v14  }
0x569: {  	v14 =	vsel vm14, v15, v14;
	_ =	sdelay $0x4  }
0x56a: {  	v15 =	vld.idx.msk [tilespmem:v14+s5+$0x0], $0xffff;
	_ =	sdelay $0x4  }
0x56b: {  	vm15 =	vge.f32 v15, v0  }
0x56c: {  	v15 =	vsel vm15, $0xFFFFFFFF, v13  }
0x56d: {  	v14 =	vadd.s32 v15, v14;
	_ =	sdelay $0x4  }
0x56e: {  	v15 =	vld.idx.msk [tilespmem:v14+s15+$0x0], $0xffff;
	_ =	sdelay $0x1  }
0x56f: {  	v14 =	vld.idx.msk [tilespmem:v14+s18+$0x0], $0xffff  }
0x570: {  	s2 =	sadd.s32 $0x10, s2  }
0x571: {  	p0 =	slt.u32 s2, $0xFF0  }
.Ltmp12:
0x572: {  	v0 =	vmul.f32 v15, v0;
	(pc) =	sbr.rel @p0 .LBB2_25-.Ltmp12, $4  }
0x573: {  	_ = 	snop  }
0x574: {  	v0 =	vadd.f32 v14, v0  }
0x575: {  	s3 =	sadd.s32 $0x40, s3;
	s4 =	sadd.s32 s4, s1  }
0x576: {  	s0 =	sadd.s32 $0x10, s0;
	s1 =	sadd.s32 $0x10, s1;
	[tilespmem:s4+$0x0] =	vst v0;
	s4 =	simm.s32 $0x140  }
0x577: {  	s0 =	simm.s32 $0x50  }
0x578: {  	s1 =	sand.u32 $0x7E00, s4;
	s0 =	sand.u32 $0x70, s0  }
0x579: {  	s13 =	sor.u32 s1, s0  }
0x57a: {  	v16 =	vld [tilespmem:s13+$0x4480]  }
0x57b: {  	s2 =	simm.s32 $0x20;
	s3 =	simm.s32 $0x80  }
0x57c: {  	s9 =	sand.u32 $0x60, s2;
	s10 =	sand.u32 $0x7E00, s3  }
0x57d: {  	s6 =	simm.s32 $0x0;
	s7 =	simm.s32 $0x0;
	s26 =	sor.u32 s10, s9  }
0x57e: {  	s8 =	simm.s32 $0x30;
	s11 =	simm.s32 $0x40;
	s12 =	simm.s32 $0xC0;
	v27 =	vld [tilespmem:s26+$0x4480]  }
0x57f: {  	s16 =	simm.s32 $0x100;
	s0 =	sand.u32 $0x60, s6;
	s1 =	sand.u32 $0x3E00, s7;
	v0 =	vand.u32 $0x7FFFFFFF, v16  }
0x580: {  	s17 =	sand.u32 $0x7E00, s12;
	s14 =	sor.u32 s0, s1;
	s0 =	sand.u32 $0x70, s8;
	v0 =	vmul.f32 $9.846153850e-01, v0  }
0x581: {  	s3 =	sand.u32 $0x60, s11;
	s19 =	sand.u32 $0x7E00, s16;
	v26 =	vld [tilespmem:s14+$0x4480];
	s1 =	sor.u32 s17, s0  }
0x582: {  	s0 =	sor.u32 s19, s3;
	v28 =	vld [tilespmem:s1+$0x4480];
	v0 =	vadd.f32 $-1.538461540e-02, v0  }
0x583: {  	v32 =	vld [tilespmem:s0+$0x4480];
	v17 =	vand.u32 $0x7FFFFFFF, v27  }
0x584: {  	v25 =	vld [tilespmem:s14+$0x4490];
	v17 =	vmul.f32 $9.846153850e-01, v17;
	v14 =	vtrunc.f32 v0  }
0x585: {  	vm0 =	vlt.f32 v0, v14  }
0x586: {  	v17 =	vadd.f32 $-1.538461540e-02, v17;
	v0 =	vcvt.f32.s32 v14;
	vm0 =	vmneg vm0  }
0x587: {  	vm1 =	vgt.f32 v26, $0.0e+00;
	v19 =	vand.u32 $0x7FFFFFFF, v28;
	v15 =	vsel vm0, $0x1, v13  }
0x588: {  	v20 =	vand.u32 $0x7FFFFFFF, v32;
	v22 =	vtrunc.f32 v17;
	v0 =	vadd.s32 v0, v15  }
0x589: {  	v14 =	vand.u32 $0x7FFFFFFF, v26;
	v15 =	vand.u32 $0x7FFFFFFF, v25;
	vm0 =	vlt.s32 v0, $0x40  }
0x58a: {  	v14 =	vmul.f32 $9.846153850e-01, v14;
	v15 =	vmul.f32 $9.846153850e-01, v15;
	v0 =	vnsel vm0, $0x40, v0  }
0x58b: {  	vm0 =	vgt.f32 v16, $0.0e+00;
	v18 =	vadd.s32 $0x41, v0;
	v0 =	vsub.s32 $0x40, v0  }
0x58c: {  	v14 =	vadd.f32 $-1.538461540e-02, v14;
	v15 =	vadd.f32 $-1.538461540e-02, v15;
	v0 =	vsel vm0, v18, v0  }
0x58d: {  	vm4 =	vlt.f32 v17, v22;
	v18 =	vmul.f32 $9.846153850e-01, v19;
	v19 =	vmul.f32 $9.846153850e-01, v20  }
0x58e: {  	vm4 =	vmneg vm4;
	v20 =	vtrunc.f32 v14;
	v21 =	vtrunc.f32 v15  }
0x58f: {  	vm2 =	vlt.f32 v14, v20;
	v18 =	vadd.f32 $-1.538461540e-02, v18;
	v19 =	vadd.f32 $-1.538461540e-02, v19  }
0x590: {  	vm3 =	vlt.f32 v15, v21;
	vm2 =	vmneg vm2;
	v15 =	vcvt.f32.s32 v20  }
0x591: {  	v17 =	vcvt.f32.s32 v21;
	v21 =	vsel vm4, $0x1, v13;
	v23 =	vtrunc.f32 v18;
	v14 =	vld.idx.msk [tilespmem:v0+s5+$0x0], $0xffff  }
0x592: {  	vm3 =	vmneg vm3;
	v24 =	vtrunc.f32 v19;
	vm5 =	vlt.f32 v18, v23  }
0x593: {  	vm6 =	vlt.f32 v19, v24;
	v18 =	vsel vm2, $0x1, v13;
	v19 =	vcvt.f32.s32 v22  }
0x594: {  	v20 =	vcvt.f32.s32 v23;
	v23 =	vcvt.f32.s32 v24;
	vm5 =	vmneg vm5  }
0x595: {  	vm6 =	vmneg vm6;
	v15 =	vadd.s32 v15, v18;
	v18 =	vsel vm5, $0x1, v13  }
0x596: {  	v18 =	vadd.s32 v20, v18;
	vm2 =	vge.f32 v14, v16;
	v14 =	vsel vm3, $0x1, v13  }
0x597: {  	vm15 =	vlt.s32 v18, $0x40;
	v22 =	vsel vm2, $0xFFFFFFFF, v13;
	v14 =	vadd.s32 v17, v14  }
0x598: {  	v17 =	vadd.s32 v19, v21;
	vm2 =	vlt.s32 v15, $0x40;
	v0 =	vadd.s32 v22, v0  }
0x599: {  	s20 =	simm.s32 $0xB0;
	s21 =	simm.s32 $0x2C0;
	s22 =	simm.s32 $0x60;
	v22 =	vsel vm6, $0x1, v13;
	vm3 =	vlt.s32 v14, $0x40;
	v15 =	vnsel vm2, $0x40, v15  }
0x59a: {  	s2 =	sand.u32 $0x70, s20;
	s6 =	simm.s32 $0x180;
	s3 =	sand.u32 $0x7E00, s21;
	vm2 =	vlt.s32 v17, $0x40;
	v20 =	vadd.s32 v23, v22;
	v19 =	vadd.s32 $0x41, v15  }
0x59b: {  	s23 =	sand.u32 $0x60, s22;
	s24 =	sand.u32 $0x3E00, s6;
	s11 =	sor.u32 s3, s2;
	v15 =	vsub.s32 $0x40, v15;
	v14 =	vnsel vm3, $0x40, v14;
	vm8 =	vlt.s32 v20, $0x40  }
0x59c: {  	s25 =	simm.s32 $0x80;
	s28 =	simm.s32 $0x90;
	s2 =	sor.u32 s23, s24;
	v21 =	vld [tilespmem:s11+$0x4480];
	v19 =	vsel vm1, v19, v15;
	v15 =	vnsel vm2, $0x40, v17;
	v17 =	vnsel vm15, $0x40, v18  }
0x59d: {  	s31 =	simm.s32 $0x240;
	s4 =	sand.u32 $0x60, s25;
	s7 =	simm.s32 $0x200;
	v22 =	vsub.s32 $0x40, v14;
	v24 =	vadd.s32 $0x41, v15;
	v29 =	vsub.s32 $0x40, v15;
	v15 =	vld [tilespmem:s2+$0x4480]  }
0x59e: {  	s10 =	sand.u32 $0x7E00, s31;
	s8 =	sand.u32 $0x70, s28;
	s7 =	sand.u32 $0x7E00, s7;
	vm1 =	vgt.f32 v27, $0.0e+00;
	v18 =	vnsel vm8, $0x40, v20;
	v20 =	vadd.s32 $0x41, v14;
	v14 =	vld [tilespmem:s2+$0x4490]  }
0x59f: {  	s6 =	sor.u32 s7, s4;
	s4 =	sor.u32 s10, s8;
	vm2 =	vgt.f32 v28, $0.0e+00;
	v30 =	vadd.s32 $0x41, v17;
	v17 =	vsub.s32 $0x40, v17;
	v23 =	vld.idx.msk [tilespmem:v0+s15+$0x0], $0xffff  }
0x5a0: {  	v31 =	vsel vm1, v24, v29;
	v29 =	vsel vm2, v30, v17;
	v17 =	vld [tilespmem:s4+$0x4480]  }
0x5a1: {  	v0 =	vld.idx.msk [tilespmem:v0+s18+$0x0], $0xffff  }
0x5a2: {  	vm0 =	vgt.f32 v25, $0.0e+00;
	vm3 =	vgt.f32 v32, $0.0e+00;
	v34 =	vld.idx.msk [tilespmem:v19+s5+$0x0], $0xffff  }
0x5a3: {  	s30 =	simm.s32 $0xA0;
	s9 =	simm.s32 $0x280;
	v33 =	vadd.s32 $0x41, v18;
	v18 =	vsub.s32 $0x40, v18;
	v22 =	vsel vm0, v20, v22  }
0x5a4: {  	s9 =	sand.u32 $0x7E00, s9;
	s3 =	sand.u32 $0x60, s30;
	v30 =	vsel vm3, v33, v18;
	v20 =	vmul.f32 v23, v16;
	v16 =	vld [tilespmem:s6+$0x4480];
	v23 =	vand.u32 $0x7FFFFFFF, v21  }
0x5a5: {  	s7 =	sor.u32 s9, s3;
	vm2 =	vgt.f32 v15, $0.0e+00;
	v60 =	vand.u32 $0x7FFFFFFF, v17;
	v23 =	vmul.f32 $9.846153850e-01, v23  }
0x5a6: {  	v18 =	vld [tilespmem:s7+$0x4480];
	v36 =	vadd.f32 v0, v20;
	v0 =	vand.u32 $0x7FFFFFFF, v15;
	v20 =	vand.u32 $0x7FFFFFFF, v14  }
0x5a7: {  	vm0 =	vge.f32 v34, v26;
	v34 =	vmul.f32 $9.846153850e-01, v60;
	v23 =	vadd.f32 $-1.538461540e-02, v23  }
0x5a8: {  	vm1 =	vgt.f32 v14, $0.0e+00;
	v0 =	vmul.f32 $9.846153850e-01, v0;
	v20 =	vmul.f32 $9.846153850e-01, v20  }
0x5a9: {  	v34 =	vadd.f32 $-1.538461540e-02, v34;
	v24 =	vand.u32 $0x7FFFFFFF, v16;
	v59 =	vtrunc.f32 v23  }
0x5aa: {  	v0 =	vadd.f32 $-1.538461540e-02, v0;
	v20 =	vadd.f32 $-1.538461540e-02, v20;
	v24 =	vmul.f32 $9.846153850e-01, v24  }
0x5ab: {  	vm3 =	vlt.f32 v23, v59;
	v23 =	vand.u32 $0x7FFFFFFF, v18;
	v33 =	vcvt.f32.s32 v59  }
0x5ac: {  	v62 =	vtrunc.f32 v34;
	vm3 =	vmneg vm3;
	v23 =	vmul.f32 $9.846153850e-01, v23  }
0x5ad: {  	v61 =	vtrunc.f32 v0;
	v38 =	vtrunc.f32 v20;
	vm11 =	vlt.f32 v34, v62  }
0x5ae: {  	v44 =	vcvt.f32.s32 v62;
	v35 =	vsel vm3, $0x1, v13;
	v24 =	vadd.f32 $-1.538461540e-02, v24  }
0x5af: {  	vm9 =	vlt.f32 v20, v38;
	vm6 =	vmneg vm11;
	v20 =	vcvt.f32.s32 v38  }
0x5b0: {  	v33 =	vadd.s32 v33, v35;
	v23 =	vadd.f32 $-1.538461540e-02, v23;
	vm4 =	vmneg vm9  }
0x5b1: {  	vm9 =	vgt.f32 v18, $0.0e+00;
	vm3 =	vlt.s32 v33, $0x40;
	v39 =	vtrunc.f32 v24  }
0x5b2: {  	v45 =	vsel vm4, $0x1, v13;
	v33 =	vnsel vm3, $0x40, v33;
	vm3 =	vgt.f32 v21, $0.0e+00  }
0x5b3: {  	v40 =	vtrunc.f32 v23;
	vm10 =	vlt.f32 v24, v39;
	v63 =	vcvt.f32.s32 v39  }
0x5b4: {  	v20 =	vadd.s32 v20, v45;
	v37 =	vadd.s32 $0x41, v33;
	v33 =	vsub.s32 $0x40, v33  }
0x5b5: {  	vm7 =	vlt.f32 v23, v40;
	vm5 =	vmneg vm10;
	v47 =	vcvt.f32.s32 v40  }
0x5b6: {  	v50 =	vld.idx.msk [tilespmem:v22+s5+$0x0], $0xffff;
	vm12 =	vlt.s32 v20, $0x40;
	v33 =	vsel vm3, v37, v33;
	vm3 =	vlt.f32 v0, v61  }
0x5b7: {  	s12 =	simm.s32 $0x440;
	s10 =	simm.s32 $0x110;
	v0 =	vcvt.f32.s32 v61;
	vm7 =	vmneg vm7;
	v46 =	vsel vm5, $0x1, v13  }
0x5b8: {  	s8 =	sand.u32 $0x7E00, s12;
	s3 =	sand.u32 $0x70, s10;
	v20 =	vnsel vm12, $0x40, v20;
	vm3 =	vmneg vm3;
	v48 =	vsel vm7, $0x1, v13  }
0x5b9: {  	s23 =	sor.u32 s8, s3;
	v34 =	vadd.s32 v63, v46;
	v51 =	vadd.s32 $0x41, v20;
	v20 =	vsub.s32 $0x40, v20  }
0x5ba: {  	v40 =	vld [tilespmem:s23+$0x4480];
	v23 =	vsel vm3, $0x1, v13;
	v49 =	vadd.s32 v47, v48;
	vm14 =	vlt.s32 v34, $0x40  }
0x5bb: {  	v41 =	vsel vm1, v51, v20;
	vm1 =	vge.f32 v50, v25;
	v0 =	vadd.s32 v0, v23  }
0x5bc: {  	v23 =	vsel vm6, $0x1, v13;
	vm8 =	vlt.s32 v49, $0x40;
	v34 =	vnsel vm14, $0x40, v34  }
0x5bd: {  	s16 =	simm.s32 $0xC0;
	s22 =	simm.s32 $0xF0;
	v23 =	vadd.s32 v44, v23;
	vm3 =	vlt.s32 v0, $0x40;
	v35 =	vnsel vm8, $0x40, v49;
	v44 =	vld.idx.msk [tilespmem:v29+s5+$0x0], $0xffff  }
0x5be: {  	s17 =	simm.s32 $0x300;
	s19 =	simm.s32 $0xE0;
	s12 =	simm.s32 $0x380;
	v52 =	vadd.s32 $0x41, v34;
	v34 =	vsub.s32 $0x40, v34;
	v24 =	vld.idx.msk [tilespmem:v33+s5+$0x0], $0xffff;
	vm15 =	vlt.s32 v23, $0x40  }
0x5bf: {  	s20 =	sand.u32 $0x60, s16;
	s21 =	sand.u32 $0x3E00, s17;
	s24 =	simm.s32 $0x3C0;
	v58 =	vand.u32 $0x7FFFFFFF, v40;
	v0 =	vnsel vm3, $0x40, v0;
	v23 =	vnsel vm15, $0x40, v23  }
0x5c0: {  	s12 =	sand.u32 $0x7E00, s12;
	s8 =	sor.u32 s20, s21;
	s3 =	sand.u32 $0x60, s19;
	vm3 =	vgt.f32 v17, $0.0e+00;
	v53 =	vadd.s32 $0x41, v23;
	v23 =	vsub.s32 $0x40, v23  }
0x5c1: {  	s10 =	sand.u32 $0x70, s22;
	s9 =	sand.u32 $0x7E00, s24;
	s12 =	sor.u32 s12, s3;
	v20 =	vld [tilespmem:s8+$0x4480];
	v45 =	vadd.s32 $0x41, v35;
	v39 =	vsel vm3, v53, v23;
	v23 =	vsel vm1, $0xFFFFFFFF, v13  }
0x5c2: {  	s9 =	sor.u32 s9, s10;
	v35 =	vsub.s32 $0x40, v35;
	vm3 =	vge.f32 v44, v28;
	v44 =	vadd.s32 v23, v22;
	v23 =	vld [tilespmem:s12+$0x4480]  }
0x5c3: {  	v38 =	vsel vm9, v45, v35;
	v22 =	vld [tilespmem:s9+$0x4480];
	vm13 =	vge.f32 v24, v21;
	v56 =	vsel vm3, $0xFFFFFFFF, v13  }
0x5c4: {  	v42 =	vld.idx.msk [tilespmem:v31+s5+$0x0], $0xffff;
	v24 =	vsel vm13, $0xFFFFFFFF, v13;
	v45 =	vadd.s32 v56, v29;
	v29 =	vmul.f32 $9.846153850e-01, v58  }
0x5c5: {  	v33 =	vadd.s32 v24, v33;
	v24 =	vadd.s32 $0x41, v0;
	v0 =	vsub.s32 $0x40, v0  }
0x5c6: {  	v24 =	vsel vm2, v24, v0;
	v0 =	vld.idx.msk [tilespmem:v30+s5+$0x0], $0xffff;
	vm2 =	vgt.f32 v16, $0.0e+00;
	v29 =	vadd.f32 $-1.538461540e-02, v29  }
0x5c7: {  	vm1 =	vgt.f32 v20, $0.0e+00;
	v43 =	vsel vm2, v52, v34;
	v60 =	vand.u32 $0x7FFFFFFF, v23  }
0x5c8: {  	v61 =	vand.u32 $0x7FFFFFFF, v22;
	v62 =	vtrunc.f32 v29;
	v34 =	vmul.f32 $9.846153850e-01, v60  }
0x5c9: {  	vm2 =	vge.f32 v42, v27;
	v35 =	vmul.f32 $9.846153850e-01, v61;
	vm3 =	vlt.f32 v29, v62  }
0x5ca: {  	v55 =	vsel vm2, $0xFFFFFFFF, v13;
	vm3 =	vmneg vm3;
	v34 =	vadd.f32 $-1.538461540e-02, v34  }
0x5cb: {  	v46 =	vld.idx.msk [tilespmem:v33+s15+$0x0], $0xffff;
	v35 =	vadd.f32 $-1.538461540e-02, v35;
	vm10 =	vge.f32 v0, v32;
	v0 =	vsel vm0, $0xFFFFFFFF, v13  }
0x5cc: {  	v31 =	vadd.s32 v55, v31;
	v33 =	vld.idx.msk [tilespmem:v33+s18+$0x0], $0xffff;
	v47 =	vsel vm3, $0x1, v13;
	v0 =	vadd.s32 v0, v19  }
0x5cd: {  	v54 =	vld.idx.msk [tilespmem:v24+s5+$0x0], $0xffff;
	v57 =	vsel vm10, $0xFFFFFFFF, v13;
	v49 =	vtrunc.f32 v34;
	v51 =	vtrunc.f32 v35  }
0x5ce: {  	v19 =	vld [tilespmem:s8+$0x4490];
	v37 =	vadd.s32 v57, v30;
	v30 =	vand.u32 $0x7FFFFFFF, v20;
	vm12 =	vlt.f32 v34, v49  }
0x5cf: {  	vm13 =	vlt.f32 v35, v51;
	v56 =	vcvt.f32.s32 v49;
	v57 =	vcvt.f32.s32 v51  }
0x5d0: {  	v30 =	vmul.f32 $9.846153850e-01, v30;
	vm5 =	vmneg vm12;
	vm6 =	vmneg vm13  }
0x5d1: {  	s25 =	simm.s32 $0x100;
	s16 =	simm.s32 $0x400;
	vm12 =	vgt.f32 v22, $0.0e+00;
	v21 =	vmul.f32 v46, v21;
	v46 =	vcvt.f32.s32 v62  }
0x5d2: {  	s28 =	sand.u32 $0x7E00, s16;
	s3 =	sand.u32 $0x60, s25;
	v61 =	vsel vm6, $0x1, v13;
	vm0 =	vge.f32 v54, v15;
	v30 =	vadd.f32 $-1.538461540e-02, v30  }
0x5d3: {  	s17 =	sor.u32 s28, s3;
	v42 =	vadd.f32 v33, v21;
	v59 =	vand.u32 $0x7FFFFFFF, v19;
	v46 =	vadd.s32 v46, v47  }
0x5d4: {  	v21 =	vld [tilespmem:s17+$0x4480];
	vm2 =	vgt.f32 v19, $0.0e+00;
	v33 =	vmul.f32 $9.846153850e-01, v59;
	vm3 =	vlt.s32 v46, $0x40  }
0x5d5: {  	v51 =	vld.idx.msk [tilespmem:v0+s15+$0x0], $0xffff;
	v63 =	vtrunc.f32 v30;
	v59 =	vsel vm5, $0x1, v13;
	v46 =	vnsel vm3, $0x40, v46  }
0x5d6: {  	vm3 =	vgt.f32 v40, $0.0e+00;
	v34 =	vadd.s32 v56, v59;
	v33 =	vadd.f32 $-1.538461540e-02, v33  }
0x5d7: {  	v50 =	vadd.s32 $0x41, v46;
	v46 =	vsub.s32 $0x40, v46;
	vm9 =	vlt.s32 v34, $0x40  }
0x5d8: {  	v0 =	vld.idx.msk [tilespmem:v0+s18+$0x0], $0xffff;
	v46 =	vsel vm3, v50, v46;
	vm3 =	vlt.f32 v30, v63;
	v34 =	vnsel vm9, $0x40, v34  }
0x5d9: {  	v29 =	vand.u32 $0x7FFFFFFF, v21;
	v48 =	vtrunc.f32 v33;
	vm3 =	vmneg vm3  }
0x5da: {  	vm13 =	vgt.f32 v21, $0.0e+00;
	v51 =	vmul.f32 v51, v26;
	v29 =	vmul.f32 $9.846153850e-01, v29  }
0x5db: {  	vm11 =	vlt.f32 v33, v48;
	v30 =	vcvt.f32.s32 v48;
	v55 =	vsel vm3, $0x1, v13  }
0x5dc: {  	v35 =	vld.idx.msk [tilespmem:v41+s5+$0x0], $0xffff;
	v33 =	vadd.s32 v57, v61;
	vm4 =	vmneg vm11;
	v29 =	vadd.f32 $-1.538461540e-02, v29  }
0x5dd: {  	v47 =	vld.idx.msk [tilespmem:v38+s5+$0x0], $0xffff;
	vm10 =	vlt.s32 v33, $0x40;
	v0 =	vadd.f32 v0, v51;
	v58 =	vsel vm4, $0x1, v13  }
0x5de: {  	s30 =	simm.s32 $0x170;
	s24 =	simm.s32 $0x120;
	s21 =	simm.s32 $0x5C0;
	v33 =	vnsel vm10, $0x40, v33;
	v50 =	vld.idx.msk [tilespmem:v46+s5+$0x0], $0xffff;
	v30 =	vadd.s32 v30, v58;
	v52 =	vtrunc.f32 v29  }
0x5df: {  	s20 =	simm.s32 $0x480;
	s22 =	sand.u32 $0x7E00, s21;
	s3 =	sand.u32 $0x70, s30;
	v57 =	vld.idx.msk [tilespmem:v37+s15+$0x0], $0xffff;
	v58 =	vadd.s32 $0x41, v34;
	vm14 =	vlt.f32 v29, v52;
	v29 =	vcvt.f32.s32 v63  }
0x5e0: {  	s20 =	sand.u32 $0x3E00, s20;
	s10 =	sor.u32 s22, s3;
	s22 =	sand.u32 $0x60, s24;
	v56 =	vld.idx.msk [tilespmem:v45+s15+$0x0], $0xffff;
	v34 =	vsub.s32 $0x40, v34;
	v59 =	vadd.s32 $0x41, v33;
	v33 =	vsub.s32 $0x40, v33  }
0x5e1: {  	s20 =	sor.u32 s22, s20;
	v45 =	vld.idx.msk [tilespmem:v45+s18+$0x0], $0xffff;
	vm15 =	vlt.s32 v30, $0x40;
	v60 =	vcvt.f32.s32 v52;
	v29 =	vadd.s32 v29, v55  }
0x5e2: {  	v26 =	vld [tilespmem:s20+$0x4490];
	v30 =	vnsel vm15, $0x40, v30;
	vm7 =	vmneg vm14;
	vm3 =	vlt.s32 v29, $0x40  }
0x5e3: {  	v48 =	vld.idx.msk [tilespmem:v39+s5+$0x0], $0xffff;
	v53 =	vsel vm7, $0x1, v13;
	v29 =	vnsel vm3, $0x40, v29;
	vm3 =	vge.f32 v50, v40  }
0x5e4: {  	v61 =	vld.idx.msk [tilespmem:v31+s18+$0x0], $0xffff;
	v32 =	vmul.f32 v57, v32;
	v62 =	vadd.s32 v60, v53;
	v54 =	vsel vm3, $0xFFFFFFFF, v13  }
0x5e5: {  	v52 =	vld.idx.msk [tilespmem:v43+s5+$0x0], $0xffff;
	vm14 =	vge.f32 v47, v18;
	vm11 =	vlt.s32 v62, $0x40;
	v46 =	vadd.s32 v54, v46  }
0x5e6: {  	v53 =	vld.idx.msk [tilespmem:v44+s15+$0x0], $0xffff;
	v55 =	vadd.s32 $0x41, v29;
	v49 =	vnsel vm11, $0x40, v62;
	v29 =	vsub.s32 $0x40, v29  }
0x5e7: {  	v44 =	vld.idx.msk [tilespmem:v44+s18+$0x0], $0xffff;
	vm3 =	vgt.f32 v23, $0.0e+00;
	v62 =	vsel vm14, $0xFFFFFFFF, v13;
	v54 =	vadd.s32 $0x41, v30  }
0x5e8: {  	s31 =	simm.s32 $0x140;
	v50 =	vld.idx.msk [tilespmem:v31+s15+$0x0], $0xffff;
	v30 =	vsub.s32 $0x40, v30;
	v29 =	vsel vm1, v55, v29;
	v31 =	vsel vm3, v58, v34  }
0x5e9: {  	s16 =	sand.u32 $0x60, s31;
	vm1 =	vge.f32 v35, v14;
	vm3 =	vge.f32 v48, v17;
	v58 =	vsel vm0, $0xFFFFFFFF, v13;
	v35 =	vld [tilespmem:s10+$0x4480]  }
0x5ea: {  	s19 =	simm.s32 $0x150;
	s25 =	simm.s32 $0x500;
	s28 =	simm.s32 $0x540;
	v60 =	vadd.s32 $0x41, v49;
	v47 =	vadd.s32 v58, v24;
	v24 =	vsel vm3, $0xFFFFFFFF, v13;
	v63 =	vld.idx.msk [tilespmem:v46+s15+$0x0], $0xffff  }
0x5eb: {  	s19 =	sand.u32 $0x70, s19;
	s25 =	sand.u32 $0x7E00, s25;
	s31 =	sand.u32 $0x7E00, s28;
	v49 =	vsub.s32 $0x40, v49;
	v34 =	vsel vm12, v59, v33;
	v58 =	vadd.s32 v24, v39;
	v24 =	vld [tilespmem:s20+$0x4480]  }
0x5ec: {  	s22 =	sor.u32 s25, s16;
	s25 =	sor.u32 s31, s19;
	v30 =	vsel vm2, v54, v30;
	v33 =	vsel vm13, v60, v49;
	vm2 =	vge.f32 v52, v16;
	v46 =	vld.idx.msk [tilespmem:v46+s18+$0x0], $0xffff  }
0x5ed: {  	v59 =	vsel vm1, $0xFFFFFFFF, v13;
	v60 =	vsel vm2, $0xFFFFFFFF, v13;
	v54 =	vmul.f32 v53, v25;
	v25 =	vld [tilespmem:s25+$0x4480]  }
0x5ee: {  	s30 =	simm.s32 $0x580;
	s3 =	simm.s32 $0x160;
	v48 =	vadd.s32 v59, v41;
	v49 =	vadd.s32 v60, v43;
	v60 =	vmul.f32 v50, v27;
	v27 =	vld [tilespmem:s22+$0x4480]  }
0x5ef: {  	s3 =	sand.u32 $0x60, s3;
	s16 =	sand.u32 $0x7E00, s30;
	v59 =	vadd.s32 v62, v38;
	v62 =	vmul.f32 v56, v28;
	v63 =	vmul.f32 v63, v40  }
0x5f0: {  	s3 =	sor.u32 s16, s3;
	vm2 =	vgt.f32 v26, $0.0e+00;
	v51 =	vadd.f32 v44, v54;
	v55 =	vld.idx.msk [tilespmem:v29+s5+$0x0], $0xffff;
	v53 =	vadd.f32 v61, v60  }
0x5f1: {  	v28 =	vld [tilespmem:s3+$0x4480];
	v60 =	vadd.f32 v45, v62;
	v46 =	vadd.f32 v46, v63;
	v63 =	vand.u32 $0x7FFFFFFF, v35  }
0x5f2: {  	v54 =	vand.u32 $0x7FFFFFFF, v24;
	vm1 =	vgt.f32 v24, $0.0e+00;
	v50 =	vmul.f32 $9.846153850e-01, v63  }
0x5f3: {  	v57 =	vand.u32 $0x7FFFFFFF, v25;
	v39 =	vmul.f32 $9.846153850e-01, v54;
	v56 =	vand.u32 $0x7FFFFFFF, v27  }
0x5f4: {  	v43 =	vmul.f32 $9.846153850e-01, v57;
	v41 =	vmul.f32 $9.846153850e-01, v56;
	v38 =	vadd.f32 $-1.538461540e-02, v50  }
0x5f5: {  	vm0 =	vge.f32 v55, v20;
	v55 =	vand.u32 $0x7FFFFFFF, v26;
	v39 =	vadd.f32 $-1.538461540e-02, v39  }
0x5f6: {  	v62 =	vand.u32 $0x7FFFFFFF, v28;
	v40 =	vmul.f32 $9.846153850e-01, v55;
	v61 =	vtrunc.f32 v38  }
0x5f7: {  	v41 =	vadd.f32 $-1.538461540e-02, v41;
	v52 =	vtrunc.f32 v39;
	vm3 =	vlt.f32 v38, v61  }
0x5f8: {  	v63 =	vmul.f32 $9.846153850e-01, v62;
	v44 =	vcvt.f32.s32 v61;
	vm3 =	vmneg vm3  }
0x5f9: {  	v40 =	vadd.f32 $-1.538461540e-02, v40;
	v55 =	vtrunc.f32 v41;
	v56 =	vsel vm3, $0x1, v13  }
0x5fa: {  	vm9 =	vlt.f32 v41, v55;
	v50 =	vadd.f32 $-1.538461540e-02, v43;
	v57 =	vadd.s32 v44, v56  }
0x5fb: {  	v54 =	vtrunc.f32 v40;
	vm5 =	vmneg vm9;
	vm3 =	vlt.s32 v57, $0x40  }
0x5fc: {  	vm15 =	vlt.f32 v40, v54;
	v40 =	vcvt.f32.s32 v54;
	v43 =	vnsel vm3, $0x40, v57  }
0x5fd: {  	v37 =	vld.idx.msk [tilespmem:v37+s18+$0x0], $0xffff;
	vm3 =	vgt.f32 v35, $0.0e+00;
	v61 =	vadd.s32 $0x41, v43;
	v43 =	vsub.s32 $0x40, v43  }
0x5fe: {  	v45 =	vld.idx.msk [tilespmem:v34+s5+$0x0], $0xffff;
	v38 =	vadd.f32 $-1.538461540e-02, v63;
	v56 =	vtrunc.f32 v50;
	v61 =	vsel vm3, v61, v43  }
0x5ff: {  	[tilespmem:s11+$0xC480] =	vst v42;
	v42 =	vld.idx.msk [tilespmem:v59+s15+$0x0], $0xffff;
	v62 =	vsel vm5, $0x1, v13;
	vm4 =	vmneg vm15;
	vm10 =	vlt.f32 v50, v56  }
0x600: {  	[tilespmem:s23+$0xC480] =	vst v46;
	v46 =	vld.idx.msk [tilespmem:v47+s18+$0x0], $0xffff;
	v54 =	vcvt.f32.s32 v56;
	v56 =	vsel vm4, $0x1, v13;
	v57 =	vtrunc.f32 v38  }
0x601: {  	v44 =	vld.idx.msk [tilespmem:v31+s5+$0x0], $0xffff;
	vm6 =	vmneg vm10;
	v56 =	vadd.s32 v40, v56;
	vm11 =	vlt.f32 v38, v57  }
0x602: {  	v50 =	vld.idx.msk [tilespmem:v33+s5+$0x0], $0xffff;
	v38 =	vcvt.f32.s32 v52;
	vm3 =	vlt.f32 v39, v52;
	v52 =	vcvt.f32.s32 v55  }
0x603: {  	vm12 =	vlt.s32 v56, $0x40;
	vm7 =	vmneg vm11;
	vm3 =	vmneg vm3;
	v55 =	vld.idx.msk [tilespmem:v61+s5+$0x0], $0xffff  }
0x604: {  	v40 =	vld.idx.msk [tilespmem:v49+s15+$0x0], $0xffff;
	v41 =	vsel vm3, $0x1, v13;
	v52 =	vadd.s32 v52, v62;
	v62 =	vsel vm7, $0x1, v13  }
0x605: {  	v43 =	vld.idx.msk [tilespmem:v30+s5+$0x0], $0xffff;
	v63 =	vadd.s32 v38, v41;
	v41 =	vcvt.f32.s32 v57;
	v57 =	vsel vm6, $0x1, v13  }
0x606: {  	[tilespmem:s13+$0xC480] =	vst v36;
	v39 =	vld.idx.msk [tilespmem:v47+s15+$0x0], $0xffff;
	vm13 =	vlt.s32 v52, $0x40;
	v54 =	vadd.s32 v54, v57;
	vm3 =	vlt.s32 v63, $0x40  }
0x607: {  	[tilespmem:s14+$0xC480] =	vst v0;
	v47 =	vld.idx.msk [tilespmem:v49+s18+$0x0], $0xffff;
	v0 =	vnsel vm13, $0x40, v52;
	v36 =	vadd.s32 v41, v62;
	v57 =	vnsel vm3, $0x40, v63  }
0x608: {  	v49 =	vld.idx.msk [tilespmem:v58+s18+$0x0], $0xffff;
	vm3 =	vlt.s32 v54, $0x40;
	v62 =	vnsel vm12, $0x40, v56;
	vm15 =	vge.f32 v55, v35  }
0x609: {  	[tilespmem:s1+$0xC480] =	vst v60;
	v38 =	vld.idx.msk [tilespmem:v48+s15+$0x0], $0xffff;
	v60 =	vsub.s32 $0x40, v0;
	vm14 =	vlt.s32 v36, $0x40;
	v63 =	vsel vm15, $0xFFFFFFFF, v13  }
0x60a: {  	[tilespmem:s14+$0xC490] =	vst v51;
	v48 =	vld.idx.msk [tilespmem:v48+s18+$0x0], $0xffff;
	v52 =	vadd.s32 $0x41, v57;
	v57 =	vsub.s32 $0x40, v57;
	v51 =	vadd.s32 v63, v61  }
0x60b: {  	v41 =	vld.idx.msk [tilespmem:v58+s15+$0x0], $0xffff;
	v58 =	vsub.s32 $0x40, v62;
	v56 =	vnsel vm14, $0x40, v36;
	v55 =	vnsel vm3, $0x40, v54  }
0x60c: {  	[tilespmem:s26+$0xC480] =	vst v53;
	v36 =	vld.idx.msk [tilespmem:v59+s18+$0x0], $0xffff;
	v59 =	vadd.s32 $0x41, v0;
	v54 =	vadd.s32 $0x41, v62;
	v53 =	vadd.s32 $0x41, v55  }
.LBB2_27:
0x60d: {  	v0 =	vsub.s32 $0x40, v55;
	v55 =	vadd.s32 $0x41, v56;
	v56 =	vsub.s32 $0x40, v56;
	s1 =	smov.u32 s24;
	s24 =	sadd.s32 $0x60, s24  }
0x60e: {  	vm3 =	vgt.f32 v27, $0.0e+00;
	vm4 =	vgt.f32 v25, $0.0e+00;
	vm5 =	vgt.f32 v28, $0.0e+00;
	s11 =	sadd.s32 $0x80, s1;
	s13 =	sadd.s32 $0x90, s1;
	s14 =	sadd.s32 $0xA0, s1  }
0x60f: {  	v52 =	vsel vm1, v52, v57;
	v57 =	vsel vm2, v54, v58;
	s16 =	sand.u32 $0x60, s24;
	v58 =	vsel vm3, v59, v60;
	s11 =	sand.u32 $0x60, s11;
	s19 =	sand.u32 $0x70, s13;
	v59 =	vld.idx.msk [tilespmem:v51+s15+$0x0], $0xffff  }
0x610: {  	s21 =	sadd.s32 $0x180, s21;
	vm1 =	vge.f32 v43, v19;
	s1 =	sadd.s32 $0xB0, s1;
	v0 =	vsel vm4, v53, v0;
	v55 =	vsel vm5, v55, v56;
	s14 =	sand.u32 $0x60, s14  }
0x611: {  	vm2 =	vge.f32 v44, v23;
	s23 =	sand.u32 $0x7E00, s21;
	vm3 =	vge.f32 v45, v22;
	vm4 =	vge.f32 v50, v21;
	s13 =	sadd.s32 $0xFFFFFEC0, s21;
	s1 =	sand.u32 $0x70, s1;
	v43 =	vld.idx.msk [tilespmem:v51+s18+$0x0], $0xffff  }
0x612: {  	v44 =	vsel vm0, $0xFFFFFFFF, v13;
	s26 =	sadd.s32 $0xFFFFFF40, s21;
	s28 =	sadd.s32 $0xFFFFFF80, s21;
	v45 =	vsel vm1, $0xFFFFFFFF, v13;
	v50 =	vsel vm2, $0xFFFFFFFF, v13;
	s23 =	sor.u32 s23, s1  }
0x613: {  	s30 =	sadd.s32 $0xFFFFFFC0, s21;
	v53 =	vadd.s32 v44, v29;
	v29 =	vmovc v52;
	s26 =	sand.u32 $0x7E00, s26;
	v44 =	vsel vm3, $0xFFFFFFFF, v13;
	v60 =	vsel vm4, $0xFFFFFFFF, v13;
	s1 =	sand.u32 $0x3E00, s13;
	v56 =	vld [tilespmem:s23+$0x4480]  }
0x614: {  	v62 =	vadd.s32 v45, v30;
	v54 =	vadd.s32 v50, v31;
	s13 =	sor.u32 s16, s1;
	s1 =	sand.u32 $0x7E00, s28;
	s16 =	sand.u32 $0x7E00, s30;
	v51 =	vadd.s32 v44, v34;
	v61 =	vld.idx.msk [tilespmem:v52+s5+$0x0], $0xffff  }
0x615: {  	v15 =	vmul.f32 v39, v15;
	v30 =	vmovc v57;
	s11 =	sor.u32 s26, s11;
	s1 =	sor.u32 s1, s19;
	s14 =	sor.u32 s16, s14;
	v44 =	vmul.f32 v59, v35;
	v52 =	vadd.s32 v60, v33;
	v45 =	vld [tilespmem:s13+$0x4480]  }
0x616: {  	v14 =	vmul.f32 v38, v14;
	v16 =	vmul.f32 v40, v16;
	v38 =	vadd.f32 v37, v32;
	p0 =	slt.u32 s24, $0xF60;
	v31 =	vmovc v58;
	v39 =	vld [tilespmem:s13+$0x4490]  }
0x617: {  	v17 =	vmul.f32 v41, v17;
	v32 =	vmul.f32 v42, v18;
	v34 =	vmovc v0;
	v40 =	vadd.f32 v43, v44;
	v37 =	vld [tilespmem:s11+$0x4480]  }
0x618: {  	v41 =	vadd.f32 v46, v15;
	v14 =	vadd.f32 v48, v14;
	v33 =	vmovc v55;
	v0 =	vld [tilespmem:s1+$0x4480];
	v18 =	vand.u32 $0x7FFFFFFF, v56;
	[tilespmem:s0+$0xC480] =	vst v38;
	s0 =	smov.u32 s7  }
0x619: {  	v16 =	vadd.f32 v47, v16;
	v17 =	vadd.f32 v49, v17;
	v35 =	vmovc v56;
	v46 =	vld [tilespmem:s14+$0x4480];
	v18 =	vmul.f32 $9.846153850e-01, v18;
	[tilespmem:s10+$0xC480] =	vst v40;
	s10 =	smov.u32 s23  }
0x61a: {  	v15 =	vmovc v20;
	s7 =	smov.u32 s17;
	s17 =	smov.u32 s3;
	s3 =	smov.u32 s14;
	vm0 =	vge.f32 v61, v24;
	v38 =	vand.u32 $0x7FFFFFFF, v45;
	vm1 =	vgt.f32 v45, $0.0e+00;
	v43 =	vld.idx.msk [tilespmem:v57+s5+$0x0], $0xffff;
	[tilespmem:s2+$0xC480] =	vst v41  }
0x61b: {  	v20 =	vmovc v24;
	v24 =	vmovc v45;
	v40 =	vmul.f32 $9.846153850e-01, v38;
	v38 =	vand.u32 $0x7FFFFFFF, v39;
	v18 =	vadd.f32 $-1.538461540e-02, v18;
	v44 =	vld.idx.msk [tilespmem:v58+s5+$0x0], $0xffff  }
0x61c: {  	vm2 =	vgt.f32 v39, $0.0e+00;
	v41 =	vmul.f32 $9.846153850e-01, v38;
	v38 =	vand.u32 $0x7FFFFFFF, v37;
	v45 =	vld.idx.msk [tilespmem:v34+s5+$0x0], $0xffff;
	[tilespmem:s2+$0xC490] =	vst v14;
	v14 =	vmovc v19;
	v19 =	vmovc v26;
	s2 =	smov.u32 s8;
	s8 =	smov.u32 s20;
	s20 =	smov.u32 s13  }
0x61d: {  	v26 =	vmovc v39;
	v42 =	vmul.f32 $9.846153850e-01, v38;
	v38 =	vand.u32 $0x7FFFFFFF, v0;
	v47 =	vtrunc.f32 v18;
	v50 =	vld.idx.msk [tilespmem:v55+s5+$0x0], $0xffff;
	[tilespmem:s6+$0xC480] =	vst v16;
	v16 =	vmovc v23;
	s6 =	smov.u32 s12;
	s12 =	smov.u32 s22;
	s22 =	smov.u32 s11  }
0x61e: {  	v23 =	vmovc v27;
	v48 =	vmul.f32 $9.846153850e-01, v38;
	v38 =	vand.u32 $0x7FFFFFFF, v46;
	vm3 =	vlt.f32 v18, v47;
	v39 =	vld.idx.msk [tilespmem:v53+s15+$0x0], $0xffff;
	[tilespmem:s4+$0xC480] =	vst v17;
	s4 =	smov.u32 s9;
	s9 =	smov.u32 s25;
	s25 =	smov.u32 s1  }
0x61f: {  	v27 =	vmovc v37;
	v58 =	vcvt.f32.s32 v47;
	v17 =	vmovc v22;
	v49 =	vmul.f32 $9.846153850e-01, v38;
	vm3 =	vmneg vm3;
	v38 =	vld.idx.msk [tilespmem:v62+s15+$0x0], $0xffff  }
0x620: {  	v55 =	vadd.f32 $-1.538461540e-02, v40;
	v56 =	vadd.f32 $-1.538461540e-02, v41;
	v22 =	vmovc v25;
	v25 =	vmovc v0;
	v60 =	vsel vm3, $0x1, v13;
	v40 =	vld.idx.msk [tilespmem:v54+s15+$0x0], $0xffff  }
0x621: {  	v0 =	vadd.f32 $-1.538461540e-02, v42;
	v18 =	vmovc v21;
	v21 =	vmovc v28;
	v57 =	vadd.f32 $-1.538461540e-02, v48;
	v47 =	vadd.s32 v58, v60;
	v41 =	vld.idx.msk [tilespmem:v51+s15+$0x0], $0xffff  }
0x622: {  	v37 =	vmovc v36;
	v28 =	vmovc v46;
	v58 =	vtrunc.f32 v55;
	v59 =	vadd.f32 $-1.538461540e-02, v49;
	vm3 =	vlt.s32 v47, $0x40;
	v42 =	vld.idx.msk [tilespmem:v52+s15+$0x0], $0xffff  }
0x623: {  	v60 =	vtrunc.f32 v56;
	v61 =	vtrunc.f32 v0;
	v36 =	vnsel vm3, $0x40, v47;
	v46 =	vld.idx.msk [tilespmem:v53+s18+$0x0], $0xffff  }
0x624: {  	vm3 =	vgt.f32 v35, $0.0e+00;
	v47 =	vadd.s32 $0x41, v36;
	v36 =	vsub.s32 $0x40, v36;
	v48 =	vld.idx.msk [tilespmem:v62+s18+$0x0], $0xffff  }
0x625: {  	v53 =	vtrunc.f32 v57;
	v62 =	vtrunc.f32 v59;
	v63 =	vsel vm3, v47, v36;
	v47 =	vld.idx.msk [tilespmem:v54+s18+$0x0], $0xffff  }
0x626: {  	vm4 =	vlt.f32 v56, v60;
	vm5 =	vlt.f32 v0, v61;
	vm3 =	vlt.f32 v55, v58;
	v49 =	vld.idx.msk [tilespmem:v51+s18+$0x0], $0xffff  }
0x627: {  	vm6 =	vlt.f32 v57, v53;
	vm7 =	vlt.f32 v59, v62;
	vm3 =	vmneg vm3;
	v36 =	vld.idx.msk [tilespmem:v52+s18+$0x0], $0xffff  }
0x628: {  	vm4 =	vmneg vm4;
	vm5 =	vmneg vm5;
	vm6 =	vmneg vm6  }
0x629: {  	v0 =	vcvt.f32.s32 v58;
	v51 =	vcvt.f32.s32 v60;
	vm7 =	vmneg vm7  }
0x62a: {  	v53 =	vcvt.f32.s32 v53;
	v54 =	vcvt.f32.s32 v61;
	v52 =	vsel vm3, $0x1, v13;
	v55 =	vld.idx.msk [tilespmem:v63+s5+$0x0], $0xffff  }
0x62b: {  	v56 =	vsel vm4, $0x1, v13;
	v57 =	vsel vm5, $0x1, v13;
	v58 =	vcvt.f32.s32 v62  }
0x62c: {  	v59 =	vsel vm7, $0x1, v13;
	v0 =	vadd.s32 v0, v52;
	v52 =	vsel vm6, $0x1, v13  }
0x62d: {  	v54 =	vadd.s32 v54, v57;
	v51 =	vadd.s32 v51, v56;
	v52 =	vadd.s32 v53, v52  }
0x62e: {  	vm3 =	vlt.s32 v0, $0x40;
	vm4 =	vlt.s32 v51, $0x40;
	v53 =	vadd.s32 v58, v59  }
0x62f: {  	vm5 =	vlt.s32 v54, $0x40;
	vm6 =	vlt.s32 v52, $0x40;
	vm7 =	vlt.s32 v53, $0x40  }
.Ltmp13:
0x630: {  	v0 =	vnsel vm3, $0x40, v0;
	v58 =	vnsel vm4, $0x40, v51;
	vm3 =	vge.f32 v55, v35;
	(pc) =	sbr.rel @p0 .LBB2_27-.Ltmp13, $4  }
0x631: {  	v60 =	vnsel vm5, $0x40, v54;
	v55 =	vnsel vm6, $0x40, v52;
	v51 =	vsel vm3, $0xFFFFFFFF, v13  }
0x632: {  	v56 =	vnsel vm7, $0x40, v53;
	v52 =	vadd.s32 $0x41, v0;
	v51 =	vadd.s32 v51, v63  }
0x633: {  	v57 =	vsub.s32 $0x40, v0;
	v54 =	vadd.s32 $0x41, v58;
	v58 =	vsub.s32 $0x40, v58  }
0x634: {  	v59 =	vadd.s32 $0x41, v60;
	v60 =	vsub.s32 $0x40, v60;
	v53 =	vadd.s32 $0x41, v55  }
0x635: {  	_ = 	snop  }
0x636: {  	v0 =	vsel vm1, v52, v57  }
0x637: {  	v61 =	vsub.s32 $0x40, v55;
	vm4 =	vgt.f32 v27, $0.0e+00;
	v54 =	vsel vm2, v54, v58  }
0x638: {  	v62 =	vadd.s32 $0x41, v56;
	vm5 =	vgt.f32 v25, $0.0e+00;
	v57 =	vsel vm4, v59, v60  }
0x639: {  	v63 =	vsub.s32 $0x40, v56;
	vm6 =	vgt.f32 v28, $0.0e+00;
	v58 =	vld.idx.msk [tilespmem:v51+s15+$0x0], $0xffff;
	v52 =	vsel vm5, v53, v61  }
0x63a: {  	vm7 =	vge.f32 v43, v19;
	v43 =	vld.idx.msk [tilespmem:v51+s18+$0x0], $0xffff;
	v53 =	vsel vm6, v62, v63;
	v59 =	vsel vm0, $0xFFFFFFFF, v13  }
0x63b: {  	vm8 =	vge.f32 v44, v23;
	v60 =	vsel vm7, $0xFFFFFFFF, v13;
	v29 =	vadd.s32 v59, v29;
	v51 =	vld.idx.msk [tilespmem:v0+s5+$0x0], $0xffff  }
0x63c: {  	vm10 =	vge.f32 v50, v21;
	v61 =	vsel vm8, $0xFFFFFFFF, v13;
	v30 =	vadd.s32 v60, v30;
	v44 =	vld.idx.msk [tilespmem:v54+s5+$0x0], $0xffff  }
0x63d: {  	vm9 =	vge.f32 v45, v22;
	v63 =	vsel vm10, $0xFFFFFFFF, v13;
	v31 =	vadd.s32 v61, v31;
	v45 =	vld.idx.msk [tilespmem:v57+s5+$0x0], $0xffff  }
0x63e: {  	v33 =	vadd.s32 v63, v33;
	v50 =	vld.idx.msk [tilespmem:v52+s5+$0x0], $0xffff  }
0x63f: {  	v55 =	vld.idx.msk [tilespmem:v53+s5+$0x0], $0xffff  }
0x640: {  	v56 =	vld.idx.msk [tilespmem:v29+s15+$0x0], $0xffff  }
0x641: {  	v59 =	vld.idx.msk [tilespmem:v30+s15+$0x0], $0xffff  }
0x642: {  	v62 =	vsel vm9, $0xFFFFFFFF, v13;
	v60 =	vld.idx.msk [tilespmem:v31+s15+$0x0], $0xffff  }
0x643: {  	v15 =	vmul.f32 v39, v15;
	v34 =	vadd.s32 v62, v34;
	v39 =	vld.idx.msk [tilespmem:v33+s15+$0x0], $0xffff;
	vm11 =	vge.f32 v51, v24  }
0x644: {  	v35 =	vmul.f32 v58, v35;
	v29 =	vld.idx.msk [tilespmem:v29+s18+$0x0], $0xffff;
	vm12 =	vge.f32 v44, v26;
	v58 =	vsel vm11, $0xFFFFFFFF, v13  }
0x645: {  	v14 =	vmul.f32 v38, v14;
	v30 =	vld.idx.msk [tilespmem:v30+s18+$0x0], $0xffff;
	v61 =	vsel vm12, $0xFFFFFFFF, v13;
	v0 =	vadd.s32 v58, v0  }
0x646: {  	v16 =	vmul.f32 v40, v16;
	v31 =	vld.idx.msk [tilespmem:v31+s18+$0x0], $0xffff;
	vm13 =	vge.f32 v45, v27;
	v45 =	vadd.s32 v61, v54  }
0x647: {  	v32 =	vadd.f32 v37, v32;
	v17 =	vmul.f32 v41, v17;
	v18 =	vmul.f32 v42, v18;
	v33 =	vld.idx.msk [tilespmem:v33+s18+$0x0], $0xffff  }
0x648: {  	v15 =	vadd.f32 v46, v15;
	v51 =	vld.idx.msk [tilespmem:v34+s15+$0x0], $0xffff;
	vm14 =	vge.f32 v50, v25;
	v62 =	vsel vm13, $0xFFFFFFFF, v13  }
0x649: {  	v34 =	vld.idx.msk [tilespmem:v34+s18+$0x0], $0xffff;
	vm15 =	vge.f32 v55, v28;
	v50 =	vsel vm14, $0xFFFFFFFF, v13;
	v44 =	vadd.s32 v62, v57  }
0x64a: {  	[tilespmem:s0+$0xC480] =	vst v32;
	v14 =	vadd.f32 v48, v14;
	v63 =	vsel vm15, $0xFFFFFFFF, v13;
	v50 =	vadd.s32 v50, v52;
	v46 =	vld.idx.msk [tilespmem:v0+s15+$0x0], $0xffff  }
0x64b: {  	v16 =	vadd.f32 v47, v16;
	[tilespmem:s2+$0xC480] =	vst v15;
	v37 =	vadd.s32 v63, v53;
	v52 =	vld.idx.msk [tilespmem:v45+s15+$0x0], $0xffff  }
0x64c: {  	v17 =	vadd.f32 v49, v17;
	[tilespmem:s2+$0xC490] =	vst v14;
	v0 =	vld.idx.msk [tilespmem:v0+s18+$0x0], $0xffff  }
0x64d: {  	v18 =	vadd.f32 v36, v18;
	[tilespmem:s6+$0xC480] =	vst v16;
	v14 =	vmul.f32 v56, v20;
	v58 =	vld.idx.msk [tilespmem:v45+s18+$0x0], $0xffff  }
0x64e: {  	[tilespmem:s4+$0xC480] =	vst v17;
	v35 =	vadd.f32 v43, v35;
	v54 =	vmul.f32 v59, v19;
	v15 =	vld.idx.msk [tilespmem:v44+s15+$0x0], $0xffff  }
0x64f: {  	[tilespmem:s7+$0xC480] =	vst v18;
	v56 =	vmul.f32 v60, v23;
	v14 =	vadd.f32 v29, v14;
	v53 =	vld.idx.msk [tilespmem:v50+s15+$0x0], $0xffff  }
0x650: {  	[tilespmem:s10+$0xC480] =	vst v35;
	v59 =	vmul.f32 v39, v21;
	v16 =	vadd.f32 v30, v54;
	v55 =	vld.idx.msk [tilespmem:v37+s15+$0x0], $0xffff  }
0x651: {  	v17 =	vadd.f32 v31, v56;
	v57 =	vmul.f32 v51, v22;
	[tilespmem:s8+$0xC480] =	vst v14;
	v14 =	vld.idx.msk [tilespmem:v44+s18+$0x0], $0xffff  }
0x652: {  	v21 =	vadd.f32 v33, v59;
	[tilespmem:s8+$0xC490] =	vst v16;
	v60 =	vld.idx.msk [tilespmem:v50+s18+$0x0], $0xffff;
	v61 =	vmul.f32 v46, v24  }
0x653: {  	[tilespmem:s12+$0xC480] =	vst v17;
	v22 =	vadd.f32 v34, v57;
	v62 =	vld.idx.msk [tilespmem:v37+s18+$0x0], $0xffff;
	v63 =	vmul.f32 v52, v26  }
0x654: {  	[tilespmem:s17+$0xC480] =	vst v21;
	v15 =	vmul.f32 v15, v27;
	v0 =	vadd.f32 v0, v61  }
0x655: {  	[tilespmem:s9+$0xC480] =	vst v22;
	v20 =	vmul.f32 v53, v25;
	v18 =	vadd.f32 v58, v63  }
0x656: {  	v19 =	vmul.f32 v55, v28;
	v14 =	vadd.f32 v14, v15;
	[tilespmem:s20+$0xC480] =	vst v0  }
0x657: {  	v0 =	vadd.f32 v60, v20;
	[tilespmem:s20+$0xC490] =	vst v18  }
0x658: {  	[tilespmem:s22+$0xC480] =	vst v14;
	v14 =	vadd.f32 v62, v19  }
0x659: {  	s1 =	simm.s32 $0xC4C0;
	[tilespmem:s25+$0xC480] =	vst v0  }
0x65a: {  	s0 =	simm.s32 $0x44C0;
	s2 =	simm.s32 $0xFB0;
	s4 =	simm.s32 $0x3F00;
	[tilespmem:s3+$0xC480] =	vst v14  }
.LBB2_29:
0x65b: {  	s3 =	sand.u32 $0x3FFFFE00, s4  }
0x65c: {  	s6 =	sadd.s32 s3, s0  }
0x65d: {  	v0 =	vld [tilespmem:s6+$0x0];
	_ =	sdelay $0x4  }
0x65e: {  	v14 =	vand.u32 $0x7FFFFFFF, v0  }
0x65f: {  	v14 =	vmul.f32 $9.846153850e-01, v14;
	_ =	sdelay $0x1  }
0x660: {  	v14 =	vadd.f32 $-1.538461540e-02, v14;
	_ =	sdelay $0x1  }
0x661: {  	v15 =	vtrunc.f32 v14  }
0x662: {  	vm0 =	vlt.f32 v14, v15  }
0x663: {  	v14 =	vcvt.f32.s32 v15;
	vm0 =	vmneg vm0  }
0x664: {  	v15 =	vsel vm0, $0x1, v13  }
0x665: {  	v14 =	vadd.s32 v14, v15  }
0x666: {  	vm13 =	vlt.s32 v14, $0x40  }
0x667: {  	v14 =	vnsel vm13, $0x40, v14  }
0x668: {  	vm14 =	vgt.f32 v0, $0.0e+00;
	v15 =	vadd.s32 $0x41, v14;
	v14 =	vsub.s32 $0x40, v14  }
0x669: {  	v14 =	vsel vm14, v15, v14;
	_ =	sdelay $0x4  }
0x66a: {  	v15 =	vld.idx.msk [tilespmem:v14+s5+$0x0], $0xffff;
	_ =	sdelay $0x4  }
0x66b: {  	vm15 =	vge.f32 v15, v0  }
0x66c: {  	v15 =	vsel vm15, $0xFFFFFFFF, v13  }
0x66d: {  	v14 =	vadd.s32 v15, v14;
	_ =	sdelay $0x4  }
0x66e: {  	v15 =	vld.idx.msk [tilespmem:v14+s15+$0x0], $0xffff;
	_ =	sdelay $0x1  }
0x66f: {  	v14 =	vld.idx.msk [tilespmem:v14+s18+$0x0], $0xffff  }
0x670: {  	s2 =	sadd.s32 $0x10, s2  }
0x671: {  	p0 =	slt.u32 s2, $0xFF0  }
.Ltmp14:
0x672: {  	v0 =	vmul.f32 v15, v0;
	(pc) =	sbr.rel @p0 .LBB2_29-.Ltmp14, $4  }
0x673: {  	_ = 	snop  }
0x674: {  	v0 =	vadd.f32 v14, v0  }
0x675: {  	s4 =	sadd.s32 $0x40, s4;
	s3 =	sadd.s32 s3, s1  }
0x676: {  	s0 =	sadd.s32 $0x10, s0;
	s1 =	sadd.s32 $0x10, s1;
	[tilespmem:s3+$0x0] =	vst v0;
	s3 =	simm.s32 $0x140  }
0x677: {  	s0 =	simm.s32 $0x50  }
0x678: {  	s1 =	sand.u32 $0x7E00, s3;
	s0 =	sand.u32 $0x70, s0  }
0x679: {  	s13 =	sor.u32 s1, s0  }
0x67a: {  	v16 =	vld [tilespmem:s13+$0x4500]  }
0x67b: {  	s2 =	simm.s32 $0x20;
	s8 =	simm.s32 $0x80  }
0x67c: {  	s10 =	sand.u32 $0x60, s2;
	s11 =	sand.u32 $0x7E00, s8  }
0x67d: {  	s6 =	simm.s32 $0x0;
	s7 =	simm.s32 $0x0;
	s26 =	sor.u32 s11, s10  }
0x67e: {  	s9 =	simm.s32 $0x30;
	s12 =	simm.s32 $0x40;
	s4 =	simm.s32 $0xC0;
	v27 =	vld [tilespmem:s26+$0x4500]  }
0x67f: {  	s16 =	simm.s32 $0x100;
	s0 =	sand.u32 $0x60, s6;
	s1 =	sand.u32 $0x3E00, s7;
	v0 =	vand.u32 $0x7FFFFFFF, v16  }
0x680: {  	s17 =	sand.u32 $0x7E00, s4;
	s14 =	sor.u32 s0, s1;
	s0 =	sand.u32 $0x70, s9;
	v0 =	vmul.f32 $9.846153850e-01, v0  }
0x681: {  	s3 =	sand.u32 $0x60, s12;
	s19 =	sand.u32 $0x7E00, s16;
	v26 =	vld [tilespmem:s14+$0x4500];
	s1 =	sor.u32 s17, s0  }
0x682: {  	s0 =	sor.u32 s19, s3;
	v28 =	vld [tilespmem:s1+$0x4500];
	v0 =	vadd.f32 $-1.538461540e-02, v0  }
0x683: {  	v32 =	vld [tilespmem:s0+$0x4500];
	v17 =	vand.u32 $0x7FFFFFFF, v27  }
0x684: {  	v25 =	vld [tilespmem:s14+$0x4510];
	v17 =	vmul.f32 $9.846153850e-01, v17;
	v14 =	vtrunc.f32 v0  }
0x685: {  	vm0 =	vlt.f32 v0, v14  }
0x686: {  	v17 =	vadd.f32 $-1.538461540e-02, v17;
	v0 =	vcvt.f32.s32 v14;
	vm0 =	vmneg vm0  }
0x687: {  	vm1 =	vgt.f32 v26, $0.0e+00;
	v19 =	vand.u32 $0x7FFFFFFF, v28;
	v15 =	vsel vm0, $0x1, v13  }
0x688: {  	v20 =	vand.u32 $0x7FFFFFFF, v32;
	v22 =	vtrunc.f32 v17;
	v0 =	vadd.s32 v0, v15  }
0x689: {  	v14 =	vand.u32 $0x7FFFFFFF, v26;
	v15 =	vand.u32 $0x7FFFFFFF, v25;
	vm0 =	vlt.s32 v0, $0x40  }
0x68a: {  	v14 =	vmul.f32 $9.846153850e-01, v14;
	v15 =	vmul.f32 $9.846153850e-01, v15;
	v0 =	vnsel vm0, $0x40, v0  }
0x68b: {  	vm0 =	vgt.f32 v16, $0.0e+00;
	v18 =	vadd.s32 $0x41, v0;
	v0 =	vsub.s32 $0x40, v0  }
0x68c: {  	v14 =	vadd.f32 $-1.538461540e-02, v14;
	v15 =	vadd.f32 $-1.538461540e-02, v15;
	v0 =	vsel vm0, v18, v0  }
0x68d: {  	vm4 =	vlt.f32 v17, v22;
	v18 =	vmul.f32 $9.846153850e-01, v19;
	v19 =	vmul.f32 $9.846153850e-01, v20  }
0x68e: {  	vm4 =	vmneg vm4;
	v20 =	vtrunc.f32 v14;
	v21 =	vtrunc.f32 v15  }
0x68f: {  	vm2 =	vlt.f32 v14, v20;
	v18 =	vadd.f32 $-1.538461540e-02, v18;
	v19 =	vadd.f32 $-1.538461540e-02, v19  }
0x690: {  	vm3 =	vlt.f32 v15, v21;
	vm2 =	vmneg vm2;
	v15 =	vcvt.f32.s32 v20  }
0x691: {  	v17 =	vcvt.f32.s32 v21;
	v21 =	vsel vm4, $0x1, v13;
	v23 =	vtrunc.f32 v18;
	v14 =	vld.idx.msk [tilespmem:v0+s5+$0x0], $0xffff  }
0x692: {  	vm3 =	vmneg vm3;
	v24 =	vtrunc.f32 v19;
	vm5 =	vlt.f32 v18, v23  }
0x693: {  	vm6 =	vlt.f32 v19, v24;
	v18 =	vsel vm2, $0x1, v13;
	v19 =	vcvt.f32.s32 v22  }
0x694: {  	v20 =	vcvt.f32.s32 v23;
	v23 =	vcvt.f32.s32 v24;
	vm5 =	vmneg vm5  }
0x695: {  	vm6 =	vmneg vm6;
	v15 =	vadd.s32 v15, v18;
	v18 =	vsel vm5, $0x1, v13  }
0x696: {  	v18 =	vadd.s32 v20, v18;
	vm2 =	vge.f32 v14, v16;
	v14 =	vsel vm3, $0x1, v13  }
0x697: {  	vm15 =	vlt.s32 v18, $0x40;
	v22 =	vsel vm2, $0xFFFFFFFF, v13;
	v14 =	vadd.s32 v17, v14  }
0x698: {  	v17 =	vadd.s32 v19, v21;
	vm2 =	vlt.s32 v15, $0x40;
	v0 =	vadd.s32 v22, v0  }
0x699: {  	s20 =	simm.s32 $0xB0;
	s21 =	simm.s32 $0x2C0;
	s22 =	simm.s32 $0x60;
	v22 =	vsel vm6, $0x1, v13;
	vm3 =	vlt.s32 v14, $0x40;
	v15 =	vnsel vm2, $0x40, v15  }
0x69a: {  	s2 =	sand.u32 $0x70, s20;
	s6 =	simm.s32 $0x180;
	s3 =	sand.u32 $0x7E00, s21;
	vm2 =	vlt.s32 v17, $0x40;
	v20 =	vadd.s32 v23, v22;
	v19 =	vadd.s32 $0x41, v15  }
0x69b: {  	s23 =	sand.u32 $0x60, s22;
	s24 =	sand.u32 $0x3E00, s6;
	s11 =	sor.u32 s3, s2;
	v15 =	vsub.s32 $0x40, v15;
	v14 =	vnsel vm3, $0x40, v14;
	vm8 =	vlt.s32 v20, $0x40  }
0x69c: {  	s25 =	simm.s32 $0x80;
	s28 =	simm.s32 $0x90;
	s2 =	sor.u32 s23, s24;
	v21 =	vld [tilespmem:s11+$0x4500];
	v19 =	vsel vm1, v19, v15;
	v15 =	vnsel vm2, $0x40, v17;
	v17 =	vnsel vm15, $0x40, v18  }
0x69d: {  	s31 =	simm.s32 $0x240;
	s4 =	sand.u32 $0x60, s25;
	s7 =	simm.s32 $0x200;
	v22 =	vsub.s32 $0x40, v14;
	v24 =	vadd.s32 $0x41, v15;
	v29 =	vsub.s32 $0x40, v15;
	v15 =	vld [tilespmem:s2+$0x4500]  }
0x69e: {  	s8 =	sand.u32 $0x70, s28;
	s10 =	sand.u32 $0x7E00, s31;
	s7 =	sand.u32 $0x7E00, s7;
	vm1 =	vgt.f32 v27, $0.0e+00;
	v18 =	vnsel vm8, $0x40, v20;
	v20 =	vadd.s32 $0x41, v14;
	v14 =	vld [tilespmem:s2+$0x4510]  }
0x69f: {  	s6 =	sor.u32 s7, s4;
	s4 =	sor.u32 s10, s8;
	vm2 =	vgt.f32 v28, $0.0e+00;
	v30 =	vadd.s32 $0x41, v17;
	v17 =	vsub.s32 $0x40, v17;
	v23 =	vld.idx.msk [tilespmem:v0+s15+$0x0], $0xffff  }
0x6a0: {  	v31 =	vsel vm1, v24, v29;
	v29 =	vsel vm2, v30, v17;
	v17 =	vld [tilespmem:s4+$0x4500]  }
0x6a1: {  	v0 =	vld.idx.msk [tilespmem:v0+s18+$0x0], $0xffff  }
0x6a2: {  	vm0 =	vgt.f32 v25, $0.0e+00;
	vm3 =	vgt.f32 v32, $0.0e+00;
	v34 =	vld.idx.msk [tilespmem:v19+s5+$0x0], $0xffff  }
0x6a3: {  	s30 =	simm.s32 $0xA0;
	s9 =	simm.s32 $0x280;
	v33 =	vadd.s32 $0x41, v18;
	v18 =	vsub.s32 $0x40, v18;
	v22 =	vsel vm0, v20, v22  }
0x6a4: {  	s9 =	sand.u32 $0x7E00, s9;
	s3 =	sand.u32 $0x60, s30;
	v30 =	vsel vm3, v33, v18;
	v20 =	vmul.f32 v23, v16;
	v16 =	vld [tilespmem:s6+$0x4500];
	v23 =	vand.u32 $0x7FFFFFFF, v21  }
0x6a5: {  	s7 =	sor.u32 s9, s3;
	vm2 =	vgt.f32 v15, $0.0e+00;
	v60 =	vand.u32 $0x7FFFFFFF, v17;
	v23 =	vmul.f32 $9.846153850e-01, v23  }
0x6a6: {  	v18 =	vld [tilespmem:s7+$0x4500];
	v36 =	vadd.f32 v0, v20;
	v0 =	vand.u32 $0x7FFFFFFF, v15;
	v20 =	vand.u32 $0x7FFFFFFF, v14  }
0x6a7: {  	vm0 =	vge.f32 v34, v26;
	v34 =	vmul.f32 $9.846153850e-01, v60;
	v23 =	vadd.f32 $-1.538461540e-02, v23  }
0x6a8: {  	vm1 =	vgt.f32 v14, $0.0e+00;
	v0 =	vmul.f32 $9.846153850e-01, v0;
	v20 =	vmul.f32 $9.846153850e-01, v20  }
0x6a9: {  	v34 =	vadd.f32 $-1.538461540e-02, v34;
	v24 =	vand.u32 $0x7FFFFFFF, v16;
	v59 =	vtrunc.f32 v23  }
0x6aa: {  	v0 =	vadd.f32 $-1.538461540e-02, v0;
	v20 =	vadd.f32 $-1.538461540e-02, v20;
	v24 =	vmul.f32 $9.846153850e-01, v24  }
0x6ab: {  	vm3 =	vlt.f32 v23, v59;
	v23 =	vand.u32 $0x7FFFFFFF, v18;
	v33 =	vcvt.f32.s32 v59  }
0x6ac: {  	v62 =	vtrunc.f32 v34;
	vm3 =	vmneg vm3;
	v23 =	vmul.f32 $9.846153850e-01, v23  }
0x6ad: {  	v61 =	vtrunc.f32 v0;
	v38 =	vtrunc.f32 v20;
	vm11 =	vlt.f32 v34, v62  }
0x6ae: {  	v44 =	vcvt.f32.s32 v62;
	v35 =	vsel vm3, $0x1, v13;
	v24 =	vadd.f32 $-1.538461540e-02, v24  }
0x6af: {  	vm9 =	vlt.f32 v20, v38;
	vm6 =	vmneg vm11;
	v20 =	vcvt.f32.s32 v38  }
0x6b0: {  	v33 =	vadd.s32 v33, v35;
	v23 =	vadd.f32 $-1.538461540e-02, v23;
	vm4 =	vmneg vm9  }
0x6b1: {  	vm9 =	vgt.f32 v18, $0.0e+00;
	vm3 =	vlt.s32 v33, $0x40;
	v39 =	vtrunc.f32 v24  }
0x6b2: {  	v45 =	vsel vm4, $0x1, v13;
	v33 =	vnsel vm3, $0x40, v33;
	vm3 =	vgt.f32 v21, $0.0e+00  }
0x6b3: {  	v40 =	vtrunc.f32 v23;
	vm10 =	vlt.f32 v24, v39;
	v63 =	vcvt.f32.s32 v39  }
0x6b4: {  	v20 =	vadd.s32 v20, v45;
	v37 =	vadd.s32 $0x41, v33;
	v33 =	vsub.s32 $0x40, v33  }
0x6b5: {  	vm7 =	vlt.f32 v23, v40;
	vm5 =	vmneg vm10;
	v47 =	vcvt.f32.s32 v40  }
0x6b6: {  	v50 =	vld.idx.msk [tilespmem:v22+s5+$0x0], $0xffff;
	vm12 =	vlt.s32 v20, $0x40;
	v33 =	vsel vm3, v37, v33;
	vm3 =	vlt.f32 v0, v61  }
0x6b7: {  	s12 =	simm.s32 $0x440;
	s10 =	simm.s32 $0x110;
	v0 =	vcvt.f32.s32 v61;
	vm7 =	vmneg vm7;
	v46 =	vsel vm5, $0x1, v13  }
0x6b8: {  	s8 =	sand.u32 $0x7E00, s12;
	s3 =	sand.u32 $0x70, s10;
	v20 =	vnsel vm12, $0x40, v20;
	vm3 =	vmneg vm3;
	v48 =	vsel vm7, $0x1, v13  }
0x6b9: {  	s23 =	sor.u32 s8, s3;
	v34 =	vadd.s32 v63, v46;
	v51 =	vadd.s32 $0x41, v20;
	v20 =	vsub.s32 $0x40, v20  }
0x6ba: {  	v40 =	vld [tilespmem:s23+$0x4500];
	v23 =	vsel vm3, $0x1, v13;
	v49 =	vadd.s32 v47, v48;
	vm14 =	vlt.s32 v34, $0x40  }
0x6bb: {  	v41 =	vsel vm1, v51, v20;
	vm1 =	vge.f32 v50, v25;
	v0 =	vadd.s32 v0, v23  }
0x6bc: {  	v23 =	vsel vm6, $0x1, v13;
	vm8 =	vlt.s32 v49, $0x40;
	v34 =	vnsel vm14, $0x40, v34  }
0x6bd: {  	s16 =	simm.s32 $0xC0;
	s22 =	simm.s32 $0xF0;
	v23 =	vadd.s32 v44, v23;
	vm3 =	vlt.s32 v0, $0x40;
	v35 =	vnsel vm8, $0x40, v49;
	v44 =	vld.idx.msk [tilespmem:v29+s5+$0x0], $0xffff  }
0x6be: {  	s17 =	simm.s32 $0x300;
	s19 =	simm.s32 $0xE0;
	s12 =	simm.s32 $0x380;
	v52 =	vadd.s32 $0x41, v34;
	v34 =	vsub.s32 $0x40, v34;
	v24 =	vld.idx.msk [tilespmem:v33+s5+$0x0], $0xffff;
	vm15 =	vlt.s32 v23, $0x40  }
0x6bf: {  	s20 =	sand.u32 $0x60, s16;
	s21 =	sand.u32 $0x3E00, s17;
	s24 =	simm.s32 $0x3C0;
	v58 =	vand.u32 $0x7FFFFFFF, v40;
	v0 =	vnsel vm3, $0x40, v0;
	v23 =	vnsel vm15, $0x40, v23  }
0x6c0: {  	s12 =	sand.u32 $0x7E00, s12;
	s8 =	sor.u32 s20, s21;
	s3 =	sand.u32 $0x60, s19;
	vm3 =	vgt.f32 v17, $0.0e+00;
	v53 =	vadd.s32 $0x41, v23;
	v23 =	vsub.s32 $0x40, v23  }
0x6c1: {  	s10 =	sand.u32 $0x70, s22;
	s9 =	sand.u32 $0x7E00, s24;
	s12 =	sor.u32 s12, s3;
	v20 =	vld [tilespmem:s8+$0x4500];
	v45 =	vadd.s32 $0x41, v35;
	v39 =	vsel vm3, v53, v23;
	v23 =	vsel vm1, $0xFFFFFFFF, v13  }
0x6c2: {  	s9 =	sor.u32 s9, s10;
	v35 =	vsub.s32 $0x40, v35;
	vm3 =	vge.f32 v44, v28;
	v44 =	vadd.s32 v23, v22;
	v23 =	vld [tilespmem:s12+$0x4500]  }
0x6c3: {  	v38 =	vsel vm9, v45, v35;
	v22 =	vld [tilespmem:s9+$0x4500];
	vm13 =	vge.f32 v24, v21;
	v56 =	vsel vm3, $0xFFFFFFFF, v13  }
0x6c4: {  	v42 =	vld.idx.msk [tilespmem:v31+s5+$0x0], $0xffff;
	v24 =	vsel vm13, $0xFFFFFFFF, v13;
	v45 =	vadd.s32 v56, v29;
	v29 =	vmul.f32 $9.846153850e-01, v58  }
0x6c5: {  	v33 =	vadd.s32 v24, v33;
	v24 =	vadd.s32 $0x41, v0;
	v0 =	vsub.s32 $0x40, v0  }
0x6c6: {  	v24 =	vsel vm2, v24, v0;
	v0 =	vld.idx.msk [tilespmem:v30+s5+$0x0], $0xffff;
	vm2 =	vgt.f32 v16, $0.0e+00;
	v29 =	vadd.f32 $-1.538461540e-02, v29  }
0x6c7: {  	vm1 =	vgt.f32 v20, $0.0e+00;
	v43 =	vsel vm2, v52, v34;
	v60 =	vand.u32 $0x7FFFFFFF, v23  }
0x6c8: {  	v61 =	vand.u32 $0x7FFFFFFF, v22;
	v62 =	vtrunc.f32 v29;
	v34 =	vmul.f32 $9.846153850e-01, v60  }
0x6c9: {  	vm2 =	vge.f32 v42, v27;
	v35 =	vmul.f32 $9.846153850e-01, v61;
	vm3 =	vlt.f32 v29, v62  }
0x6ca: {  	v55 =	vsel vm2, $0xFFFFFFFF, v13;
	vm3 =	vmneg vm3;
	v34 =	vadd.f32 $-1.538461540e-02, v34  }
0x6cb: {  	v46 =	vld.idx.msk [tilespmem:v33+s15+$0x0], $0xffff;
	v35 =	vadd.f32 $-1.538461540e-02, v35;
	vm10 =	vge.f32 v0, v32;
	v0 =	vsel vm0, $0xFFFFFFFF, v13  }
0x6cc: {  	v31 =	vadd.s32 v55, v31;
	v33 =	vld.idx.msk [tilespmem:v33+s18+$0x0], $0xffff;
	v47 =	vsel vm3, $0x1, v13;
	v0 =	vadd.s32 v0, v19  }
0x6cd: {  	v54 =	vld.idx.msk [tilespmem:v24+s5+$0x0], $0xffff;
	v57 =	vsel vm10, $0xFFFFFFFF, v13;
	v49 =	vtrunc.f32 v34;
	v51 =	vtrunc.f32 v35  }
0x6ce: {  	v19 =	vld [tilespmem:s8+$0x4510];
	v37 =	vadd.s32 v57, v30;
	v30 =	vand.u32 $0x7FFFFFFF, v20;
	vm12 =	vlt.f32 v34, v49  }
0x6cf: {  	vm13 =	vlt.f32 v35, v51;
	v56 =	vcvt.f32.s32 v49;
	v57 =	vcvt.f32.s32 v51  }
0x6d0: {  	v30 =	vmul.f32 $9.846153850e-01, v30;
	vm5 =	vmneg vm12;
	vm6 =	vmneg vm13  }
0x6d1: {  	s25 =	simm.s32 $0x100;
	s16 =	simm.s32 $0x400;
	vm12 =	vgt.f32 v22, $0.0e+00;
	v21 =	vmul.f32 v46, v21;
	v46 =	vcvt.f32.s32 v62  }
0x6d2: {  	s28 =	sand.u32 $0x7E00, s16;
	s3 =	sand.u32 $0x60, s25;
	v61 =	vsel vm6, $0x1, v13;
	vm0 =	vge.f32 v54, v15;
	v30 =	vadd.f32 $-1.538461540e-02, v30  }
0x6d3: {  	s17 =	sor.u32 s28, s3;
	v42 =	vadd.f32 v33, v21;
	v59 =	vand.u32 $0x7FFFFFFF, v19;
	v46 =	vadd.s32 v46, v47  }
0x6d4: {  	v21 =	vld [tilespmem:s17+$0x4500];
	vm2 =	vgt.f32 v19, $0.0e+00;
	v33 =	vmul.f32 $9.846153850e-01, v59;
	vm3 =	vlt.s32 v46, $0x40  }
0x6d5: {  	v51 =	vld.idx.msk [tilespmem:v0+s15+$0x0], $0xffff;
	v63 =	vtrunc.f32 v30;
	v59 =	vsel vm5, $0x1, v13;
	v46 =	vnsel vm3, $0x40, v46  }
0x6d6: {  	vm3 =	vgt.f32 v40, $0.0e+00;
	v34 =	vadd.s32 v56, v59;
	v33 =	vadd.f32 $-1.538461540e-02, v33  }
0x6d7: {  	v50 =	vadd.s32 $0x41, v46;
	v46 =	vsub.s32 $0x40, v46;
	vm9 =	vlt.s32 v34, $0x40  }
0x6d8: {  	v0 =	vld.idx.msk [tilespmem:v0+s18+$0x0], $0xffff;
	v46 =	vsel vm3, v50, v46;
	vm3 =	vlt.f32 v30, v63;
	v34 =	vnsel vm9, $0x40, v34  }
0x6d9: {  	v29 =	vand.u32 $0x7FFFFFFF, v21;
	v48 =	vtrunc.f32 v33;
	vm3 =	vmneg vm3  }
0x6da: {  	vm13 =	vgt.f32 v21, $0.0e+00;
	v51 =	vmul.f32 v51, v26;
	v29 =	vmul.f32 $9.846153850e-01, v29  }
0x6db: {  	vm11 =	vlt.f32 v33, v48;
	v30 =	vcvt.f32.s32 v48;
	v55 =	vsel vm3, $0x1, v13  }
0x6dc: {  	v35 =	vld.idx.msk [tilespmem:v41+s5+$0x0], $0xffff;
	v33 =	vadd.s32 v57, v61;
	vm4 =	vmneg vm11;
	v29 =	vadd.f32 $-1.538461540e-02, v29  }
0x6dd: {  	v47 =	vld.idx.msk [tilespmem:v38+s5+$0x0], $0xffff;
	vm10 =	vlt.s32 v33, $0x40;
	v0 =	vadd.f32 v0, v51;
	v58 =	vsel vm4, $0x1, v13  }
0x6de: {  	s30 =	simm.s32 $0x170;
	s24 =	simm.s32 $0x120;
	s21 =	simm.s32 $0x5C0;
	v33 =	vnsel vm10, $0x40, v33;
	v50 =	vld.idx.msk [tilespmem:v46+s5+$0x0], $0xffff;
	v30 =	vadd.s32 v30, v58;
	v52 =	vtrunc.f32 v29  }
0x6df: {  	s20 =	simm.s32 $0x480;
	s22 =	sand.u32 $0x7E00, s21;
	s3 =	sand.u32 $0x70, s30;
	v57 =	vld.idx.msk [tilespmem:v37+s15+$0x0], $0xffff;
	v58 =	vadd.s32 $0x41, v34;
	vm14 =	vlt.f32 v29, v52;
	v29 =	vcvt.f32.s32 v63  }
0x6e0: {  	s20 =	sand.u32 $0x3E00, s20;
	s10 =	sor.u32 s22, s3;
	s22 =	sand.u32 $0x60, s24;
	v56 =	vld.idx.msk [tilespmem:v45+s15+$0x0], $0xffff;
	v34 =	vsub.s32 $0x40, v34;
	v59 =	vadd.s32 $0x41, v33;
	v33 =	vsub.s32 $0x40, v33  }
0x6e1: {  	s20 =	sor.u32 s22, s20;
	v45 =	vld.idx.msk [tilespmem:v45+s18+$0x0], $0xffff;
	vm15 =	vlt.s32 v30, $0x40;
	v60 =	vcvt.f32.s32 v52;
	v29 =	vadd.s32 v29, v55  }
0x6e2: {  	v26 =	vld [tilespmem:s20+$0x4510];
	v30 =	vnsel vm15, $0x40, v30;
	vm7 =	vmneg vm14;
	vm3 =	vlt.s32 v29, $0x40  }
0x6e3: {  	v48 =	vld.idx.msk [tilespmem:v39+s5+$0x0], $0xffff;
	v53 =	vsel vm7, $0x1, v13;
	v29 =	vnsel vm3, $0x40, v29;
	vm3 =	vge.f32 v50, v40  }
0x6e4: {  	v61 =	vld.idx.msk [tilespmem:v31+s18+$0x0], $0xffff;
	v32 =	vmul.f32 v57, v32;
	v62 =	vadd.s32 v60, v53;
	v54 =	vsel vm3, $0xFFFFFFFF, v13  }
0x6e5: {  	v52 =	vld.idx.msk [tilespmem:v43+s5+$0x0], $0xffff;
	vm14 =	vge.f32 v47, v18;
	vm11 =	vlt.s32 v62, $0x40;
	v46 =	vadd.s32 v54, v46  }
0x6e6: {  	v53 =	vld.idx.msk [tilespmem:v44+s15+$0x0], $0xffff;
	v55 =	vadd.s32 $0x41, v29;
	v49 =	vnsel vm11, $0x40, v62;
	v29 =	vsub.s32 $0x40, v29  }
0x6e7: {  	v44 =	vld.idx.msk [tilespmem:v44+s18+$0x0], $0xffff;
	vm3 =	vgt.f32 v23, $0.0e+00;
	v62 =	vsel vm14, $0xFFFFFFFF, v13;
	v54 =	vadd.s32 $0x41, v30  }
0x6e8: {  	s31 =	simm.s32 $0x140;
	v50 =	vld.idx.msk [tilespmem:v31+s15+$0x0], $0xffff;
	v30 =	vsub.s32 $0x40, v30;
	v29 =	vsel vm1, v55, v29;
	v31 =	vsel vm3, v58, v34  }
0x6e9: {  	s16 =	sand.u32 $0x60, s31;
	vm1 =	vge.f32 v35, v14;
	vm3 =	vge.f32 v48, v17;
	v58 =	vsel vm0, $0xFFFFFFFF, v13;
	v35 =	vld [tilespmem:s10+$0x4500]  }
0x6ea: {  	s19 =	simm.s32 $0x150;
	s25 =	simm.s32 $0x500;
	s28 =	simm.s32 $0x540;
	v60 =	vadd.s32 $0x41, v49;
	v47 =	vadd.s32 v58, v24;
	v24 =	vsel vm3, $0xFFFFFFFF, v13;
	v63 =	vld.idx.msk [tilespmem:v46+s15+$0x0], $0xffff  }
0x6eb: {  	s19 =	sand.u32 $0x70, s19;
	s25 =	sand.u32 $0x7E00, s25;
	s31 =	sand.u32 $0x7E00, s28;
	v49 =	vsub.s32 $0x40, v49;
	v34 =	vsel vm12, v59, v33;
	v58 =	vadd.s32 v24, v39;
	v24 =	vld [tilespmem:s20+$0x4500]  }
0x6ec: {  	s22 =	sor.u32 s25, s16;
	s25 =	sor.u32 s31, s19;
	v30 =	vsel vm2, v54, v30;
	v33 =	vsel vm13, v60, v49;
	vm2 =	vge.f32 v52, v16;
	v46 =	vld.idx.msk [tilespmem:v46+s18+$0x0], $0xffff  }
0x6ed: {  	v59 =	vsel vm1, $0xFFFFFFFF, v13;
	v60 =	vsel vm2, $0xFFFFFFFF, v13;
	v54 =	vmul.f32 v53, v25;
	v25 =	vld [tilespmem:s25+$0x4500]  }
0x6ee: {  	s30 =	simm.s32 $0x580;
	s3 =	simm.s32 $0x160;
	v48 =	vadd.s32 v59, v41;
	v49 =	vadd.s32 v60, v43;
	v60 =	vmul.f32 v50, v27;
	v27 =	vld [tilespmem:s22+$0x4500]  }
0x6ef: {  	s3 =	sand.u32 $0x60, s3;
	s16 =	sand.u32 $0x7E00, s30;
	v59 =	vadd.s32 v62, v38;
	v62 =	vmul.f32 v56, v28;
	v63 =	vmul.f32 v63, v40  }
0x6f0: {  	s3 =	sor.u32 s16, s3;
	vm2 =	vgt.f32 v26, $0.0e+00;
	v51 =	vadd.f32 v44, v54;
	v55 =	vld.idx.msk [tilespmem:v29+s5+$0x0], $0xffff;
	v53 =	vadd.f32 v61, v60  }
0x6f1: {  	v28 =	vld [tilespmem:s3+$0x4500];
	v60 =	vadd.f32 v45, v62;
	v46 =	vadd.f32 v46, v63;
	v63 =	vand.u32 $0x7FFFFFFF, v35  }
0x6f2: {  	v54 =	vand.u32 $0x7FFFFFFF, v24;
	vm1 =	vgt.f32 v24, $0.0e+00;
	v50 =	vmul.f32 $9.846153850e-01, v63  }
0x6f3: {  	v57 =	vand.u32 $0x7FFFFFFF, v25;
	v39 =	vmul.f32 $9.846153850e-01, v54;
	v56 =	vand.u32 $0x7FFFFFFF, v27  }
0x6f4: {  	v43 =	vmul.f32 $9.846153850e-01, v57;
	v41 =	vmul.f32 $9.846153850e-01, v56;
	v38 =	vadd.f32 $-1.538461540e-02, v50  }
0x6f5: {  	vm0 =	vge.f32 v55, v20;
	v55 =	vand.u32 $0x7FFFFFFF, v26;
	v39 =	vadd.f32 $-1.538461540e-02, v39  }
0x6f6: {  	v62 =	vand.u32 $0x7FFFFFFF, v28;
	v40 =	vmul.f32 $9.846153850e-01, v55;
	v61 =	vtrunc.f32 v38  }
0x6f7: {  	v41 =	vadd.f32 $-1.538461540e-02, v41;
	v52 =	vtrunc.f32 v39;
	vm3 =	vlt.f32 v38, v61  }
0x6f8: {  	v63 =	vmul.f32 $9.846153850e-01, v62;
	v44 =	vcvt.f32.s32 v61;
	vm3 =	vmneg vm3  }
0x6f9: {  	v40 =	vadd.f32 $-1.538461540e-02, v40;
	v55 =	vtrunc.f32 v41;
	v56 =	vsel vm3, $0x1, v13  }
0x6fa: {  	vm9 =	vlt.f32 v41, v55;
	v50 =	vadd.f32 $-1.538461540e-02, v43;
	v57 =	vadd.s32 v44, v56  }
0x6fb: {  	v54 =	vtrunc.f32 v40;
	vm5 =	vmneg vm9;
	vm3 =	vlt.s32 v57, $0x40  }
0x6fc: {  	vm15 =	vlt.f32 v40, v54;
	v40 =	vcvt.f32.s32 v54;
	v43 =	vnsel vm3, $0x40, v57  }
0x6fd: {  	v37 =	vld.idx.msk [tilespmem:v37+s18+$0x0], $0xffff;
	vm3 =	vgt.f32 v35, $0.0e+00;
	v61 =	vadd.s32 $0x41, v43;
	v43 =	vsub.s32 $0x40, v43  }
0x6fe: {  	v45 =	vld.idx.msk [tilespmem:v34+s5+$0x0], $0xffff;
	v38 =	vadd.f32 $-1.538461540e-02, v63;
	v56 =	vtrunc.f32 v50;
	v61 =	vsel vm3, v61, v43  }
0x6ff: {  	[tilespmem:s11+$0xC500] =	vst v42;
	v42 =	vld.idx.msk [tilespmem:v59+s15+$0x0], $0xffff;
	v62 =	vsel vm5, $0x1, v13;
	vm4 =	vmneg vm15;
	vm10 =	vlt.f32 v50, v56  }
0x700: {  	[tilespmem:s23+$0xC500] =	vst v46;
	v46 =	vld.idx.msk [tilespmem:v47+s18+$0x0], $0xffff;
	v54 =	vcvt.f32.s32 v56;
	v56 =	vsel vm4, $0x1, v13;
	v57 =	vtrunc.f32 v38  }
0x701: {  	v44 =	vld.idx.msk [tilespmem:v31+s5+$0x0], $0xffff;
	vm6 =	vmneg vm10;
	v56 =	vadd.s32 v40, v56;
	vm11 =	vlt.f32 v38, v57  }
0x702: {  	v50 =	vld.idx.msk [tilespmem:v33+s5+$0x0], $0xffff;
	v38 =	vcvt.f32.s32 v52;
	vm3 =	vlt.f32 v39, v52;
	v52 =	vcvt.f32.s32 v55  }
0x703: {  	vm12 =	vlt.s32 v56, $0x40;
	vm7 =	vmneg vm11;
	vm3 =	vmneg vm3;
	v55 =	vld.idx.msk [tilespmem:v61+s5+$0x0], $0xffff  }
0x704: {  	v40 =	vld.idx.msk [tilespmem:v49+s15+$0x0], $0xffff;
	v41 =	vsel vm3, $0x1, v13;
	v52 =	vadd.s32 v52, v62;
	v62 =	vsel vm7, $0x1, v13  }
0x705: {  	v43 =	vld.idx.msk [tilespmem:v30+s5+$0x0], $0xffff;
	v63 =	vadd.s32 v38, v41;
	v41 =	vcvt.f32.s32 v57;
	v57 =	vsel vm6, $0x1, v13  }
0x706: {  	[tilespmem:s13+$0xC500] =	vst v36;
	v39 =	vld.idx.msk [tilespmem:v47+s15+$0x0], $0xffff;
	vm13 =	vlt.s32 v52, $0x40;
	v54 =	vadd.s32 v54, v57;
	vm3 =	vlt.s32 v63, $0x40  }
0x707: {  	[tilespmem:s14+$0xC500] =	vst v0;
	v47 =	vld.idx.msk [tilespmem:v49+s18+$0x0], $0xffff;
	v0 =	vnsel vm13, $0x40, v52;
	v36 =	vadd.s32 v41, v62;
	v57 =	vnsel vm3, $0x40, v63  }
0x708: {  	v49 =	vld.idx.msk [tilespmem:v58+s18+$0x0], $0xffff;
	vm3 =	vlt.s32 v54, $0x40;
	v62 =	vnsel vm12, $0x40, v56;
	vm15 =	vge.f32 v55, v35  }
0x709: {  	[tilespmem:s1+$0xC500] =	vst v60;
	v38 =	vld.idx.msk [tilespmem:v48+s15+$0x0], $0xffff;
	v60 =	vsub.s32 $0x40, v0;
	vm14 =	vlt.s32 v36, $0x40;
	v63 =	vsel vm15, $0xFFFFFFFF, v13  }
0x70a: {  	[tilespmem:s14+$0xC510] =	vst v51;
	v48 =	vld.idx.msk [tilespmem:v48+s18+$0x0], $0xffff;
	v52 =	vadd.s32 $0x41, v57;
	v57 =	vsub.s32 $0x40, v57;
	v51 =	vadd.s32 v63, v61  }
0x70b: {  	v41 =	vld.idx.msk [tilespmem:v58+s15+$0x0], $0xffff;
	v58 =	vsub.s32 $0x40, v62;
	v56 =	vnsel vm14, $0x40, v36;
	v55 =	vnsel vm3, $0x40, v54  }
0x70c: {  	[tilespmem:s26+$0xC500] =	vst v53;
	v36 =	vld.idx.msk [tilespmem:v59+s18+$0x0], $0xffff;
	v59 =	vadd.s32 $0x41, v0;
	v54 =	vadd.s32 $0x41, v62;
	v53 =	vadd.s32 $0x41, v55  }
.LBB2_31:
0x70d: {  	v0 =	vsub.s32 $0x40, v55;
	v55 =	vadd.s32 $0x41, v56;
	v56 =	vsub.s32 $0x40, v56;
	s1 =	smov.u32 s24;
	s24 =	sadd.s32 $0x60, s24  }
0x70e: {  	vm3 =	vgt.f32 v27, $0.0e+00;
	vm4 =	vgt.f32 v25, $0.0e+00;
	vm5 =	vgt.f32 v28, $0.0e+00;
	s11 =	sadd.s32 $0x80, s1;
	s13 =	sadd.s32 $0x90, s1;
	s14 =	sadd.s32 $0xA0, s1  }
0x70f: {  	v52 =	vsel vm1, v52, v57;
	v57 =	vsel vm2, v54, v58;
	s16 =	sand.u32 $0x60, s24;
	v58 =	vsel vm3, v59, v60;
	s11 =	sand.u32 $0x60, s11;
	s19 =	sand.u32 $0x70, s13;
	v59 =	vld.idx.msk [tilespmem:v51+s15+$0x0], $0xffff  }
0x710: {  	s21 =	sadd.s32 $0x180, s21;
	vm1 =	vge.f32 v43, v19;
	s1 =	sadd.s32 $0xB0, s1;
	v0 =	vsel vm4, v53, v0;
	v55 =	vsel vm5, v55, v56;
	s14 =	sand.u32 $0x60, s14  }
0x711: {  	vm2 =	vge.f32 v44, v23;
	s23 =	sand.u32 $0x7E00, s21;
	vm3 =	vge.f32 v45, v22;
	vm4 =	vge.f32 v50, v21;
	s13 =	sadd.s32 $0xFFFFFEC0, s21;
	s1 =	sand.u32 $0x70, s1;
	v43 =	vld.idx.msk [tilespmem:v51+s18+$0x0], $0xffff  }
0x712: {  	v44 =	vsel vm0, $0xFFFFFFFF, v13;
	s26 =	sadd.s32 $0xFFFFFF40, s21;
	s28 =	sadd.s32 $0xFFFFFF80, s21;
	v45 =	vsel vm1, $0xFFFFFFFF, v13;
	v50 =	vsel vm2, $0xFFFFFFFF, v13;
	s23 =	sor.u32 s23, s1  }
0x713: {  	s30 =	sadd.s32 $0xFFFFFFC0, s21;
	v53 =	vadd.s32 v44, v29;
	v29 =	vmovc v52;
	s26 =	sand.u32 $0x7E00, s26;
	v44 =	vsel vm3, $0xFFFFFFFF, v13;
	v60 =	vsel vm4, $0xFFFFFFFF, v13;
	s1 =	sand.u32 $0x3E00, s13;
	v56 =	vld [tilespmem:s23+$0x4500]  }
0x714: {  	v62 =	vadd.s32 v45, v30;
	v54 =	vadd.s32 v50, v31;
	s13 =	sor.u32 s16, s1;
	s1 =	sand.u32 $0x7E00, s28;
	s16 =	sand.u32 $0x7E00, s30;
	v51 =	vadd.s32 v44, v34;
	v61 =	vld.idx.msk [tilespmem:v52+s5+$0x0], $0xffff  }
0x715: {  	v15 =	vmul.f32 v39, v15;
	v30 =	vmovc v57;
	s11 =	sor.u32 s26, s11;
	s1 =	sor.u32 s1, s19;
	s14 =	sor.u32 s16, s14;
	v44 =	vmul.f32 v59, v35;
	v52 =	vadd.s32 v60, v33;
	v45 =	vld [tilespmem:s13+$0x4500]  }
0x716: {  	v14 =	vmul.f32 v38, v14;
	v16 =	vmul.f32 v40, v16;
	v38 =	vadd.f32 v37, v32;
	p0 =	slt.u32 s24, $0xF60;
	v31 =	vmovc v58;
	v39 =	vld [tilespmem:s13+$0x4510]  }
0x717: {  	v17 =	vmul.f32 v41, v17;
	v32 =	vmul.f32 v42, v18;
	v34 =	vmovc v0;
	v40 =	vadd.f32 v43, v44;
	v37 =	vld [tilespmem:s11+$0x4500]  }
0x718: {  	v41 =	vadd.f32 v46, v15;
	v14 =	vadd.f32 v48, v14;
	v33 =	vmovc v55;
	v0 =	vld [tilespmem:s1+$0x4500];
	v18 =	vand.u32 $0x7FFFFFFF, v56;
	[tilespmem:s0+$0xC500] =	vst v38;
	s0 =	smov.u32 s7  }
0x719: {  	v16 =	vadd.f32 v47, v16;
	v17 =	vadd.f32 v49, v17;
	v35 =	vmovc v56;
	v46 =	vld [tilespmem:s14+$0x4500];
	v18 =	vmul.f32 $9.846153850e-01, v18;
	[tilespmem:s10+$0xC500] =	vst v40;
	s10 =	smov.u32 s23  }
0x71a: {  	v15 =	vmovc v20;
	s7 =	smov.u32 s17;
	s17 =	smov.u32 s3;
	s3 =	smov.u32 s14;
	vm0 =	vge.f32 v61, v24;
	v38 =	vand.u32 $0x7FFFFFFF, v45;
	vm1 =	vgt.f32 v45, $0.0e+00;
	v43 =	vld.idx.msk [tilespmem:v57+s5+$0x0], $0xffff;
	[tilespmem:s2+$0xC500] =	vst v41  }
0x71b: {  	v20 =	vmovc v24;
	v24 =	vmovc v45;
	v40 =	vmul.f32 $9.846153850e-01, v38;
	v38 =	vand.u32 $0x7FFFFFFF, v39;
	v18 =	vadd.f32 $-1.538461540e-02, v18;
	v44 =	vld.idx.msk [tilespmem:v58+s5+$0x0], $0xffff  }
0x71c: {  	vm2 =	vgt.f32 v39, $0.0e+00;
	v41 =	vmul.f32 $9.846153850e-01, v38;
	v38 =	vand.u32 $0x7FFFFFFF, v37;
	v45 =	vld.idx.msk [tilespmem:v34+s5+$0x0], $0xffff;
	[tilespmem:s2+$0xC510] =	vst v14;
	v14 =	vmovc v19;
	v19 =	vmovc v26;
	s2 =	smov.u32 s8;
	s8 =	smov.u32 s20;
	s20 =	smov.u32 s13  }
0x71d: {  	v26 =	vmovc v39;
	v42 =	vmul.f32 $9.846153850e-01, v38;
	v38 =	vand.u32 $0x7FFFFFFF, v0;
	v47 =	vtrunc.f32 v18;
	v50 =	vld.idx.msk [tilespmem:v55+s5+$0x0], $0xffff;
	[tilespmem:s6+$0xC500] =	vst v16;
	v16 =	vmovc v23;
	s6 =	smov.u32 s12;
	s12 =	smov.u32 s22;
	s22 =	smov.u32 s11  }
0x71e: {  	v23 =	vmovc v27;
	v48 =	vmul.f32 $9.846153850e-01, v38;
	v38 =	vand.u32 $0x7FFFFFFF, v46;
	vm3 =	vlt.f32 v18, v47;
	v39 =	vld.idx.msk [tilespmem:v53+s15+$0x0], $0xffff;
	[tilespmem:s4+$0xC500] =	vst v17;
	s4 =	smov.u32 s9;
	s9 =	smov.u32 s25;
	s25 =	smov.u32 s1  }
0x71f: {  	v27 =	vmovc v37;
	v58 =	vcvt.f32.s32 v47;
	v17 =	vmovc v22;
	v49 =	vmul.f32 $9.846153850e-01, v38;
	vm3 =	vmneg vm3;
	v38 =	vld.idx.msk [tilespmem:v62+s15+$0x0], $0xffff  }
0x720: {  	v55 =	vadd.f32 $-1.538461540e-02, v40;
	v56 =	vadd.f32 $-1.538461540e-02, v41;
	v22 =	vmovc v25;
	v25 =	vmovc v0;
	v60 =	vsel vm3, $0x1, v13;
	v40 =	vld.idx.msk [tilespmem:v54+s15+$0x0], $0xffff  }
0x721: {  	v0 =	vadd.f32 $-1.538461540e-02, v42;
	v18 =	vmovc v21;
	v21 =	vmovc v28;
	v57 =	vadd.f32 $-1.538461540e-02, v48;
	v47 =	vadd.s32 v58, v60;
	v41 =	vld.idx.msk [tilespmem:v51+s15+$0x0], $0xffff  }
0x722: {  	v37 =	vmovc v36;
	v28 =	vmovc v46;
	v58 =	vtrunc.f32 v55;
	v59 =	vadd.f32 $-1.538461540e-02, v49;
	vm3 =	vlt.s32 v47, $0x40;
	v42 =	vld.idx.msk [tilespmem:v52+s15+$0x0], $0xffff  }
0x723: {  	v60 =	vtrunc.f32 v56;
	v61 =	vtrunc.f32 v0;
	v36 =	vnsel vm3, $0x40, v47;
	v46 =	vld.idx.msk [tilespmem:v53+s18+$0x0], $0xffff  }
0x724: {  	vm3 =	vgt.f32 v35, $0.0e+00;
	v47 =	vadd.s32 $0x41, v36;
	v36 =	vsub.s32 $0x40, v36;
	v48 =	vld.idx.msk [tilespmem:v62+s18+$0x0], $0xffff  }
0x725: {  	v53 =	vtrunc.f32 v57;
	v62 =	vtrunc.f32 v59;
	v63 =	vsel vm3, v47, v36;
	v47 =	vld.idx.msk [tilespmem:v54+s18+$0x0], $0xffff  }
0x726: {  	vm4 =	vlt.f32 v56, v60;
	vm5 =	vlt.f32 v0, v61;
	vm3 =	vlt.f32 v55, v58;
	v49 =	vld.idx.msk [tilespmem:v51+s18+$0x0], $0xffff  }
0x727: {  	vm6 =	vlt.f32 v57, v53;
	vm7 =	vlt.f32 v59, v62;
	vm3 =	vmneg vm3;
	v36 =	vld.idx.msk [tilespmem:v52+s18+$0x0], $0xffff  }
0x728: {  	vm4 =	vmneg vm4;
	vm5 =	vmneg vm5;
	vm6 =	vmneg vm6  }
0x729: {  	v0 =	vcvt.f32.s32 v58;
	v51 =	vcvt.f32.s32 v60;
	vm7 =	vmneg vm7  }
0x72a: {  	v53 =	vcvt.f32.s32 v53;
	v54 =	vcvt.f32.s32 v61;
	v52 =	vsel vm3, $0x1, v13;
	v55 =	vld.idx.msk [tilespmem:v63+s5+$0x0], $0xffff  }
0x72b: {  	v56 =	vsel vm4, $0x1, v13;
	v57 =	vsel vm5, $0x1, v13;
	v58 =	vcvt.f32.s32 v62  }
0x72c: {  	v59 =	vsel vm7, $0x1, v13;
	v0 =	vadd.s32 v0, v52;
	v52 =	vsel vm6, $0x1, v13  }
0x72d: {  	v54 =	vadd.s32 v54, v57;
	v51 =	vadd.s32 v51, v56;
	v52 =	vadd.s32 v53, v52  }
0x72e: {  	vm3 =	vlt.s32 v0, $0x40;
	vm4 =	vlt.s32 v51, $0x40;
	v53 =	vadd.s32 v58, v59  }
0x72f: {  	vm5 =	vlt.s32 v54, $0x40;
	vm6 =	vlt.s32 v52, $0x40;
	vm7 =	vlt.s32 v53, $0x40  }
.Ltmp15:
0x730: {  	v0 =	vnsel vm3, $0x40, v0;
	v58 =	vnsel vm4, $0x40, v51;
	vm3 =	vge.f32 v55, v35;
	(pc) =	sbr.rel @p0 .LBB2_31-.Ltmp15, $4  }
0x731: {  	v60 =	vnsel vm5, $0x40, v54;
	v55 =	vnsel vm6, $0x40, v52;
	v51 =	vsel vm3, $0xFFFFFFFF, v13  }
0x732: {  	v56 =	vnsel vm7, $0x40, v53;
	v52 =	vadd.s32 $0x41, v0;
	v51 =	vadd.s32 v51, v63  }
0x733: {  	v57 =	vsub.s32 $0x40, v0;
	v54 =	vadd.s32 $0x41, v58;
	v58 =	vsub.s32 $0x40, v58  }
0x734: {  	v59 =	vadd.s32 $0x41, v60;
	v60 =	vsub.s32 $0x40, v60;
	v53 =	vadd.s32 $0x41, v55  }
0x735: {  	_ = 	snop  }
0x736: {  	v0 =	vsel vm1, v52, v57  }
0x737: {  	v61 =	vsub.s32 $0x40, v55;
	vm4 =	vgt.f32 v27, $0.0e+00;
	v54 =	vsel vm2, v54, v58  }
0x738: {  	v62 =	vadd.s32 $0x41, v56;
	vm5 =	vgt.f32 v25, $0.0e+00;
	v57 =	vsel vm4, v59, v60  }
0x739: {  	v63 =	vsub.s32 $0x40, v56;
	vm6 =	vgt.f32 v28, $0.0e+00;
	v58 =	vld.idx.msk [tilespmem:v51+s15+$0x0], $0xffff;
	v52 =	vsel vm5, v53, v61  }
0x73a: {  	vm7 =	vge.f32 v43, v19;
	v43 =	vld.idx.msk [tilespmem:v51+s18+$0x0], $0xffff;
	v53 =	vsel vm6, v62, v63;
	v59 =	vsel vm0, $0xFFFFFFFF, v13  }
0x73b: {  	vm8 =	vge.f32 v44, v23;
	v60 =	vsel vm7, $0xFFFFFFFF, v13;
	v29 =	vadd.s32 v59, v29;
	v51 =	vld.idx.msk [tilespmem:v0+s5+$0x0], $0xffff  }
0x73c: {  	vm10 =	vge.f32 v50, v21;
	v61 =	vsel vm8, $0xFFFFFFFF, v13;
	v30 =	vadd.s32 v60, v30;
	v44 =	vld.idx.msk [tilespmem:v54+s5+$0x0], $0xffff  }
0x73d: {  	vm9 =	vge.f32 v45, v22;
	v63 =	vsel vm10, $0xFFFFFFFF, v13;
	v31 =	vadd.s32 v61, v31;
	v45 =	vld.idx.msk [tilespmem:v57+s5+$0x0], $0xffff  }
0x73e: {  	v33 =	vadd.s32 v63, v33;
	v50 =	vld.idx.msk [tilespmem:v52+s5+$0x0], $0xffff  }
0x73f: {  	v55 =	vld.idx.msk [tilespmem:v53+s5+$0x0], $0xffff  }
0x740: {  	v56 =	vld.idx.msk [tilespmem:v29+s15+$0x0], $0xffff  }
0x741: {  	v59 =	vld.idx.msk [tilespmem:v30+s15+$0x0], $0xffff  }
0x742: {  	v62 =	vsel vm9, $0xFFFFFFFF, v13;
	v60 =	vld.idx.msk [tilespmem:v31+s15+$0x0], $0xffff  }
0x743: {  	v15 =	vmul.f32 v39, v15;
	v34 =	vadd.s32 v62, v34;
	v39 =	vld.idx.msk [tilespmem:v33+s15+$0x0], $0xffff;
	vm11 =	vge.f32 v51, v24  }
0x744: {  	v35 =	vmul.f32 v58, v35;
	v29 =	vld.idx.msk [tilespmem:v29+s18+$0x0], $0xffff;
	vm12 =	vge.f32 v44, v26;
	v58 =	vsel vm11, $0xFFFFFFFF, v13  }
0x745: {  	v14 =	vmul.f32 v38, v14;
	v30 =	vld.idx.msk [tilespmem:v30+s18+$0x0], $0xffff;
	v61 =	vsel vm12, $0xFFFFFFFF, v13;
	v0 =	vadd.s32 v58, v0  }
0x746: {  	v16 =	vmul.f32 v40, v16;
	v31 =	vld.idx.msk [tilespmem:v31+s18+$0x0], $0xffff;
	vm13 =	vge.f32 v45, v27;
	v45 =	vadd.s32 v61, v54  }
0x747: {  	v32 =	vadd.f32 v37, v32;
	v17 =	vmul.f32 v41, v17;
	v18 =	vmul.f32 v42, v18;
	v33 =	vld.idx.msk [tilespmem:v33+s18+$0x0], $0xffff  }
0x748: {  	v15 =	vadd.f32 v46, v15;
	v51 =	vld.idx.msk [tilespmem:v34+s15+$0x0], $0xffff;
	vm14 =	vge.f32 v50, v25;
	v62 =	vsel vm13, $0xFFFFFFFF, v13  }
0x749: {  	v34 =	vld.idx.msk [tilespmem:v34+s18+$0x0], $0xffff;
	vm15 =	vge.f32 v55, v28;
	v50 =	vsel vm14, $0xFFFFFFFF, v13;
	v44 =	vadd.s32 v62, v57  }
0x74a: {  	[tilespmem:s0+$0xC500] =	vst v32;
	v14 =	vadd.f32 v48, v14;
	v63 =	vsel vm15, $0xFFFFFFFF, v13;
	v50 =	vadd.s32 v50, v52;
	v46 =	vld.idx.msk [tilespmem:v0+s15+$0x0], $0xffff  }
0x74b: {  	v16 =	vadd.f32 v47, v16;
	[tilespmem:s2+$0xC500] =	vst v15;
	v37 =	vadd.s32 v63, v53;
	v52 =	vld.idx.msk [tilespmem:v45+s15+$0x0], $0xffff  }
0x74c: {  	v17 =	vadd.f32 v49, v17;
	[tilespmem:s2+$0xC510] =	vst v14;
	v0 =	vld.idx.msk [tilespmem:v0+s18+$0x0], $0xffff  }
0x74d: {  	v18 =	vadd.f32 v36, v18;
	[tilespmem:s6+$0xC500] =	vst v16;
	v14 =	vmul.f32 v56, v20;
	v58 =	vld.idx.msk [tilespmem:v45+s18+$0x0], $0xffff  }
0x74e: {  	[tilespmem:s4+$0xC500] =	vst v17;
	v35 =	vadd.f32 v43, v35;
	v54 =	vmul.f32 v59, v19;
	v15 =	vld.idx.msk [tilespmem:v44+s15+$0x0], $0xffff  }
0x74f: {  	[tilespmem:s7+$0xC500] =	vst v18;
	v56 =	vmul.f32 v60, v23;
	v14 =	vadd.f32 v29, v14;
	v53 =	vld.idx.msk [tilespmem:v50+s15+$0x0], $0xffff  }
0x750: {  	[tilespmem:s10+$0xC500] =	vst v35;
	v59 =	vmul.f32 v39, v21;
	v16 =	vadd.f32 v30, v54;
	v55 =	vld.idx.msk [tilespmem:v37+s15+$0x0], $0xffff  }
0x751: {  	v17 =	vadd.f32 v31, v56;
	v57 =	vmul.f32 v51, v22;
	[tilespmem:s8+$0xC500] =	vst v14;
	v14 =	vld.idx.msk [tilespmem:v44+s18+$0x0], $0xffff  }
0x752: {  	v21 =	vadd.f32 v33, v59;
	[tilespmem:s8+$0xC510] =	vst v16;
	v60 =	vld.idx.msk [tilespmem:v50+s18+$0x0], $0xffff;
	v61 =	vmul.f32 v46, v24  }
0x753: {  	[tilespmem:s12+$0xC500] =	vst v17;
	v22 =	vadd.f32 v34, v57;
	v62 =	vld.idx.msk [tilespmem:v37+s18+$0x0], $0xffff;
	v63 =	vmul.f32 v52, v26  }
0x754: {  	[tilespmem:s17+$0xC500] =	vst v21;
	v15 =	vmul.f32 v15, v27;
	v0 =	vadd.f32 v0, v61  }
0x755: {  	[tilespmem:s9+$0xC500] =	vst v22;
	v20 =	vmul.f32 v53, v25;
	v18 =	vadd.f32 v58, v63  }
0x756: {  	v19 =	vmul.f32 v55, v28;
	v14 =	vadd.f32 v14, v15;
	[tilespmem:s20+$0xC500] =	vst v0  }
0x757: {  	v0 =	vadd.f32 v60, v20;
	[tilespmem:s20+$0xC510] =	vst v18  }
0x758: {  	[tilespmem:s22+$0xC500] =	vst v14;
	v14 =	vadd.f32 v62, v19  }
0x759: {  	s0 =	simm.s32 $0x4540;
	[tilespmem:s25+$0xC500] =	vst v0  }
0x75a: {  	s2 =	simm.s32 $0xC540;
	s4 =	simm.s32 $0xFB0;
	s6 =	simm.s32 $0x3F00;
	[tilespmem:s3+$0xC500] =	vst v14  }
.LBB2_33:
0x75b: {  	s1 =	sand.u32 $0x3FFFFE00, s6  }
0x75c: {  	s3 =	sadd.s32 s1, s0  }
0x75d: {  	v0 =	vld [tilespmem:s3+$0x0];
	_ =	sdelay $0x4  }
0x75e: {  	v14 =	vand.u32 $0x7FFFFFFF, v0  }
0x75f: {  	v14 =	vmul.f32 $9.846153850e-01, v14;
	_ =	sdelay $0x1  }
0x760: {  	v14 =	vadd.f32 $-1.538461540e-02, v14;
	_ =	sdelay $0x1  }
0x761: {  	v15 =	vtrunc.f32 v14  }
0x762: {  	vm0 =	vlt.f32 v14, v15  }
0x763: {  	v14 =	vcvt.f32.s32 v15;
	vm0 =	vmneg vm0  }
0x764: {  	v15 =	vsel vm0, $0x1, v13  }
0x765: {  	v14 =	vadd.s32 v14, v15  }
0x766: {  	vm13 =	vlt.s32 v14, $0x40  }
0x767: {  	v14 =	vnsel vm13, $0x40, v14  }
0x768: {  	vm14 =	vgt.f32 v0, $0.0e+00;
	v15 =	vadd.s32 $0x41, v14;
	v14 =	vsub.s32 $0x40, v14  }
0x769: {  	v14 =	vsel vm14, v15, v14;
	_ =	sdelay $0x3  }
0x76a: {  	s3 =	simm.s32 $0x0  }
0x76b: {  	v15 =	vld.idx.msk [tilespmem:v14+s3+$0x0], $0xffff;
	_ =	sdelay $0x4  }
0x76c: {  	vm15 =	vge.f32 v15, v0  }
0x76d: {  	v15 =	vsel vm15, $0xFFFFFFFF, v13  }
0x76e: {  	v14 =	vadd.s32 v15, v14;
	_ =	sdelay $0x4  }
0x76f: {  	v15 =	vld.idx.msk [tilespmem:v14+s15+$0x0], $0xffff;
	_ =	sdelay $0x1  }
0x770: {  	v14 =	vld.idx.msk [tilespmem:v14+s18+$0x0], $0xffff  }
0x771: {  	s4 =	sadd.s32 $0x10, s4  }
0x772: {  	p0 =	slt.u32 s4, $0xFF0  }
.Ltmp16:
0x773: {  	v0 =	vmul.f32 v15, v0;
	(pc) =	sbr.rel @p0 .LBB2_33-.Ltmp16, $4  }
0x774: {  	_ = 	snop  }
0x775: {  	s6 =	sadd.s32 $0x40, s6;
	v0 =	vadd.f32 v14, v0  }
0x776: {  	s8 =	simm.s32 $0x2;
	s7 =	simm.s32 $0x1;
	s1 =	sadd.s32 s1, s2  }
0x777: {  	s0 =	sadd.s32 $0x10, s0;
	s2 =	sadd.s32 $0x10, s2;
	[tilespmem:s1+$0x0] =	vst v0;
	s1 =	simm.s32 $0x140  }
0x778: {  	s0 =	sand.u32 $0x3, s3  }
0x779: {  	s0 =	sshll.u32 s0, $0x5  }
0x77a: {  	s2 =	sand.u32 $0x3, s8;
	s0 =	sadd.s32 $0x0, s0  }
0x77b: {  	s31 =	sand.u32 $0x3, s7;
	s2 =	sshll.u32 s2, $0x5;
	s9 =	sor.u32 $0x190, s0  }
0x77c: {  	s3 =	sshll.u32 s31, $0x5;
	s2 =	sadd.s32 $0x140, s2;
	s0 =	sor.u32 $0x180, s0;
	v16 =	vld [tilespmem:s9+$0x4400]  }
0x77d: {  	s3 =	sadd.s32 $0x140, s3;
	s2 =	sadd.s32 $0xFFFFFFC0, s2;
	v14 =	vld [tilespmem:s0+$0x4400]  }
0x77e: {  	s7 =	simm.s32 $0x50;
	s10 =	sor.u32 $0x180, s2;
	s2 =	sadd.s32 $0xFFFFFF40, s3  }
0x77f: {  	s1 =	sand.u32 $0x7E00, s1;
	s13 =	sor.u32 $0x180, s2;
	s2 =	sand.u32 $0x70, s7  }
0x780: {  	s14 =	sor.u32 s1, s2  }
0x781: {  	v21 =	vld [tilespmem:s14+$0x4580];
	v0 =	vand.u32 $0x7FFFFFFF, v16  }
0x782: {  	v15 =	vand.u32 $0x7FFFFFFF, v14;
	v0 =	vmul.f32 $9.846153850e-01, v0  }
0x783: {  	v17 =	vld [tilespmem:s10+$0x4400];
	v15 =	vmul.f32 $9.846153850e-01, v15  }
0x784: {  	v0 =	vadd.f32 $-1.538461540e-02, v0  }
0x785: {  	v15 =	vadd.f32 $-1.538461540e-02, v15  }
0x786: {  	v26 =	vand.u32 $0x7FFFFFFF, v21;
	v18 =	vtrunc.f32 v0  }
0x787: {  	s6 =	simm.s32 $0x30;
	s4 =	simm.s32 $0xC0;
	v19 =	vtrunc.f32 v15;
	vm0 =	vlt.f32 v0, v18;
	v0 =	vcvt.f32.s32 v18;
	v18 =	vld [tilespmem:s13+$0x4400]  }
0x788: {  	s4 =	sand.u32 $0x7E00, s4;
	s3 =	sand.u32 $0x70, s6;
	vm1 =	vlt.f32 v15, v19;
	v15 =	vand.u32 $0x7FFFFFFF, v17;
	vm0 =	vmneg vm0  }
0x789: {  	s12 =	sor.u32 s4, s3;
	v19 =	vcvt.f32.s32 v19;
	v15 =	vmul.f32 $9.846153850e-01, v15;
	v20 =	vsel vm0, $0x1, v13  }
0x78a: {  	vm1 =	vmneg vm1;
	vm0 =	vgt.f32 v14, $0.0e+00;
	v0 =	vadd.s32 v0, v20;
	v20 =	vld [tilespmem:s12+$0x4580]  }
0x78b: {  	v24 =	vsel vm1, $0x1, v13;
	v15 =	vadd.f32 $-1.538461540e-02, v15;
	vm2 =	vlt.s32 v0, $0x40  }
0x78c: {  	v0 =	vnsel vm2, $0x40, v0;
	vm2 =	vgt.f32 v16, $0.0e+00;
	v23 =	vand.u32 $0x7FFFFFFF, v18  }
0x78d: {  	v25 =	vtrunc.f32 v15;
	v22 =	vadd.s32 $0x41, v0;
	v0 =	vsub.s32 $0x40, v0  }
0x78e: {  	v0 =	vsel vm2, v22, v0;
	v22 =	vmul.f32 $9.846153850e-01, v23;
	vm2 =	vlt.f32 v15, v25  }
0x78f: {  	v15 =	vmul.f32 $9.846153850e-01, v26;
	v25 =	vcvt.f32.s32 v25;
	v23 =	vand.u32 $0x7FFFFFFF, v20  }
0x790: {  	vm3 =	vmneg vm2;
	v23 =	vmul.f32 $9.846153850e-01, v23;
	v22 =	vadd.f32 $-1.538461540e-02, v22  }
0x791: {  	vm1 =	vgt.f32 v18, $0.0e+00;
	v26 =	vsel vm3, $0x1, v13;
	v15 =	vadd.f32 $-1.538461540e-02, v15  }
0x792: {  	v25 =	vadd.s32 v25, v26;
	v23 =	vadd.f32 $-1.538461540e-02, v23;
	v27 =	vtrunc.f32 v22  }
0x793: {  	vm4 =	vlt.s32 v25, $0x40;
	vm3 =	vlt.f32 v22, v27;
	v22 =	vtrunc.f32 v15  }
0x794: {  	v26 =	vtrunc.f32 v23;
	vm6 =	vlt.f32 v15, v22;
	v15 =	vcvt.f32.s32 v27  }
0x795: {  	vm3 =	vmneg vm3;
	vm5 =	vlt.f32 v23, v26;
	v23 =	vnsel vm4, $0x40, v25  }
0x796: {  	s8 =	simm.s32 $0x3;
	vm4 =	vgt.f32 v17, $0.0e+00;
	v25 =	vadd.s32 $0x41, v23;
	v23 =	vsub.s32 $0x40, v23  }
0x797: {  	s1 =	sand.u32 $0x3, s8;
	v25 =	vsel vm4, v25, v23;
	vm4 =	vmneg vm5;
	v23 =	vcvt.f32.s32 v26  }
0x798: {  	s1 =	sshll.u32 s1, $0x5;
	v22 =	vcvt.f32.s32 v22;
	v26 =	vsel vm3, $0x1, v13;
	v27 =	vsel vm4, $0x1, v13  }
0x799: {  	s1 =	sadd.s32 $0x180, s1;
	vm5 =	vmneg vm6;
	v15 =	vadd.s32 v15, v26;
	v23 =	vadd.s32 v23, v27  }
0x79a: {  	s25 =	sor.u32 $0x190, s1;
	v28 =	vsel vm5, $0x1, v13;
	v26 =	vld.idx.msk [tilespmem:v0+s5+$0x0], $0xffff;
	vm3 =	vlt.s32 v15, $0x40;
	vm4 =	vlt.s32 v23, $0x40  }
0x79b: {  	v22 =	vadd.s32 v22, v28;
	v15 =	vnsel vm3, $0x40, v15;
	v28 =	vnsel vm4, $0x40, v23;
	v23 =	vld [tilespmem:s25+$0x4400]  }
0x79c: {  	vm5 =	vlt.s32 v22, $0x40;
	v29 =	vadd.s32 $0x41, v15;
	v15 =	vsub.s32 $0x40, v15;
	v27 =	vld.idx.msk [tilespmem:v25+s5+$0x0], $0xffff  }
0x79d: {  	s2 =	sor.u32 $0x180, s1;
	vm2 =	vgt.f32 v20, $0.0e+00;
	v22 =	vnsel vm5, $0x40, v22;
	v29 =	vsel vm1, v29, v15  }
0x79e: {  	v30 =	vadd.s32 $0x41, v28;
	v28 =	vsub.s32 $0x40, v28;
	v15 =	vld [tilespmem:s2+$0x4400];
	vm1 =	vgt.f32 v21, $0.0e+00  }
0x79f: {  	v28 =	vsel vm2, v30, v28;
	v30 =	vadd.s32 $0x41, v22;
	v22 =	vsub.s32 $0x40, v22  }
0x7a0: {  	v19 =	vadd.s32 v19, v24;
	vm2 =	vge.f32 v26, v16;
	v30 =	vsel vm1, v30, v22  }
0x7a1: {  	v22 =	vsel vm2, $0xFFFFFFFF, v13;
	v24 =	vand.u32 $0x7FFFFFFF, v23;
	vm1 =	vge.f32 v27, v17  }
0x7a2: {  	v0 =	vadd.s32 v22, v0;
	v26 =	vld.idx.msk [tilespmem:v29+s5+$0x0], $0xffff;
	v24 =	vmul.f32 $9.846153850e-01, v24;
	v22 =	vsel vm1, $0xFFFFFFFF, v13  }
0x7a3: {  	v27 =	vand.u32 $0x7FFFFFFF, v15;
	vm1 =	vlt.s32 v19, $0x40;
	v25 =	vadd.s32 v22, v25  }
0x7a4: {  	v31 =	vld.idx.msk [tilespmem:v28+s5+$0x0], $0xffff;
	v22 =	vmul.f32 $9.846153850e-01, v27;
	v19 =	vnsel vm1, $0x40, v19;
	v24 =	vadd.f32 $-1.538461540e-02, v24  }
0x7a5: {  	s11 =	simm.s32 $0x5;
	vm2 =	vmmov vm0;
	v27 =	vld.idx.msk [tilespmem:v30+s5+$0x0], $0xffff;
	v32 =	vadd.s32 $0x41, v19;
	v19 =	vsub.s32 $0x40, v19  }
0x7a6: {  	s16 =	simm.s32 $0x4;
	s1 =	sand.u32 $0x3, s11;
	v33 =	vadd.f32 $-1.538461540e-02, v22;
	v22 =	vsel vm2, v32, v19;
	v19 =	vtrunc.f32 v24  }
0x7a7: {  	s3 =	sand.u32 $0x3, s16;
	s1 =	sshll.u32 s1, $0x5;
	v48 =	vld.idx.msk [tilespmem:v0+s15+$0x0], $0xffff;
	vm1 =	vge.f32 v26, v18;
	v35 =	vcvt.f32.s32 v19  }
0x7a8: {  	s3 =	sshll.u32 s3, $0x5;
	s1 =	sadd.s32 $0x2C0, s1;
	v0 =	vld.idx.msk [tilespmem:v0+s18+$0x0], $0xffff;
	vm2 =	vlt.f32 v24, v19;
	v34 =	vtrunc.f32 v33;
	v26 =	vsel vm1, $0xFFFFFFFF, v13  }
0x7a9: {  	s17 =	simm.s32 $0x90;
	s3 =	sadd.s32 $0x2C0, s3;
	s1 =	sadd.s32 $0xFFFFFFC0, s1;
	vm1 =	vge.f32 v31, v20;
	vm2 =	vmneg vm2;
	v36 =	vld.idx.msk [tilespmem:v25+s15+$0x0], $0xffff;
	v19 =	vadd.s32 v26, v29  }
0x7aa: {  	s20 =	simm.s32 $0x240;
	s3 =	sadd.s32 $0xFFFFFF40, s3;
	s23 =	sor.u32 $0x180, s1;
	v24 =	vsel vm1, $0xFFFFFFFF, v13;
	v29 =	vld.idx.msk [tilespmem:v25+s18+$0x0], $0xffff;
	vm1 =	vge.f32 v27, v21;
	v27 =	vsel vm2, $0x1, v13  }
0x7ab: {  	s22 =	sand.u32 $0x7E00, s20;
	s6 =	sand.u32 $0x70, s17;
	s4 =	sor.u32 $0x180, s3;
	v26 =	vld [tilespmem:s23+$0x4400];
	v24 =	vadd.s32 v24, v28;
	v25 =	vsel vm1, $0xFFFFFFFF, v13;
	vm1 =	vlt.f32 v33, v34  }
0x7ac: {  	s6 =	sor.u32 s22, s6;
	v28 =	vld [tilespmem:s4+$0x4400];
	v30 =	vadd.s32 v25, v30;
	v25 =	vadd.s32 v35, v27;
	v27 =	vmul.f32 v48, v16  }
0x7ad: {  	s19 =	simm.s32 $0xB0;
	s21 =	simm.s32 $0x2C0;
	v31 =	vcvt.f32.s32 v34;
	vm1 =	vmneg vm1;
	v16 =	vld [tilespmem:s6+$0x4580];
	vm2 =	vlt.s32 v25, $0x40  }
0x7ae: {  	s24 =	sand.u32 $0x70, s19;
	s1 =	sand.u32 $0x7E00, s21;
	v50 =	vnsel vm2, $0x40, v25;
	vm2 =	vgt.f32 v23, $0.0e+00;
	v25 =	vadd.f32 v0, v27  }
0x7af: {  	s7 =	sor.u32 s1, s24;
	v49 =	vmul.f32 v36, v17;
	v0 =	vadd.s32 $0x41, v50;
	v33 =	vsub.s32 $0x40, v50  }
0x7b0: {  	v17 =	vld [tilespmem:s7+$0x4580];
	v51 =	vand.u32 $0x7FFFFFFF, v26;
	vm11 =	vgt.f32 v26, $0.0e+00;
	v0 =	vsel vm2, v0, v33  }
0x7b1: {  	v52 =	vld.idx.msk [tilespmem:v19+s15+$0x0], $0xffff;
	v53 =	vand.u32 $0x7FFFFFFF, v28;
	v32 =	vmul.f32 $9.846153850e-01, v51;
	v27 =	vadd.f32 v29, v49  }
0x7b2: {  	v29 =	vsel vm1, $0x1, v13;
	v33 =	vmul.f32 $9.846153850e-01, v53;
	v54 =	vand.u32 $0x7FFFFFFF, v16  }
0x7b3: {  	vm1 =	vgt.f32 v28, $0.0e+00;
	v35 =	vmul.f32 $9.846153850e-01, v54;
	v32 =	vadd.f32 $-1.538461540e-02, v32  }
0x7b4: {  	vm2 =	vgt.f32 v16, $0.0e+00;
	v29 =	vadd.s32 v31, v29;
	v33 =	vadd.f32 $-1.538461540e-02, v33  }
0x7b5: {  	v55 =	vand.u32 $0x7FFFFFFF, v17;
	v35 =	vadd.f32 $-1.538461540e-02, v35;
	v37 =	vtrunc.f32 v32  }
0x7b6: {  	v34 =	vmul.f32 v52, v18;
	v36 =	vmul.f32 $9.846153850e-01, v55;
	vm4 =	vlt.f32 v32, v37  }
0x7b7: {  	v18 =	vtrunc.f32 v33;
	v57 =	vcvt.f32.s32 v37;
	vm4 =	vmneg vm4  }
0x7b8: {  	v58 =	vtrunc.f32 v35;
	vm5 =	vlt.f32 v33, v18;
	v18 =	vcvt.f32.s32 v18  }
0x7b9: {  	v56 =	vadd.f32 $-1.538461540e-02, v36;
	v59 =	vsel vm4, $0x1, v13;
	vm4 =	vlt.f32 v35, v58  }
0x7ba: {  	vm5 =	vmneg vm5;
	v62 =	vcvt.f32.s32 v58;
	v33 =	vadd.s32 v57, v59  }
0x7bb: {  	vm4 =	vmneg vm4;
	v47 =	vsel vm5, $0x1, v13;
	v38 =	vtrunc.f32 v56  }
0x7bc: {  	vm7 =	vlt.s32 v33, $0x40;
	v39 =	vsel vm4, $0x1, v13;
	v18 =	vadd.s32 v18, v47  }
0x7bd: {  	s26 =	simm.s32 $0x6;
	v61 =	vld.idx.msk [tilespmem:v22+s5+$0x0], $0xffff;
	vm10 =	vlt.f32 v56, v38;
	v60 =	vnsel vm7, $0x40, v33;
	v46 =	vcvt.f32.s32 v38  }
0x7be: {  	s1 =	sand.u32 $0x3, s26;
	v49 =	vld.idx.msk [tilespmem:v0+s5+$0x0], $0xffff;
	v36 =	vadd.s32 v62, v39;
	vm4 =	vlt.s32 v18, $0x40;
	v33 =	vadd.s32 $0x41, v60  }
0x7bf: {  	s1 =	sshll.u32 s1, $0x5;
	v48 =	vld.idx.msk [tilespmem:v19+s18+$0x0], $0xffff;
	v32 =	vsub.s32 $0x40, v60;
	vm6 =	vmneg vm10;
	vm5 =	vlt.s32 v36, $0x40  }
0x7c0: {  	s1 =	sadd.s32 $0x300, s1;
	v63 =	vld.idx.msk [tilespmem:v24+s15+$0x0], $0xffff;
	v18 =	vnsel vm4, $0x40, v18;
	v32 =	vsel vm11, v33, v32;
	v41 =	vsel vm6, $0x1, v13  }
0x7c1: {  	s3 =	sor.u32 $0x190, s1;
	s1 =	sor.u32 $0x180, s1;
	v40 =	vld.idx.msk [tilespmem:v30+s15+$0x0], $0xffff;
	v36 =	vnsel vm5, $0x40, v36;
	v50 =	vadd.s32 $0x41, v18;
	v18 =	vsub.s32 $0x40, v18  }
0x7c2: {  	v19 =	vadd.s32 v46, v41;
	v42 =	vadd.s32 $0x41, v36;
	v39 =	vsel vm1, v50, v18;
	v18 =	vld [tilespmem:s1+$0x4400]  }
0x7c3: {  	v30 =	vld.idx.msk [tilespmem:v30+s18+$0x0], $0xffff;
	v36 =	vsub.s32 $0x40, v36;
	vm1 =	vge.f32 v49, v23;
	vm12 =	vlt.s32 v19, $0x40  }
0x7c4: {  	v24 =	vld.idx.msk [tilespmem:v24+s18+$0x0], $0xffff;
	v36 =	vsel vm2, v42, v36;
	v31 =	vsel vm1, $0xFFFFFFFF, v13;
	v19 =	vnsel vm12, $0x40, v19  }
0x7c5: {  	v0 =	vadd.s32 v31, v0;
	v43 =	vadd.s32 $0x41, v19;
	v44 =	vsub.s32 $0x40, v19;
	v19 =	vld [tilespmem:s3+$0x4400]  }
0x7c6: {  	vm0 =	vgt.f32 v15, $0.0e+00;
	v21 =	vmul.f32 v40, v21;
	v51 =	vld.idx.msk [tilespmem:v32+s5+$0x0], $0xffff  }
0x7c7: {  	vm3 =	vgt.f32 v17, $0.0e+00;
	v20 =	vmul.f32 v63, v20;
	v53 =	vand.u32 $0x7FFFFFFF, v18  }
0x7c8: {  	s17 =	simm.s32 $0x7;
	v37 =	vadd.f32 v30, v21;
	v52 =	vsel vm3, v43, v44;
	v30 =	vmul.f32 $9.846153850e-01, v53  }
0x7c9: {  	s16 =	sand.u32 $0x3, s17;
	vm0 =	vmmov vm0;
	v34 =	vadd.f32 v48, v34;
	v21 =	vld.idx.msk [tilespmem:v36+s5+$0x0], $0xffff  }
0x7ca: {  	s16 =	sshll.u32 s16, $0x5;
	v33 =	vadd.f32 v24, v20;
	v56 =	vld.idx.msk [tilespmem:v0+s15+$0x0], $0xffff;
	v20 =	vand.u32 $0x7FFFFFFF, v19;
	v30 =	vadd.f32 $-1.538461540e-02, v30  }
0x7cb: {  	s19 =	simm.s32 $0xF0;
	s16 =	sadd.s32 $0x440, s16;
	vm2 =	vge.f32 v61, v14;
	v24 =	vld.idx.msk [tilespmem:v39+s5+$0x0], $0xffff;
	vm1 =	vge.f32 v51, v26;
	v20 =	vmul.f32 $9.846153850e-01, v20  }
0x7cc: {  	s30 =	simm.s32 $0x110;
	s19 =	sand.u32 $0x70, s19;
	s16 =	sadd.s32 $0xFFFFFF40, s16;
	v31 =	vsel vm1, $0xFFFFFFFF, v13;
	vm1 =	vlt.s32 v29, $0x40;
	v58 =	vtrunc.f32 v30  }
0x7cd: {  	s11 =	simm.s32 $0x8;
	s20 =	sor.u32 $0x180, s16;
	s16 =	sand.u32 $0x70, s30;
	v54 =	vld.idx.msk [tilespmem:v52+s5+$0x0], $0xffff;
	v31 =	vadd.s32 v31, v32;
	v29 =	vnsel vm1, $0x40, v29;
	v55 =	vadd.f32 $-1.538461540e-02, v20  }
0x7ce: {  	s28 =	sand.u32 $0x3, s11;
	s21 =	simm.s32 $0x3C0;
	s24 =	simm.s32 $0x440;
	v0 =	vld.idx.msk [tilespmem:v0+s18+$0x0], $0xffff;
	vm1 =	vge.f32 v21, v16;
	v20 =	vadd.s32 $0x41, v29;
	v29 =	vsub.s32 $0x40, v29  }
0x7cf: {  	s8 =	sshll.u32 s28, $0x5;
	s21 =	sand.u32 $0x7E00, s21;
	s31 =	sand.u32 $0x7E00, s24;
	v59 =	vsel vm1, $0xFFFFFFFF, v13;
	v47 =	vmul.f32 v56, v23;
	v20 =	vsel vm0, v20, v29  }
0x7d0: {  	s8 =	sadd.s32 $0x440, s8;
	s22 =	sor.u32 s21, s19;
	s21 =	sor.u32 s31, s16;
	v21 =	vld [tilespmem:s20+$0x4400];
	v29 =	vsel vm2, $0xFFFFFFFF, v13;
	v57 =	vtrunc.f32 v55;
	vm0 =	vge.f32 v24, v28  }
0x7d1: {  	s8 =	sadd.s32 $0xFFFFFFC0, s8;
	v23 =	vld [tilespmem:s21+$0x4580];
	v60 =	vadd.s32 v59, v36;
	v41 =	vadd.s32 v29, v22;
	v24 =	vcvt.f32.s32 v57  }
0x7d2: {  	s8 =	sor.u32 $0x180, s8;
	v22 =	vsel vm0, $0xFFFFFFFF, v13;
	vm0 =	vlt.f32 v55, v57;
	vm1 =	vge.f32 v54, v17  }
0x7d3: {  	v0 =	vadd.f32 v0, v47;
	v39 =	vadd.s32 v22, v39;
	v22 =	vld [tilespmem:s8+$0x4400];
	vm0 =	vmneg vm0  }
0x7d4: {  	v61 =	vsel vm1, $0xFFFFFFFF, v13;
	vm1 =	vlt.f32 v30, v58;
	v29 =	vld.idx.msk [tilespmem:v31+s15+$0x0], $0xffff;
	v62 =	vsel vm0, $0x1, v13  }
0x7d5: {  	v63 =	vadd.s32 v61, v52;
	v49 =	vand.u32 $0x7FFFFFFF, v21;
	vm1 =	vmneg vm1  }
0x7d6: {  	v31 =	vld.idx.msk [tilespmem:v31+s18+$0x0], $0xffff;
	v30 =	vadd.s32 v24, v62;
	v36 =	vmul.f32 $9.846153850e-01, v49;
	v52 =	vand.u32 $0x7FFFFFFF, v23  }
0x7d7: {  	v24 =	vld [tilespmem:s22+$0x4580];
	v35 =	vsel vm1, $0x1, v13;
	vm1 =	vgt.f32 v21, $0.0e+00;
	vm3 =	vgt.f32 v23, $0.0e+00  }
0x7d8: {  	vm0 =	vlt.s32 v30, $0x40;
	v53 =	vmul.f32 $9.846153850e-01, v52;
	v36 =	vadd.f32 $-1.538461540e-02, v36  }
0x7d9: {  	v48 =	vld.idx.msk [tilespmem:v39+s15+$0x0], $0xffff;
	vm15 =	vgt.f32 v22, $0.0e+00;
	v26 =	vmul.f32 v29, v26;
	v29 =	vnsel vm0, $0x40, v30  }
0x7da: {  	vm0 =	vgt.f32 v19, $0.0e+00;
	v30 =	vand.u32 $0x7FFFFFFF, v22;
	v45 =	vtrunc.f32 v36  }
0x7db: {  	v30 =	vmul.f32 $9.846153850e-01, v30;
	v50 =	vadd.s32 $0x41, v29;
	v29 =	vsub.s32 $0x40, v29  }
0x7dc: {  	vm4 =	vlt.f32 v36, v45;
	v51 =	vadd.f32 v31, v26;
	v26 =	vand.u32 $0x7FFFFFFF, v24  }
0x7dd: {  	vm4 =	vmneg vm4;
	v30 =	vadd.f32 $-1.538461540e-02, v30;
	v31 =	vmul.f32 $9.846153850e-01, v26  }
0x7de: {  	v26 =	vsel vm0, v50, v29;
	v29 =	vmul.f32 v48, v28;
	v28 =	vadd.f32 $-1.538461540e-02, v53  }
0x7df: {  	v61 =	vsel vm4, $0x1, v13;
	v54 =	vtrunc.f32 v30;
	v31 =	vadd.f32 $-1.538461540e-02, v31  }
0x7e0: {  	vm0 =	vlt.f32 v30, v54;
	v30 =	vcvt.f32.s32 v54;
	v57 =	vtrunc.f32 v28  }
0x7e1: {  	[tilespmem:s9+$0xC400] =	vst v25;
	v25 =	vld.idx.msk [tilespmem:v20+s5+$0x0], $0xffff;
	v55 =	vtrunc.f32 v31;
	vm2 =	vmneg vm0;
	vm0 =	vgt.f32 v18, $0.0e+00  }
0x7e2: {  	[tilespmem:s10+$0xC400] =	vst v27;
	v32 =	vld.idx.msk [tilespmem:v60+s18+$0x0], $0xffff;
	vm13 =	vlt.f32 v28, v57;
	vm5 =	vlt.f32 v31, v55;
	v31 =	vsel vm2, $0x1, v13  }
0x7e3: {  	[tilespmem:s12+$0xC580] =	vst v33;
	v28 =	vld.idx.msk [tilespmem:v60+s15+$0x0], $0xffff;
	v60 =	vcvt.f32.s32 v57;
	vm2 =	vgt.f32 v24, $0.0e+00;
	v56 =	vadd.s32 v30, v31  }
0x7e4: {  	[tilespmem:s25+$0xC400] =	vst v0;
	v33 =	vld.idx.msk [tilespmem:v39+s18+$0x0], $0xffff;
	vm6 =	vmneg vm13;
	v0 =	vcvt.f32.s32 v55;
	vm14 =	vlt.s32 v56, $0x40  }
0x7e5: {  	[tilespmem:s13+$0xC400] =	vst v34;
	v34 =	vld.idx.msk [tilespmem:v63+s18+$0x0], $0xffff;
	v31 =	vcvt.f32.s32 v58;
	v58 =	vcvt.f32.s32 v45;
	v27 =	vnsel vm14, $0x40, v56  }
0x7e6: {  	[tilespmem:s14+$0xC580] =	vst v37;
	v36 =	vld.idx.msk [tilespmem:v41+s15+$0x0], $0xffff;
	vm5 =	vmneg vm5;
	v59 =	vadd.s32 $0x41, v27;
	v27 =	vsub.s32 $0x40, v27  }
0x7e7: {  	[tilespmem:s23+$0xC400] =	vst v51;
	v30 =	vld.idx.msk [tilespmem:v63+s15+$0x0], $0xffff;
	v63 =	vsel vm6, $0x1, v13;
	v62 =	vsel vm5, $0x1, v13;
	v37 =	vsel vm15, v59, v27  }
0x7e8: {  	s9 =	simm.s32 $0x300;
	s10 =	simm.s32 $0xC0;
	s12 =	simm.s32 $0x9;
	v40 =	vadd.s32 v60, v63;
	v38 =	vadd.s32 v58, v61;
	v39 =	vadd.s32 v0, v62;
	v27 =	vld.idx.msk [tilespmem:v41+s18+$0x0], $0xffff  }
.LBB2_35:
0x7e9: {  	vm5 =	vlt.s32 v38, $0x40  }
0x7ea: {  	s13 =	sand.u32 $0x3, s12;
	vm6 =	vlt.s32 v39, $0x40;
	vm7 =	vlt.s32 v40, $0x40;
	vm4 =	vmmov vm0  }
0x7eb: {  	s9 =	sadd.s32 $0x180, s9;
	s13 =	sshll.u32 s13, $0x5;
	v0 =	vld.idx.msk [tilespmem:v26+s5+$0x0], $0xffff;
	v38 =	vnsel vm5, $0x40, v38;
	v39 =	vnsel vm6, $0x40, v39;
	v40 =	vnsel vm7, $0x40, v40  }
0x7ec: {  	s13 =	sadd.s32 s13, s9;
	v41 =	vadd.s32 $0x41, v38;
	v38 =	vsub.s32 $0x40, v38;
	v42 =	vadd.s32 $0x41, v39;
	v43 =	vld.idx.msk [tilespmem:v37+s5+$0x0], $0xffff  }
0x7ed: {  	v39 =	vsub.s32 $0x40, v39;
	v44 =	vadd.s32 $0x41, v40;
	v40 =	vsub.s32 $0x40, v40;
	s14 =	sor.u32 $0x180, s13;
	s13 =	sor.u32 $0x190, s13  }
0x7ee: {  	v38 =	vsel vm1, v41, v38;
	v39 =	vsel vm2, v42, v39;
	v40 =	vsel vm3, v44, v40;
	v45 =	vld [tilespmem:s13+$0x4400]  }
0x7ef: {  	v29 =	vadd.f32 v33, v29;
	v28 =	vmul.f32 v28, v16;
	v30 =	vmul.f32 v30, v17;
	v16 =	vmovc v24;
	v41 =	vld [tilespmem:s14+$0x4400]  }
0x7f0: {  	v24 =	vadd.s32 v31, v35;
	vm1 =	vge.f32 v25, v15;
	v25 =	vmul.f32 v36, v14;
	v14 =	vmovc v15  }
0x7f1: {  	vm0 =	vge.f32 v0, v19;
	v0 =	vadd.f32 v32, v28;
	v28 =	vadd.f32 v34, v30;
	[tilespmem:s4+$0xC400] =	vst v29;
	s4 =	smov.u32 s20  }
0x7f2: {  	v17 =	vmovc v23;
	vm2 =	vlt.s32 v24, $0x40;
	v15 =	vmovc v18;
	v29 =	vsel vm0, $0xFFFFFFFF, v13;
	vm0 =	vge.f32 v43, v22  }
0x7f3: {  	v23 =	vadd.s32 v29, v26;
	v29 =	vsel vm0, $0xFFFFFFFF, v13;
	v32 =	vand.u32 $0x7FFFFFFF, v45;
	v26 =	vld.idx.msk [tilespmem:v38+s5+$0x0], $0xffff;
	[tilespmem:s6+$0xC580] =	vst v0;
	s6 =	smov.u32 s22  }
0x7f4: {  	v29 =	vadd.s32 v29, v37;
	v0 =	vand.u32 $0x7FFFFFFF, v41;
	v30 =	vmul.f32 $9.846153850e-01, v32;
	v31 =	vld.idx.msk [tilespmem:v39+s5+$0x0], $0xffff;
	[tilespmem:s7+$0xC580] =	vst v28;
	v18 =	vmovc v41;
	s7 =	smov.u32 s21  }
0x7f5: {  	s16 =	sadd.s32 $0x90, s10;
	v24 =	vnsel vm2, $0x40, v24;
	v0 =	vmul.f32 $9.846153850e-01, v0;
	vm0 =	vgt.f32 v18, $0.0e+00;
	v28 =	vld.idx.msk [tilespmem:v40+s5+$0x0], $0xffff  }
0x7f6: {  	s19 =	sadd.s32 $0xB0, s10;
	s17 =	sadd.s32 $0x3, s17;
	s16 =	sand.u32 $0x70, s16;
	v32 =	vadd.s32 $0x41, v24;
	v24 =	vsub.s32 $0x40, v24;
	v30 =	vadd.f32 $-1.538461540e-02, v30  }
0x7f7: {  	s11 =	sadd.s32 $0x3, s11;
	s19 =	sand.u32 $0x70, s19;
	s20 =	sand.u32 $0x3, s17;
	v24 =	vsel vm4, v32, v24;
	v32 =	vsel vm1, $0xFFFFFFFF, v13;
	v0 =	vadd.f32 $-1.538461540e-02, v0  }
0x7f8: {  	s10 =	sadd.s32 $0x60, s10;
	v25 =	vadd.f32 v27, v25;
	s20 =	sshll.u32 s20, $0x5;
	s21 =	sand.u32 $0x3, s11;
	v37 =	vadd.s32 v32, v20;
	v20 =	vmovc v24;
	v33 =	vtrunc.f32 v30;
	v34 =	vld.idx.msk [tilespmem:v23+s15+$0x0], $0xffff  }
0x7f9: {  	s24 =	sadd.s32 $0x180, s24;
	p0 =	slt.u32 s10, $0xF60;
	s21 =	sshll.u32 s21, $0x5;
	vm1 =	vge.f32 v26, v21;
	v27 =	vtrunc.f32 v0;
	v32 =	vcvt.f32.s32 v33;
	v26 =	vld.idx.msk [tilespmem:v29+s15+$0x0], $0xffff  }
0x7fa: {  	s20 =	sadd.s32 s24, s20;
	s22 =	sadd.s32 $0xFFFFFF80, s24;
	s21 =	sadd.s32 s24, s21;
	vm2 =	vlt.f32 v30, v33;
	v30 =	vld.idx.msk [tilespmem:v23+s18+$0x0], $0xffff;
	v23 =	vsel vm1, $0xFFFFFFFF, v13;
	vm1 =	vge.f32 v31, v16;
	[tilespmem:s0+$0xC400] =	vst v25  }
0x7fb: {  	s22 =	sand.u32 $0x7E00, s22;
	s21 =	sadd.s32 $0xFFFFFFC0, s21;
	s0 =	sadd.s32 $0xFFFFFF40, s20;
	v33 =	vadd.s32 v23, v38;
	v23 =	vsel vm1, $0xFFFFFFFF, v13;
	v29 =	vld.idx.msk [tilespmem:v29+s18+$0x0], $0xffff;
	vm1 =	vge.f32 v28, v17  }
0x7fc: {  	s23 =	sor.u32 $0x180, s21;
	vm2 =	vmneg vm2;
	s20 =	sor.u32 $0x180, s0;
	s0 =	sand.u32 $0x7E00, s24;
	v25 =	vld.idx.msk [tilespmem:v24+s5+$0x0], $0xffff;
	v36 =	vadd.s32 v23, v39;
	v23 =	vsel vm1, $0xFFFFFFFF, v13  }
0x7fd: {  	s22 =	sor.u32 s22, s16;
	vm1 =	vlt.f32 v0, v27;
	v0 =	vsel vm2, $0x1, v13;
	s21 =	sor.u32 s0, s19;
	s0 =	smov.u32 s2;
	v38 =	vld [tilespmem:s23+$0x4400];
	v39 =	vadd.s32 v23, v40  }
0x7fe: {  	s2 =	smov.u32 s1;
	s1 =	smov.u32 s14;
	vm1 =	vmneg vm1;
	v0 =	vadd.s32 v32, v0;
	v28 =	vmul.f32 v34, v19;
	v19 =	vmovc v45;
	v40 =	vld [tilespmem:s20+$0x4400]  }
0x7ff: {  	v31 =	vcvt.f32.s32 v27;
	vm2 =	vlt.s32 v0, $0x40;
	v32 =	vmul.f32 v26, v22;
	v24 =	vld [tilespmem:s22+$0x4580]  }
0x800: {  	v0 =	vnsel vm2, $0x40, v0;
	vm2 =	vgt.f32 v19, $0.0e+00;
	v27 =	vadd.f32 v30, v28;
	v23 =	vld [tilespmem:s21+$0x4580]  }
0x801: {  	v26 =	vadd.s32 $0x41, v0;
	v0 =	vsub.s32 $0x40, v0;
	v29 =	vadd.f32 v29, v32;
	v41 =	vld.idx.msk [tilespmem:v33+s15+$0x0], $0xffff  }
0x802: {  	v35 =	vsel vm1, $0x1, v13;
	v26 =	vsel vm2, v26, v0;
	v0 =	vand.u32 $0x7FFFFFFF, v38;
	[tilespmem:s3+$0xC400] =	vst v27;
	v28 =	vld.idx.msk [tilespmem:v36+s15+$0x0], $0xffff;
	v22 =	vmovc v38  }
0x803: {  	s3 =	smov.u32 s13;
	v27 =	vand.u32 $0x7FFFFFFF, v40;
	vm1 =	vgt.f32 v40, $0.0e+00;
	v0 =	vmul.f32 $9.846153850e-01, v0;
	[tilespmem:s8+$0xC400] =	vst v29;
	v30 =	vld.idx.msk [tilespmem:v39+s15+$0x0], $0xffff;
	s8 =	smov.u32 s23  }
0x804: {  	v27 =	vmul.f32 $9.846153850e-01, v27;
	v29 =	vand.u32 $0x7FFFFFFF, v24;
	vm2 =	vgt.f32 v24, $0.0e+00;
	v33 =	vld.idx.msk [tilespmem:v33+s18+$0x0], $0xffff  }
0x805: {  	v29 =	vmul.f32 $9.846153850e-01, v29;
	v0 =	vadd.f32 $-1.538461540e-02, v0;
	v34 =	vand.u32 $0x7FFFFFFF, v23;
	v32 =	vld.idx.msk [tilespmem:v36+s18+$0x0], $0xffff  }
0x806: {  	vm3 =	vgt.f32 v23, $0.0e+00;
	v38 =	vadd.f32 $-1.538461540e-02, v27;
	v27 =	vmul.f32 $9.846153850e-01, v34;
	v34 =	vld.idx.msk [tilespmem:v39+s18+$0x0], $0xffff  }
0x807: {  	v39 =	vadd.f32 $-1.538461540e-02, v29;
	v42 =	vtrunc.f32 v0;
	v29 =	vmul.f32 v41, v21;
	v36 =	vld.idx.msk [tilespmem:v37+s15+$0x0], $0xffff;
	v21 =	vmovc v40  }
0x808: {  	v40 =	vtrunc.f32 v38;
	vm4 =	vlt.f32 v0, v42;
	v0 =	vadd.f32 $-1.538461540e-02, v27;
	v27 =	vld.idx.msk [tilespmem:v37+s18+$0x0], $0xffff  }
0x809: {  	v41 =	vcvt.f32.s32 v42;
	v37 =	vtrunc.f32 v39;
	vm4 =	vmneg vm4  }
0x80a: {  	vm5 =	vlt.f32 v38, v40;
	v38 =	vsel vm4, $0x1, v13;
	v42 =	vtrunc.f32 v0  }
0x80b: {  	vm4 =	vlt.f32 v39, v37;
	v38 =	vadd.s32 v41, v38;
	vm6 =	vlt.f32 v0, v42  }
0x80c: {  	vm5 =	vmneg vm5;
	v0 =	vcvt.f32.s32 v40;
	vm7 =	vlt.s32 v38, $0x40  }
.Ltmp17:
0x80d: {  	vm4 =	vmneg vm4;
	vm6 =	vmneg vm6;
	v38 =	vnsel vm7, $0x40, v38;
	(pc) =	sbr.rel @p0 .LBB2_35-.Ltmp17, $4  }
0x80e: {  	vm7 =	vgt.f32 v22, $0.0e+00;
	v39 =	vadd.s32 $0x41, v38;
	v38 =	vsub.s32 $0x40, v38  }
0x80f: {  	v40 =	vcvt.f32.s32 v37;
	v41 =	vcvt.f32.s32 v42;
	v37 =	vsel vm7, v39, v38  }
0x810: {  	v42 =	vsel vm6, $0x1, v13;
	v38 =	vsel vm5, $0x1, v13;
	v39 =	vsel vm4, $0x1, v13  }
0x811: {  	s12 =	sadd.s32 $0x3, s12;
	v38 =	vadd.s32 v0, v38;
	v39 =	vadd.s32 v40, v39;
	v40 =	vadd.s32 v41, v42  }
0x812: {  	_ =	sdelay $0x1  }
0x813: {  	vm4 =	vlt.s32 v38, $0x40;
	vm5 =	vlt.s32 v39, $0x40;
	vm6 =	vlt.s32 v40, $0x40  }
0x814: {  	v31 =	vadd.s32 v31, v35;
	v0 =	vnsel vm4, $0x40, v38;
	v49 =	vnsel vm5, $0x40, v39  }
0x815: {  	v52 =	vld.idx.msk [tilespmem:v26+s5+$0x0], $0xffff;
	v50 =	vnsel vm6, $0x40, v40;
	v51 =	vadd.s32 $0x41, v0;
	v0 =	vsub.s32 $0x40, v0  }
0x816: {  	v53 =	vld.idx.msk [tilespmem:v37+s5+$0x0], $0xffff;
	v41 =	vadd.s32 $0x41, v49;
	v38 =	vsub.s32 $0x40, v49;
	v0 =	vsel vm1, v51, v0  }
0x817: {  	v42 =	vadd.s32 $0x41, v50;
	v39 =	vsub.s32 $0x40, v50;
	v38 =	vsel vm2, v41, v38  }
0x818: {  	vm8 =	vlt.s32 v31, $0x40;
	v39 =	vsel vm3, v42, v39  }
0x819: {  	vm0 =	vmmov vm0;
	v31 =	vnsel vm8, $0x40, v31  }
0x81a: {  	v56 =	vadd.s32 $0x41, v31;
	v31 =	vsub.s32 $0x40, v31;
	vm9 =	vge.f32 v52, v19  }
0x81b: {  	v31 =	vsel vm0, v56, v31;
	vm10 =	vge.f32 v53, v22;
	v43 =	vsel vm9, $0xFFFFFFFF, v13;
	v54 =	vld.idx.msk [tilespmem:v0+s5+$0x0], $0xffff  }
0x81c: {  	v59 =	vsel vm10, $0xFFFFFFFF, v13;
	v58 =	vadd.s32 v43, v26;
	v55 =	vld.idx.msk [tilespmem:v38+s5+$0x0], $0xffff  }
0x81d: {  	v60 =	vadd.s32 v59, v37;
	v57 =	vld.idx.msk [tilespmem:v39+s5+$0x0], $0xffff  }
0x81e: {  	vm14 =	vge.f32 v25, v15  }
0x81f: {  	v47 =	vsel vm14, $0xFFFFFFFF, v13  }
0x820: {  	v20 =	vadd.s32 v47, v20;
	v62 =	vld.idx.msk [tilespmem:v31+s5+$0x0], $0xffff;
	vm11 =	vge.f32 v54, v21  }
0x821: {  	v63 =	vld.idx.msk [tilespmem:v58+s15+$0x0], $0xffff;
	vm12 =	vge.f32 v55, v24;
	v35 =	vsel vm11, $0xFFFFFFFF, v13  }
0x822: {  	v42 =	vld.idx.msk [tilespmem:v60+s15+$0x0], $0xffff;
	vm13 =	vge.f32 v57, v23;
	v61 =	vsel vm12, $0xFFFFFFFF, v13;
	v0 =	vadd.s32 v35, v0  }
0x823: {  	v26 =	vld.idx.msk [tilespmem:v58+s18+$0x0], $0xffff;
	v45 =	vsel vm13, $0xFFFFFFFF, v13;
	v35 =	vadd.s32 v61, v38  }
0x824: {  	v46 =	vld.idx.msk [tilespmem:v60+s18+$0x0], $0xffff;
	v38 =	vadd.s32 v45, v39  }
0x825: {  	v55 =	vld.idx.msk [tilespmem:v20+s15+$0x0], $0xffff;
	vm15 =	vge.f32 v62, v18  }
0x826: {  	v20 =	vld.idx.msk [tilespmem:v20+s18+$0x0], $0xffff;
	v40 =	vsel vm15, $0xFFFFFFFF, v13  }
0x827: {  	v16 =	vmul.f32 v28, v16;
	v31 =	vadd.s32 v40, v31;
	v48 =	vld.idx.msk [tilespmem:v0+s15+$0x0], $0xffff  }
0x828: {  	v14 =	vmul.f32 v36, v14;
	v49 =	vld.idx.msk [tilespmem:v35+s15+$0x0], $0xffff  }
0x829: {  	v17 =	vmul.f32 v30, v17;
	v16 =	vadd.f32 v32, v16;
	v50 =	vld.idx.msk [tilespmem:v38+s15+$0x0], $0xffff  }
0x82a: {  	v14 =	vadd.f32 v27, v14;
	v56 =	vmul.f32 v42, v22;
	v0 =	vld.idx.msk [tilespmem:v0+s18+$0x0], $0xffff  }
0x82b: {  	v17 =	vadd.f32 v34, v17;
	[tilespmem:s6+$0xC580] =	vst v16;
	v53 =	vld.idx.msk [tilespmem:v38+s18+$0x0], $0xffff  }
0x82c: {  	[tilespmem:s0+$0xC400] =	vst v14;
	v54 =	vmul.f32 v63, v19;
	v14 =	vadd.f32 v46, v56;
	v57 =	vld.idx.msk [tilespmem:v31+s15+$0x0], $0xffff  }
0x82d: {  	v51 =	vadd.f32 v33, v29;
	[tilespmem:s7+$0xC580] =	vst v17;
	v52 =	vld.idx.msk [tilespmem:v35+s18+$0x0], $0xffff;
	v59 =	vmul.f32 v48, v21  }
0x82e: {  	v58 =	vadd.f32 v26, v54;
	v61 =	vld.idx.msk [tilespmem:v31+s18+$0x0], $0xffff;
	[tilespmem:s8+$0xC400] =	vst v14;
	v14 =	vmul.f32 v55, v15  }
0x82f: {  	[tilespmem:s4+$0xC400] =	vst v51;
	v62 =	vmul.f32 v50, v23;
	v0 =	vadd.f32 v0, v59  }
0x830: {  	[tilespmem:s3+$0xC400] =	vst v58;
	v14 =	vadd.f32 v20, v14;
	v60 =	vmul.f32 v49, v24  }
0x831: {  	v63 =	vmul.f32 v57, v18;
	[tilespmem:s20+$0xC400] =	vst v0;
	v0 =	vadd.f32 v53, v62  }
0x832: {  	[tilespmem:s2+$0xC400] =	vst v14;
	v15 =	vadd.f32 v52, v60  }
0x833: {  	[tilespmem:s21+$0xC580] =	vst v0;
	v0 =	vadd.f32 v61, v63  }
0x834: {  	s0 =	simm.s32 $0xC5C0;
	[tilespmem:s22+$0xC580] =	vst v15  }
0x835: {  	s4 =	simm.s32 $0x45C0;
	s3 =	simm.s32 $0x3F00;
	s2 =	simm.s32 $0xFB0;
	[tilespmem:s1+$0xC400] =	vst v0  }
.LBB2_37:
0x836: {  	s1 =	sand.u32 $0x3FFFFE00, s3  }
0x837: {  	s6 =	sadd.s32 s1, s4  }
0x838: {  	v0 =	vld [tilespmem:s6+$0x0];
	_ =	sdelay $0x4  }
0x839: {  	v14 =	vand.u32 $0x7FFFFFFF, v0  }
0x83a: {  	v14 =	vmul.f32 $9.846153850e-01, v14;
	_ =	sdelay $0x1  }
0x83b: {  	v14 =	vadd.f32 $-1.538461540e-02, v14;
	_ =	sdelay $0x1  }
0x83c: {  	v15 =	vtrunc.f32 v14  }
0x83d: {  	vm0 =	vlt.f32 v14, v15  }
0x83e: {  	v14 =	vcvt.f32.s32 v15;
	vm0 =	vmneg vm0  }
0x83f: {  	v15 =	vsel vm0, $0x1, v13  }
0x840: {  	v14 =	vadd.s32 v14, v15  }
0x841: {  	vm13 =	vlt.s32 v14, $0x40  }
0x842: {  	v14 =	vnsel vm13, $0x40, v14  }
0x843: {  	vm14 =	vgt.f32 v0, $0.0e+00;
	v15 =	vadd.s32 $0x41, v14;
	v14 =	vsub.s32 $0x40, v14  }
0x844: {  	v14 =	vsel vm14, v15, v14;
	_ =	sdelay $0x4  }
0x845: {  	v15 =	vld.idx.msk [tilespmem:v14+s5+$0x0], $0xffff;
	_ =	sdelay $0x4  }
0x846: {  	vm15 =	vge.f32 v15, v0  }
0x847: {  	v15 =	vsel vm15, $0xFFFFFFFF, v13  }
0x848: {  	v14 =	vadd.s32 v15, v14;
	_ =	sdelay $0x4  }
0x849: {  	v15 =	vld.idx.msk [tilespmem:v14+s15+$0x0], $0xffff;
	_ =	sdelay $0x1  }
0x84a: {  	v14 =	vld.idx.msk [tilespmem:v14+s18+$0x0], $0xffff  }
0x84b: {  	s2 =	sadd.s32 $0x10, s2  }
0x84c: {  	p0 =	slt.u32 s2, $0xFF0  }
.Ltmp18:
0x84d: {  	v0 =	vmul.f32 v15, v0;
	(pc) =	sbr.rel @p0 .LBB2_37-.Ltmp18, $4  }
0x84e: {  	_ = 	snop  }
0x84f: {  	v0 =	vadd.f32 v14, v0  }
0x850: {  	s1 =	sadd.s32 s1, s0  }
0x851: {  	s3 =	sadd.s32 $0x40, s3;
	s4 =	sadd.s32 $0x10, s4;
	s0 =	sadd.s32 $0x10, s0;
	[tilespmem:s1+$0x0] =	vst v0  }
0x852: {  	p0 =	sne.s32 s29, $0x10  }
.Ltmp19:
0x853: {  	_ = 	snop;
	(pc) =	sbr.rel @p0 .LBB2_2-.Ltmp19, $4  }
0x854: {  	s0 =	rddreg [dreg:$0x3]  }
0x855: {  	s1 =	rddreg [dreg:$0xe];
	s4 =	simm.s32 $0x200  }
0x856: {  	s6 =	simm.s32 $0x400;
	s31 =	simm.s32 $0xC400;
	s0 =	sadd.s32 s0, s1  }
0x857: {  	[hbm4b:s0+s4] =	stream.strided.scatter [tilespmem:s31], [sflag:$0x4], $0x4000, s6, s4, $0x38;
	[tilespmem:$0x10400] =	vst v63  }
0x858: {  	s0 =	simm.s32 $0x3  }
0x859: {  	_ =	swait.ge [sflag:s0], $0x4000  }
0x85a: {  	[sflag:s0] =	ssyncset.done $0x0  }
0x85b: {  	s1 =	simm.s32 $0x4;
	[sflag:s0] =	ssyncadd.s32 $0xFFFFC000  }
0x85c: {  	_ =	swait.ge [sflag:s1], $0x4000  }
0x85d: {  	s2 =	rddreg [dreg:$0xd]  }
0x85e: {  	s31 =	rddreg [dreg:$0xb];
	s2 =	sadd.s32 $0x1, s2  }
0x85f: {  	p0 =	sne.s32 s2, s31  }
.Ltmp20:
0x860: {  	_ = 	snop;
	(pc) =	sbr.rel @p0 .LBB2_1-.Ltmp20, $3  }
0x861: {  	_ =	sdelay $0x1  }
0x862: {  	[sflag:s1] =	ssyncset.done $0x0  }
0x863: {  	[sflag:s1] =	ssyncadd.s32 $0xFFFFC000  }
0x864: {  	_ =	sfence.sel $0x180000  }
0x865: {  	[bflag:$0x0] =	sbarrier.arrive $0xFFFF  }
0x866: {  	_ =	strace $0x90000047  }
0x867: {  	s0 =	stileid.u32;
	[bflag:$0x2] =	sbarrier.arrive $0xFFFF  }
0x868: {  	p0 =	sne.s32 s0, $0x0;
	s0 =	rddreg [dreg:$0x4]  }
0x869: {  	s0 =	sadd.s32 @!p0 $0x100000, s0  }
0x86a: {  	[sflag:s0] =	ssyncadd.tile.s32 @!p0 $0x1;
	_ =	shalt  }
.Lfunc_end2:
_tile_overlayer_lowered:
.L_overlay_start_2:
0x86b: {  	(tag) =	ssettag $0x2  }
0x86c: {  	s0 =	rddreg [dreg:$0x0];
	s2 =	stileid.u32  }
0x86d: {  	s1 =	rddreg [dreg:$0x1];
	p0 =	sne.s32 s2, $0x0  }
0x86e: {  	s3 =	rddreg [dreg:$0x2];
	[bflag:$0x3] =	sbarrier.arrive $0xFFFF;
	s2 =	simm.s32 @!p0 $0x1C05  }
0x86f: {  	[timem:s3], [sflag:s2] =	dma.local @!p0 [hbm:s0], s1  }
0x870: {  	s0 =	simm.s32 @!p0 $0x5  }
0x871: {  	_ =	swait.ge @!p0 [sflag:s0], s1  }
0x872: {  	s1 =	ssub.s32 @!p0 $0x0, s1;
	[sflag:s0] =	ssyncset.done @!p0 $0x0  }
0x873: {  	[sflag:s0] =	ssyncadd.s32 @!p0 s1  }
0x874: {  	[bflag:$0x3] =	sbarrier.arrive $0xFFFF  }
0x875: {  	_ =	shalt  }

</sc_bundles>
